<compile_context>
chip_gen: v7x
topology: tpu7x:2x2x1
jax: 0.10.2.dev20260603
libtpu: 0.0.44.dev20260713+nightly
codegen_flags: <defaults>
</compile_context>

<pallas_src>
import functools

import jax
import jax.numpy as jnp
from jax import lax
from jax.experimental import pallas as pl
from jax.experimental.pallas import tpu as pltpu
from jax.experimental.pallas import tpu_sc as plsc

N_NODES = 10000
DIM = 128
NC = 2
NS = 16
NW = NC * NS
CHUNK = 128
N_PAD = 10240
ROWS_PER_TILE = N_PAD // NS
CNT_W = 16
BLK = 128

def _mesh():
    return plsc.VectorSubcoreMesh(
        core_axis_name="c", subcore_axis_name="s", num_cores=NC, num_subcores=NS)



def _deg_body(nchunk, pairs_hbm, out_hbm, idx_v, cnt_local):
    c = lax.axis_index("c")
    s = lax.axis_index("s")
    wid = c * NS + s
    zeros16 = jnp.zeros((16,), jnp.float32)

    def zbody(j, carry):
        cnt_local[pl.ds(j * 16, 16)] = zeros16
        return carry

    lax.fori_loop(0, N_PAD // 16, zbody, 0)
    pltpu.sync_copy(pairs_hbm.at[pl.ds(wid * nchunk, nchunk)], idx_v)
    ones = jnp.ones((16,), jnp.float32)

    def body(j, carry):
        for g in range(CHUNK // 16):
            iv = idx_v[j, 1, pl.ds(g * 16, 16)]
            plsc.addupdate_scatter(cnt_local, [iv], ones)
        return carry

    lax.fori_loop(0, nchunk, body, 0)
    pltpu.sync_copy(cnt_local, out_hbm.at[wid])


NBUF = 2


def _gather_body(n0, n1, pairs_hbm, g_hbm, out_hbm,
                 ibuf, rows, acc_sh, *sems):
    isems, gsems = sems[:NBUF], sems[NBUF:]
    c = lax.axis_index("c")
    s = lax.axis_index("s")
    my_n = jnp.where(c == 0, n0, n1)
    base = jnp.where(c == 0, s * n0, NS * n0 + s * n1)

    zeros16 = jnp.zeros((16,), jnp.float32)

    def zrow(r, carry):
        for k in range(DIM // 16):
            rows[0, r, pl.ds(k * 16, 16)] = zeros16
        return carry

    lax.fori_loop(0, CHUNK, zrow, 0)
    for k in range(ROWS_PER_TILE // CHUNK):
        pltpu.sync_copy(
            rows.at[0],
            acc_sh.at[pl.ds(s * ROWS_PER_TILE + k * CHUNK, CHUNK)])
    plsc.subcore_barrier()

    def idx_wait(b):
        pltpu.make_async_copy(pairs_hbm.at[0], ibuf.at[b], isems[b]).wait()

    def gat_wait(b):
        pltpu.make_async_copy(g_hbm.at[pl.ds(0, CHUNK)], rows.at[b],
                              gsems[b]).wait()

    for b in range(NBUF):
        pltpu.async_copy(pairs_hbm.at[base + b], ibuf.at[b], isems[b])
    idx_wait(0)
    pltpu.async_copy(g_hbm.at[ibuf.at[0, 0]], rows.at[0], gsems[0])

    def body(jj, carry):
        for b in range(NBUF):
            j = jj * NBUF + b
            b1 = (b + 1) % NBUF
            gat_wait(b)

            @pl.when(j + 1 < my_n)
            def _():
                idx_wait(b1)
                pltpu.async_copy(g_hbm.at[ibuf.at[b1, 0]], rows.at[b1],
                                 gsems[b1])

            pltpu.sync_copy(rows.at[b], acc_sh.at[ibuf.at[b, 1]], add=True)

            @pl.when(j + NBUF < my_n)
            def _():
                pltpu.async_copy(pairs_hbm.at[base + j + NBUF], ibuf.at[b],
                                 isems[b])
        return carry

    lax.fori_loop(0, my_n // NBUF, body, 0)
    plsc.subcore_barrier()
    for k in range(ROWS_PER_TILE // CHUNK):
        b = k % NBUF
        r0 = s * ROWS_PER_TILE + k * CHUNK
        pltpu.sync_copy(acc_sh.at[pl.ds(r0, CHUNK)], rows.at[b])
        pltpu.sync_copy(rows.at[b], out_hbm.at[pl.ds(c * N_PAD + r0, CHUNK)])


def _deg_call(pairs, nchunk):
    k = pl.kernel(
        functools.partial(_deg_body, nchunk),
        out_type=jax.ShapeDtypeStruct((NW, N_PAD), jnp.float32),
        mesh=_mesh(),
        scratch_types=[
            pltpu.VMEM((nchunk, 2, CHUNK), jnp.int32),
            pltpu.VMEM((N_PAD,), jnp.float32),
        ],
        compiler_params=pltpu.CompilerParams(needs_layout_passes=False),
    )
    return k(pairs)


def _gather_call(pairs, g, n0, n1):
    k = pl.kernel(
        functools.partial(_gather_body, n0, n1),
        out_type=jax.ShapeDtypeStruct((NC * N_PAD, DIM), jnp.float32),
        mesh=_mesh(),
        scratch_types=[
            pltpu.VMEM((NBUF, 2, CHUNK), jnp.int32),
            pltpu.VMEM((NBUF, CHUNK, DIM), jnp.float32),
            pltpu.VMEM_SHARED((N_PAD, DIM), jnp.float32),
        ] + [pltpu.SemaphoreType.DMA] * (2 * NBUF),
    )
    return k(pairs, g)



def _dinv(cnt):
    deg = jnp.sum(cnt, axis=0) + 1.0
    return lax.rsqrt(deg)[:, None]


def _tc1_body(x_ref, w1_ref, cnt_ref, g_ref):
    dinv = _dinv(cnt_ref[...])
    g_ref[...] = jnp.dot(x_ref[...], w1_ref[...],
                         preferred_element_type=jnp.float32) * dinv


def _tc2_body(acc_ref, g1_ref, cnt_ref, w2_ref, b1_ref, g2_ref):
    dinv = _dinv(cnt_ref[...])
    a = acc_ref[0] + acc_ref[1] + g1_ref[...]
    h = jnp.maximum(a * dinv + b1_ref[...], 0.0)
    g2_ref[...] = jnp.dot(h, w2_ref[...],
                          preferred_element_type=jnp.float32) * dinv


def _tc3_body(acc_ref, g2_ref, cnt_ref, b2_ref, nb_ref, pv_ref, wn_ref, wt_ref,
              out_ref):
    dinv = _dinv(cnt_ref[...])
    a = acc_ref[0] + acc_ref[1] + g2_ref[...]
    out_ref[...] = (a * dinv + b2_ref[...]
                    + jnp.dot(nb_ref[...], wn_ref[...],
                              preferred_element_type=jnp.float32)
                    + jnp.dot(pv_ref[...], wt_ref[...],
                              preferred_element_type=jnp.float32))


_ROW = pl.BlockSpec((BLK, DIM), lambda i: (i, 0))
_MAT = pl.BlockSpec((DIM, DIM), lambda i: (0, 0))
_CNT = pl.BlockSpec((NW, BLK), lambda i: (0, i))
_ACC = pl.BlockSpec((2, BLK, DIM), lambda i: (0, i, 0))
_BIAS = pl.BlockSpec((1, DIM), lambda i: (0, 0))
_GRID = (N_PAD // BLK,)
_OUT_ROWS = jax.ShapeDtypeStruct((N_PAD, DIM), jnp.float32)


def _tc1(x_pad, W1, counts):
    return pl.pallas_call(
        _tc1_body, grid=_GRID,
        in_specs=[_ROW, _MAT, _CNT], out_specs=_ROW,
        out_shape=_OUT_ROWS)(x_pad, W1, counts)


def _tc2(acc1, g1, counts, W2, b1):
    return pl.pallas_call(
        _tc2_body, grid=_GRID,
        in_specs=[_ACC, _ROW, _CNT, _MAT, _BIAS], out_specs=_ROW,
        out_shape=_OUT_ROWS)(acc1, g1, counts, W2, b1)


def _tc3(acc2, g2, counts, b2, nb, pv, Wn, Wt):
    return pl.pallas_call(
        _tc3_body, grid=_GRID,
        in_specs=[_ACC, _ROW, _CNT, _BIAS, _ROW, _ROW, _MAT, _MAT],
        out_specs=_ROW,
        out_shape=_OUT_ROWS)(acc2, g2, counts, b2, nb, pv, Wn, Wt)



def kernel(x, edge_index, neighbor_features, prev_time_features,
           W1, b1, W2, b2, Wn, Wt):
    E = edge_index.shape[1]
    tch = -(-(-(-E // CHUNK)) // (4 * NW)) * 4 * NW
    nchunk = tch // NW
    n1 = 2 * (-(-(3 * tch) // (20 * NS)) // 2)
    n0 = tch // NS - n1
    e_pad = tch * CHUNK
    ei = edge_index.astype(jnp.int32)
    pad = jnp.full((e_pad - E,), N_NODES, jnp.int32)
    src2 = jnp.concatenate([ei[0], pad]).reshape(tch, CHUNK)
    dst2 = jnp.concatenate([ei[1], pad]).reshape(tch, CHUNK)
    pairs = jnp.stack([src2, dst2], axis=1)

    rpad = ((0, N_PAD - N_NODES), (0, 0))
    x_pad = jnp.pad(x, rpad)
    nb_pad = jnp.pad(neighbor_features, rpad)
    pv_pad = jnp.pad(prev_time_features, rpad)
    counts = _deg_call(pairs, nchunk)
    g1 = _tc1(x_pad, W1, counts)
    acc1 = _gather_call(pairs, g1, n0, n1).reshape(NC, N_PAD, DIM)
    g2 = _tc2(acc1, g1, counts, W2, b1.reshape(1, DIM))
    acc2 = _gather_call(pairs, g2, n0, n1).reshape(NC, N_PAD, DIM)
    out = _tc3(acc2, g2, counts, b2.reshape(1, DIM), nb_pad, pv_pad, Wn, Wt)
    return out[:N_NODES]

# --- scband reference (transcript-rebuilt; emitter-appended) ---
"""Pipeline reference for scband-supernode-43267500539966 (READ-ONLY COPY).

The authoritative reference and input builder live on the scoring server;
editing this copy changes nothing except your own understanding.
"""

import jax, jax.numpy as jnp
import numpy as np

N = 10000
E = 320000
IN = 128
OUT = 128


def setup_inputs(seed: int = 0) -> dict:
    key = jax.random.key(seed)
    ks = jax.random.split(key, 11)
    x = jax.random.normal(ks[0], (N, IN), dtype=jnp.float32)
    edge_index = jax.random.randint(ks[1], (2, E), 0, N)
    neighbor_features = jax.random.normal(ks[2], (N, IN), dtype=jnp.float32)
    prev_time_features = jax.random.normal(ks[3], (N, IN), dtype=jnp.float32)
    W1 = jax.random.normal(ks[4], (IN, OUT), dtype=jnp.float32) * 0.05
    b1 = jnp.zeros((OUT,), dtype=jnp.float32)
    W2 = jax.random.normal(ks[5], (OUT, OUT), dtype=jnp.float32) * 0.05
    b2 = jnp.zeros((OUT,), dtype=jnp.float32)
    Wn = jax.random.normal(ks[6], (IN, OUT), dtype=jnp.float32) * 0.05
    Wt = jax.random.normal(ks[7], (IN, OUT), dtype=jnp.float32) * 0.05
    return {"x": x, "edge_index": edge_index, "neighbor_features": neighbor_features,
            "prev_time_features": prev_time_features, "W1": W1, "b1": b1,
            "W2": W2, "b2": b2, "Wn": Wn, "Wt": Wt}


def _gcn_conv(x, edge_index, W, b):
    # PyG GCNConv: linear transform, add self-loops, symmetric normalization, scatter-add
    h = x @ W
    src = edge_index[0]
    dst = edge_index[1]
    loop = jnp.arange(N, dtype=src.dtype)
    src = jnp.concatenate([src, loop])
    dst = jnp.concatenate([dst, loop])
    deg = jnp.zeros((N,), dtype=h.dtype).at[dst].add(1.0)
    dinv = jnp.where(deg > 0, 1.0 / jnp.sqrt(deg), 0.0)
    norm = dinv[src] * dinv[dst]
    msg = h[src] * norm[:, None]
    out = jnp.zeros((N, h.shape[1]), dtype=h.dtype).at[dst].add(msg)
    return out + b


def reference(x, edge_index, neighbor_features, prev_time_features, W1, b1, W2, b2, Wn, Wt):
    h = jax.nn.relu(_gcn_conv(x, edge_index, W1, b1))
    h = _gcn_conv(h, edge_index, W2, b2)
    # neighbor_features.shape[1] == in_channels -> neighbor_input_adapter (bias=False)
    h = h + neighbor_features @ Wn
    # prev_time_features.shape[1] == in_channels -> temporal_input_adapter (bias=False)
    h = h + prev_time_features @ Wt
    return h

if __name__ == "__main__":
    import jax
    _d = setup_inputs()
    print(jax.jit(kernel)(*tuple(_d.values())))

</pallas_src>

<mosaic_0001>
#map = affine_map<(d0, d1) -> (0, 0, 0)>
#map1 = affine_map<(d0, d1) -> (0, 0)>
module attributes {stable_mosaic.version = 14 : i64} {
  func.func @_deg_body(%arg0: i32, %arg1: i32, %arg2: memref<2560x2x128xi32, #tpu.memory_space<hbm>>, %arg3: memref<32x10240xf32, #tpu.memory_space<hbm>>, %arg4: memref<80x2x128xi32, #tpu.memory_space<vmem>>, %arg5: memref<10240xf32, #tpu.memory_space<vmem>>) attributes {dimension_semantics = [#tpu.dimension_semantics<core_parallel>, #tpu.dimension_semantics<subcore_parallel>], iteration_bounds = array<i64: 2, 16>, scalar_prefetch = 0 : i64, scratch_operands = 2 : i64, tpu.core_type = #tpu.core_type<sc_vector_subcore>, window_params = [{transform_indices = #map}, {transform_indices = #map1}]} {
    %mul3A = arith.constant 16 : i32
    %mul3A_0 = arith.muli %arg0, %mul3A : i32
    %add3A = arith.addi %mul3A_0, %arg1 : i32
    %broadcast_in_dim3A = arith.constant 0.000000e+00 : f32
    %broadcast_in_dim3A_1 = vector.broadcast %broadcast_in_dim3A : f32 to vector<16xf32>
    %scan3A = arith.constant 0 : i32
    %scan3A_2 = arith.constant 0 : i32
    %scan3A_3 = arith.constant 640 : i32
    %scan3A_4 = arith.addi %scan3A_2, %scan3A_3 : i32
    %scan3A_5 = arith.constant 1 : i32
    scf.for %scan3A_17 = %scan3A_2 to %scan3A_4 step %scan3A_5  : i32 {
      %mul3A_18 = arith.constant 16 : i32
      %mul3A_19 = arith.muli %scan3A_17, %mul3A_18 : i32
      %swap3A = arith.index_cast %mul3A_19 : i32 to index
      %swap3A_20 = tpu.vector_load %arg5[%swap3A] {strides = array<i32>} : memref<10240xf32, #tpu.memory_space<vmem>>, vector<16xf32>,
      tpu.vector_store %arg5[%swap3A], %broadcast_in_dim3A_1 {strides = array<i32>} : memref<10240xf32, #tpu.memory_space<vmem>>, vector<16xf32>,
    }
    %scan3A_6 = arith.constant 640 : i32
    %mul3A_7 = arith.constant 80 : i32
    %mul3A_8 = arith.muli %add3A, %mul3A_7 : i32
    "tpu.region"() ({
      %run_scoped3A = tpu.sem_alloc : memref<!tpu.dma_semaphore, #tpu.memory_space<semaphore_mem>>
      %dma_start3A = arith.constant 0 : i32
      %dma_start3A_17 = arith.constant 0 : i32
      %dma_start3A_18 = tpu.memref_slice %arg2[%mul3A_8, %dma_start3A, %dma_start3A_17] : memref<2560x2x128xi32, #tpu.memory_space<hbm>> -> memref<80x2x128xi32, #tpu.memory_space<hbm>>
      %dma_start3A_19 = arith.constant 0 : i32
      %dma_start3A_20 = arith.constant 0 : i32
      %dma_start3A_21 = tpu.memref_slice %arg2[%mul3A_8, %dma_start3A_19, %dma_start3A_20] : memref<2560x2x128xi32, #tpu.memory_space<hbm>> -> memref<80x2x128xi32, #tpu.memory_space<hbm>>
      tpu.enqueue_dma source(%dma_start3A_21 : memref<80x2x128xi32, #tpu.memory_space<hbm>>) target(%arg4 : memref<80x2x128xi32, #tpu.memory_space<vmem>>) target_semaphore(%run_scoped3A : memref<!tpu.dma_semaphore, #tpu.memory_space<semaphore_mem>>)
      %dma_wait3A = arith.constant 0 : i32
      %dma_wait3A_22 = arith.constant 0 : i32
      %dma_wait3A_23 = tpu.memref_slice %arg2[%mul3A_8, %dma_wait3A, %dma_wait3A_22] : memref<2560x2x128xi32, #tpu.memory_space<hbm>> -> memref<80x2x128xi32, #tpu.memory_space<hbm>>
      %dma_wait3A_24 = arith.constant 0 : i32
      %dma_wait3A_25 = arith.constant 0 : i32
      %dma_wait3A_26 = tpu.memref_slice %arg2[%mul3A_8, %dma_wait3A_24, %dma_wait3A_25] : memref<2560x2x128xi32, #tpu.memory_space<hbm>> -> memref<80x2x128xi32, #tpu.memory_space<hbm>>
      tpu.wait_dma2 semaphore(%run_scoped3A : memref<!tpu.dma_semaphore, #tpu.memory_space<semaphore_mem>>) src(%dma_wait3A_26 : memref<80x2x128xi32, #tpu.memory_space<hbm>>) dst(%arg4 : memref<80x2x128xi32, #tpu.memory_space<vmem>>)
      tpu.yield
    }) : () -> ()
    %broadcast_in_dim3A_9 = arith.constant 1.000000e+00 : f32
    %broadcast_in_dim3A_10 = vector.broadcast %broadcast_in_dim3A_9 : f32 to vector<16xf32>
    %scan3A_11 = arith.constant 0 : i32
    %scan3A_12 = arith.constant 0 : i32
    %scan3A_13 = arith.constant 80 : i32
    %scan3A_14 = arith.addi %scan3A_12, %scan3A_13 : i32
    %scan3A_15 = arith.constant 1 : i32
    scf.for %scan3A_17 = %scan3A_12 to %scan3A_14 step %scan3A_15  : i32 {
      %get3A = arith.constant 1 : i32
      %get3A_18 = arith.index_cast %scan3A_17 : i32 to index
      %get3A_19 = arith.index_cast %get3A : i32 to index
      %get3A_20 = arith.constant 0 : index
      %get3A_21 = tpu.vector_load %arg4[%get3A_18, %get3A_19, %get3A_20] {strides = array<i32>} : memref<80x2x128xi32, #tpu.memory_space<vmem>>, vector<16xi32>,
      tpu.vector_store_idx %arg5[%get3A_21], %broadcast_in_dim3A_10 {add = true} : memref<10240xf32, #tpu.memory_space<vmem>>[vector<16xi32>], vector<16xf32>,
      %get3A_22 = arith.constant 1 : i32
      %get3A_23 = arith.index_cast %scan3A_17 : i32 to index
      %get3A_24 = arith.index_cast %get3A_22 : i32 to index
      %get3A_25 = arith.constant 16 : index
      %get3A_26 = tpu.vector_load %arg4[%get3A_23, %get3A_24, %get3A_25] {strides = array<i32>} : memref<80x2x128xi32, #tpu.memory_space<vmem>>, vector<16xi32>,
      tpu.vector_store_idx %arg5[%get3A_26], %broadcast_in_dim3A_10 {add = true} : memref<10240xf32, #tpu.memory_space<vmem>>[vector<16xi32>], vector<16xf32>,
      %get3A_27 = arith.constant 1 : i32
      %get3A_28 = arith.index_cast %scan3A_17 : i32 to index
      %get3A_29 = arith.index_cast %get3A_27 : i32 to index
      %get3A_30 = arith.constant 32 : index
      %get3A_31 = tpu.vector_load %arg4[%get3A_28, %get3A_29, %get3A_30] {strides = array<i32>} : memref<80x2x128xi32, #tpu.memory_space<vmem>>, vector<16xi32>,
      tpu.vector_store_idx %arg5[%get3A_31], %broadcast_in_dim3A_10 {add = true} : memref<10240xf32, #tpu.memory_space<vmem>>[vector<16xi32>], vector<16xf32>,
      %get3A_32 = arith.constant 1 : i32
      %get3A_33 = arith.index_cast %scan3A_17 : i32 to index
      %get3A_34 = arith.index_cast %get3A_32 : i32 to index
      %get3A_35 = arith.constant 48 : index
      %get3A_36 = tpu.vector_load %arg4[%get3A_33, %get3A_34, %get3A_35] {strides = array<i32>} : memref<80x2x128xi32, #tpu.memory_space<vmem>>, vector<16xi32>,
      tpu.vector_store_idx %arg5[%get3A_36], %broadcast_in_dim3A_10 {add = true} : memref<10240xf32, #tpu.memory_space<vmem>>[vector<16xi32>], vector<16xf32>,
      %get3A_37 = arith.constant 1 : i32
      %get3A_38 = arith.index_cast %scan3A_17 : i32 to index
      %get3A_39 = arith.index_cast %get3A_37 : i32 to index
      %get3A_40 = arith.constant 64 : index
      %get3A_41 = tpu.vector_load %arg4[%get3A_38, %get3A_39, %get3A_40] {strides = array<i32>} : memref<80x2x128xi32, #tpu.memory_space<vmem>>, vector<16xi32>,
      tpu.vector_store_idx %arg5[%get3A_41], %broadcast_in_dim3A_10 {add = true} : memref<10240xf32, #tpu.memory_space<vmem>>[vector<16xi32>], vector<16xf32>,
      %get3A_42 = arith.constant 1 : i32
      %get3A_43 = arith.index_cast %scan3A_17 : i32 to index
      %get3A_44 = arith.index_cast %get3A_42 : i32 to index
      %get3A_45 = arith.constant 80 : index
      %get3A_46 = tpu.vector_load %arg4[%get3A_43, %get3A_44, %get3A_45] {strides = array<i32>} : memref<80x2x128xi32, #tpu.memory_space<vmem>>, vector<16xi32>,
      tpu.vector_store_idx %arg5[%get3A_46], %broadcast_in_dim3A_10 {add = true} : memref<10240xf32, #tpu.memory_space<vmem>>[vector<16xi32>], vector<16xf32>,
      %get3A_47 = arith.constant 1 : i32
      %get3A_48 = arith.index_cast %scan3A_17 : i32 to index
      %get3A_49 = arith.index_cast %get3A_47 : i32 to index
      %get3A_50 = arith.constant 96 : index
      %get3A_51 = tpu.vector_load %arg4[%get3A_48, %get3A_49, %get3A_50] {strides = array<i32>} : memref<80x2x128xi32, #tpu.memory_space<vmem>>, vector<16xi32>,
      tpu.vector_store_idx %arg5[%get3A_51], %broadcast_in_dim3A_10 {add = true} : memref<10240xf32, #tpu.memory_space<vmem>>[vector<16xi32>], vector<16xf32>,
      %get3A_52 = arith.constant 1 : i32
      %get3A_53 = arith.index_cast %scan3A_17 : i32 to index
      %get3A_54 = arith.index_cast %get3A_52 : i32 to index
      %get3A_55 = arith.constant 112 : index
      %get3A_56 = tpu.vector_load %arg4[%get3A_53, %get3A_54, %get3A_55] {strides = array<i32>} : memref<80x2x128xi32, #tpu.memory_space<vmem>>, vector<16xi32>,
      tpu.vector_store_idx %arg5[%get3A_56], %broadcast_in_dim3A_10 {add = true} : memref<10240xf32, #tpu.memory_space<vmem>>[vector<16xi32>], vector<16xf32>,
    }
    %scan3A_16 = arith.constant 80 : i32
    "tpu.region"() ({
      %run_scoped3A = tpu.sem_alloc : memref<!tpu.dma_semaphore, #tpu.memory_space<semaphore_mem>>
      %dma_start3A = arith.constant 0 : i32
      %dma_start3A_17 = tpu.memref_slice %arg3[%add3A, %dma_start3A] : memref<32x10240xf32, #tpu.memory_space<hbm>> -> memref<1x10240xf32, #tpu.memory_space<hbm>>
      %dma_start3A_18 = tpu.memref_squeeze %dma_start3A_17 : memref<1x10240xf32, #tpu.memory_space<hbm>> -> memref<10240xf32, #tpu.memory_space<hbm>>
      %dma_start3A_19 = arith.constant 0 : i32
      %dma_start3A_20 = tpu.memref_slice %arg3[%add3A, %dma_start3A_19] : memref<32x10240xf32, #tpu.memory_space<hbm>> -> memref<1x10240xf32, #tpu.memory_space<hbm>>
      %dma_start3A_21 = tpu.memref_squeeze %dma_start3A_20 : memref<1x10240xf32, #tpu.memory_space<hbm>> -> memref<10240xf32, #tpu.memory_space<hbm>>
      tpu.enqueue_dma source(%arg5 : memref<10240xf32, #tpu.memory_space<vmem>>) target(%dma_start3A_21 : memref<10240xf32, #tpu.memory_space<hbm>>) target_semaphore(%run_scoped3A : memref<!tpu.dma_semaphore, #tpu.memory_space<semaphore_mem>>)
      %dma_wait3A = arith.constant 0 : i32
      %dma_wait3A_22 = tpu.memref_slice %arg3[%add3A, %dma_wait3A] : memref<32x10240xf32, #tpu.memory_space<hbm>> -> memref<1x10240xf32, #tpu.memory_space<hbm>>
      %dma_wait3A_23 = tpu.memref_squeeze %dma_wait3A_22 : memref<1x10240xf32, #tpu.memory_space<hbm>> -> memref<10240xf32, #tpu.memory_space<hbm>>
      %dma_wait3A_24 = arith.constant 0 : i32
      %dma_wait3A_25 = tpu.memref_slice %arg3[%add3A, %dma_wait3A_24] : memref<32x10240xf32, #tpu.memory_space<hbm>> -> memref<1x10240xf32, #tpu.memory_space<hbm>>
      %dma_wait3A_26 = tpu.memref_squeeze %dma_wait3A_25 : memref<1x10240xf32, #tpu.memory_space<hbm>> -> memref<10240xf32, #tpu.memory_space<hbm>>
      tpu.wait_dma2 semaphore(%run_scoped3A : memref<!tpu.dma_semaphore, #tpu.memory_space<semaphore_mem>>) src(%arg5 : memref<10240xf32, #tpu.memory_space<vmem>>) dst(%dma_wait3A_26 : memref<10240xf32, #tpu.memory_space<hbm>>)
      tpu.yield
    }) : () -> ()
    return
  }
}

#map = affine_map<(d0, d1) -> (0, 0, 0)>
#map1 = affine_map<(d0, d1) -> (0, 0)>
module attributes {stable_mosaic.version = 14 : i64} {
  func.func @_gather_body(%arg0: i32, %arg1: i32, %arg2: memref<2560x2x128xi32, #tpu.memory_space<hbm>>, %arg3: memref<10240x128xf32, #tpu.memory_space<hbm>>, %arg4: memref<20480x128xf32, #tpu.memory_space<hbm>>, %arg5: memref<2x2x128xi32, #tpu.memory_space<vmem>>, %arg6: memref<2x128x128xf32, #tpu.memory_space<vmem>>, %arg7: memref<10240x128xf32, #tpu.memory_space<vmem_shared>>, %arg8: memref<!tpu.dma_semaphore, #tpu.memory_space<semaphore_mem>>, %arg9: memref<!tpu.dma_semaphore, #tpu.memory_space<semaphore_mem>>, %arg10: memref<!tpu.dma_semaphore, #tpu.memory_space<semaphore_mem>>, %arg11: memref<!tpu.dma_semaphore, #tpu.memory_space<semaphore_mem>>) attributes {dimension_semantics = [#tpu.dimension_semantics<core_parallel>, #tpu.dimension_semantics<subcore_parallel>], iteration_bounds = array<i64: 2, 16>, scalar_prefetch = 0 : i64, scratch_operands = 7 : i64, tpu.core_type = #tpu.core_type<sc_vector_subcore>, window_params = [{transform_indices = #map}, {transform_indices = #map1}, {transform_indices = #map1}]} {
    %eq3A = arith.constant 0 : i32
    %eq3A_0 = arith.cmpi eq, %arg0, %eq3A : i32
    %jit3A = arith.constant 136 : i32
    %jit3A_1 = arith.constant 24 : i32
    %select_n3A = arith.select %eq3A_0, %jit3A, %jit3A_1 : i32
    %eq3A_2 = arith.constant 0 : i32
    %eq3A_3 = arith.cmpi eq, %arg0, %eq3A_2 : i32
    %mul3A = arith.constant 136 : i32
    %mul3A_4 = arith.muli %arg1, %mul3A : i32
    %mul3A_5 = arith.constant 24 : i32
    %mul3A_6 = arith.muli %arg1, %mul3A_5 : i32
    %add3A = arith.constant 2176 : i32
    %add3A_7 = arith.addi %add3A, %mul3A_6 : i32
    %select_n3A_8 = arith.select %eq3A_3, %mul3A_4, %add3A_7 : i32
    %broadcast_in_dim3A = arith.constant 0.000000e+00 : f32
    %broadcast_in_dim3A_9 = vector.broadcast %broadcast_in_dim3A : f32 to vector<16xf32>
    %scan3A = arith.constant 0 : i32
    %scan3A_10 = arith.constant 0 : i32
    %scan3A_11 = arith.constant 128 : i32
    %scan3A_12 = arith.addi %scan3A_10, %scan3A_11 : i32
    %scan3A_13 = arith.constant 1 : i32
    scf.for %scan3A_179 = %scan3A_10 to %scan3A_12 step %scan3A_13  : i32 {
      %swap3A = arith.constant 0 : i32
      %swap3A_180 = arith.index_cast %swap3A : i32 to index
      %swap3A_181 = arith.index_cast %scan3A_179 : i32 to index
      %swap3A_182 = arith.constant 0 : index
      %swap3A_183 = tpu.vector_load %arg6[%swap3A_180, %swap3A_181, %swap3A_182] {strides = array<i32>} : memref<2x128x128xf32, #tpu.memory_space<vmem>>, vector<1x1x16xf32>,
      %swap3A_184 = vector.shape_cast %swap3A_183 : vector<1x1x16xf32> to vector<16xf32>
      %swap3A_185 = vector.shape_cast %broadcast_in_dim3A_9 : vector<16xf32> to vector<1x1x16xf32>
      tpu.vector_store %arg6[%swap3A_180, %swap3A_181, %swap3A_182], %swap3A_185 {strides = array<i32>} : memref<2x128x128xf32, #tpu.memory_space<vmem>>, vector<1x1x16xf32>,
      %swap3A_186 = arith.constant 0 : i32
      %swap3A_187 = arith.index_cast %swap3A_186 : i32 to index
      %swap3A_188 = arith.index_cast %scan3A_179 : i32 to index
      %swap3A_189 = arith.constant 16 : index
      %swap3A_190 = tpu.vector_load %arg6[%swap3A_187, %swap3A_188, %swap3A_189] {strides = array<i32>} : memref<2x128x128xf32, #tpu.memory_space<vmem>>, vector<1x1x16xf32>,
      %swap3A_191 = vector.shape_cast %swap3A_190 : vector<1x1x16xf32> to vector<16xf32>
      %swap3A_192 = vector.shape_cast %broadcast_in_dim3A_9 : vector<16xf32> to vector<1x1x16xf32>
      tpu.vector_store %arg6[%swap3A_187, %swap3A_188, %swap3A_189], %swap3A_192 {strides = array<i32>} : memref<2x128x128xf32, #tpu.memory_space<vmem>>, vector<1x1x16xf32>,
      %swap3A_193 = arith.constant 0 : i32
      %swap3A_194 = arith.index_cast %swap3A_193 : i32 to index
      %swap3A_195 = arith.index_cast %scan3A_179 : i32 to index
      %swap3A_196 = arith.constant 32 : index
      %swap3A_197 = tpu.vector_load %arg6[%swap3A_194, %swap3A_195, %swap3A_196] {strides = array<i32>} : memref<2x128x128xf32, #tpu.memory_space<vmem>>, vector<1x1x16xf32>,
      %swap3A_198 = vector.shape_cast %swap3A_197 : vector<1x1x16xf32> to vector<16xf32>
      %swap3A_199 = vector.shape_cast %broadcast_in_dim3A_9 : vector<16xf32> to vector<1x1x16xf32>
      tpu.vector_store %arg6[%swap3A_194, %swap3A_195, %swap3A_196], %swap3A_199 {strides = array<i32>} : memref<2x128x128xf32, #tpu.memory_space<vmem>>, vector<1x1x16xf32>,
      %swap3A_200 = arith.constant 0 : i32
      %swap3A_201 = arith.index_cast %swap3A_200 : i32 to index
      %swap3A_202 = arith.index_cast %scan3A_179 : i32 to index
      %swap3A_203 = arith.constant 48 : index
      %swap3A_204 = tpu.vector_load %arg6[%swap3A_201, %swap3A_202, %swap3A_203] {strides = array<i32>} : memref<2x128x128xf32, #tpu.memory_space<vmem>>, vector<1x1x16xf32>,
      %swap3A_205 = vector.shape_cast %swap3A_204 : vector<1x1x16xf32> to vector<16xf32>
      %swap3A_206 = vector.shape_cast %broadcast_in_dim3A_9 : vector<16xf32> to vector<1x1x16xf32>
      tpu.vector_store %arg6[%swap3A_201, %swap3A_202, %swap3A_203], %swap3A_206 {strides = array<i32>} : memref<2x128x128xf32, #tpu.memory_space<vmem>>, vector<1x1x16xf32>,
      %swap3A_207 = arith.constant 0 : i32
      %swap3A_208 = arith.index_cast %swap3A_207 : i32 to index
      %swap3A_209 = arith.index_cast %scan3A_179 : i32 to index
      %swap3A_210 = arith.constant 64 : index
      %swap3A_211 = tpu.vector_load %arg6[%swap3A_208, %swap3A_209, %swap3A_210] {strides = array<i32>} : memref<2x128x128xf32, #tpu.memory_space<vmem>>, vector<1x1x16xf32>,
      %swap3A_212 = vector.shape_cast %swap3A_211 : vector<1x1x16xf32> to vector<16xf32>
      %swap3A_213 = vector.shape_cast %broadcast_in_dim3A_9 : vector<16xf32> to vector<1x1x16xf32>
      tpu.vector_store %arg6[%swap3A_208, %swap3A_209, %swap3A_210], %swap3A_213 {strides = array<i32>} : memref<2x128x128xf32, #tpu.memory_space<vmem>>, vector<1x1x16xf32>,
      %swap3A_214 = arith.constant 0 : i32
      %swap3A_215 = arith.index_cast %swap3A_214 : i32 to index
      %swap3A_216 = arith.index_cast %scan3A_179 : i32 to index
      %swap3A_217 = arith.constant 80 : index
      %swap3A_218 = tpu.vector_load %arg6[%swap3A_215, %swap3A_216, %swap3A_217] {strides = array<i32>} : memref<2x128x128xf32, #tpu.memory_space<vmem>>, vector<1x1x16xf32>,
      %swap3A_219 = vector.shape_cast %swap3A_218 : vector<1x1x16xf32> to vector<16xf32>
      %swap3A_220 = vector.shape_cast %broadcast_in_dim3A_9 : vector<16xf32> to vector<1x1x16xf32>
      tpu.vector_store %arg6[%swap3A_215, %swap3A_216, %swap3A_217], %swap3A_220 {strides = array<i32>} : memref<2x128x128xf32, #tpu.memory_space<vmem>>, vector<1x1x16xf32>,
      %swap3A_221 = arith.constant 0 : i32
      %swap3A_222 = arith.index_cast %swap3A_221 : i32 to index
      %swap3A_223 = arith.index_cast %scan3A_179 : i32 to index
      %swap3A_224 = arith.constant 96 : index
      %swap3A_225 = tpu.vector_load %arg6[%swap3A_222, %swap3A_223, %swap3A_224] {strides = array<i32>} : memref<2x128x128xf32, #tpu.memory_space<vmem>>, vector<1x1x16xf32>,
      %swap3A_226 = vector.shape_cast %swap3A_225 : vector<1x1x16xf32> to vector<16xf32>
      %swap3A_227 = vector.shape_cast %broadcast_in_dim3A_9 : vector<16xf32> to vector<1x1x16xf32>
      tpu.vector_store %arg6[%swap3A_222, %swap3A_223, %swap3A_224], %swap3A_227 {strides = array<i32>} : memref<2x128x128xf32, #tpu.memory_space<vmem>>, vector<1x1x16xf32>,
      %swap3A_228 = arith.constant 0 : i32
      %swap3A_229 = arith.index_cast %swap3A_228 : i32 to index
      %swap3A_230 = arith.index_cast %scan3A_179 : i32 to index
      %swap3A_231 = arith.constant 112 : index
      %swap3A_232 = tpu.vector_load %arg6[%swap3A_229, %swap3A_230, %swap3A_231] {strides = array<i32>} : memref<2x128x128xf32, #tpu.memory_space<vmem>>, vector<1x1x16xf32>,
      %swap3A_233 = vector.shape_cast %swap3A_232 : vector<1x1x16xf32> to vector<16xf32>
      %swap3A_234 = vector.shape_cast %broadcast_in_dim3A_9 : vector<16xf32> to vector<1x1x16xf32>
      tpu.vector_store %arg6[%swap3A_229, %swap3A_230, %swap3A_231], %swap3A_234 {strides = array<i32>} : memref<2x128x128xf32, #tpu.memory_space<vmem>>, vector<1x1x16xf32>,
    }
    %scan3A_14 = arith.constant 128 : i32
    %mul3A_15 = arith.constant 640 : i32
    %mul3A_16 = arith.muli %arg1, %mul3A_15 : i32
    %add3A_17 = arith.constant 0 : i32
    %add3A_18 = arith.addi %mul3A_16, %add3A_17 : i32
    %run_scoped3A = arith.constant 0 : i32
    "tpu.region"() ({
      %run_scoped3A_179 = tpu.sem_alloc : memref<!tpu.dma_semaphore, #tpu.memory_space<semaphore_mem>>
      %dma_start3A_180 = arith.constant 0 : i32
      %dma_start3A_181 = arith.constant 0 : i32
      %dma_start3A_182 = tpu.memref_slice %arg6[%run_scoped3A, %dma_start3A_180, %dma_start3A_181] : memref<2x128x128xf32, #tpu.memory_space<vmem>> -> memref<1x128x128xf32, #tpu.memory_space<vmem>>
      %dma_start3A_183 = tpu.memref_squeeze %dma_start3A_182 : memref<1x128x128xf32, #tpu.memory_space<vmem>> -> memref<128x128xf32, #tpu.memory_space<vmem>>
      %dma_start3A_184 = arith.constant 0 : i32
      %dma_start3A_185 = tpu.memref_slice %arg7[%add3A_18, %dma_start3A_184] : memref<10240x128xf32, #tpu.memory_space<vmem_shared>> -> memref<128x128xf32, #tpu.memory_space<vmem_shared>>
      %dma_start3A_186 = arith.constant 0 : i32
      %dma_start3A_187 = tpu.memref_slice %arg7[%add3A_18, %dma_start3A_186] : memref<10240x128xf32, #tpu.memory_space<vmem_shared>> -> memref<128x128xf32, #tpu.memory_space<vmem_shared>>
      %dma_start3A_188 = arith.constant 0 : i32
      %dma_start3A_189 = arith.constant 0 : i32
      %dma_start3A_190 = tpu.memref_slice %arg6[%run_scoped3A, %dma_start3A_188, %dma_start3A_189] : memref<2x128x128xf32, #tpu.memory_space<vmem>> -> memref<1x128x128xf32, #tpu.memory_space<vmem>>
      %dma_start3A_191 = tpu.memref_squeeze %dma_start3A_190 : memref<1x128x128xf32, #tpu.memory_space<vmem>> -> memref<128x128xf32, #tpu.memory_space<vmem>>
      tpu.enqueue_dma source(%dma_start3A_191 : memref<128x128xf32, #tpu.memory_space<vmem>>) target(%dma_start3A_187 : memref<128x128xf32, #tpu.memory_space<vmem_shared>>) target_semaphore(%run_scoped3A_179 : memref<!tpu.dma_semaphore, #tpu.memory_space<semaphore_mem>>)
      %dma_wait3A_192 = arith.constant 0 : i32
      %dma_wait3A_193 = arith.constant 0 : i32
      %dma_wait3A_194 = tpu.memref_slice %arg6[%run_scoped3A, %dma_wait3A_192, %dma_wait3A_193] : memref<2x128x128xf32, #tpu.memory_space<vmem>> -> memref<1x128x128xf32, #tpu.memory_space<vmem>>
      %dma_wait3A_195 = tpu.memref_squeeze %dma_wait3A_194 : memref<1x128x128xf32, #tpu.memory_space<vmem>> -> memref<128x128xf32, #tpu.memory_space<vmem>>
      %dma_wait3A_196 = arith.constant 0 : i32
      %dma_wait3A_197 = tpu.memref_slice %arg7[%add3A_18, %dma_wait3A_196] : memref<10240x128xf32, #tpu.memory_space<vmem_shared>> -> memref<128x128xf32, #tpu.memory_space<vmem_shared>>
      %dma_wait3A_198 = arith.constant 0 : i32
      %dma_wait3A_199 = tpu.memref_slice %arg7[%add3A_18, %dma_wait3A_198] : memref<10240x128xf32, #tpu.memory_space<vmem_shared>> -> memref<128x128xf32, #tpu.memory_space<vmem_shared>>
      %dma_wait3A_200 = arith.constant 0 : i32
      %dma_wait3A_201 = arith.constant 0 : i32
      %dma_wait3A_202 = tpu.memref_slice %arg6[%run_scoped3A, %dma_wait3A_200, %dma_wait3A_201] : memref<2x128x128xf32, #tpu.memory_space<vmem>> -> memref<1x128x128xf32, #tpu.memory_space<vmem>>
      %dma_wait3A_203 = tpu.memref_squeeze %dma_wait3A_202 : memref<1x128x128xf32, #tpu.memory_space<vmem>> -> memref<128x128xf32, #tpu.memory_space<vmem>>
      tpu.wait_dma2 semaphore(%run_scoped3A_179 : memref<!tpu.dma_semaphore, #tpu.memory_space<semaphore_mem>>) src(%dma_wait3A_203 : memref<128x128xf32, #tpu.memory_space<vmem>>) dst(%dma_wait3A_199 : memref<128x128xf32, #tpu.memory_space<vmem_shared>>)
      tpu.yield
    }) : () -> ()
    %mul3A_19 = arith.constant 640 : i32
    %mul3A_20 = arith.muli %arg1, %mul3A_19 : i32
    %add3A_21 = arith.constant 128 : i32
    %add3A_22 = arith.addi %mul3A_20, %add3A_21 : i32
    %run_scoped3A_23 = arith.constant 0 : i32
    "tpu.region"() ({
      %run_scoped3A_179 = tpu.sem_alloc : memref<!tpu.dma_semaphore, #tpu.memory_space<semaphore_mem>>
      %dma_start3A_180 = arith.constant 0 : i32
      %dma_start3A_181 = arith.constant 0 : i32
      %dma_start3A_182 = tpu.memref_slice %arg6[%run_scoped3A_23, %dma_start3A_180, %dma_start3A_181] : memref<2x128x128xf32, #tpu.memory_space<vmem>> -> memref<1x128x128xf32, #tpu.memory_space<vmem>>
      %dma_start3A_183 = tpu.memref_squeeze %dma_start3A_182 : memref<1x128x128xf32, #tpu.memory_space<vmem>> -> memref<128x128xf32, #tpu.memory_space<vmem>>
      %dma_start3A_184 = arith.constant 0 : i32
      %dma_start3A_185 = tpu.memref_slice %arg7[%add3A_22, %dma_start3A_184] : memref<10240x128xf32, #tpu.memory_space<vmem_shared>> -> memref<128x128xf32, #tpu.memory_space<vmem_shared>>
      %dma_start3A_186 = arith.constant 0 : i32
      %dma_start3A_187 = tpu.memref_slice %arg7[%add3A_22, %dma_start3A_186] : memref<10240x128xf32, #tpu.memory_space<vmem_shared>> -> memref<128x128xf32, #tpu.memory_space<vmem_shared>>
      %dma_start3A_188 = arith.constant 0 : i32
      %dma_start3A_189 = arith.constant 0 : i32
      %dma_start3A_190 = tpu.memref_slice %arg6[%run_scoped3A_23, %dma_start3A_188, %dma_start3A_189] : memref<2x128x128xf32, #tpu.memory_space<vmem>> -> memref<1x128x128xf32, #tpu.memory_space<vmem>>
      %dma_start3A_191 = tpu.memref_squeeze %dma_start3A_190 : memref<1x128x128xf32, #tpu.memory_space<vmem>> -> memref<128x128xf32, #tpu.memory_space<vmem>>
      tpu.enqueue_dma source(%dma_start3A_191 : memref<128x128xf32, #tpu.memory_space<vmem>>) target(%dma_start3A_187 : memref<128x128xf32, #tpu.memory_space<vmem_shared>>) target_semaphore(%run_scoped3A_179 : memref<!tpu.dma_semaphore, #tpu.memory_space<semaphore_mem>>)
      %dma_wait3A_192 = arith.constant 0 : i32
      %dma_wait3A_193 = arith.constant 0 : i32
      %dma_wait3A_194 = tpu.memref_slice %arg6[%run_scoped3A_23, %dma_wait3A_192, %dma_wait3A_193] : memref<2x128x128xf32, #tpu.memory_space<vmem>> -> memref<1x128x128xf32, #tpu.memory_space<vmem>>
      %dma_wait3A_195 = tpu.memref_squeeze %dma_wait3A_194 : memref<1x128x128xf32, #tpu.memory_space<vmem>> -> memref<128x128xf32, #tpu.memory_space<vmem>>
      %dma_wait3A_196 = arith.constant 0 : i32
      %dma_wait3A_197 = tpu.memref_slice %arg7[%add3A_22, %dma_wait3A_196] : memref<10240x128xf32, #tpu.memory_space<vmem_shared>> -> memref<128x128xf32, #tpu.memory_space<vmem_shared>>
      %dma_wait3A_198 = arith.constant 0 : i32
      %dma_wait3A_199 = tpu.memref_slice %arg7[%add3A_22, %dma_wait3A_198] : memref<10240x128xf32, #tpu.memory_space<vmem_shared>> -> memref<128x128xf32, #tpu.memory_space<vmem_shared>>
      %dma_wait3A_200 = arith.constant 0 : i32
      %dma_wait3A_201 = arith.constant 0 : i32
      %dma_wait3A_202 = tpu.memref_slice %arg6[%run_scoped3A_23, %dma_wait3A_200, %dma_wait3A_201] : memref<2x128x128xf32, #tpu.memory_space<vmem>> -> memref<1x128x128xf32, #tpu.memory_space<vmem>>
      %dma_wait3A_203 = tpu.memref_squeeze %dma_wait3A_202 : memref<1x128x128xf32, #tpu.memory_space<vmem>> -> memref<128x128xf32, #tpu.memory_space<vmem>>
      tpu.wait_dma2 semaphore(%run_scoped3A_179 : memref<!tpu.dma_semaphore, #tpu.memory_space<semaphore_mem>>) src(%dma_wait3A_203 : memref<128x128xf32, #tpu.memory_space<vmem>>) dst(%dma_wait3A_199 : memref<128x128xf32, #tpu.memory_space<vmem_shared>>)
      tpu.yield
    }) : () -> ()
    %mul3A_24 = arith.constant 640 : i32
    %mul3A_25 = arith.muli %arg1, %mul3A_24 : i32
    %add3A_26 = arith.constant 256 : i32
    %add3A_27 = arith.addi %mul3A_25, %add3A_26 : i32
    %run_scoped3A_28 = arith.constant 0 : i32
    "tpu.region"() ({
      %run_scoped3A_179 = tpu.sem_alloc : memref<!tpu.dma_semaphore, #tpu.memory_space<semaphore_mem>>
      %dma_start3A_180 = arith.constant 0 : i32
      %dma_start3A_181 = arith.constant 0 : i32
      %dma_start3A_182 = tpu.memref_slice %arg6[%run_scoped3A_28, %dma_start3A_180, %dma_start3A_181] : memref<2x128x128xf32, #tpu.memory_space<vmem>> -> memref<1x128x128xf32, #tpu.memory_space<vmem>>
      %dma_start3A_183 = tpu.memref_squeeze %dma_start3A_182 : memref<1x128x128xf32, #tpu.memory_space<vmem>> -> memref<128x128xf32, #tpu.memory_space<vmem>>
      %dma_start3A_184 = arith.constant 0 : i32
      %dma_start3A_185 = tpu.memref_slice %arg7[%add3A_27, %dma_start3A_184] : memref<10240x128xf32, #tpu.memory_space<vmem_shared>> -> memref<128x128xf32, #tpu.memory_space<vmem_shared>>
      %dma_start3A_186 = arith.constant 0 : i32
      %dma_start3A_187 = tpu.memref_slice %arg7[%add3A_27, %dma_start3A_186] : memref<10240x128xf32, #tpu.memory_space<vmem_shared>> -> memref<128x128xf32, #tpu.memory_space<vmem_shared>>
      %dma_start3A_188 = arith.constant 0 : i32
      %dma_start3A_189 = arith.constant 0 : i32
      %dma_start3A_190 = tpu.memref_slice %arg6[%run_scoped3A_28, %dma_start3A_188, %dma_start3A_189] : memref<2x128x128xf32, #tpu.memory_space<vmem>> -> memref<1x128x128xf32, #tpu.memory_space<vmem>>
      %dma_start3A_191 = tpu.memref_squeeze %dma_start3A_190 : memref<1x128x128xf32, #tpu.memory_space<vmem>> -> memref<128x128xf32, #tpu.memory_space<vmem>>
      tpu.enqueue_dma source(%dma_start3A_191 : memref<128x128xf32, #tpu.memory_space<vmem>>) target(%dma_start3A_187 : memref<128x128xf32, #tpu.memory_space<vmem_shared>>) target_semaphore(%run_scoped3A_179 : memref<!tpu.dma_semaphore, #tpu.memory_space<semaphore_mem>>)
      %dma_wait3A_192 = arith.constant 0 : i32
      %dma_wait3A_193 = arith.constant 0 : i32
      %dma_wait3A_194 = tpu.memref_slice %arg6[%run_scoped3A_28, %dma_wait3A_192, %dma_wait3A_193] : memref<2x128x128xf32, #tpu.memory_space<vmem>> -> memref<1x128x128xf32, #tpu.memory_space<vmem>>
      %dma_wait3A_195 = tpu.memref_squeeze %dma_wait3A_194 : memref<1x128x128xf32, #tpu.memory_space<vmem>> -> memref<128x128xf32, #tpu.memory_space<vmem>>
      %dma_wait3A_196 = arith.constant 0 : i32
      %dma_wait3A_197 = tpu.memref_slice %arg7[%add3A_27, %dma_wait3A_196] : memref<10240x128xf32, #tpu.memory_space<vmem_shared>> -> memref<128x128xf32, #tpu.memory_space<vmem_shared>>
      %dma_wait3A_198 = arith.constant 0 : i32
      %dma_wait3A_199 = tpu.memref_slice %arg7[%add3A_27, %dma_wait3A_198] : memref<10240x128xf32, #tpu.memory_space<vmem_shared>> -> memref<128x128xf32, #tpu.memory_space<vmem_shared>>
      %dma_wait3A_200 = arith.constant 0 : i32
      %dma_wait3A_201 = arith.constant 0 : i32
      %dma_wait3A_202 = tpu.memref_slice %arg6[%run_scoped3A_28, %dma_wait3A_200, %dma_wait3A_201] : memref<2x128x128xf32, #tpu.memory_space<vmem>> -> memref<1x128x128xf32, #tpu.memory_space<vmem>>
      %dma_wait3A_203 = tpu.memref_squeeze %dma_wait3A_202 : memref<1x128x128xf32, #tpu.memory_space<vmem>> -> memref<128x128xf32, #tpu.memory_space<vmem>>
      tpu.wait_dma2 semaphore(%run_scoped3A_179 : memref<!tpu.dma_semaphore, #tpu.memory_space<semaphore_mem>>) src(%dma_wait3A_203 : memref<128x128xf32, #tpu.memory_space<vmem>>) dst(%dma_wait3A_199 : memref<128x128xf32, #tpu.memory_space<vmem_shared>>)
      tpu.yield
    }) : () -> ()
    %mul3A_29 = arith.constant 640 : i32
    %mul3A_30 = arith.muli %arg1, %mul3A_29 : i32
    %add3A_31 = arith.constant 384 : i32
    %add3A_32 = arith.addi %mul3A_30, %add3A_31 : i32
    %run_scoped3A_33 = arith.constant 0 : i32
    "tpu.region"() ({
      %run_scoped3A_179 = tpu.sem_alloc : memref<!tpu.dma_semaphore, #tpu.memory_space<semaphore_mem>>
      %dma_start3A_180 = arith.constant 0 : i32
      %dma_start3A_181 = arith.constant 0 : i32
      %dma_start3A_182 = tpu.memref_slice %arg6[%run_scoped3A_33, %dma_start3A_180, %dma_start3A_181] : memref<2x128x128xf32, #tpu.memory_space<vmem>> -> memref<1x128x128xf32, #tpu.memory_space<vmem>>
      %dma_start3A_183 = tpu.memref_squeeze %dma_start3A_182 : memref<1x128x128xf32, #tpu.memory_space<vmem>> -> memref<128x128xf32, #tpu.memory_space<vmem>>
      %dma_start3A_184 = arith.constant 0 : i32
      %dma_start3A_185 = tpu.memref_slice %arg7[%add3A_32, %dma_start3A_184] : memref<10240x128xf32, #tpu.memory_space<vmem_shared>> -> memref<128x128xf32, #tpu.memory_space<vmem_shared>>
      %dma_start3A_186 = arith.constant 0 : i32
      %dma_start3A_187 = tpu.memref_slice %arg7[%add3A_32, %dma_start3A_186] : memref<10240x128xf32, #tpu.memory_space<vmem_shared>> -> memref<128x128xf32, #tpu.memory_space<vmem_shared>>
      %dma_start3A_188 = arith.constant 0 : i32
      %dma_start3A_189 = arith.constant 0 : i32
      %dma_start3A_190 = tpu.memref_slice %arg6[%run_scoped3A_33, %dma_start3A_188, %dma_start3A_189] : memref<2x128x128xf32, #tpu.memory_space<vmem>> -> memref<1x128x128xf32, #tpu.memory_space<vmem>>
      %dma_start3A_191 = tpu.memref_squeeze %dma_start3A_190 : memref<1x128x128xf32, #tpu.memory_space<vmem>> -> memref<128x128xf32, #tpu.memory_space<vmem>>
      tpu.enqueue_dma source(%dma_start3A_191 : memref<128x128xf32, #tpu.memory_space<vmem>>) target(%dma_start3A_187 : memref<128x128xf32, #tpu.memory_space<vmem_shared>>) target_semaphore(%run_scoped3A_179 : memref<!tpu.dma_semaphore, #tpu.memory_space<semaphore_mem>>)
      %dma_wait3A_192 = arith.constant 0 : i32
      %dma_wait3A_193 = arith.constant 0 : i32
      %dma_wait3A_194 = tpu.memref_slice %arg6[%run_scoped3A_33, %dma_wait3A_192, %dma_wait3A_193] : memref<2x128x128xf32, #tpu.memory_space<vmem>> -> memref<1x128x128xf32, #tpu.memory_space<vmem>>
      %dma_wait3A_195 = tpu.memref_squeeze %dma_wait3A_194 : memref<1x128x128xf32, #tpu.memory_space<vmem>> -> memref<128x128xf32, #tpu.memory_space<vmem>>
      %dma_wait3A_196 = arith.constant 0 : i32
      %dma_wait3A_197 = tpu.memref_slice %arg7[%add3A_32, %dma_wait3A_196] : memref<10240x128xf32, #tpu.memory_space<vmem_shared>> -> memref<128x128xf32, #tpu.memory_space<vmem_shared>>
      %dma_wait3A_198 = arith.constant 0 : i32
      %dma_wait3A_199 = tpu.memref_slice %arg7[%add3A_32, %dma_wait3A_198] : memref<10240x128xf32, #tpu.memory_space<vmem_shared>> -> memref<128x128xf32, #tpu.memory_space<vmem_shared>>
      %dma_wait3A_200 = arith.constant 0 : i32
      %dma_wait3A_201 = arith.constant 0 : i32
      %dma_wait3A_202 = tpu.memref_slice %arg6[%run_scoped3A_33, %dma_wait3A_200, %dma_wait3A_201] : memref<2x128x128xf32, #tpu.memory_space<vmem>> -> memref<1x128x128xf32, #tpu.memory_space<vmem>>
      %dma_wait3A_203 = tpu.memref_squeeze %dma_wait3A_202 : memref<1x128x128xf32, #tpu.memory_space<vmem>> -> memref<128x128xf32, #tpu.memory_space<vmem>>
      tpu.wait_dma2 semaphore(%run_scoped3A_179 : memref<!tpu.dma_semaphore, #tpu.memory_space<semaphore_mem>>) src(%dma_wait3A_203 : memref<128x128xf32, #tpu.memory_space<vmem>>) dst(%dma_wait3A_199 : memref<128x128xf32, #tpu.memory_space<vmem_shared>>)
      tpu.yield
    }) : () -> ()
    %mul3A_34 = arith.constant 640 : i32
    %mul3A_35 = arith.muli %arg1, %mul3A_34 : i32
    %add3A_36 = arith.constant 512 : i32
    %add3A_37 = arith.addi %mul3A_35, %add3A_36 : i32
    %run_scoped3A_38 = arith.constant 0 : i32
    "tpu.region"() ({
      %run_scoped3A_179 = tpu.sem_alloc : memref<!tpu.dma_semaphore, #tpu.memory_space<semaphore_mem>>
      %dma_start3A_180 = arith.constant 0 : i32
      %dma_start3A_181 = arith.constant 0 : i32
      %dma_start3A_182 = tpu.memref_slice %arg6[%run_scoped3A_38, %dma_start3A_180, %dma_start3A_181] : memref<2x128x128xf32, #tpu.memory_space<vmem>> -> memref<1x128x128xf32, #tpu.memory_space<vmem>>
      %dma_start3A_183 = tpu.memref_squeeze %dma_start3A_182 : memref<1x128x128xf32, #tpu.memory_space<vmem>> -> memref<128x128xf32, #tpu.memory_space<vmem>>
      %dma_start3A_184 = arith.constant 0 : i32
      %dma_start3A_185 = tpu.memref_slice %arg7[%add3A_37, %dma_start3A_184] : memref<10240x128xf32, #tpu.memory_space<vmem_shared>> -> memref<128x128xf32, #tpu.memory_space<vmem_shared>>
      %dma_start3A_186 = arith.constant 0 : i32
      %dma_start3A_187 = tpu.memref_slice %arg7[%add3A_37, %dma_start3A_186] : memref<10240x128xf32, #tpu.memory_space<vmem_shared>> -> memref<128x128xf32, #tpu.memory_space<vmem_shared>>
      %dma_start3A_188 = arith.constant 0 : i32
      %dma_start3A_189 = arith.constant 0 : i32
      %dma_start3A_190 = tpu.memref_slice %arg6[%run_scoped3A_38, %dma_start3A_188, %dma_start3A_189] : memref<2x128x128xf32, #tpu.memory_space<vmem>> -> memref<1x128x128xf32, #tpu.memory_space<vmem>>
      %dma_start3A_191 = tpu.memref_squeeze %dma_start3A_190 : memref<1x128x128xf32, #tpu.memory_space<vmem>> -> memref<128x128xf32, #tpu.memory_space<vmem>>
      tpu.enqueue_dma source(%dma_start3A_191 : memref<128x128xf32, #tpu.memory_space<vmem>>) target(%dma_start3A_187 : memref<128x128xf32, #tpu.memory_space<vmem_shared>>) target_semaphore(%run_scoped3A_179 : memref<!tpu.dma_semaphore, #tpu.memory_space<semaphore_mem>>)
      %dma_wait3A_192 = arith.constant 0 : i32
      %dma_wait3A_193 = arith.constant 0 : i32
      %dma_wait3A_194 = tpu.memref_slice %arg6[%run_scoped3A_38, %dma_wait3A_192, %dma_wait3A_193] : memref<2x128x128xf32, #tpu.memory_space<vmem>> -> memref<1x128x128xf32, #tpu.memory_space<vmem>>
      %dma_wait3A_195 = tpu.memref_squeeze %dma_wait3A_194 : memref<1x128x128xf32, #tpu.memory_space<vmem>> -> memref<128x128xf32, #tpu.memory_space<vmem>>
      %dma_wait3A_196 = arith.constant 0 : i32
      %dma_wait3A_197 = tpu.memref_slice %arg7[%add3A_37, %dma_wait3A_196] : memref<10240x128xf32, #tpu.memory_space<vmem_shared>> -> memref<128x128xf32, #tpu.memory_space<vmem_shared>>
      %dma_wait3A_198 = arith.constant 0 : i32
      %dma_wait3A_199 = tpu.memref_slice %arg7[%add3A_37, %dma_wait3A_198] : memref<10240x128xf32, #tpu.memory_space<vmem_shared>> -> memref<128x128xf32, #tpu.memory_space<vmem_shared>>
      %dma_wait3A_200 = arith.constant 0 : i32
      %dma_wait3A_201 = arith.constant 0 : i32
      %dma_wait3A_202 = tpu.memref_slice %arg6[%run_scoped3A_38, %dma_wait3A_200, %dma_wait3A_201] : memref<2x128x128xf32, #tpu.memory_space<vmem>> -> memref<1x128x128xf32, #tpu.memory_space<vmem>>
      %dma_wait3A_203 = tpu.memref_squeeze %dma_wait3A_202 : memref<1x128x128xf32, #tpu.memory_space<vmem>> -> memref<128x128xf32, #tpu.memory_space<vmem>>
      tpu.wait_dma2 semaphore(%run_scoped3A_179 : memref<!tpu.dma_semaphore, #tpu.memory_space<semaphore_mem>>) src(%dma_wait3A_203 : memref<128x128xf32, #tpu.memory_space<vmem>>) dst(%dma_wait3A_199 : memref<128x128xf32, #tpu.memory_space<vmem_shared>>)
      tpu.yield
    }) : () -> ()
    %barrier3A = arith.constant 0 : index
    tpu.barrier barrier_id(%barrier3A)
    %add3A_39 = arith.constant 0 : i32
    %add3A_40 = arith.addi %select_n3A_8, %add3A_39 : i32
    %dma_start3A = arith.constant 0 : i32
    %dma_start3A_41 = arith.constant 0 : i32
    %dma_start3A_42 = arith.constant 0 : i32
    %dma_start3A_43 = tpu.memref_slice %arg5[%dma_start3A, %dma_start3A_41, %dma_start3A_42] : memref<2x2x128xi32, #tpu.memory_space<vmem>> -> memref<1x2x128xi32, #tpu.memory_space<vmem>>
    %dma_start3A_44 = tpu.memref_squeeze %dma_start3A_43 : memref<1x2x128xi32, #tpu.memory_space<vmem>> -> memref<2x128xi32, #tpu.memory_space<vmem>>
    %dma_start3A_45 = arith.constant 0 : i32
    %dma_start3A_46 = arith.constant 0 : i32
    %dma_start3A_47 = tpu.memref_slice %arg2[%add3A_40, %dma_start3A_45, %dma_start3A_46] : memref<2560x2x128xi32, #tpu.memory_space<hbm>> -> memref<1x2x128xi32, #tpu.memory_space<hbm>>
    %dma_start3A_48 = tpu.memref_squeeze %dma_start3A_47 : memref<1x2x128xi32, #tpu.memory_space<hbm>> -> memref<2x128xi32, #tpu.memory_space<hbm>>
    %dma_start3A_49 = arith.constant 0 : i32
    %dma_start3A_50 = arith.constant 0 : i32
    %dma_start3A_51 = tpu.memref_slice %arg5[%dma_start3A, %dma_start3A_49, %dma_start3A_50] : memref<2x2x128xi32, #tpu.memory_space<vmem>> -> memref<1x2x128xi32, #tpu.memory_space<vmem>>
    %dma_start3A_52 = tpu.memref_squeeze %dma_start3A_51 : memref<1x2x128xi32, #tpu.memory_space<vmem>> -> memref<2x128xi32, #tpu.memory_space<vmem>>
    %dma_start3A_53 = arith.constant 0 : i32
    %dma_start3A_54 = arith.constant 0 : i32
    %dma_start3A_55 = tpu.memref_slice %arg2[%add3A_40, %dma_start3A_53, %dma_start3A_54] : memref<2560x2x128xi32, #tpu.memory_space<hbm>> -> memref<1x2x128xi32, #tpu.memory_space<hbm>>
    %dma_start3A_56 = tpu.memref_squeeze %dma_start3A_55 : memref<1x2x128xi32, #tpu.memory_space<hbm>> -> memref<2x128xi32, #tpu.memory_space<hbm>>
    tpu.enqueue_dma source(%dma_start3A_56 : memref<2x128xi32, #tpu.memory_space<hbm>>) target(%dma_start3A_52 : memref<2x128xi32, #tpu.memory_space<vmem>>) target_semaphore(%arg8 : memref<!tpu.dma_semaphore, #tpu.memory_space<semaphore_mem>>)
    %add3A_57 = arith.constant 1 : i32
    %add3A_58 = arith.addi %select_n3A_8, %add3A_57 : i32
    %dma_start3A_59 = arith.constant 1 : i32
    %dma_start3A_60 = arith.constant 0 : i32
    %dma_start3A_61 = arith.constant 0 : i32
    %dma_start3A_62 = tpu.memref_slice %arg5[%dma_start3A_59, %dma_start3A_60, %dma_start3A_61] : memref<2x2x128xi32, #tpu.memory_space<vmem>> -> memref<1x2x128xi32, #tpu.memory_space<vmem>>
    %dma_start3A_63 = tpu.memref_squeeze %dma_start3A_62 : memref<1x2x128xi32, #tpu.memory_space<vmem>> -> memref<2x128xi32, #tpu.memory_space<vmem>>
    %dma_start3A_64 = arith.constant 0 : i32
    %dma_start3A_65 = arith.constant 0 : i32
    %dma_start3A_66 = tpu.memref_slice %arg2[%add3A_58, %dma_start3A_64, %dma_start3A_65] : memref<2560x2x128xi32, #tpu.memory_space<hbm>> -> memref<1x2x128xi32, #tpu.memory_space<hbm>>
    %dma_start3A_67 = tpu.memref_squeeze %dma_start3A_66 : memref<1x2x128xi32, #tpu.memory_space<hbm>> -> memref<2x128xi32, #tpu.memory_space<hbm>>
    %dma_start3A_68 = arith.constant 0 : i32
    %dma_start3A_69 = arith.constant 0 : i32
    %dma_start3A_70 = tpu.memref_slice %arg5[%dma_start3A_59, %dma_start3A_68, %dma_start3A_69] : memref<2x2x128xi32, #tpu.memory_space<vmem>> -> memref<1x2x128xi32, #tpu.memory_space<vmem>>
    %dma_start3A_71 = tpu.memref_squeeze %dma_start3A_70 : memref<1x2x128xi32, #tpu.memory_space<vmem>> -> memref<2x128xi32, #tpu.memory_space<vmem>>
    %dma_start3A_72 = arith.constant 0 : i32
    %dma_start3A_73 = arith.constant 0 : i32
    %dma_start3A_74 = tpu.memref_slice %arg2[%add3A_58, %dma_start3A_72, %dma_start3A_73] : memref<2560x2x128xi32, #tpu.memory_space<hbm>> -> memref<1x2x128xi32, #tpu.memory_space<hbm>>
    %dma_start3A_75 = tpu.memref_squeeze %dma_start3A_74 : memref<1x2x128xi32, #tpu.memory_space<hbm>> -> memref<2x128xi32, #tpu.memory_space<hbm>>
    tpu.enqueue_dma source(%dma_start3A_75 : memref<2x128xi32, #tpu.memory_space<hbm>>) target(%dma_start3A_71 : memref<2x128xi32, #tpu.memory_space<vmem>>) target_semaphore(%arg9 : memref<!tpu.dma_semaphore, #tpu.memory_space<semaphore_mem>>)
    %dma_wait3A = arith.constant 0 : i32
    %dma_wait3A_76 = arith.constant 0 : i32
    %dma_wait3A_77 = arith.constant 0 : i32
    %dma_wait3A_78 = arith.constant 0 : i32
    %dma_wait3A_79 = tpu.memref_slice %arg5[%dma_wait3A_76, %dma_wait3A_77, %dma_wait3A_78] : memref<2x2x128xi32, #tpu.memory_space<vmem>> -> memref<1x2x128xi32, #tpu.memory_space<vmem>>
    %dma_wait3A_80 = tpu.memref_squeeze %dma_wait3A_79 : memref<1x2x128xi32, #tpu.memory_space<vmem>> -> memref<2x128xi32, #tpu.memory_space<vmem>>
    %dma_wait3A_81 = arith.constant 0 : i32
    %dma_wait3A_82 = arith.constant 0 : i32
    %dma_wait3A_83 = tpu.memref_slice %arg2[%dma_wait3A, %dma_wait3A_81, %dma_wait3A_82] : memref<2560x2x128xi32, #tpu.memory_space<hbm>> -> memref<1x2x128xi32, #tpu.memory_space<hbm>>
    %dma_wait3A_84 = tpu.memref_squeeze %dma_wait3A_83 : memref<1x2x128xi32, #tpu.memory_space<hbm>> -> memref<2x128xi32, #tpu.memory_space<hbm>>
    %dma_wait3A_85 = arith.constant 0 : i32
    %dma_wait3A_86 = arith.constant 0 : i32
    %dma_wait3A_87 = tpu.memref_slice %arg5[%dma_wait3A_76, %dma_wait3A_85, %dma_wait3A_86] : memref<2x2x128xi32, #tpu.memory_space<vmem>> -> memref<1x2x128xi32, #tpu.memory_space<vmem>>
    %dma_wait3A_88 = tpu.memref_squeeze %dma_wait3A_87 : memref<1x2x128xi32, #tpu.memory_space<vmem>> -> memref<2x128xi32, #tpu.memory_space<vmem>>
    %dma_wait3A_89 = arith.constant 0 : i32
    %dma_wait3A_90 = arith.constant 0 : i32
    %dma_wait3A_91 = tpu.memref_slice %arg2[%dma_wait3A, %dma_wait3A_89, %dma_wait3A_90] : memref<2560x2x128xi32, #tpu.memory_space<hbm>> -> memref<1x2x128xi32, #tpu.memory_space<hbm>>
    %dma_wait3A_92 = tpu.memref_squeeze %dma_wait3A_91 : memref<1x2x128xi32, #tpu.memory_space<hbm>> -> memref<2x128xi32, #tpu.memory_space<hbm>>
    tpu.wait_dma2 semaphore(%arg8 : memref<!tpu.dma_semaphore, #tpu.memory_space<semaphore_mem>>) src(%dma_wait3A_92 : memref<2x128xi32, #tpu.memory_space<hbm>>) dst(%dma_wait3A_88 : memref<2x128xi32, #tpu.memory_space<vmem>>)
    %dma_start3A_93 = arith.constant 0 : i32
    %dma_start3A_94 = arith.constant 0 : i32
    %dma_start3A_95 = arith.constant 0 : i32
    %dma_start3A_96 = arith.constant 0 : i32
    %dma_start3A_97 = arith.constant 0 : i32
    %dma_start3A_98 = tpu.memref_slice %arg6[%dma_start3A_95, %dma_start3A_96, %dma_start3A_97] : memref<2x128x128xf32, #tpu.memory_space<vmem>> -> memref<1x128x128xf32, #tpu.memory_space<vmem>>
    %dma_start3A_99 = tpu.memref_squeeze %dma_start3A_98 : memref<1x128x128xf32, #tpu.memory_space<vmem>> -> memref<128x128xf32, #tpu.memory_space<vmem>>
    %dma_start3A_100 = arith.constant 0 : i32
    %dma_start3A_101 = tpu.memref_slice %arg5[%dma_start3A_93, %dma_start3A_94, %dma_start3A_100] : memref<2x2x128xi32, #tpu.memory_space<vmem>> -> memref<1x1x128xi32, #tpu.memory_space<vmem>>
    %dma_start3A_102 = tpu.memref_squeeze %dma_start3A_101 : memref<1x1x128xi32, #tpu.memory_space<vmem>> -> memref<128xi32, #tpu.memory_space<vmem>>
    %dma_start3A_103 = arith.constant 0 : i32
    %dma_start3A_104 = arith.constant 0 : i32
    %dma_start3A_105 = tpu.memref_slice %arg3[%dma_start3A_103, %dma_start3A_104] : memref<10240x128xf32, #tpu.memory_space<hbm>> -> memref<10240x128xf32, #tpu.memory_space<hbm>>
    tpu.enqueue_indirect_dma source(%dma_start3A_105 : memref<10240x128xf32, #tpu.memory_space<hbm>>) target(%dma_start3A_99 : memref<128x128xf32, #tpu.memory_space<vmem>>) offsets(%dma_start3A_102 : memref<128xi32, #tpu.memory_space<vmem>>) semaphore(%arg10 : memref<!tpu.dma_semaphore, #tpu.memory_space<semaphore_mem>>)
    %jit3A_106 = arith.constant 2 : i32
    %div3A = arith.divsi %select_n3A, %jit3A_106 : i32
    %sign3A = arith.constant 0 : i32
    %sign3A_107 = arith.cmpi sgt, %select_n3A, %sign3A : i32
    %sign3A_108 = arith.extui %sign3A_107 : i1 to i32
    %sign3A_109 = arith.constant 0 : i32
    %sign3A_110 = arith.cmpi slt, %select_n3A, %sign3A_109 : i32
    %sign3A_111 = arith.extui %sign3A_110 : i1 to i32
    %sign3A_112 = arith.subi %sign3A_108, %sign3A_111 : i32
    %sign3A_113 = arith.constant 0 : i32
    %sign3A_114 = arith.cmpi sgt, %jit3A_106, %sign3A_113 : i32
    %sign3A_115 = arith.extui %sign3A_114 : i1 to i32
    %sign3A_116 = arith.constant 0 : i32
    %sign3A_117 = arith.cmpi slt, %jit3A_106, %sign3A_116 : i32
    %sign3A_118 = arith.extui %sign3A_117 : i1 to i32
    %sign3A_119 = arith.subi %sign3A_115, %sign3A_118 : i32
    %ne3A = arith.cmpi ne, %sign3A_112, %sign3A_119 : i32
    %rem3A = arith.remsi %select_n3A, %jit3A_106 : i32
    %ne3A_120 = arith.constant 0 : i32
    %ne3A_121 = arith.cmpi ne, %rem3A, %ne3A_120 : i32
    %and3A = arith.andi %ne3A, %ne3A_121 : i1
    %sub3A = arith.constant 1 : i32
    %sub3A_122 = arith.subi %div3A, %sub3A : i32
    %select_n3A_123 = arith.select %and3A, %sub3A_122, %div3A : i32
    %while3A = arith.constant 0 : i32
    %while3A_124 = arith.constant 0 : i32
    %while3A_125 = arith.subi %select_n3A_123, %while3A_124 : i32
    %while3A_126 = arith.addi %while3A_124, %while3A_125 : i32
    %while3A_127 = arith.constant 1 : i32
    %while3A_128 = arith.divsi %while3A_125, %while3A_127 : i32
    %while3A_129 = arith.muli %while3A_128, %while3A_127 : i32
    %while3A_130 = arith.addi %while3A_124, %while3A_129 : i32
    %while3A_131 = arith.constant 1 : i32
    scf.for %while3A_179 = %while3A_124 to %while3A_130 step %while3A_131  : i32 {
      %mul3A_180 = arith.constant 2 : i32
      %mul3A_181 = arith.muli %while3A_179, %mul3A_180 : i32
      %add3A_182 = arith.constant 0 : i32
      %add3A_183 = arith.addi %mul3A_181, %add3A_182 : i32
      %dma_wait3A_184 = arith.constant 0 : i32
      %dma_wait3A_185 = arith.constant 0 : i32
      %dma_wait3A_186 = arith.constant 0 : i32
      %dma_wait3A_187 = tpu.memref_slice %arg6[%dma_wait3A_184, %dma_wait3A_185, %dma_wait3A_186] : memref<2x128x128xf32, #tpu.memory_space<vmem>> -> memref<1x128x128xf32, #tpu.memory_space<vmem>>
      %dma_wait3A_188 = tpu.memref_squeeze %dma_wait3A_187 : memref<1x128x128xf32, #tpu.memory_space<vmem>> -> memref<128x128xf32, #tpu.memory_space<vmem>>
      %dma_wait3A_189 = arith.constant 0 : i32
      %dma_wait3A_190 = arith.constant 0 : i32
      %dma_wait3A_191 = tpu.memref_slice %arg3[%dma_wait3A_189, %dma_wait3A_190] : memref<10240x128xf32, #tpu.memory_space<hbm>> -> memref<128x128xf32, #tpu.memory_space<hbm>>
      %dma_wait3A_192 = arith.constant 0 : i32
      %dma_wait3A_193 = arith.constant 0 : i32
      %dma_wait3A_194 = tpu.memref_slice %arg6[%dma_wait3A_184, %dma_wait3A_192, %dma_wait3A_193] : memref<2x128x128xf32, #tpu.memory_space<vmem>> -> memref<1x128x128xf32, #tpu.memory_space<vmem>>
      %dma_wait3A_195 = tpu.memref_squeeze %dma_wait3A_194 : memref<1x128x128xf32, #tpu.memory_space<vmem>> -> memref<128x128xf32, #tpu.memory_space<vmem>>
      %dma_wait3A_196 = arith.constant 0 : i32
      %dma_wait3A_197 = arith.constant 0 : i32
      %dma_wait3A_198 = tpu.memref_slice %arg3[%dma_wait3A_196, %dma_wait3A_197] : memref<10240x128xf32, #tpu.memory_space<hbm>> -> memref<128x128xf32, #tpu.memory_space<hbm>>
      tpu.wait_dma2 semaphore(%arg10 : memref<!tpu.dma_semaphore, #tpu.memory_space<semaphore_mem>>) src(%dma_wait3A_198 : memref<128x128xf32, #tpu.memory_space<hbm>>) dst(%dma_wait3A_195 : memref<128x128xf32, #tpu.memory_space<vmem>>)
      %add3A_199 = arith.constant 1 : i32
      %add3A_200 = arith.addi %add3A_183, %add3A_199 : i32
      %lt3A = arith.cmpi slt, %add3A_200, %select_n3A : i32
      %convert_element_type3A = arith.extui %lt3A : i1 to i32
      %cond3A = arith.constant 0 : i32
      %cond3A_201 = arith.cmpi ne, %convert_element_type3A, %cond3A : i32
      scf.if %cond3A_201 {
        %dma_wait3A_245 = arith.constant 0 : i32
        %dma_wait3A_246 = arith.constant 1 : i32
        %dma_wait3A_247 = arith.constant 0 : i32
        %dma_wait3A_248 = arith.constant 0 : i32
        %dma_wait3A_249 = tpu.memref_slice %arg5[%dma_wait3A_246, %dma_wait3A_247, %dma_wait3A_248] : memref<2x2x128xi32, #tpu.memory_space<vmem>> -> memref<1x2x128xi32, #tpu.memory_space<vmem>>
        %dma_wait3A_250 = tpu.memref_squeeze %dma_wait3A_249 : memref<1x2x128xi32, #tpu.memory_space<vmem>> -> memref<2x128xi32, #tpu.memory_space<vmem>>
        %dma_wait3A_251 = arith.constant 0 : i32
        %dma_wait3A_252 = arith.constant 0 : i32
        %dma_wait3A_253 = tpu.memref_slice %arg2[%dma_wait3A_245, %dma_wait3A_251, %dma_wait3A_252] : memref<2560x2x128xi32, #tpu.memory_space<hbm>> -> memref<1x2x128xi32, #tpu.memory_space<hbm>>
        %dma_wait3A_254 = tpu.memref_squeeze %dma_wait3A_253 : memref<1x2x128xi32, #tpu.memory_space<hbm>> -> memref<2x128xi32, #tpu.memory_space<hbm>>
        %dma_wait3A_255 = arith.constant 0 : i32
        %dma_wait3A_256 = arith.constant 0 : i32
        %dma_wait3A_257 = tpu.memref_slice %arg5[%dma_wait3A_246, %dma_wait3A_255, %dma_wait3A_256] : memref<2x2x128xi32, #tpu.memory_space<vmem>> -> memref<1x2x128xi32, #tpu.memory_space<vmem>>
        %dma_wait3A_258 = tpu.memref_squeeze %dma_wait3A_257 : memref<1x2x128xi32, #tpu.memory_space<vmem>> -> memref<2x128xi32, #tpu.memory_space<vmem>>
        %dma_wait3A_259 = arith.constant 0 : i32
        %dma_wait3A_260 = arith.constant 0 : i32
        %dma_wait3A_261 = tpu.memref_slice %arg2[%dma_wait3A_245, %dma_wait3A_259, %dma_wait3A_260] : memref<2560x2x128xi32, #tpu.memory_space<hbm>> -> memref<1x2x128xi32, #tpu.memory_space<hbm>>
        %dma_wait3A_262 = tpu.memref_squeeze %dma_wait3A_261 : memref<1x2x128xi32, #tpu.memory_space<hbm>> -> memref<2x128xi32, #tpu.memory_space<hbm>>
        tpu.wait_dma2 semaphore(%arg9 : memref<!tpu.dma_semaphore, #tpu.memory_space<semaphore_mem>>) src(%dma_wait3A_262 : memref<2x128xi32, #tpu.memory_space<hbm>>) dst(%dma_wait3A_258 : memref<2x128xi32, #tpu.memory_space<vmem>>)
        %dma_start3A_263 = arith.constant 1 : i32
        %dma_start3A_264 = arith.constant 0 : i32
        %dma_start3A_265 = arith.constant 1 : i32
        %dma_start3A_266 = arith.constant 0 : i32
        %dma_start3A_267 = arith.constant 0 : i32
        %dma_start3A_268 = tpu.memref_slice %arg6[%dma_start3A_265, %dma_start3A_266, %dma_start3A_267] : memref<2x128x128xf32, #tpu.memory_space<vmem>> -> memref<1x128x128xf32, #tpu.memory_space<vmem>>
        %dma_start3A_269 = tpu.memref_squeeze %dma_start3A_268 : memref<1x128x128xf32, #tpu.memory_space<vmem>> -> memref<128x128xf32, #tpu.memory_space<vmem>>
        %dma_start3A_270 = arith.constant 0 : i32
        %dma_start3A_271 = tpu.memref_slice %arg5[%dma_start3A_263, %dma_start3A_264, %dma_start3A_270] : memref<2x2x128xi32, #tpu.memory_space<vmem>> -> memref<1x1x128xi32, #tpu.memory_space<vmem>>
        %dma_start3A_272 = tpu.memref_squeeze %dma_start3A_271 : memref<1x1x128xi32, #tpu.memory_space<vmem>> -> memref<128xi32, #tpu.memory_space<vmem>>
        %dma_start3A_273 = arith.constant 0 : i32
        %dma_start3A_274 = arith.constant 0 : i32
        %dma_start3A_275 = tpu.memref_slice %arg3[%dma_start3A_273, %dma_start3A_274] : memref<10240x128xf32, #tpu.memory_space<hbm>> -> memref<10240x128xf32, #tpu.memory_space<hbm>>
        tpu.enqueue_indirect_dma source(%dma_start3A_275 : memref<10240x128xf32, #tpu.memory_space<hbm>>) target(%dma_start3A_269 : memref<128x128xf32, #tpu.memory_space<vmem>>) offsets(%dma_start3A_272 : memref<128xi32, #tpu.memory_space<vmem>>) semaphore(%arg11 : memref<!tpu.dma_semaphore, #tpu.memory_space<semaphore_mem>>)
      } else {
      }
      %run_scoped3A_202 = arith.constant 0 : i32
      %run_scoped3A_203 = arith.constant 0 : i32
      %run_scoped3A_204 = arith.constant 1 : i32
      "tpu.region"() ({
        %run_scoped3A_245 = tpu.sem_alloc : memref<!tpu.dma_semaphore, #tpu.memory_space<semaphore_mem>>
        %dma_start3A_246 = arith.constant 0 : i32
        %dma_start3A_247 = arith.constant 0 : i32
        %dma_start3A_248 = tpu.memref_slice %arg6[%run_scoped3A_202, %dma_start3A_246, %dma_start3A_247] : memref<2x128x128xf32, #tpu.memory_space<vmem>> -> memref<1x128x128xf32, #tpu.memory_space<vmem>>
        %dma_start3A_249 = tpu.memref_squeeze %dma_start3A_248 : memref<1x128x128xf32, #tpu.memory_space<vmem>> -> memref<128x128xf32, #tpu.memory_space<vmem>>
        %dma_start3A_250 = arith.constant 0 : i32
        %dma_start3A_251 = tpu.memref_slice %arg5[%run_scoped3A_203, %run_scoped3A_204, %dma_start3A_250] : memref<2x2x128xi32, #tpu.memory_space<vmem>> -> memref<1x1x128xi32, #tpu.memory_space<vmem>>
        %dma_start3A_252 = tpu.memref_squeeze %dma_start3A_251 : memref<1x1x128xi32, #tpu.memory_space<vmem>> -> memref<128xi32, #tpu.memory_space<vmem>>
        %dma_start3A_253 = arith.constant 0 : i32
        %dma_start3A_254 = arith.constant 0 : i32
        %dma_start3A_255 = tpu.memref_slice %arg7[%dma_start3A_253, %dma_start3A_254] : memref<10240x128xf32, #tpu.memory_space<vmem_shared>> -> memref<10240x128xf32, #tpu.memory_space<vmem_shared>>
        tpu.enqueue_indirect_dma source(%dma_start3A_249 : memref<128x128xf32, #tpu.memory_space<vmem>>) target(%dma_start3A_255 : memref<10240x128xf32, #tpu.memory_space<vmem_shared>>) offsets(%dma_start3A_252 : memref<128xi32, #tpu.memory_space<vmem>>) semaphore(%run_scoped3A_245 : memref<!tpu.dma_semaphore, #tpu.memory_space<semaphore_mem>>) {add = true}
        %dma_wait3A_256 = arith.constant 0 : i32
        %dma_wait3A_257 = arith.constant 0 : i32
        %dma_wait3A_258 = tpu.memref_slice %arg6[%run_scoped3A_202, %dma_wait3A_256, %dma_wait3A_257] : memref<2x128x128xf32, #tpu.memory_space<vmem>> -> memref<1x128x128xf32, #tpu.memory_space<vmem>>
        %dma_wait3A_259 = tpu.memref_squeeze %dma_wait3A_258 : memref<1x128x128xf32, #tpu.memory_space<vmem>> -> memref<128x128xf32, #tpu.memory_space<vmem>>
        %dma_wait3A_260 = arith.constant 0 : i32
        %dma_wait3A_261 = tpu.memref_slice %arg5[%run_scoped3A_203, %run_scoped3A_204, %dma_wait3A_260] : memref<2x2x128xi32, #tpu.memory_space<vmem>> -> memref<1x1x128xi32, #tpu.memory_space<vmem>>
        %dma_wait3A_262 = tpu.memref_squeeze %dma_wait3A_261 : memref<1x1x128xi32, #tpu.memory_space<vmem>> -> memref<128xi32, #tpu.memory_space<vmem>>
        %dma_wait3A_263 = arith.constant 0 : i32
        %dma_wait3A_264 = arith.constant 0 : i32
        %dma_wait3A_265 = tpu.memref_slice %arg7[%dma_wait3A_263, %dma_wait3A_264] : memref<10240x128xf32, #tpu.memory_space<vmem_shared>> -> memref<10240x128xf32, #tpu.memory_space<vmem_shared>>
        tpu.wait_indirect_dma semaphore(%run_scoped3A_245 : memref<!tpu.dma_semaphore, #tpu.memory_space<semaphore_mem>>) src(%dma_wait3A_259 : memref<128x128xf32, #tpu.memory_space<vmem>>) dst(%dma_wait3A_265 : memref<10240x128xf32, #tpu.memory_space<vmem_shared>>)
        tpu.yield
      }) : () -> ()
      %add3A_205 = arith.constant 2 : i32
      %add3A_206 = arith.addi %add3A_183, %add3A_205 : i32
      %lt3A_207 = arith.cmpi slt, %add3A_206, %select_n3A : i32
      %convert_element_type3A_208 = arith.extui %lt3A_207 : i1 to i32
      %cond3A_209 = arith.constant 0 : i32
      %cond3A_210 = arith.cmpi ne, %convert_element_type3A_208, %cond3A_209 : i32
      scf.if %cond3A_210 {
        %add3A_245 = arith.addi %select_n3A_8, %add3A_183 : i32
        %add3A_246 = arith.constant 2 : i32
        %add3A_247 = arith.addi %add3A_245, %add3A_246 : i32
        %dma_start3A_248 = arith.constant 0 : i32
        %dma_start3A_249 = arith.constant 0 : i32
        %dma_start3A_250 = arith.constant 0 : i32
        %dma_start3A_251 = tpu.memref_slice %arg5[%dma_start3A_248, %dma_start3A_249, %dma_start3A_250] : memref<2x2x128xi32, #tpu.memory_space<vmem>> -> memref<1x2x128xi32, #tpu.memory_space<vmem>>
        %dma_start3A_252 = tpu.memref_squeeze %dma_start3A_251 : memref<1x2x128xi32, #tpu.memory_space<vmem>> -> memref<2x128xi32, #tpu.memory_space<vmem>>
        %dma_start3A_253 = arith.constant 0 : i32
        %dma_start3A_254 = arith.constant 0 : i32
        %dma_start3A_255 = tpu.memref_slice %arg2[%add3A_247, %dma_start3A_253, %dma_start3A_254] : memref<2560x2x128xi32, #tpu.memory_space<hbm>> -> memref<1x2x128xi32, #tpu.memory_space<hbm>>
        %dma_start3A_256 = tpu.memref_squeeze %dma_start3A_255 : memref<1x2x128xi32, #tpu.memory_space<hbm>> -> memref<2x128xi32, #tpu.memory_space<hbm>>
        %dma_start3A_257 = arith.constant 0 : i32
        %dma_start3A_258 = arith.constant 0 : i32
        %dma_start3A_259 = tpu.memref_slice %arg5[%dma_start3A_248, %dma_start3A_257, %dma_start3A_258] : memref<2x2x128xi32, #tpu.memory_space<vmem>> -> memref<1x2x128xi32, #tpu.memory_space<vmem>>
        %dma_start3A_260 = tpu.memref_squeeze %dma_start3A_259 : memref<1x2x128xi32, #tpu.memory_space<vmem>> -> memref<2x128xi32, #tpu.memory_space<vmem>>
        %dma_start3A_261 = arith.constant 0 : i32
        %dma_start3A_262 = arith.constant 0 : i32
        %dma_start3A_263 = tpu.memref_slice %arg2[%add3A_247, %dma_start3A_261, %dma_start3A_262] : memref<2560x2x128xi32, #tpu.memory_space<hbm>> -> memref<1x2x128xi32, #tpu.memory_space<hbm>>
        %dma_start3A_264 = tpu.memref_squeeze %dma_start3A_263 : memref<1x2x128xi32, #tpu.memory_space<hbm>> -> memref<2x128xi32, #tpu.memory_space<hbm>>
        tpu.enqueue_dma source(%dma_start3A_264 : memref<2x128xi32, #tpu.memory_space<hbm>>) target(%dma_start3A_260 : memref<2x128xi32, #tpu.memory_space<vmem>>) target_semaphore(%arg8 : memref<!tpu.dma_semaphore, #tpu.memory_space<semaphore_mem>>)
      } else {
      }
      %mul3A_211 = arith.constant 2 : i32
      %mul3A_212 = arith.muli %while3A_179, %mul3A_211 : i32
      %add3A_213 = arith.constant 1 : i32
      %add3A_214 = arith.addi %mul3A_212, %add3A_213 : i32
      %dma_wait3A_215 = arith.constant 1 : i32
      %dma_wait3A_216 = arith.constant 0 : i32
      %dma_wait3A_217 = arith.constant 0 : i32
      %dma_wait3A_218 = tpu.memref_slice %arg6[%dma_wait3A_215, %dma_wait3A_216, %dma_wait3A_217] : memref<2x128x128xf32, #tpu.memory_space<vmem>> -> memref<1x128x128xf32, #tpu.memory_space<vmem>>
      %dma_wait3A_219 = tpu.memref_squeeze %dma_wait3A_218 : memref<1x128x128xf32, #tpu.memory_space<vmem>> -> memref<128x128xf32, #tpu.memory_space<vmem>>
      %dma_wait3A_220 = arith.constant 0 : i32
      %dma_wait3A_221 = arith.constant 0 : i32
      %dma_wait3A_222 = tpu.memref_slice %arg3[%dma_wait3A_220, %dma_wait3A_221] : memref<10240x128xf32, #tpu.memory_space<hbm>> -> memref<128x128xf32, #tpu.memory_space<hbm>>
      %dma_wait3A_223 = arith.constant 0 : i32
      %dma_wait3A_224 = arith.constant 0 : i32
      %dma_wait3A_225 = tpu.memref_slice %arg6[%dma_wait3A_215, %dma_wait3A_223, %dma_wait3A_224] : memref<2x128x128xf32, #tpu.memory_space<vmem>> -> memref<1x128x128xf32, #tpu.memory_space<vmem>>
      %dma_wait3A_226 = tpu.memref_squeeze %dma_wait3A_225 : memref<1x128x128xf32, #tpu.memory_space<vmem>> -> memref<128x128xf32, #tpu.memory_space<vmem>>
      %dma_wait3A_227 = arith.constant 0 : i32
      %dma_wait3A_228 = arith.constant 0 : i32
      %dma_wait3A_229 = tpu.memref_slice %arg3[%dma_wait3A_227, %dma_wait3A_228] : memref<10240x128xf32, #tpu.memory_space<hbm>> -> memref<128x128xf32, #tpu.memory_space<hbm>>
      tpu.wait_dma2 semaphore(%arg11 : memref<!tpu.dma_semaphore, #tpu.memory_space<semaphore_mem>>) src(%dma_wait3A_229 : memref<128x128xf32, #tpu.memory_space<hbm>>) dst(%dma_wait3A_226 : memref<128x128xf32, #tpu.memory_space<vmem>>)
      %add3A_230 = arith.constant 1 : i32
      %add3A_231 = arith.addi %add3A_214, %add3A_230 : i32
      %lt3A_232 = arith.cmpi slt, %add3A_231, %select_n3A : i32
      %convert_element_type3A_233 = arith.extui %lt3A_232 : i1 to i32
      %cond3A_234 = arith.constant 0 : i32
      %cond3A_235 = arith.cmpi ne, %convert_element_type3A_233, %cond3A_234 : i32
      scf.if %cond3A_235 {
        %dma_wait3A_245 = arith.constant 0 : i32
        %dma_wait3A_246 = arith.constant 0 : i32
        %dma_wait3A_247 = arith.constant 0 : i32
        %dma_wait3A_248 = arith.constant 0 : i32
        %dma_wait3A_249 = tpu.memref_slice %arg5[%dma_wait3A_246, %dma_wait3A_247, %dma_wait3A_248] : memref<2x2x128xi32, #tpu.memory_space<vmem>> -> memref<1x2x128xi32, #tpu.memory_space<vmem>>
        %dma_wait3A_250 = tpu.memref_squeeze %dma_wait3A_249 : memref<1x2x128xi32, #tpu.memory_space<vmem>> -> memref<2x128xi32, #tpu.memory_space<vmem>>
        %dma_wait3A_251 = arith.constant 0 : i32
        %dma_wait3A_252 = arith.constant 0 : i32
        %dma_wait3A_253 = tpu.memref_slice %arg2[%dma_wait3A_245, %dma_wait3A_251, %dma_wait3A_252] : memref<2560x2x128xi32, #tpu.memory_space<hbm>> -> memref<1x2x128xi32, #tpu.memory_space<hbm>>
        %dma_wait3A_254 = tpu.memref_squeeze %dma_wait3A_253 : memref<1x2x128xi32, #tpu.memory_space<hbm>> -> memref<2x128xi32, #tpu.memory_space<hbm>>
        %dma_wait3A_255 = arith.constant 0 : i32
        %dma_wait3A_256 = arith.constant 0 : i32
        %dma_wait3A_257 = tpu.memref_slice %arg5[%dma_wait3A_246, %dma_wait3A_255, %dma_wait3A_256] : memref<2x2x128xi32, #tpu.memory_space<vmem>> -> memref<1x2x128xi32, #tpu.memory_space<vmem>>
        %dma_wait3A_258 = tpu.memref_squeeze %dma_wait3A_257 : memref<1x2x128xi32, #tpu.memory_space<vmem>> -> memref<2x128xi32, #tpu.memory_space<vmem>>
        %dma_wait3A_259 = arith.constant 0 : i32
        %dma_wait3A_260 = arith.constant 0 : i32
        %dma_wait3A_261 = tpu.memref_slice %arg2[%dma_wait3A_245, %dma_wait3A_259, %dma_wait3A_260] : memref<2560x2x128xi32, #tpu.memory_space<hbm>> -> memref<1x2x128xi32, #tpu.memory_space<hbm>>
        %dma_wait3A_262 = tpu.memref_squeeze %dma_wait3A_261 : memref<1x2x128xi32, #tpu.memory_space<hbm>> -> memref<2x128xi32, #tpu.memory_space<hbm>>
        tpu.wait_dma2 semaphore(%arg8 : memref<!tpu.dma_semaphore, #tpu.memory_space<semaphore_mem>>) src(%dma_wait3A_262 : memref<2x128xi32, #tpu.memory_space<hbm>>) dst(%dma_wait3A_258 : memref<2x128xi32, #tpu.memory_space<vmem>>)
        %dma_start3A_263 = arith.constant 0 : i32
        %dma_start3A_264 = arith.constant 0 : i32
        %dma_start3A_265 = arith.constant 0 : i32
        %dma_start3A_266 = arith.constant 0 : i32
        %dma_start3A_267 = arith.constant 0 : i32
        %dma_start3A_268 = tpu.memref_slice %arg6[%dma_start3A_265, %dma_start3A_266, %dma_start3A_267] : memref<2x128x128xf32, #tpu.memory_space<vmem>> -> memref<1x128x128xf32, #tpu.memory_space<vmem>>
        %dma_start3A_269 = tpu.memref_squeeze %dma_start3A_268 : memref<1x128x128xf32, #tpu.memory_space<vmem>> -> memref<128x128xf32, #tpu.memory_space<vmem>>
        %dma_start3A_270 = arith.constant 0 : i32
        %dma_start3A_271 = tpu.memref_slice %arg5[%dma_start3A_263, %dma_start3A_264, %dma_start3A_270] : memref<2x2x128xi32, #tpu.memory_space<vmem>> -> memref<1x1x128xi32, #tpu.memory_space<vmem>>
        %dma_start3A_272 = tpu.memref_squeeze %dma_start3A_271 : memref<1x1x128xi32, #tpu.memory_space<vmem>> -> memref<128xi32, #tpu.memory_space<vmem>>
        %dma_start3A_273 = arith.constant 0 : i32
        %dma_start3A_274 = arith.constant 0 : i32
        %dma_start3A_275 = tpu.memref_slice %arg3[%dma_start3A_273, %dma_start3A_274] : memref<10240x128xf32, #tpu.memory_space<hbm>> -> memref<10240x128xf32, #tpu.memory_space<hbm>>
        tpu.enqueue_indirect_dma source(%dma_start3A_275 : memref<10240x128xf32, #tpu.memory_space<hbm>>) target(%dma_start3A_269 : memref<128x128xf32, #tpu.memory_space<vmem>>) offsets(%dma_start3A_272 : memref<128xi32, #tpu.memory_space<vmem>>) semaphore(%arg10 : memref<!tpu.dma_semaphore, #tpu.memory_space<semaphore_mem>>)
      } else {
      }
      %run_scoped3A_236 = arith.constant 1 : i32
      %run_scoped3A_237 = arith.constant 1 : i32
      %run_scoped3A_238 = arith.constant 1 : i32
      "tpu.region"() ({
        %run_scoped3A_245 = tpu.sem_alloc : memref<!tpu.dma_semaphore, #tpu.memory_space<semaphore_mem>>
        %dma_start3A_246 = arith.constant 0 : i32
        %dma_start3A_247 = arith.constant 0 : i32
        %dma_start3A_248 = tpu.memref_slice %arg6[%run_scoped3A_236, %dma_start3A_246, %dma_start3A_247] : memref<2x128x128xf32, #tpu.memory_space<vmem>> -> memref<1x128x128xf32, #tpu.memory_space<vmem>>
        %dma_start3A_249 = tpu.memref_squeeze %dma_start3A_248 : memref<1x128x128xf32, #tpu.memory_space<vmem>> -> memref<128x128xf32, #tpu.memory_space<vmem>>
        %dma_start3A_250 = arith.constant 0 : i32
        %dma_start3A_251 = tpu.memref_slice %arg5[%run_scoped3A_237, %run_scoped3A_238, %dma_start3A_250] : memref<2x2x128xi32, #tpu.memory_space<vmem>> -> memref<1x1x128xi32, #tpu.memory_space<vmem>>
        %dma_start3A_252 = tpu.memref_squeeze %dma_start3A_251 : memref<1x1x128xi32, #tpu.memory_space<vmem>> -> memref<128xi32, #tpu.memory_space<vmem>>
        %dma_start3A_253 = arith.constant 0 : i32
        %dma_start3A_254 = arith.constant 0 : i32
        %dma_start3A_255 = tpu.memref_slice %arg7[%dma_start3A_253, %dma_start3A_254] : memref<10240x128xf32, #tpu.memory_space<vmem_shared>> -> memref<10240x128xf32, #tpu.memory_space<vmem_shared>>
        tpu.enqueue_indirect_dma source(%dma_start3A_249 : memref<128x128xf32, #tpu.memory_space<vmem>>) target(%dma_start3A_255 : memref<10240x128xf32, #tpu.memory_space<vmem_shared>>) offsets(%dma_start3A_252 : memref<128xi32, #tpu.memory_space<vmem>>) semaphore(%run_scoped3A_245 : memref<!tpu.dma_semaphore, #tpu.memory_space<semaphore_mem>>) {add = true}
        %dma_wait3A_256 = arith.constant 0 : i32
        %dma_wait3A_257 = arith.constant 0 : i32
        %dma_wait3A_258 = tpu.memref_slice %arg6[%run_scoped3A_236, %dma_wait3A_256, %dma_wait3A_257] : memref<2x128x128xf32, #tpu.memory_space<vmem>> -> memref<1x128x128xf32, #tpu.memory_space<vmem>>
        %dma_wait3A_259 = tpu.memref_squeeze %dma_wait3A_258 : memref<1x128x128xf32, #tpu.memory_space<vmem>> -> memref<128x128xf32, #tpu.memory_space<vmem>>
        %dma_wait3A_260 = arith.constant 0 : i32
        %dma_wait3A_261 = tpu.memref_slice %arg5[%run_scoped3A_237, %run_scoped3A_238, %dma_wait3A_260] : memref<2x2x128xi32, #tpu.memory_space<vmem>> -> memref<1x1x128xi32, #tpu.memory_space<vmem>>
        %dma_wait3A_262 = tpu.memref_squeeze %dma_wait3A_261 : memref<1x1x128xi32, #tpu.memory_space<vmem>> -> memref<128xi32, #tpu.memory_space<vmem>>
        %dma_wait3A_263 = arith.constant 0 : i32
        %dma_wait3A_264 = arith.constant 0 : i32
        %dma_wait3A_265 = tpu.memref_slice %arg7[%dma_wait3A_263, %dma_wait3A_264] : memref<10240x128xf32, #tpu.memory_space<vmem_shared>> -> memref<10240x128xf32, #tpu.memory_space<vmem_shared>>
        tpu.wait_indirect_dma semaphore(%run_scoped3A_245 : memref<!tpu.dma_semaphore, #tpu.memory_space<semaphore_mem>>) src(%dma_wait3A_259 : memref<128x128xf32, #tpu.memory_space<vmem>>) dst(%dma_wait3A_265 : memref<10240x128xf32, #tpu.memory_space<vmem_shared>>)
        tpu.yield
      }) : () -> ()
      %add3A_239 = arith.constant 2 : i32
      %add3A_240 = arith.addi %add3A_214, %add3A_239 : i32
      %lt3A_241 = arith.cmpi slt, %add3A_240, %select_n3A : i32
      %convert_element_type3A_242 = arith.extui %lt3A_241 : i1 to i32
      %cond3A_243 = arith.constant 0 : i32
      %cond3A_244 = arith.cmpi ne, %convert_element_type3A_242, %cond3A_243 : i32
      scf.if %cond3A_244 {
        %add3A_245 = arith.addi %select_n3A_8, %add3A_214 : i32
        %add3A_246 = arith.constant 2 : i32
        %add3A_247 = arith.addi %add3A_245, %add3A_246 : i32
        %dma_start3A_248 = arith.constant 1 : i32
        %dma_start3A_249 = arith.constant 0 : i32
        %dma_start3A_250 = arith.constant 0 : i32
        %dma_start3A_251 = tpu.memref_slice %arg5[%dma_start3A_248, %dma_start3A_249, %dma_start3A_250] : memref<2x2x128xi32, #tpu.memory_space<vmem>> -> memref<1x2x128xi32, #tpu.memory_space<vmem>>
        %dma_start3A_252 = tpu.memref_squeeze %dma_start3A_251 : memref<1x2x128xi32, #tpu.memory_space<vmem>> -> memref<2x128xi32, #tpu.memory_space<vmem>>
        %dma_start3A_253 = arith.constant 0 : i32
        %dma_start3A_254 = arith.constant 0 : i32
        %dma_start3A_255 = tpu.memref_slice %arg2[%add3A_247, %dma_start3A_253, %dma_start3A_254] : memref<2560x2x128xi32, #tpu.memory_space<hbm>> -> memref<1x2x128xi32, #tpu.memory_space<hbm>>
        %dma_start3A_256 = tpu.memref_squeeze %dma_start3A_255 : memref<1x2x128xi32, #tpu.memory_space<hbm>> -> memref<2x128xi32, #tpu.memory_space<hbm>>
        %dma_start3A_257 = arith.constant 0 : i32
        %dma_start3A_258 = arith.constant 0 : i32
        %dma_start3A_259 = tpu.memref_slice %arg5[%dma_start3A_248, %dma_start3A_257, %dma_start3A_258] : memref<2x2x128xi32, #tpu.memory_space<vmem>> -> memref<1x2x128xi32, #tpu.memory_space<vmem>>
        %dma_start3A_260 = tpu.memref_squeeze %dma_start3A_259 : memref<1x2x128xi32, #tpu.memory_space<vmem>> -> memref<2x128xi32, #tpu.memory_space<vmem>>
        %dma_start3A_261 = arith.constant 0 : i32
        %dma_start3A_262 = arith.constant 0 : i32
        %dma_start3A_263 = tpu.memref_slice %arg2[%add3A_247, %dma_start3A_261, %dma_start3A_262] : memref<2560x2x128xi32, #tpu.memory_space<hbm>> -> memref<1x2x128xi32, #tpu.memory_space<hbm>>
        %dma_start3A_264 = tpu.memref_squeeze %dma_start3A_263 : memref<1x2x128xi32, #tpu.memory_space<hbm>> -> memref<2x128xi32, #tpu.memory_space<hbm>>
        tpu.enqueue_dma source(%dma_start3A_264 : memref<2x128xi32, #tpu.memory_space<hbm>>) target(%dma_start3A_260 : memref<2x128xi32, #tpu.memory_space<vmem>>) target_semaphore(%arg9 : memref<!tpu.dma_semaphore, #tpu.memory_space<semaphore_mem>>)
      } else {
      }
    }
    %while3A_132 = arith.constant 1 : i32
    scf.for %while3A_179 = %while3A_130 to %while3A_126 step %while3A_132  : i32 {
      %mul3A_180 = arith.constant 2 : i32
      %mul3A_181 = arith.muli %while3A_179, %mul3A_180 : i32
      %add3A_182 = arith.constant 0 : i32
      %add3A_183 = arith.addi %mul3A_181, %add3A_182 : i32
      %dma_wait3A_184 = arith.constant 0 : i32
      %dma_wait3A_185 = arith.constant 0 : i32
      %dma_wait3A_186 = arith.constant 0 : i32
      %dma_wait3A_187 = tpu.memref_slice %arg6[%dma_wait3A_184, %dma_wait3A_185, %dma_wait3A_186] : memref<2x128x128xf32, #tpu.memory_space<vmem>> -> memref<1x128x128xf32, #tpu.memory_space<vmem>>
      %dma_wait3A_188 = tpu.memref_squeeze %dma_wait3A_187 : memref<1x128x128xf32, #tpu.memory_space<vmem>> -> memref<128x128xf32, #tpu.memory_space<vmem>>
      %dma_wait3A_189 = arith.constant 0 : i32
      %dma_wait3A_190 = arith.constant 0 : i32
      %dma_wait3A_191 = tpu.memref_slice %arg3[%dma_wait3A_189, %dma_wait3A_190] : memref<10240x128xf32, #tpu.memory_space<hbm>> -> memref<128x128xf32, #tpu.memory_space<hbm>>
      %dma_wait3A_192 = arith.constant 0 : i32
      %dma_wait3A_193 = arith.constant 0 : i32
      %dma_wait3A_194 = tpu.memref_slice %arg6[%dma_wait3A_184, %dma_wait3A_192, %dma_wait3A_193] : memref<2x128x128xf32, #tpu.memory_space<vmem>> -> memref<1x128x128xf32, #tpu.memory_space<vmem>>
      %dma_wait3A_195 = tpu.memref_squeeze %dma_wait3A_194 : memref<1x128x128xf32, #tpu.memory_space<vmem>> -> memref<128x128xf32, #tpu.memory_space<vmem>>
      %dma_wait3A_196 = arith.constant 0 : i32
      %dma_wait3A_197 = arith.constant 0 : i32
      %dma_wait3A_198 = tpu.memref_slice %arg3[%dma_wait3A_196, %dma_wait3A_197] : memref<10240x128xf32, #tpu.memory_space<hbm>> -> memref<128x128xf32, #tpu.memory_space<hbm>>
      tpu.wait_dma2 semaphore(%arg10 : memref<!tpu.dma_semaphore, #tpu.memory_space<semaphore_mem>>) src(%dma_wait3A_198 : memref<128x128xf32, #tpu.memory_space<hbm>>) dst(%dma_wait3A_195 : memref<128x128xf32, #tpu.memory_space<vmem>>)
      %add3A_199 = arith.constant 1 : i32
      %add3A_200 = arith.addi %add3A_183, %add3A_199 : i32
      %lt3A = arith.cmpi slt, %add3A_200, %select_n3A : i32
      %convert_element_type3A = arith.extui %lt3A : i1 to i32
      %cond3A = arith.constant 0 : i32
      %cond3A_201 = arith.cmpi ne, %convert_element_type3A, %cond3A : i32
      scf.if %cond3A_201 {
        %dma_wait3A_245 = arith.constant 0 : i32
        %dma_wait3A_246 = arith.constant 1 : i32
        %dma_wait3A_247 = arith.constant 0 : i32
        %dma_wait3A_248 = arith.constant 0 : i32
        %dma_wait3A_249 = tpu.memref_slice %arg5[%dma_wait3A_246, %dma_wait3A_247, %dma_wait3A_248] : memref<2x2x128xi32, #tpu.memory_space<vmem>> -> memref<1x2x128xi32, #tpu.memory_space<vmem>>
        %dma_wait3A_250 = tpu.memref_squeeze %dma_wait3A_249 : memref<1x2x128xi32, #tpu.memory_space<vmem>> -> memref<2x128xi32, #tpu.memory_space<vmem>>
        %dma_wait3A_251 = arith.constant 0 : i32
        %dma_wait3A_252 = arith.constant 0 : i32
        %dma_wait3A_253 = tpu.memref_slice %arg2[%dma_wait3A_245, %dma_wait3A_251, %dma_wait3A_252] : memref<2560x2x128xi32, #tpu.memory_space<hbm>> -> memref<1x2x128xi32, #tpu.memory_space<hbm>>
        %dma_wait3A_254 = tpu.memref_squeeze %dma_wait3A_253 : memref<1x2x128xi32, #tpu.memory_space<hbm>> -> memref<2x128xi32, #tpu.memory_space<hbm>>
        %dma_wait3A_255 = arith.constant 0 : i32
        %dma_wait3A_256 = arith.constant 0 : i32
        %dma_wait3A_257 = tpu.memref_slice %arg5[%dma_wait3A_246, %dma_wait3A_255, %dma_wait3A_256] : memref<2x2x128xi32, #tpu.memory_space<vmem>> -> memref<1x2x128xi32, #tpu.memory_space<vmem>>
        %dma_wait3A_258 = tpu.memref_squeeze %dma_wait3A_257 : memref<1x2x128xi32, #tpu.memory_space<vmem>> -> memref<2x128xi32, #tpu.memory_space<vmem>>
        %dma_wait3A_259 = arith.constant 0 : i32
        %dma_wait3A_260 = arith.constant 0 : i32
        %dma_wait3A_261 = tpu.memref_slice %arg2[%dma_wait3A_245, %dma_wait3A_259, %dma_wait3A_260] : memref<2560x2x128xi32, #tpu.memory_space<hbm>> -> memref<1x2x128xi32, #tpu.memory_space<hbm>>
        %dma_wait3A_262 = tpu.memref_squeeze %dma_wait3A_261 : memref<1x2x128xi32, #tpu.memory_space<hbm>> -> memref<2x128xi32, #tpu.memory_space<hbm>>
        tpu.wait_dma2 semaphore(%arg9 : memref<!tpu.dma_semaphore, #tpu.memory_space<semaphore_mem>>) src(%dma_wait3A_262 : memref<2x128xi32, #tpu.memory_space<hbm>>) dst(%dma_wait3A_258 : memref<2x128xi32, #tpu.memory_space<vmem>>)
        %dma_start3A_263 = arith.constant 1 : i32
        %dma_start3A_264 = arith.constant 0 : i32
        %dma_start3A_265 = arith.constant 1 : i32
        %dma_start3A_266 = arith.constant 0 : i32
        %dma_start3A_267 = arith.constant 0 : i32
        %dma_start3A_268 = tpu.memref_slice %arg6[%dma_start3A_265, %dma_start3A_266, %dma_start3A_267] : memref<2x128x128xf32, #tpu.memory_space<vmem>> -> memref<1x128x128xf32, #tpu.memory_space<vmem>>
        %dma_start3A_269 = tpu.memref_squeeze %dma_start3A_268 : memref<1x128x128xf32, #tpu.memory_space<vmem>> -> memref<128x128xf32, #tpu.memory_space<vmem>>
        %dma_start3A_270 = arith.constant 0 : i32
        %dma_start3A_271 = tpu.memref_slice %arg5[%dma_start3A_263, %dma_start3A_264, %dma_start3A_270] : memref<2x2x128xi32, #tpu.memory_space<vmem>> -> memref<1x1x128xi32, #tpu.memory_space<vmem>>
        %dma_start3A_272 = tpu.memref_squeeze %dma_start3A_271 : memref<1x1x128xi32, #tpu.memory_space<vmem>> -> memref<128xi32, #tpu.memory_space<vmem>>
        %dma_start3A_273 = arith.constant 0 : i32
        %dma_start3A_274 = arith.constant 0 : i32
        %dma_start3A_275 = tpu.memref_slice %arg3[%dma_start3A_273, %dma_start3A_274] : memref<10240x128xf32, #tpu.memory_space<hbm>> -> memref<10240x128xf32, #tpu.memory_space<hbm>>
        tpu.enqueue_indirect_dma source(%dma_start3A_275 : memref<10240x128xf32, #tpu.memory_space<hbm>>) target(%dma_start3A_269 : memref<128x128xf32, #tpu.memory_space<vmem>>) offsets(%dma_start3A_272 : memref<128xi32, #tpu.memory_space<vmem>>) semaphore(%arg11 : memref<!tpu.dma_semaphore, #tpu.memory_space<semaphore_mem>>)
      } else {
      }
      %run_scoped3A_202 = arith.constant 0 : i32
      %run_scoped3A_203 = arith.constant 0 : i32
      %run_scoped3A_204 = arith.constant 1 : i32
      "tpu.region"() ({
        %run_scoped3A_245 = tpu.sem_alloc : memref<!tpu.dma_semaphore, #tpu.memory_space<semaphore_mem>>
        %dma_start3A_246 = arith.constant 0 : i32
        %dma_start3A_247 = arith.constant 0 : i32
        %dma_start3A_248 = tpu.memref_slice %arg6[%run_scoped3A_202, %dma_start3A_246, %dma_start3A_247] : memref<2x128x128xf32, #tpu.memory_space<vmem>> -> memref<1x128x128xf32, #tpu.memory_space<vmem>>
        %dma_start3A_249 = tpu.memref_squeeze %dma_start3A_248 : memref<1x128x128xf32, #tpu.memory_space<vmem>> -> memref<128x128xf32, #tpu.memory_space<vmem>>
        %dma_start3A_250 = arith.constant 0 : i32
        %dma_start3A_251 = tpu.memref_slice %arg5[%run_scoped3A_203, %run_scoped3A_204, %dma_start3A_250] : memref<2x2x128xi32, #tpu.memory_space<vmem>> -> memref<1x1x128xi32, #tpu.memory_space<vmem>>
        %dma_start3A_252 = tpu.memref_squeeze %dma_start3A_251 : memref<1x1x128xi32, #tpu.memory_space<vmem>> -> memref<128xi32, #tpu.memory_space<vmem>>
        %dma_start3A_253 = arith.constant 0 : i32
        %dma_start3A_254 = arith.constant 0 : i32
        %dma_start3A_255 = tpu.memref_slice %arg7[%dma_start3A_253, %dma_start3A_254] : memref<10240x128xf32, #tpu.memory_space<vmem_shared>> -> memref<10240x128xf32, #tpu.memory_space<vmem_shared>>
        tpu.enqueue_indirect_dma source(%dma_start3A_249 : memref<128x128xf32, #tpu.memory_space<vmem>>) target(%dma_start3A_255 : memref<10240x128xf32, #tpu.memory_space<vmem_shared>>) offsets(%dma_start3A_252 : memref<128xi32, #tpu.memory_space<vmem>>) semaphore(%run_scoped3A_245 : memref<!tpu.dma_semaphore, #tpu.memory_space<semaphore_mem>>) {add = true}
        %dma_wait3A_256 = arith.constant 0 : i32
        %dma_wait3A_257 = arith.constant 0 : i32
        %dma_wait3A_258 = tpu.memref_slice %arg6[%run_scoped3A_202, %dma_wait3A_256, %dma_wait3A_257] : memref<2x128x128xf32, #tpu.memory_space<vmem>> -> memref<1x128x128xf32, #tpu.memory_space<vmem>>
        %dma_wait3A_259 = tpu.memref_squeeze %dma_wait3A_258 : memref<1x128x128xf32, #tpu.memory_space<vmem>> -> memref<128x128xf32, #tpu.memory_space<vmem>>
        %dma_wait3A_260 = arith.constant 0 : i32
        %dma_wait3A_261 = tpu.memref_slice %arg5[%run_scoped3A_203, %run_scoped3A_204, %dma_wait3A_260] : memref<2x2x128xi32, #tpu.memory_space<vmem>> -> memref<1x1x128xi32, #tpu.memory_space<vmem>>
        %dma_wait3A_262 = tpu.memref_squeeze %dma_wait3A_261 : memref<1x1x128xi32, #tpu.memory_space<vmem>> -> memref<128xi32, #tpu.memory_space<vmem>>
        %dma_wait3A_263 = arith.constant 0 : i32
        %dma_wait3A_264 = arith.constant 0 : i32
        %dma_wait3A_265 = tpu.memref_slice %arg7[%dma_wait3A_263, %dma_wait3A_264] : memref<10240x128xf32, #tpu.memory_space<vmem_shared>> -> memref<10240x128xf32, #tpu.memory_space<vmem_shared>>
        tpu.wait_indirect_dma semaphore(%run_scoped3A_245 : memref<!tpu.dma_semaphore, #tpu.memory_space<semaphore_mem>>) src(%dma_wait3A_259 : memref<128x128xf32, #tpu.memory_space<vmem>>) dst(%dma_wait3A_265 : memref<10240x128xf32, #tpu.memory_space<vmem_shared>>)
        tpu.yield
      }) : () -> ()
      %add3A_205 = arith.constant 2 : i32
      %add3A_206 = arith.addi %add3A_183, %add3A_205 : i32
      %lt3A_207 = arith.cmpi slt, %add3A_206, %select_n3A : i32
      %convert_element_type3A_208 = arith.extui %lt3A_207 : i1 to i32
      %cond3A_209 = arith.constant 0 : i32
      %cond3A_210 = arith.cmpi ne, %convert_element_type3A_208, %cond3A_209 : i32
      scf.if %cond3A_210 {
        %add3A_245 = arith.addi %select_n3A_8, %add3A_183 : i32
        %add3A_246 = arith.constant 2 : i32
        %add3A_247 = arith.addi %add3A_245, %add3A_246 : i32
        %dma_start3A_248 = arith.constant 0 : i32
        %dma_start3A_249 = arith.constant 0 : i32
        %dma_start3A_250 = arith.constant 0 : i32
        %dma_start3A_251 = tpu.memref_slice %arg5[%dma_start3A_248, %dma_start3A_249, %dma_start3A_250] : memref<2x2x128xi32, #tpu.memory_space<vmem>> -> memref<1x2x128xi32, #tpu.memory_space<vmem>>
        %dma_start3A_252 = tpu.memref_squeeze %dma_start3A_251 : memref<1x2x128xi32, #tpu.memory_space<vmem>> -> memref<2x128xi32, #tpu.memory_space<vmem>>
        %dma_start3A_253 = arith.constant 0 : i32
        %dma_start3A_254 = arith.constant 0 : i32
        %dma_start3A_255 = tpu.memref_slice %arg2[%add3A_247, %dma_start3A_253, %dma_start3A_254] : memref<2560x2x128xi32, #tpu.memory_space<hbm>> -> memref<1x2x128xi32, #tpu.memory_space<hbm>>
        %dma_start3A_256 = tpu.memref_squeeze %dma_start3A_255 : memref<1x2x128xi32, #tpu.memory_space<hbm>> -> memref<2x128xi32, #tpu.memory_space<hbm>>
        %dma_start3A_257 = arith.constant 0 : i32
        %dma_start3A_258 = arith.constant 0 : i32
        %dma_start3A_259 = tpu.memref_slice %arg5[%dma_start3A_248, %dma_start3A_257, %dma_start3A_258] : memref<2x2x128xi32, #tpu.memory_space<vmem>> -> memref<1x2x128xi32, #tpu.memory_space<vmem>>
        %dma_start3A_260 = tpu.memref_squeeze %dma_start3A_259 : memref<1x2x128xi32, #tpu.memory_space<vmem>> -> memref<2x128xi32, #tpu.memory_space<vmem>>
        %dma_start3A_261 = arith.constant 0 : i32
        %dma_start3A_262 = arith.constant 0 : i32
        %dma_start3A_263 = tpu.memref_slice %arg2[%add3A_247, %dma_start3A_261, %dma_start3A_262] : memref<2560x2x128xi32, #tpu.memory_space<hbm>> -> memref<1x2x128xi32, #tpu.memory_space<hbm>>
        %dma_start3A_264 = tpu.memref_squeeze %dma_start3A_263 : memref<1x2x128xi32, #tpu.memory_space<hbm>> -> memref<2x128xi32, #tpu.memory_space<hbm>>
        tpu.enqueue_dma source(%dma_start3A_264 : memref<2x128xi32, #tpu.memory_space<hbm>>) target(%dma_start3A_260 : memref<2x128xi32, #tpu.memory_space<vmem>>) target_semaphore(%arg8 : memref<!tpu.dma_semaphore, #tpu.memory_space<semaphore_mem>>)
      } else {
      }
      %mul3A_211 = arith.constant 2 : i32
      %mul3A_212 = arith.muli %while3A_179, %mul3A_211 : i32
      %add3A_213 = arith.constant 1 : i32
      %add3A_214 = arith.addi %mul3A_212, %add3A_213 : i32
      %dma_wait3A_215 = arith.constant 1 : i32
      %dma_wait3A_216 = arith.constant 0 : i32
      %dma_wait3A_217 = arith.constant 0 : i32
      %dma_wait3A_218 = tpu.memref_slice %arg6[%dma_wait3A_215, %dma_wait3A_216, %dma_wait3A_217] : memref<2x128x128xf32, #tpu.memory_space<vmem>> -> memref<1x128x128xf32, #tpu.memory_space<vmem>>
      %dma_wait3A_219 = tpu.memref_squeeze %dma_wait3A_218 : memref<1x128x128xf32, #tpu.memory_space<vmem>> -> memref<128x128xf32, #tpu.memory_space<vmem>>
      %dma_wait3A_220 = arith.constant 0 : i32
      %dma_wait3A_221 = arith.constant 0 : i32
      %dma_wait3A_222 = tpu.memref_slice %arg3[%dma_wait3A_220, %dma_wait3A_221] : memref<10240x128xf32, #tpu.memory_space<hbm>> -> memref<128x128xf32, #tpu.memory_space<hbm>>
      %dma_wait3A_223 = arith.constant 0 : i32
      %dma_wait3A_224 = arith.constant 0 : i32
      %dma_wait3A_225 = tpu.memref_slice %arg6[%dma_wait3A_215, %dma_wait3A_223, %dma_wait3A_224] : memref<2x128x128xf32, #tpu.memory_space<vmem>> -> memref<1x128x128xf32, #tpu.memory_space<vmem>>
      %dma_wait3A_226 = tpu.memref_squeeze %dma_wait3A_225 : memref<1x128x128xf32, #tpu.memory_space<vmem>> -> memref<128x128xf32, #tpu.memory_space<vmem>>
      %dma_wait3A_227 = arith.constant 0 : i32
      %dma_wait3A_228 = arith.constant 0 : i32
      %dma_wait3A_229 = tpu.memref_slice %arg3[%dma_wait3A_227, %dma_wait3A_228] : memref<10240x128xf32, #tpu.memory_space<hbm>> -> memref<128x128xf32, #tpu.memory_space<hbm>>
      tpu.wait_dma2 semaphore(%arg11 : memref<!tpu.dma_semaphore, #tpu.memory_space<semaphore_mem>>) src(%dma_wait3A_229 : memref<128x128xf32, #tpu.memory_space<hbm>>) dst(%dma_wait3A_226 : memref<128x128xf32, #tpu.memory_space<vmem>>)
      %add3A_230 = arith.constant 1 : i32
      %add3A_231 = arith.addi %add3A_214, %add3A_230 : i32
      %lt3A_232 = arith.cmpi slt, %add3A_231, %select_n3A : i32
      %convert_element_type3A_233 = arith.extui %lt3A_232 : i1 to i32
      %cond3A_234 = arith.constant 0 : i32
      %cond3A_235 = arith.cmpi ne, %convert_element_type3A_233, %cond3A_234 : i32
      scf.if %cond3A_235 {
        %dma_wait3A_245 = arith.constant 0 : i32
        %dma_wait3A_246 = arith.constant 0 : i32
        %dma_wait3A_247 = arith.constant 0 : i32
        %dma_wait3A_248 = arith.constant 0 : i32
        %dma_wait3A_249 = tpu.memref_slice %arg5[%dma_wait3A_246, %dma_wait3A_247, %dma_wait3A_248] : memref<2x2x128xi32, #tpu.memory_space<vmem>> -> memref<1x2x128xi32, #tpu.memory_space<vmem>>
        %dma_wait3A_250 = tpu.memref_squeeze %dma_wait3A_249 : memref<1x2x128xi32, #tpu.memory_space<vmem>> -> memref<2x128xi32, #tpu.memory_space<vmem>>
        %dma_wait3A_251 = arith.constant 0 : i32
        %dma_wait3A_252 = arith.constant 0 : i32
        %dma_wait3A_253 = tpu.memref_slice %arg2[%dma_wait3A_245, %dma_wait3A_251, %dma_wait3A_252] : memref<2560x2x128xi32, #tpu.memory_space<hbm>> -> memref<1x2x128xi32, #tpu.memory_space<hbm>>
        %dma_wait3A_254 = tpu.memref_squeeze %dma_wait3A_253 : memref<1x2x128xi32, #tpu.memory_space<hbm>> -> memref<2x128xi32, #tpu.memory_space<hbm>>
        %dma_wait3A_255 = arith.constant 0 : i32
        %dma_wait3A_256 = arith.constant 0 : i32
        %dma_wait3A_257 = tpu.memref_slice %arg5[%dma_wait3A_246, %dma_wait3A_255, %dma_wait3A_256] : memref<2x2x128xi32, #tpu.memory_space<vmem>> -> memref<1x2x128xi32, #tpu.memory_space<vmem>>
        %dma_wait3A_258 = tpu.memref_squeeze %dma_wait3A_257 : memref<1x2x128xi32, #tpu.memory_space<vmem>> -> memref<2x128xi32, #tpu.memory_space<vmem>>
        %dma_wait3A_259 = arith.constant 0 : i32
        %dma_wait3A_260 = arith.constant 0 : i32
        %dma_wait3A_261 = tpu.memref_slice %arg2[%dma_wait3A_245, %dma_wait3A_259, %dma_wait3A_260] : memref<2560x2x128xi32, #tpu.memory_space<hbm>> -> memref<1x2x128xi32, #tpu.memory_space<hbm>>
        %dma_wait3A_262 = tpu.memref_squeeze %dma_wait3A_261 : memref<1x2x128xi32, #tpu.memory_space<hbm>> -> memref<2x128xi32, #tpu.memory_space<hbm>>
        tpu.wait_dma2 semaphore(%arg8 : memref<!tpu.dma_semaphore, #tpu.memory_space<semaphore_mem>>) src(%dma_wait3A_262 : memref<2x128xi32, #tpu.memory_space<hbm>>) dst(%dma_wait3A_258 : memref<2x128xi32, #tpu.memory_space<vmem>>)
        %dma_start3A_263 = arith.constant 0 : i32
        %dma_start3A_264 = arith.constant 0 : i32
        %dma_start3A_265 = arith.constant 0 : i32
        %dma_start3A_266 = arith.constant 0 : i32
        %dma_start3A_267 = arith.constant 0 : i32
        %dma_start3A_268 = tpu.memref_slice %arg6[%dma_start3A_265, %dma_start3A_266, %dma_start3A_267] : memref<2x128x128xf32, #tpu.memory_space<vmem>> -> memref<1x128x128xf32, #tpu.memory_space<vmem>>
        %dma_start3A_269 = tpu.memref_squeeze %dma_start3A_268 : memref<1x128x128xf32, #tpu.memory_space<vmem>> -> memref<128x128xf32, #tpu.memory_space<vmem>>
        %dma_start3A_270 = arith.constant 0 : i32
        %dma_start3A_271 = tpu.memref_slice %arg5[%dma_start3A_263, %dma_start3A_264, %dma_start3A_270] : memref<2x2x128xi32, #tpu.memory_space<vmem>> -> memref<1x1x128xi32, #tpu.memory_space<vmem>>
        %dma_start3A_272 = tpu.memref_squeeze %dma_start3A_271 : memref<1x1x128xi32, #tpu.memory_space<vmem>> -> memref<128xi32, #tpu.memory_space<vmem>>
        %dma_start3A_273 = arith.constant 0 : i32
        %dma_start3A_274 = arith.constant 0 : i32
        %dma_start3A_275 = tpu.memref_slice %arg3[%dma_start3A_273, %dma_start3A_274] : memref<10240x128xf32, #tpu.memory_space<hbm>> -> memref<10240x128xf32, #tpu.memory_space<hbm>>
        tpu.enqueue_indirect_dma source(%dma_start3A_275 : memref<10240x128xf32, #tpu.memory_space<hbm>>) target(%dma_start3A_269 : memref<128x128xf32, #tpu.memory_space<vmem>>) offsets(%dma_start3A_272 : memref<128xi32, #tpu.memory_space<vmem>>) semaphore(%arg10 : memref<!tpu.dma_semaphore, #tpu.memory_space<semaphore_mem>>)
      } else {
      }
      %run_scoped3A_236 = arith.constant 1 : i32
      %run_scoped3A_237 = arith.constant 1 : i32
      %run_scoped3A_238 = arith.constant 1 : i32
      "tpu.region"() ({
        %run_scoped3A_245 = tpu.sem_alloc : memref<!tpu.dma_semaphore, #tpu.memory_space<semaphore_mem>>
        %dma_start3A_246 = arith.constant 0 : i32
        %dma_start3A_247 = arith.constant 0 : i32
        %dma_start3A_248 = tpu.memref_slice %arg6[%run_scoped3A_236, %dma_start3A_246, %dma_start3A_247] : memref<2x128x128xf32, #tpu.memory_space<vmem>> -> memref<1x128x128xf32, #tpu.memory_space<vmem>>
        %dma_start3A_249 = tpu.memref_squeeze %dma_start3A_248 : memref<1x128x128xf32, #tpu.memory_space<vmem>> -> memref<128x128xf32, #tpu.memory_space<vmem>>
        %dma_start3A_250 = arith.constant 0 : i32
        %dma_start3A_251 = tpu.memref_slice %arg5[%run_scoped3A_237, %run_scoped3A_238, %dma_start3A_250] : memref<2x2x128xi32, #tpu.memory_space<vmem>> -> memref<1x1x128xi32, #tpu.memory_space<vmem>>
        %dma_start3A_252 = tpu.memref_squeeze %dma_start3A_251 : memref<1x1x128xi32, #tpu.memory_space<vmem>> -> memref<128xi32, #tpu.memory_space<vmem>>
        %dma_start3A_253 = arith.constant 0 : i32
        %dma_start3A_254 = arith.constant 0 : i32
        %dma_start3A_255 = tpu.memref_slice %arg7[%dma_start3A_253, %dma_start3A_254] : memref<10240x128xf32, #tpu.memory_space<vmem_shared>> -> memref<10240x128xf32, #tpu.memory_space<vmem_shared>>
        tpu.enqueue_indirect_dma source(%dma_start3A_249 : memref<128x128xf32, #tpu.memory_space<vmem>>) target(%dma_start3A_255 : memref<10240x128xf32, #tpu.memory_space<vmem_shared>>) offsets(%dma_start3A_252 : memref<128xi32, #tpu.memory_space<vmem>>) semaphore(%run_scoped3A_245 : memref<!tpu.dma_semaphore, #tpu.memory_space<semaphore_mem>>) {add = true}
        %dma_wait3A_256 = arith.constant 0 : i32
        %dma_wait3A_257 = arith.constant 0 : i32
        %dma_wait3A_258 = tpu.memref_slice %arg6[%run_scoped3A_236, %dma_wait3A_256, %dma_wait3A_257] : memref<2x128x128xf32, #tpu.memory_space<vmem>> -> memref<1x128x128xf32, #tpu.memory_space<vmem>>
        %dma_wait3A_259 = tpu.memref_squeeze %dma_wait3A_258 : memref<1x128x128xf32, #tpu.memory_space<vmem>> -> memref<128x128xf32, #tpu.memory_space<vmem>>
        %dma_wait3A_260 = arith.constant 0 : i32
        %dma_wait3A_261 = tpu.memref_slice %arg5[%run_scoped3A_237, %run_scoped3A_238, %dma_wait3A_260] : memref<2x2x128xi32, #tpu.memory_space<vmem>> -> memref<1x1x128xi32, #tpu.memory_space<vmem>>
        %dma_wait3A_262 = tpu.memref_squeeze %dma_wait3A_261 : memref<1x1x128xi32, #tpu.memory_space<vmem>> -> memref<128xi32, #tpu.memory_space<vmem>>
        %dma_wait3A_263 = arith.constant 0 : i32
        %dma_wait3A_264 = arith.constant 0 : i32
        %dma_wait3A_265 = tpu.memref_slice %arg7[%dma_wait3A_263, %dma_wait3A_264] : memref<10240x128xf32, #tpu.memory_space<vmem_shared>> -> memref<10240x128xf32, #tpu.memory_space<vmem_shared>>
        tpu.wait_indirect_dma semaphore(%run_scoped3A_245 : memref<!tpu.dma_semaphore, #tpu.memory_space<semaphore_mem>>) src(%dma_wait3A_259 : memref<128x128xf32, #tpu.memory_space<vmem>>) dst(%dma_wait3A_265 : memref<10240x128xf32, #tpu.memory_space<vmem_shared>>)
        tpu.yield
      }) : () -> ()
      %add3A_239 = arith.constant 2 : i32
      %add3A_240 = arith.addi %add3A_214, %add3A_239 : i32
      %lt3A_241 = arith.cmpi slt, %add3A_240, %select_n3A : i32
      %convert_element_type3A_242 = arith.extui %lt3A_241 : i1 to i32
      %cond3A_243 = arith.constant 0 : i32
      %cond3A_244 = arith.cmpi ne, %convert_element_type3A_242, %cond3A_243 : i32
      scf.if %cond3A_244 {
        %add3A_245 = arith.addi %select_n3A_8, %add3A_214 : i32
        %add3A_246 = arith.constant 2 : i32
        %add3A_247 = arith.addi %add3A_245, %add3A_246 : i32
        %dma_start3A_248 = arith.constant 1 : i32
        %dma_start3A_249 = arith.constant 0 : i32
        %dma_start3A_250 = arith.constant 0 : i32
        %dma_start3A_251 = tpu.memref_slice %arg5[%dma_start3A_248, %dma_start3A_249, %dma_start3A_250] : memref<2x2x128xi32, #tpu.memory_space<vmem>> -> memref<1x2x128xi32, #tpu.memory_space<vmem>>
        %dma_start3A_252 = tpu.memref_squeeze %dma_start3A_251 : memref<1x2x128xi32, #tpu.memory_space<vmem>> -> memref<2x128xi32, #tpu.memory_space<vmem>>
        %dma_start3A_253 = arith.constant 0 : i32
        %dma_start3A_254 = arith.constant 0 : i32
        %dma_start3A_255 = tpu.memref_slice %arg2[%add3A_247, %dma_start3A_253, %dma_start3A_254] : memref<2560x2x128xi32, #tpu.memory_space<hbm>> -> memref<1x2x128xi32, #tpu.memory_space<hbm>>
        %dma_start3A_256 = tpu.memref_squeeze %dma_start3A_255 : memref<1x2x128xi32, #tpu.memory_space<hbm>> -> memref<2x128xi32, #tpu.memory_space<hbm>>
        %dma_start3A_257 = arith.constant 0 : i32
        %dma_start3A_258 = arith.constant 0 : i32
        %dma_start3A_259 = tpu.memref_slice %arg5[%dma_start3A_248, %dma_start3A_257, %dma_start3A_258] : memref<2x2x128xi32, #tpu.memory_space<vmem>> -> memref<1x2x128xi32, #tpu.memory_space<vmem>>
        %dma_start3A_260 = tpu.memref_squeeze %dma_start3A_259 : memref<1x2x128xi32, #tpu.memory_space<vmem>> -> memref<2x128xi32, #tpu.memory_space<vmem>>
        %dma_start3A_261 = arith.constant 0 : i32
        %dma_start3A_262 = arith.constant 0 : i32
        %dma_start3A_263 = tpu.memref_slice %arg2[%add3A_247, %dma_start3A_261, %dma_start3A_262] : memref<2560x2x128xi32, #tpu.memory_space<hbm>> -> memref<1x2x128xi32, #tpu.memory_space<hbm>>
        %dma_start3A_264 = tpu.memref_squeeze %dma_start3A_263 : memref<1x2x128xi32, #tpu.memory_space<hbm>> -> memref<2x128xi32, #tpu.memory_space<hbm>>
        tpu.enqueue_dma source(%dma_start3A_264 : memref<2x128xi32, #tpu.memory_space<hbm>>) target(%dma_start3A_260 : memref<2x128xi32, #tpu.memory_space<vmem>>) target_semaphore(%arg9 : memref<!tpu.dma_semaphore, #tpu.memory_space<semaphore_mem>>)
      } else {
      }
    }
    %barrier3A_133 = arith.constant 0 : index
    tpu.barrier barrier_id(%barrier3A_133)
    %mul3A_134 = arith.constant 640 : i32
    %mul3A_135 = arith.muli %arg1, %mul3A_134 : i32
    %add3A_136 = arith.constant 0 : i32
    %add3A_137 = arith.addi %mul3A_135, %add3A_136 : i32
    %run_scoped3A_138 = arith.constant 0 : i32
    "tpu.region"() ({
      %run_scoped3A_179 = tpu.sem_alloc : memref<!tpu.dma_semaphore, #tpu.memory_space<semaphore_mem>>
      %dma_start3A_180 = arith.constant 0 : i32
      %dma_start3A_181 = arith.constant 0 : i32
      %dma_start3A_182 = tpu.memref_slice %arg6[%run_scoped3A_138, %dma_start3A_180, %dma_start3A_181] : memref<2x128x128xf32, #tpu.memory_space<vmem>> -> memref<1x128x128xf32, #tpu.memory_space<vmem>>
      %dma_start3A_183 = tpu.memref_squeeze %dma_start3A_182 : memref<1x128x128xf32, #tpu.memory_space<vmem>> -> memref<128x128xf32, #tpu.memory_space<vmem>>
      %dma_start3A_184 = arith.constant 0 : i32
      %dma_start3A_185 = tpu.memref_slice %arg7[%add3A_137, %dma_start3A_184] : memref<10240x128xf32, #tpu.memory_space<vmem_shared>> -> memref<128x128xf32, #tpu.memory_space<vmem_shared>>
      %dma_start3A_186 = arith.constant 0 : i32
      %dma_start3A_187 = arith.constant 0 : i32
      %dma_start3A_188 = tpu.memref_slice %arg6[%run_scoped3A_138, %dma_start3A_186, %dma_start3A_187] : memref<2x128x128xf32, #tpu.memory_space<vmem>> -> memref<1x128x128xf32, #tpu.memory_space<vmem>>
      %dma_start3A_189 = tpu.memref_squeeze %dma_start3A_188 : memref<1x128x128xf32, #tpu.memory_space<vmem>> -> memref<128x128xf32, #tpu.memory_space<vmem>>
      %dma_start3A_190 = arith.constant 0 : i32
      %dma_start3A_191 = tpu.memref_slice %arg7[%add3A_137, %dma_start3A_190] : memref<10240x128xf32, #tpu.memory_space<vmem_shared>> -> memref<128x128xf32, #tpu.memory_space<vmem_shared>>
      tpu.enqueue_dma source(%dma_start3A_191 : memref<128x128xf32, #tpu.memory_space<vmem_shared>>) target(%dma_start3A_189 : memref<128x128xf32, #tpu.memory_space<vmem>>) target_semaphore(%run_scoped3A_179 : memref<!tpu.dma_semaphore, #tpu.memory_space<semaphore_mem>>)
      %dma_wait3A_192 = arith.constant 0 : i32
      %dma_wait3A_193 = arith.constant 0 : i32
      %dma_wait3A_194 = tpu.memref_slice %arg6[%run_scoped3A_138, %dma_wait3A_192, %dma_wait3A_193] : memref<2x128x128xf32, #tpu.memory_space<vmem>> -> memref<1x128x128xf32, #tpu.memory_space<vmem>>
      %dma_wait3A_195 = tpu.memref_squeeze %dma_wait3A_194 : memref<1x128x128xf32, #tpu.memory_space<vmem>> -> memref<128x128xf32, #tpu.memory_space<vmem>>
      %dma_wait3A_196 = arith.constant 0 : i32
      %dma_wait3A_197 = tpu.memref_slice %arg7[%add3A_137, %dma_wait3A_196] : memref<10240x128xf32, #tpu.memory_space<vmem_shared>> -> memref<128x128xf32, #tpu.memory_space<vmem_shared>>
      %dma_wait3A_198 = arith.constant 0 : i32
      %dma_wait3A_199 = arith.constant 0 : i32
      %dma_wait3A_200 = tpu.memref_slice %arg6[%run_scoped3A_138, %dma_wait3A_198, %dma_wait3A_199] : memref<2x128x128xf32, #tpu.memory_space<vmem>> -> memref<1x128x128xf32, #tpu.memory_space<vmem>>
      %dma_wait3A_201 = tpu.memref_squeeze %dma_wait3A_200 : memref<1x128x128xf32, #tpu.memory_space<vmem>> -> memref<128x128xf32, #tpu.memory_space<vmem>>
      %dma_wait3A_202 = arith.constant 0 : i32
      %dma_wait3A_203 = tpu.memref_slice %arg7[%add3A_137, %dma_wait3A_202] : memref<10240x128xf32, #tpu.memory_space<vmem_shared>> -> memref<128x128xf32, #tpu.memory_space<vmem_shared>>
      tpu.wait_dma2 semaphore(%run_scoped3A_179 : memref<!tpu.dma_semaphore, #tpu.memory_space<semaphore_mem>>) src(%dma_wait3A_203 : memref<128x128xf32, #tpu.memory_space<vmem_shared>>) dst(%dma_wait3A_201 : memref<128x128xf32, #tpu.memory_space<vmem>>)
      tpu.yield
    }) : () -> ()
    %mul3A_139 = arith.constant 10240 : i32
    %mul3A_140 = arith.muli %arg0, %mul3A_139 : i32
    %add3A_141 = arith.addi %mul3A_140, %add3A_137 : i32
    %run_scoped3A_142 = arith.constant 0 : i32
    "tpu.region"() ({
      %run_scoped3A_179 = tpu.sem_alloc : memref<!tpu.dma_semaphore, #tpu.memory_space<semaphore_mem>>
      %dma_start3A_180 = arith.constant 0 : i32
      %dma_start3A_181 = arith.constant 0 : i32
      %dma_start3A_182 = tpu.memref_slice %arg6[%run_scoped3A_142, %dma_start3A_180, %dma_start3A_181] : memref<2x128x128xf32, #tpu.memory_space<vmem>> -> memref<1x128x128xf32, #tpu.memory_space<vmem>>
      %dma_start3A_183 = tpu.memref_squeeze %dma_start3A_182 : memref<1x128x128xf32, #tpu.memory_space<vmem>> -> memref<128x128xf32, #tpu.memory_space<vmem>>
      %dma_start3A_184 = arith.constant 0 : i32
      %dma_start3A_185 = tpu.memref_slice %arg4[%add3A_141, %dma_start3A_184] : memref<20480x128xf32, #tpu.memory_space<hbm>> -> memref<128x128xf32, #tpu.memory_space<hbm>>
      %dma_start3A_186 = arith.constant 0 : i32
      %dma_start3A_187 = tpu.memref_slice %arg4[%add3A_141, %dma_start3A_186] : memref<20480x128xf32, #tpu.memory_space<hbm>> -> memref<128x128xf32, #tpu.memory_space<hbm>>
      %dma_start3A_188 = arith.constant 0 : i32
      %dma_start3A_189 = arith.constant 0 : i32
      %dma_start3A_190 = tpu.memref_slice %arg6[%run_scoped3A_142, %dma_start3A_188, %dma_start3A_189] : memref<2x128x128xf32, #tpu.memory_space<vmem>> -> memref<1x128x128xf32, #tpu.memory_space<vmem>>
      %dma_start3A_191 = tpu.memref_squeeze %dma_start3A_190 : memref<1x128x128xf32, #tpu.memory_space<vmem>> -> memref<128x128xf32, #tpu.memory_space<vmem>>
      tpu.enqueue_dma source(%dma_start3A_191 : memref<128x128xf32, #tpu.memory_space<vmem>>) target(%dma_start3A_187 : memref<128x128xf32, #tpu.memory_space<hbm>>) target_semaphore(%run_scoped3A_179 : memref<!tpu.dma_semaphore, #tpu.memory_space<semaphore_mem>>)
      %dma_wait3A_192 = arith.constant 0 : i32
      %dma_wait3A_193 = arith.constant 0 : i32
      %dma_wait3A_194 = tpu.memref_slice %arg6[%run_scoped3A_142, %dma_wait3A_192, %dma_wait3A_193] : memref<2x128x128xf32, #tpu.memory_space<vmem>> -> memref<1x128x128xf32, #tpu.memory_space<vmem>>
      %dma_wait3A_195 = tpu.memref_squeeze %dma_wait3A_194 : memref<1x128x128xf32, #tpu.memory_space<vmem>> -> memref<128x128xf32, #tpu.memory_space<vmem>>
      %dma_wait3A_196 = arith.constant 0 : i32
      %dma_wait3A_197 = tpu.memref_slice %arg4[%add3A_141, %dma_wait3A_196] : memref<20480x128xf32, #tpu.memory_space<hbm>> -> memref<128x128xf32, #tpu.memory_space<hbm>>
      %dma_wait3A_198 = arith.constant 0 : i32
      %dma_wait3A_199 = tpu.memref_slice %arg4[%add3A_141, %dma_wait3A_198] : memref<20480x128xf32, #tpu.memory_space<hbm>> -> memref<128x128xf32, #tpu.memory_space<hbm>>
      %dma_wait3A_200 = arith.constant 0 : i32
      %dma_wait3A_201 = arith.constant 0 : i32
      %dma_wait3A_202 = tpu.memref_slice %arg6[%run_scoped3A_142, %dma_wait3A_200, %dma_wait3A_201] : memref<2x128x128xf32, #tpu.memory_space<vmem>> -> memref<1x128x128xf32, #tpu.memory_space<vmem>>
      %dma_wait3A_203 = tpu.memref_squeeze %dma_wait3A_202 : memref<1x128x128xf32, #tpu.memory_space<vmem>> -> memref<128x128xf32, #tpu.memory_space<vmem>>
      tpu.wait_dma2 semaphore(%run_scoped3A_179 : memref<!tpu.dma_semaphore, #tpu.memory_space<semaphore_mem>>) src(%dma_wait3A_203 : memref<128x128xf32, #tpu.memory_space<vmem>>) dst(%dma_wait3A_199 : memref<128x128xf32, #tpu.memory_space<hbm>>)
      tpu.yield
    }) : () -> ()
    %mul3A_143 = arith.constant 640 : i32
    %mul3A_144 = arith.muli %arg1, %mul3A_143 : i32
    %add3A_145 = arith.constant 128 : i32
    %add3A_146 = arith.addi %mul3A_144, %add3A_145 : i32
    %run_scoped3A_147 = arith.constant 1 : i32
    "tpu.region"() ({
      %run_scoped3A_179 = tpu.sem_alloc : memref<!tpu.dma_semaphore, #tpu.memory_space<semaphore_mem>>
      %dma_start3A_180 = arith.constant 0 : i32
      %dma_start3A_181 = arith.constant 0 : i32
      %dma_start3A_182 = tpu.memref_slice %arg6[%run_scoped3A_147, %dma_start3A_180, %dma_start3A_181] : memref<2x128x128xf32, #tpu.memory_space<vmem>> -> memref<1x128x128xf32, #tpu.memory_space<vmem>>
      %dma_start3A_183 = tpu.memref_squeeze %dma_start3A_182 : memref<1x128x128xf32, #tpu.memory_space<vmem>> -> memref<128x128xf32, #tpu.memory_space<vmem>>
      %dma_start3A_184 = arith.constant 0 : i32
      %dma_start3A_185 = tpu.memref_slice %arg7[%add3A_146, %dma_start3A_184] : memref<10240x128xf32, #tpu.memory_space<vmem_shared>> -> memref<128x128xf32, #tpu.memory_space<vmem_shared>>
      %dma_start3A_186 = arith.constant 0 : i32
      %dma_start3A_187 = arith.constant 0 : i32
      %dma_start3A_188 = tpu.memref_slice %arg6[%run_scoped3A_147, %dma_start3A_186, %dma_start3A_187] : memref<2x128x128xf32, #tpu.memory_space<vmem>> -> memref<1x128x128xf32, #tpu.memory_space<vmem>>
      %dma_start3A_189 = tpu.memref_squeeze %dma_start3A_188 : memref<1x128x128xf32, #tpu.memory_space<vmem>> -> memref<128x128xf32, #tpu.memory_space<vmem>>
      %dma_start3A_190 = arith.constant 0 : i32
      %dma_start3A_191 = tpu.memref_slice %arg7[%add3A_146, %dma_start3A_190] : memref<10240x128xf32, #tpu.memory_space<vmem_shared>> -> memref<128x128xf32, #tpu.memory_space<vmem_shared>>
      tpu.enqueue_dma source(%dma_start3A_191 : memref<128x128xf32, #tpu.memory_space<vmem_shared>>) target(%dma_start3A_189 : memref<128x128xf32, #tpu.memory_space<vmem>>) target_semaphore(%run_scoped3A_179 : memref<!tpu.dma_semaphore, #tpu.memory_space<semaphore_mem>>)
      %dma_wait3A_192 = arith.constant 0 : i32
      %dma_wait3A_193 = arith.constant 0 : i32
      %dma_wait3A_194 = tpu.memref_slice %arg6[%run_scoped3A_147, %dma_wait3A_192, %dma_wait3A_193] : memref<2x128x128xf32, #tpu.memory_space<vmem>> -> memref<1x128x128xf32, #tpu.memory_space<vmem>>
      %dma_wait3A_195 = tpu.memref_squeeze %dma_wait3A_194 : memref<1x128x128xf32, #tpu.memory_space<vmem>> -> memref<128x128xf32, #tpu.memory_space<vmem>>
      %dma_wait3A_196 = arith.constant 0 : i32
      %dma_wait3A_197 = tpu.memref_slice %arg7[%add3A_146, %dma_wait3A_196] : memref<10240x128xf32, #tpu.memory_space<vmem_shared>> -> memref<128x128xf32, #tpu.memory_space<vmem_shared>>
      %dma_wait3A_198 = arith.constant 0 : i32
      %dma_wait3A_199 = arith.constant 0 : i32
      %dma_wait3A_200 = tpu.memref_slice %arg6[%run_scoped3A_147, %dma_wait3A_198, %dma_wait3A_199] : memref<2x128x128xf32, #tpu.memory_space<vmem>> -> memref<1x128x128xf32, #tpu.memory_space<vmem>>
      %dma_wait3A_201 = tpu.memref_squeeze %dma_wait3A_200 : memref<1x128x128xf32, #tpu.memory_space<vmem>> -> memref<128x128xf32, #tpu.memory_space<vmem>>
      %dma_wait3A_202 = arith.constant 0 : i32
      %dma_wait3A_203 = tpu.memref_slice %arg7[%add3A_146, %dma_wait3A_202] : memref<10240x128xf32, #tpu.memory_space<vmem_shared>> -> memref<128x128xf32, #tpu.memory_space<vmem_shared>>
      tpu.wait_dma2 semaphore(%run_scoped3A_179 : memref<!tpu.dma_semaphore, #tpu.memory_space<semaphore_mem>>) src(%dma_wait3A_203 : memref<128x128xf32, #tpu.memory_space<vmem_shared>>) dst(%dma_wait3A_201 : memref<128x128xf32, #tpu.memory_space<vmem>>)
      tpu.yield
    }) : () -> ()
    %mul3A_148 = arith.constant 10240 : i32
    %mul3A_149 = arith.muli %arg0, %mul3A_148 : i32
    %add3A_150 = arith.addi %mul3A_149, %add3A_146 : i32
    %run_scoped3A_151 = arith.constant 1 : i32
    "tpu.region"() ({
      %run_scoped3A_179 = tpu.sem_alloc : memref<!tpu.dma_semaphore, #tpu.memory_space<semaphore_mem>>
      %dma_start3A_180 = arith.constant 0 : i32
      %dma_start3A_181 = arith.constant 0 : i32
      %dma_start3A_182 = tpu.memref_slice %arg6[%run_scoped3A_151, %dma_start3A_180, %dma_start3A_181] : memref<2x128x128xf32, #tpu.memory_space<vmem>> -> memref<1x128x128xf32, #tpu.memory_space<vmem>>
      %dma_start3A_183 = tpu.memref_squeeze %dma_start3A_182 : memref<1x128x128xf32, #tpu.memory_space<vmem>> -> memref<128x128xf32, #tpu.memory_space<vmem>>
      %dma_start3A_184 = arith.constant 0 : i32
      %dma_start3A_185 = tpu.memref_slice %arg4[%add3A_150, %dma_start3A_184] : memref<20480x128xf32, #tpu.memory_space<hbm>> -> memref<128x128xf32, #tpu.memory_space<hbm>>
      %dma_start3A_186 = arith.constant 0 : i32
      %dma_start3A_187 = tpu.memref_slice %arg4[%add3A_150, %dma_start3A_186] : memref<20480x128xf32, #tpu.memory_space<hbm>> -> memref<128x128xf32, #tpu.memory_space<hbm>>
      %dma_start3A_188 = arith.constant 0 : i32
      %dma_start3A_189 = arith.constant 0 : i32
      %dma_start3A_190 = tpu.memref_slice %arg6[%run_scoped3A_151, %dma_start3A_188, %dma_start3A_189] : memref<2x128x128xf32, #tpu.memory_space<vmem>> -> memref<1x128x128xf32, #tpu.memory_space<vmem>>
      %dma_start3A_191 = tpu.memref_squeeze %dma_start3A_190 : memref<1x128x128xf32, #tpu.memory_space<vmem>> -> memref<128x128xf32, #tpu.memory_space<vmem>>
      tpu.enqueue_dma source(%dma_start3A_191 : memref<128x128xf32, #tpu.memory_space<vmem>>) target(%dma_start3A_187 : memref<128x128xf32, #tpu.memory_space<hbm>>) target_semaphore(%run_scoped3A_179 : memref<!tpu.dma_semaphore, #tpu.memory_space<semaphore_mem>>)
      %dma_wait3A_192 = arith.constant 0 : i32
      %dma_wait3A_193 = arith.constant 0 : i32
      %dma_wait3A_194 = tpu.memref_slice %arg6[%run_scoped3A_151, %dma_wait3A_192, %dma_wait3A_193] : memref<2x128x128xf32, #tpu.memory_space<vmem>> -> memref<1x128x128xf32, #tpu.memory_space<vmem>>
      %dma_wait3A_195 = tpu.memref_squeeze %dma_wait3A_194 : memref<1x128x128xf32, #tpu.memory_space<vmem>> -> memref<128x128xf32, #tpu.memory_space<vmem>>
      %dma_wait3A_196 = arith.constant 0 : i32
      %dma_wait3A_197 = tpu.memref_slice %arg4[%add3A_150, %dma_wait3A_196] : memref<20480x128xf32, #tpu.memory_space<hbm>> -> memref<128x128xf32, #tpu.memory_space<hbm>>
      %dma_wait3A_198 = arith.constant 0 : i32
      %dma_wait3A_199 = tpu.memref_slice %arg4[%add3A_150, %dma_wait3A_198] : memref<20480x128xf32, #tpu.memory_space<hbm>> -> memref<128x128xf32, #tpu.memory_space<hbm>>
      %dma_wait3A_200 = arith.constant 0 : i32
      %dma_wait3A_201 = arith.constant 0 : i32
      %dma_wait3A_202 = tpu.memref_slice %arg6[%run_scoped3A_151, %dma_wait3A_200, %dma_wait3A_201] : memref<2x128x128xf32, #tpu.memory_space<vmem>> -> memref<1x128x128xf32, #tpu.memory_space<vmem>>
      %dma_wait3A_203 = tpu.memref_squeeze %dma_wait3A_202 : memref<1x128x128xf32, #tpu.memory_space<vmem>> -> memref<128x128xf32, #tpu.memory_space<vmem>>
      tpu.wait_dma2 semaphore(%run_scoped3A_179 : memref<!tpu.dma_semaphore, #tpu.memory_space<semaphore_mem>>) src(%dma_wait3A_203 : memref<128x128xf32, #tpu.memory_space<vmem>>) dst(%dma_wait3A_199 : memref<128x128xf32, #tpu.memory_space<hbm>>)
      tpu.yield
    }) : () -> ()
    %mul3A_152 = arith.constant 640 : i32
    %mul3A_153 = arith.muli %arg1, %mul3A_152 : i32
    %add3A_154 = arith.constant 256 : i32
    %add3A_155 = arith.addi %mul3A_153, %add3A_154 : i32
    %run_scoped3A_156 = arith.constant 0 : i32
    "tpu.region"() ({
      %run_scoped3A_179 = tpu.sem_alloc : memref<!tpu.dma_semaphore, #tpu.memory_space<semaphore_mem>>
      %dma_start3A_180 = arith.constant 0 : i32
      %dma_start3A_181 = arith.constant 0 : i32
      %dma_start3A_182 = tpu.memref_slice %arg6[%run_scoped3A_156, %dma_start3A_180, %dma_start3A_181] : memref<2x128x128xf32, #tpu.memory_space<vmem>> -> memref<1x128x128xf32, #tpu.memory_space<vmem>>
      %dma_start3A_183 = tpu.memref_squeeze %dma_start3A_182 : memref<1x128x128xf32, #tpu.memory_space<vmem>> -> memref<128x128xf32, #tpu.memory_space<vmem>>
      %dma_start3A_184 = arith.constant 0 : i32
      %dma_start3A_185 = tpu.memref_slice %arg7[%add3A_155, %dma_start3A_184] : memref<10240x128xf32, #tpu.memory_space<vmem_shared>> -> memref<128x128xf32, #tpu.memory_space<vmem_shared>>
      %dma_start3A_186 = arith.constant 0 : i32
      %dma_start3A_187 = arith.constant 0 : i32
      %dma_start3A_188 = tpu.memref_slice %arg6[%run_scoped3A_156, %dma_start3A_186, %dma_start3A_187] : memref<2x128x128xf32, #tpu.memory_space<vmem>> -> memref<1x128x128xf32, #tpu.memory_space<vmem>>
      %dma_start3A_189 = tpu.memref_squeeze %dma_start3A_188 : memref<1x128x128xf32, #tpu.memory_space<vmem>> -> memref<128x128xf32, #tpu.memory_space<vmem>>
      %dma_start3A_190 = arith.constant 0 : i32
      %dma_start3A_191 = tpu.memref_slice %arg7[%add3A_155, %dma_start3A_190] : memref<10240x128xf32, #tpu.memory_space<vmem_shared>> -> memref<128x128xf32, #tpu.memory_space<vmem_shared>>
      tpu.enqueue_dma source(%dma_start3A_191 : memref<128x128xf32, #tpu.memory_space<vmem_shared>>) target(%dma_start3A_189 : memref<128x128xf32, #tpu.memory_space<vmem>>) target_semaphore(%run_scoped3A_179 : memref<!tpu.dma_semaphore, #tpu.memory_space<semaphore_mem>>)
      %dma_wait3A_192 = arith.constant 0 : i32
      %dma_wait3A_193 = arith.constant 0 : i32
      %dma_wait3A_194 = tpu.memref_slice %arg6[%run_scoped3A_156, %dma_wait3A_192, %dma_wait3A_193] : memref<2x128x128xf32, #tpu.memory_space<vmem>> -> memref<1x128x128xf32, #tpu.memory_space<vmem>>
      %dma_wait3A_195 = tpu.memref_squeeze %dma_wait3A_194 : memref<1x128x128xf32, #tpu.memory_space<vmem>> -> memref<128x128xf32, #tpu.memory_space<vmem>>
      %dma_wait3A_196 = arith.constant 0 : i32
      %dma_wait3A_197 = tpu.memref_slice %arg7[%add3A_155, %dma_wait3A_196] : memref<10240x128xf32, #tpu.memory_space<vmem_shared>> -> memref<128x128xf32, #tpu.memory_space<vmem_shared>>
      %dma_wait3A_198 = arith.constant 0 : i32
      %dma_wait3A_199 = arith.constant 0 : i32
      %dma_wait3A_200 = tpu.memref_slice %arg6[%run_scoped3A_156, %dma_wait3A_198, %dma_wait3A_199] : memref<2x128x128xf32, #tpu.memory_space<vmem>> -> memref<1x128x128xf32, #tpu.memory_space<vmem>>
      %dma_wait3A_201 = tpu.memref_squeeze %dma_wait3A_200 : memref<1x128x128xf32, #tpu.memory_space<vmem>> -> memref<128x128xf32, #tpu.memory_space<vmem>>
      %dma_wait3A_202 = arith.constant 0 : i32
      %dma_wait3A_203 = tpu.memref_slice %arg7[%add3A_155, %dma_wait3A_202] : memref<10240x128xf32, #tpu.memory_space<vmem_shared>> -> memref<128x128xf32, #tpu.memory_space<vmem_shared>>
      tpu.wait_dma2 semaphore(%run_scoped3A_179 : memref<!tpu.dma_semaphore, #tpu.memory_space<semaphore_mem>>) src(%dma_wait3A_203 : memref<128x128xf32, #tpu.memory_space<vmem_shared>>) dst(%dma_wait3A_201 : memref<128x128xf32, #tpu.memory_space<vmem>>)
      tpu.yield
    }) : () -> ()
    %mul3A_157 = arith.constant 10240 : i32
    %mul3A_158 = arith.muli %arg0, %mul3A_157 : i32
    %add3A_159 = arith.addi %mul3A_158, %add3A_155 : i32
    %run_scoped3A_160 = arith.constant 0 : i32
    "tpu.region"() ({
      %run_scoped3A_179 = tpu.sem_alloc : memref<!tpu.dma_semaphore, #tpu.memory_space<semaphore_mem>>
      %dma_start3A_180 = arith.constant 0 : i32
      %dma_start3A_181 = arith.constant 0 : i32
      %dma_start3A_182 = tpu.memref_slice %arg6[%run_scoped3A_160, %dma_start3A_180, %dma_start3A_181] : memref<2x128x128xf32, #tpu.memory_space<vmem>> -> memref<1x128x128xf32, #tpu.memory_space<vmem>>
      %dma_start3A_183 = tpu.memref_squeeze %dma_start3A_182 : memref<1x128x128xf32, #tpu.memory_space<vmem>> -> memref<128x128xf32, #tpu.memory_space<vmem>>
      %dma_start3A_184 = arith.constant 0 : i32
      %dma_start3A_185 = tpu.memref_slice %arg4[%add3A_159, %dma_start3A_184] : memref<20480x128xf32, #tpu.memory_space<hbm>> -> memref<128x128xf32, #tpu.memory_space<hbm>>
      %dma_start3A_186 = arith.constant 0 : i32
      %dma_start3A_187 = tpu.memref_slice %arg4[%add3A_159, %dma_start3A_186] : memref<20480x128xf32, #tpu.memory_space<hbm>> -> memref<128x128xf32, #tpu.memory_space<hbm>>
      %dma_start3A_188 = arith.constant 0 : i32
      %dma_start3A_189 = arith.constant 0 : i32
      %dma_start3A_190 = tpu.memref_slice %arg6[%run_scoped3A_160, %dma_start3A_188, %dma_start3A_189] : memref<2x128x128xf32, #tpu.memory_space<vmem>> -> memref<1x128x128xf32, #tpu.memory_space<vmem>>
      %dma_start3A_191 = tpu.memref_squeeze %dma_start3A_190 : memref<1x128x128xf32, #tpu.memory_space<vmem>> -> memref<128x128xf32, #tpu.memory_space<vmem>>
      tpu.enqueue_dma source(%dma_start3A_191 : memref<128x128xf32, #tpu.memory_space<vmem>>) target(%dma_start3A_187 : memref<128x128xf32, #tpu.memory_space<hbm>>) target_semaphore(%run_scoped3A_179 : memref<!tpu.dma_semaphore, #tpu.memory_space<semaphore_mem>>)
      %dma_wait3A_192 = arith.constant 0 : i32
      %dma_wait3A_193 = arith.constant 0 : i32
      %dma_wait3A_194 = tpu.memref_slice %arg6[%run_scoped3A_160, %dma_wait3A_192, %dma_wait3A_193] : memref<2x128x128xf32, #tpu.memory_space<vmem>> -> memref<1x128x128xf32, #tpu.memory_space<vmem>>
      %dma_wait3A_195 = tpu.memref_squeeze %dma_wait3A_194 : memref<1x128x128xf32, #tpu.memory_space<vmem>> -> memref<128x128xf32, #tpu.memory_space<vmem>>
      %dma_wait3A_196 = arith.constant 0 : i32
      %dma_wait3A_197 = tpu.memref_slice %arg4[%add3A_159, %dma_wait3A_196] : memref<20480x128xf32, #tpu.memory_space<hbm>> -> memref<128x128xf32, #tpu.memory_space<hbm>>
      %dma_wait3A_198 = arith.constant 0 : i32
      %dma_wait3A_199 = tpu.memref_slice %arg4[%add3A_159, %dma_wait3A_198] : memref<20480x128xf32, #tpu.memory_space<hbm>> -> memref<128x128xf32, #tpu.memory_space<hbm>>
      %dma_wait3A_200 = arith.constant 0 : i32
      %dma_wait3A_201 = arith.constant 0 : i32
      %dma_wait3A_202 = tpu.memref_slice %arg6[%run_scoped3A_160, %dma_wait3A_200, %dma_wait3A_201] : memref<2x128x128xf32, #tpu.memory_space<vmem>> -> memref<1x128x128xf32, #tpu.memory_space<vmem>>
      %dma_wait3A_203 = tpu.memref_squeeze %dma_wait3A_202 : memref<1x128x128xf32, #tpu.memory_space<vmem>> -> memref<128x128xf32, #tpu.memory_space<vmem>>
      tpu.wait_dma2 semaphore(%run_scoped3A_179 : memref<!tpu.dma_semaphore, #tpu.memory_space<semaphore_mem>>) src(%dma_wait3A_203 : memref<128x128xf32, #tpu.memory_space<vmem>>) dst(%dma_wait3A_199 : memref<128x128xf32, #tpu.memory_space<hbm>>)
      tpu.yield
    }) : () -> ()
    %mul3A_161 = arith.constant 640 : i32
    %mul3A_162 = arith.muli %arg1, %mul3A_161 : i32
    %add3A_163 = arith.constant 384 : i32
    %add3A_164 = arith.addi %mul3A_162, %add3A_163 : i32
    %run_scoped3A_165 = arith.constant 1 : i32
    "tpu.region"() ({
      %run_scoped3A_179 = tpu.sem_alloc : memref<!tpu.dma_semaphore, #tpu.memory_space<semaphore_mem>>
      %dma_start3A_180 = arith.constant 0 : i32
      %dma_start3A_181 = arith.constant 0 : i32
      %dma_start3A_182 = tpu.memref_slice %arg6[%run_scoped3A_165, %dma_start3A_180, %dma_start3A_181] : memref<2x128x128xf32, #tpu.memory_space<vmem>> -> memref<1x128x128xf32, #tpu.memory_space<vmem>>
      %dma_start3A_183 = tpu.memref_squeeze %dma_start3A_182 : memref<1x128x128xf32, #tpu.memory_space<vmem>> -> memref<128x128xf32, #tpu.memory_space<vmem>>
      %dma_start3A_184 = arith.constant 0 : i32
      %dma_start3A_185 = tpu.memref_slice %arg7[%add3A_164, %dma_start3A_184] : memref<10240x128xf32, #tpu.memory_space<vmem_shared>> -> memref<128x128xf32, #tpu.memory_space<vmem_shared>>
      %dma_start3A_186 = arith.constant 0 : i32
      %dma_start3A_187 = arith.constant 0 : i32
      %dma_start3A_188 = tpu.memref_slice %arg6[%run_scoped3A_165, %dma_start3A_186, %dma_start3A_187] : memref<2x128x128xf32, #tpu.memory_space<vmem>> -> memref<1x128x128xf32, #tpu.memory_space<vmem>>
      %dma_start3A_189 = tpu.memref_squeeze %dma_start3A_188 : memref<1x128x128xf32, #tpu.memory_space<vmem>> -> memref<128x128xf32, #tpu.memory_space<vmem>>
      %dma_start3A_190 = arith.constant 0 : i32
      %dma_start3A_191 = tpu.memref_slice %arg7[%add3A_164, %dma_start3A_190] : memref<10240x128xf32, #tpu.memory_space<vmem_shared>> -> memref<128x128xf32, #tpu.memory_space<vmem_shared>>
      tpu.enqueue_dma source(%dma_start3A_191 : memref<128x128xf32, #tpu.memory_space<vmem_shared>>) target(%dma_start3A_189 : memref<128x128xf32, #tpu.memory_space<vmem>>) target_semaphore(%run_scoped3A_179 : memref<!tpu.dma_semaphore, #tpu.memory_space<semaphore_mem>>)
      %dma_wait3A_192 = arith.constant 0 : i32
      %dma_wait3A_193 = arith.constant 0 : i32
      %dma_wait3A_194 = tpu.memref_slice %arg6[%run_scoped3A_165, %dma_wait3A_192, %dma_wait3A_193] : memref<2x128x128xf32, #tpu.memory_space<vmem>> -> memref<1x128x128xf32, #tpu.memory_space<vmem>>
      %dma_wait3A_195 = tpu.memref_squeeze %dma_wait3A_194 : memref<1x128x128xf32, #tpu.memory_space<vmem>> -> memref<128x128xf32, #tpu.memory_space<vmem>>
      %dma_wait3A_196 = arith.constant 0 : i32
      %dma_wait3A_197 = tpu.memref_slice %arg7[%add3A_164, %dma_wait3A_196] : memref<10240x128xf32, #tpu.memory_space<vmem_shared>> -> memref<128x128xf32, #tpu.memory_space<vmem_shared>>
      %dma_wait3A_198 = arith.constant 0 : i32
      %dma_wait3A_199 = arith.constant 0 : i32
      %dma_wait3A_200 = tpu.memref_slice %arg6[%run_scoped3A_165, %dma_wait3A_198, %dma_wait3A_199] : memref<2x128x128xf32, #tpu.memory_space<vmem>> -> memref<1x128x128xf32, #tpu.memory_space<vmem>>
      %dma_wait3A_201 = tpu.memref_squeeze %dma_wait3A_200 : memref<1x128x128xf32, #tpu.memory_space<vmem>> -> memref<128x128xf32, #tpu.memory_space<vmem>>
      %dma_wait3A_202 = arith.constant 0 : i32
      %dma_wait3A_203 = tpu.memref_slice %arg7[%add3A_164, %dma_wait3A_202] : memref<10240x128xf32, #tpu.memory_space<vmem_shared>> -> memref<128x128xf32, #tpu.memory_space<vmem_shared>>
      tpu.wait_dma2 semaphore(%run_scoped3A_179 : memref<!tpu.dma_semaphore, #tpu.memory_space<semaphore_mem>>) src(%dma_wait3A_203 : memref<128x128xf32, #tpu.memory_space<vmem_shared>>) dst(%dma_wait3A_201 : memref<128x128xf32, #tpu.memory_space<vmem>>)
      tpu.yield
    }) : () -> ()
    %mul3A_166 = arith.constant 10240 : i32
    %mul3A_167 = arith.muli %arg0, %mul3A_166 : i32
    %add3A_168 = arith.addi %mul3A_167, %add3A_164 : i32
    %run_scoped3A_169 = arith.constant 1 : i32
    "tpu.region"() ({
      %run_scoped3A_179 = tpu.sem_alloc : memref<!tpu.dma_semaphore, #tpu.memory_space<semaphore_mem>>
      %dma_start3A_180 = arith.constant 0 : i32
      %dma_start3A_181 = arith.constant 0 : i32
      %dma_start3A_182 = tpu.memref_slice %arg6[%run_scoped3A_169, %dma_start3A_180, %dma_start3A_181] : memref<2x128x128xf32, #tpu.memory_space<vmem>> -> memref<1x128x128xf32, #tpu.memory_space<vmem>>
      %dma_start3A_183 = tpu.memref_squeeze %dma_start3A_182 : memref<1x128x128xf32, #tpu.memory_space<vmem>> -> memref<128x128xf32, #tpu.memory_space<vmem>>
      %dma_start3A_184 = arith.constant 0 : i32
      %dma_start3A_185 = tpu.memref_slice %arg4[%add3A_168, %dma_start3A_184] : memref<20480x128xf32, #tpu.memory_space<hbm>> -> memref<128x128xf32, #tpu.memory_space<hbm>>
      %dma_start3A_186 = arith.constant 0 : i32
      %dma_start3A_187 = tpu.memref_slice %arg4[%add3A_168, %dma_start3A_186] : memref<20480x128xf32, #tpu.memory_space<hbm>> -> memref<128x128xf32, #tpu.memory_space<hbm>>
      %dma_start3A_188 = arith.constant 0 : i32
      %dma_start3A_189 = arith.constant 0 : i32
      %dma_start3A_190 = tpu.memref_slice %arg6[%run_scoped3A_169, %dma_start3A_188, %dma_start3A_189] : memref<2x128x128xf32, #tpu.memory_space<vmem>> -> memref<1x128x128xf32, #tpu.memory_space<vmem>>
      %dma_start3A_191 = tpu.memref_squeeze %dma_start3A_190 : memref<1x128x128xf32, #tpu.memory_space<vmem>> -> memref<128x128xf32, #tpu.memory_space<vmem>>
      tpu.enqueue_dma source(%dma_start3A_191 : memref<128x128xf32, #tpu.memory_space<vmem>>) target(%dma_start3A_187 : memref<128x128xf32, #tpu.memory_space<hbm>>) target_semaphore(%run_scoped3A_179 : memref<!tpu.dma_semaphore, #tpu.memory_space<semaphore_mem>>)
      %dma_wait3A_192 = arith.constant 0 : i32
      %dma_wait3A_193 = arith.constant 0 : i32
      %dma_wait3A_194 = tpu.memref_slice %arg6[%run_scoped3A_169, %dma_wait3A_192, %dma_wait3A_193] : memref<2x128x128xf32, #tpu.memory_space<vmem>> -> memref<1x128x128xf32, #tpu.memory_space<vmem>>
      %dma_wait3A_195 = tpu.memref_squeeze %dma_wait3A_194 : memref<1x128x128xf32, #tpu.memory_space<vmem>> -> memref<128x128xf32, #tpu.memory_space<vmem>>
      %dma_wait3A_196 = arith.constant 0 : i32
      %dma_wait3A_197 = tpu.memref_slice %arg4[%add3A_168, %dma_wait3A_196] : memref<20480x128xf32, #tpu.memory_space<hbm>> -> memref<128x128xf32, #tpu.memory_space<hbm>>
      %dma_wait3A_198 = arith.constant 0 : i32
      %dma_wait3A_199 = tpu.memref_slice %arg4[%add3A_168, %dma_wait3A_198] : memref<20480x128xf32, #tpu.memory_space<hbm>> -> memref<128x128xf32, #tpu.memory_space<hbm>>
      %dma_wait3A_200 = arith.constant 0 : i32
      %dma_wait3A_201 = arith.constant 0 : i32
      %dma_wait3A_202 = tpu.memref_slice %arg6[%run_scoped3A_169, %dma_wait3A_200, %dma_wait3A_201] : memref<2x128x128xf32, #tpu.memory_space<vmem>> -> memref<1x128x128xf32, #tpu.memory_space<vmem>>
      %dma_wait3A_203 = tpu.memref_squeeze %dma_wait3A_202 : memref<1x128x128xf32, #tpu.memory_space<vmem>> -> memref<128x128xf32, #tpu.memory_space<vmem>>
      tpu.wait_dma2 semaphore(%run_scoped3A_179 : memref<!tpu.dma_semaphore, #tpu.memory_space<semaphore_mem>>) src(%dma_wait3A_203 : memref<128x128xf32, #tpu.memory_space<vmem>>) dst(%dma_wait3A_199 : memref<128x128xf32, #tpu.memory_space<hbm>>)
      tpu.yield
    }) : () -> ()
    %mul3A_170 = arith.constant 640 : i32
    %mul3A_171 = arith.muli %arg1, %mul3A_170 : i32
    %add3A_172 = arith.constant 512 : i32
    %add3A_173 = arith.addi %mul3A_171, %add3A_172 : i32
    %run_scoped3A_174 = arith.constant 0 : i32
    "tpu.region"() ({
      %run_scoped3A_179 = tpu.sem_alloc : memref<!tpu.dma_semaphore, #tpu.memory_space<semaphore_mem>>
      %dma_start3A_180 = arith.constant 0 : i32
      %dma_start3A_181 = arith.constant 0 : i32
      %dma_start3A_182 = tpu.memref_slice %arg6[%run_scoped3A_174, %dma_start3A_180, %dma_start3A_181] : memref<2x128x128xf32, #tpu.memory_space<vmem>> -> memref<1x128x128xf32, #tpu.memory_space<vmem>>
      %dma_start3A_183 = tpu.memref_squeeze %dma_start3A_182 : memref<1x128x128xf32, #tpu.memory_space<vmem>> -> memref<128x128xf32, #tpu.memory_space<vmem>>
      %dma_start3A_184 = arith.constant 0 : i32
      %dma_start3A_185 = tpu.memref_slice %arg7[%add3A_173, %dma_start3A_184] : memref<10240x128xf32, #tpu.memory_space<vmem_shared>> -> memref<128x128xf32, #tpu.memory_space<vmem_shared>>
      %dma_start3A_186 = arith.constant 0 : i32
      %dma_start3A_187 = arith.constant 0 : i32
      %dma_start3A_188 = tpu.memref_slice %arg6[%run_scoped3A_174, %dma_start3A_186, %dma_start3A_187] : memref<2x128x128xf32, #tpu.memory_space<vmem>> -> memref<1x128x128xf32, #tpu.memory_space<vmem>>
      %dma_start3A_189 = tpu.memref_squeeze %dma_start3A_188 : memref<1x128x128xf32, #tpu.memory_space<vmem>> -> memref<128x128xf32, #tpu.memory_space<vmem>>
      %dma_start3A_190 = arith.constant 0 : i32
      %dma_start3A_191 = tpu.memref_slice %arg7[%add3A_173, %dma_start3A_190] : memref<10240x128xf32, #tpu.memory_space<vmem_shared>> -> memref<128x128xf32, #tpu.memory_space<vmem_shared>>
      tpu.enqueue_dma source(%dma_start3A_191 : memref<128x128xf32, #tpu.memory_space<vmem_shared>>) target(%dma_start3A_189 : memref<128x128xf32, #tpu.memory_space<vmem>>) target_semaphore(%run_scoped3A_179 : memref<!tpu.dma_semaphore, #tpu.memory_space<semaphore_mem>>)
      %dma_wait3A_192 = arith.constant 0 : i32
      %dma_wait3A_193 = arith.constant 0 : i32
      %dma_wait3A_194 = tpu.memref_slice %arg6[%run_scoped3A_174, %dma_wait3A_192, %dma_wait3A_193] : memref<2x128x128xf32, #tpu.memory_space<vmem>> -> memref<1x128x128xf32, #tpu.memory_space<vmem>>
      %dma_wait3A_195 = tpu.memref_squeeze %dma_wait3A_194 : memref<1x128x128xf32, #tpu.memory_space<vmem>> -> memref<128x128xf32, #tpu.memory_space<vmem>>
      %dma_wait3A_196 = arith.constant 0 : i32
      %dma_wait3A_197 = tpu.memref_slice %arg7[%add3A_173, %dma_wait3A_196] : memref<10240x128xf32, #tpu.memory_space<vmem_shared>> -> memref<128x128xf32, #tpu.memory_space<vmem_shared>>
      %dma_wait3A_198 = arith.constant 0 : i32
      %dma_wait3A_199 = arith.constant 0 : i32
      %dma_wait3A_200 = tpu.memref_slice %arg6[%run_scoped3A_174, %dma_wait3A_198, %dma_wait3A_199] : memref<2x128x128xf32, #tpu.memory_space<vmem>> -> memref<1x128x128xf32, #tpu.memory_space<vmem>>
      %dma_wait3A_201 = tpu.memref_squeeze %dma_wait3A_200 : memref<1x128x128xf32, #tpu.memory_space<vmem>> -> memref<128x128xf32, #tpu.memory_space<vmem>>
      %dma_wait3A_202 = arith.constant 0 : i32
      %dma_wait3A_203 = tpu.memref_slice %arg7[%add3A_173, %dma_wait3A_202] : memref<10240x128xf32, #tpu.memory_space<vmem_shared>> -> memref<128x128xf32, #tpu.memory_space<vmem_shared>>
      tpu.wait_dma2 semaphore(%run_scoped3A_179 : memref<!tpu.dma_semaphore, #tpu.memory_space<semaphore_mem>>) src(%dma_wait3A_203 : memref<128x128xf32, #tpu.memory_space<vmem_shared>>) dst(%dma_wait3A_201 : memref<128x128xf32, #tpu.memory_space<vmem>>)
      tpu.yield
    }) : () -> ()
    %mul3A_175 = arith.constant 10240 : i32
    %mul3A_176 = arith.muli %arg0, %mul3A_175 : i32
    %add3A_177 = arith.addi %mul3A_176, %add3A_173 : i32
    %run_scoped3A_178 = arith.constant 0 : i32
    "tpu.region"() ({
      %run_scoped3A_179 = tpu.sem_alloc : memref<!tpu.dma_semaphore, #tpu.memory_space<semaphore_mem>>
      %dma_start3A_180 = arith.constant 0 : i32
      %dma_start3A_181 = arith.constant 0 : i32
      %dma_start3A_182 = tpu.memref_slice %arg6[%run_scoped3A_178, %dma_start3A_180, %dma_start3A_181] : memref<2x128x128xf32, #tpu.memory_space<vmem>> -> memref<1x128x128xf32, #tpu.memory_space<vmem>>
      %dma_start3A_183 = tpu.memref_squeeze %dma_start3A_182 : memref<1x128x128xf32, #tpu.memory_space<vmem>> -> memref<128x128xf32, #tpu.memory_space<vmem>>
      %dma_start3A_184 = arith.constant 0 : i32
      %dma_start3A_185 = tpu.memref_slice %arg4[%add3A_177, %dma_start3A_184] : memref<20480x128xf32, #tpu.memory_space<hbm>> -> memref<128x128xf32, #tpu.memory_space<hbm>>
      %dma_start3A_186 = arith.constant 0 : i32
      %dma_start3A_187 = tpu.memref_slice %arg4[%add3A_177, %dma_start3A_186] : memref<20480x128xf32, #tpu.memory_space<hbm>> -> memref<128x128xf32, #tpu.memory_space<hbm>>
      %dma_start3A_188 = arith.constant 0 : i32
      %dma_start3A_189 = arith.constant 0 : i32
      %dma_start3A_190 = tpu.memref_slice %arg6[%run_scoped3A_178, %dma_start3A_188, %dma_start3A_189] : memref<2x128x128xf32, #tpu.memory_space<vmem>> -> memref<1x128x128xf32, #tpu.memory_space<vmem>>
      %dma_start3A_191 = tpu.memref_squeeze %dma_start3A_190 : memref<1x128x128xf32, #tpu.memory_space<vmem>> -> memref<128x128xf32, #tpu.memory_space<vmem>>
      tpu.enqueue_dma source(%dma_start3A_191 : memref<128x128xf32, #tpu.memory_space<vmem>>) target(%dma_start3A_187 : memref<128x128xf32, #tpu.memory_space<hbm>>) target_semaphore(%run_scoped3A_179 : memref<!tpu.dma_semaphore, #tpu.memory_space<semaphore_mem>>)
      %dma_wait3A_192 = arith.constant 0 : i32
      %dma_wait3A_193 = arith.constant 0 : i32
      %dma_wait3A_194 = tpu.memref_slice %arg6[%run_scoped3A_178, %dma_wait3A_192, %dma_wait3A_193] : memref<2x128x128xf32, #tpu.memory_space<vmem>> -> memref<1x128x128xf32, #tpu.memory_space<vmem>>
      %dma_wait3A_195 = tpu.memref_squeeze %dma_wait3A_194 : memref<1x128x128xf32, #tpu.memory_space<vmem>> -> memref<128x128xf32, #tpu.memory_space<vmem>>
      %dma_wait3A_196 = arith.constant 0 : i32
      %dma_wait3A_197 = tpu.memref_slice %arg4[%add3A_177, %dma_wait3A_196] : memref<20480x128xf32, #tpu.memory_space<hbm>> -> memref<128x128xf32, #tpu.memory_space<hbm>>
      %dma_wait3A_198 = arith.constant 0 : i32
      %dma_wait3A_199 = tpu.memref_slice %arg4[%add3A_177, %dma_wait3A_198] : memref<20480x128xf32, #tpu.memory_space<hbm>> -> memref<128x128xf32, #tpu.memory_space<hbm>>
      %dma_wait3A_200 = arith.constant 0 : i32
      %dma_wait3A_201 = arith.constant 0 : i32
      %dma_wait3A_202 = tpu.memref_slice %arg6[%run_scoped3A_178, %dma_wait3A_200, %dma_wait3A_201] : memref<2x128x128xf32, #tpu.memory_space<vmem>> -> memref<1x128x128xf32, #tpu.memory_space<vmem>>
      %dma_wait3A_203 = tpu.memref_squeeze %dma_wait3A_202 : memref<1x128x128xf32, #tpu.memory_space<vmem>> -> memref<128x128xf32, #tpu.memory_space<vmem>>
      tpu.wait_dma2 semaphore(%run_scoped3A_179 : memref<!tpu.dma_semaphore, #tpu.memory_space<semaphore_mem>>) src(%dma_wait3A_203 : memref<128x128xf32, #tpu.memory_space<vmem>>) dst(%dma_wait3A_199 : memref<128x128xf32, #tpu.memory_space<hbm>>)
      tpu.yield
    }) : () -> ()
    return
  }
}

#map = affine_map<(d0, d1) -> (0, 0, 0)>
#map1 = affine_map<(d0, d1) -> (0, 0)>
module attributes {stable_mosaic.version = 14 : i64} {
  func.func @_gather_body(%arg0: i32, %arg1: i32, %arg2: memref<2560x2x128xi32, #tpu.memory_space<hbm>>, %arg3: memref<10240x128xf32, #tpu.memory_space<hbm>>, %arg4: memref<20480x128xf32, #tpu.memory_space<hbm>>, %arg5: memref<2x2x128xi32, #tpu.memory_space<vmem>>, %arg6: memref<2x128x128xf32, #tpu.memory_space<vmem>>, %arg7: memref<10240x128xf32, #tpu.memory_space<vmem_shared>>, %arg8: memref<!tpu.dma_semaphore, #tpu.memory_space<semaphore_mem>>, %arg9: memref<!tpu.dma_semaphore, #tpu.memory_space<semaphore_mem>>, %arg10: memref<!tpu.dma_semaphore, #tpu.memory_space<semaphore_mem>>, %arg11: memref<!tpu.dma_semaphore, #tpu.memory_space<semaphore_mem>>) attributes {dimension_semantics = [#tpu.dimension_semantics<core_parallel>, #tpu.dimension_semantics<subcore_parallel>], iteration_bounds = array<i64: 2, 16>, scalar_prefetch = 0 : i64, scratch_operands = 7 : i64, tpu.core_type = #tpu.core_type<sc_vector_subcore>, window_params = [{transform_indices = #map}, {transform_indices = #map1}, {transform_indices = #map1}]} {
    %eq3A = arith.constant 0 : i32
    %eq3A_0 = arith.cmpi eq, %arg0, %eq3A : i32
    %jit3A = arith.constant 136 : i32
    %jit3A_1 = arith.constant 24 : i32
    %select_n3A = arith.select %eq3A_0, %jit3A, %jit3A_1 : i32
    %eq3A_2 = arith.constant 0 : i32
    %eq3A_3 = arith.cmpi eq, %arg0, %eq3A_2 : i32
    %mul3A = arith.constant 136 : i32
    %mul3A_4 = arith.muli %arg1, %mul3A : i32
    %mul3A_5 = arith.constant 24 : i32
    %mul3A_6 = arith.muli %arg1, %mul3A_5 : i32
    %add3A = arith.constant 2176 : i32
    %add3A_7 = arith.addi %add3A, %mul3A_6 : i32
    %select_n3A_8 = arith.select %eq3A_3, %mul3A_4, %add3A_7 : i32
    %broadcast_in_dim3A = arith.constant 0.000000e+00 : f32
    %broadcast_in_dim3A_9 = vector.broadcast %broadcast_in_dim3A : f32 to vector<16xf32>
    %scan3A = arith.constant 0 : i32
    %scan3A_10 = arith.constant 0 : i32
    %scan3A_11 = arith.constant 128 : i32
    %scan3A_12 = arith.addi %scan3A_10, %scan3A_11 : i32
    %scan3A_13 = arith.constant 1 : i32
    scf.for %scan3A_179 = %scan3A_10 to %scan3A_12 step %scan3A_13  : i32 {
      %swap3A = arith.constant 0 : i32
      %swap3A_180 = arith.index_cast %swap3A : i32 to index
      %swap3A_181 = arith.index_cast %scan3A_179 : i32 to index
      %swap3A_182 = arith.constant 0 : index
      %swap3A_183 = tpu.vector_load %arg6[%swap3A_180, %swap3A_181, %swap3A_182] {strides = array<i32>} : memref<2x128x128xf32, #tpu.memory_space<vmem>>, vector<1x1x16xf32>,
      %swap3A_184 = vector.shape_cast %swap3A_183 : vector<1x1x16xf32> to vector<16xf32>
      %swap3A_185 = vector.shape_cast %broadcast_in_dim3A_9 : vector<16xf32> to vector<1x1x16xf32>
      tpu.vector_store %arg6[%swap3A_180, %swap3A_181, %swap3A_182], %swap3A_185 {strides = array<i32>} : memref<2x128x128xf32, #tpu.memory_space<vmem>>, vector<1x1x16xf32>,
      %swap3A_186 = arith.constant 0 : i32
      %swap3A_187 = arith.index_cast %swap3A_186 : i32 to index
      %swap3A_188 = arith.index_cast %scan3A_179 : i32 to index
      %swap3A_189 = arith.constant 16 : index
      %swap3A_190 = tpu.vector_load %arg6[%swap3A_187, %swap3A_188, %swap3A_189] {strides = array<i32>} : memref<2x128x128xf32, #tpu.memory_space<vmem>>, vector<1x1x16xf32>,
      %swap3A_191 = vector.shape_cast %swap3A_190 : vector<1x1x16xf32> to vector<16xf32>
      %swap3A_192 = vector.shape_cast %broadcast_in_dim3A_9 : vector<16xf32> to vector<1x1x16xf32>
      tpu.vector_store %arg6[%swap3A_187, %swap3A_188, %swap3A_189], %swap3A_192 {strides = array<i32>} : memref<2x128x128xf32, #tpu.memory_space<vmem>>, vector<1x1x16xf32>,
      %swap3A_193 = arith.constant 0 : i32
      %swap3A_194 = arith.index_cast %swap3A_193 : i32 to index
      %swap3A_195 = arith.index_cast %scan3A_179 : i32 to index
      %swap3A_196 = arith.constant 32 : index
      %swap3A_197 = tpu.vector_load %arg6[%swap3A_194, %swap3A_195, %swap3A_196] {strides = array<i32>} : memref<2x128x128xf32, #tpu.memory_space<vmem>>, vector<1x1x16xf32>,
      %swap3A_198 = vector.shape_cast %swap3A_197 : vector<1x1x16xf32> to vector<16xf32>
      %swap3A_199 = vector.shape_cast %broadcast_in_dim3A_9 : vector<16xf32> to vector<1x1x16xf32>
      tpu.vector_store %arg6[%swap3A_194, %swap3A_195, %swap3A_196], %swap3A_199 {strides = array<i32>} : memref<2x128x128xf32, #tpu.memory_space<vmem>>, vector<1x1x16xf32>,
      %swap3A_200 = arith.constant 0 : i32
      %swap3A_201 = arith.index_cast %swap3A_200 : i32 to index
      %swap3A_202 = arith.index_cast %scan3A_179 : i32 to index
      %swap3A_203 = arith.constant 48 : index
      %swap3A_204 = tpu.vector_load %arg6[%swap3A_201, %swap3A_202, %swap3A_203] {strides = array<i32>} : memref<2x128x128xf32, #tpu.memory_space<vmem>>, vector<1x1x16xf32>,
      %swap3A_205 = vector.shape_cast %swap3A_204 : vector<1x1x16xf32> to vector<16xf32>
      %swap3A_206 = vector.shape_cast %broadcast_in_dim3A_9 : vector<16xf32> to vector<1x1x16xf32>
      tpu.vector_store %arg6[%swap3A_201, %swap3A_202, %swap3A_203], %swap3A_206 {strides = array<i32>} : memref<2x128x128xf32, #tpu.memory_space<vmem>>, vector<1x1x16xf32>,
      %swap3A_207 = arith.constant 0 : i32
      %swap3A_208 = arith.index_cast %swap3A_207 : i32 to index
      %swap3A_209 = arith.index_cast %scan3A_179 : i32 to index
      %swap3A_210 = arith.constant 64 : index
      %swap3A_211 = tpu.vector_load %arg6[%swap3A_208, %swap3A_209, %swap3A_210] {strides = array<i32>} : memref<2x128x128xf32, #tpu.memory_space<vmem>>, vector<1x1x16xf32>,
      %swap3A_212 = vector.shape_cast %swap3A_211 : vector<1x1x16xf32> to vector<16xf32>
      %swap3A_213 = vector.shape_cast %broadcast_in_dim3A_9 : vector<16xf32> to vector<1x1x16xf32>
      tpu.vector_store %arg6[%swap3A_208, %swap3A_209, %swap3A_210], %swap3A_213 {strides = array<i32>} : memref<2x128x128xf32, #tpu.memory_space<vmem>>, vector<1x1x16xf32>,
      %swap3A_214 = arith.constant 0 : i32
      %swap3A_215 = arith.index_cast %swap3A_214 : i32 to index
      %swap3A_216 = arith.index_cast %scan3A_179 : i32 to index
      %swap3A_217 = arith.constant 80 : index
      %swap3A_218 = tpu.vector_load %arg6[%swap3A_215, %swap3A_216, %swap3A_217] {strides = array<i32>} : memref<2x128x128xf32, #tpu.memory_space<vmem>>, vector<1x1x16xf32>,
      %swap3A_219 = vector.shape_cast %swap3A_218 : vector<1x1x16xf32> to vector<16xf32>
      %swap3A_220 = vector.shape_cast %broadcast_in_dim3A_9 : vector<16xf32> to vector<1x1x16xf32>
      tpu.vector_store %arg6[%swap3A_215, %swap3A_216, %swap3A_217], %swap3A_220 {strides = array<i32>} : memref<2x128x128xf32, #tpu.memory_space<vmem>>, vector<1x1x16xf32>,
      %swap3A_221 = arith.constant 0 : i32
      %swap3A_222 = arith.index_cast %swap3A_221 : i32 to index
      %swap3A_223 = arith.index_cast %scan3A_179 : i32 to index
      %swap3A_224 = arith.constant 96 : index
      %swap3A_225 = tpu.vector_load %arg6[%swap3A_222, %swap3A_223, %swap3A_224] {strides = array<i32>} : memref<2x128x128xf32, #tpu.memory_space<vmem>>, vector<1x1x16xf32>,
      %swap3A_226 = vector.shape_cast %swap3A_225 : vector<1x1x16xf32> to vector<16xf32>
      %swap3A_227 = vector.shape_cast %broadcast_in_dim3A_9 : vector<16xf32> to vector<1x1x16xf32>
      tpu.vector_store %arg6[%swap3A_222, %swap3A_223, %swap3A_224], %swap3A_227 {strides = array<i32>} : memref<2x128x128xf32, #tpu.memory_space<vmem>>, vector<1x1x16xf32>,
      %swap3A_228 = arith.constant 0 : i32
      %swap3A_229 = arith.index_cast %swap3A_228 : i32 to index
      %swap3A_230 = arith.index_cast %scan3A_179 : i32 to index
      %swap3A_231 = arith.constant 112 : index
      %swap3A_232 = tpu.vector_load %arg6[%swap3A_229, %swap3A_230, %swap3A_231] {strides = array<i32>} : memref<2x128x128xf32, #tpu.memory_space<vmem>>, vector<1x1x16xf32>,
      %swap3A_233 = vector.shape_cast %swap3A_232 : vector<1x1x16xf32> to vector<16xf32>
      %swap3A_234 = vector.shape_cast %broadcast_in_dim3A_9 : vector<16xf32> to vector<1x1x16xf32>
      tpu.vector_store %arg6[%swap3A_229, %swap3A_230, %swap3A_231], %swap3A_234 {strides = array<i32>} : memref<2x128x128xf32, #tpu.memory_space<vmem>>, vector<1x1x16xf32>,
    }
    %scan3A_14 = arith.constant 128 : i32
    %mul3A_15 = arith.constant 640 : i32
    %mul3A_16 = arith.muli %arg1, %mul3A_15 : i32
    %add3A_17 = arith.constant 0 : i32
    %add3A_18 = arith.addi %mul3A_16, %add3A_17 : i32
    %run_scoped3A = arith.constant 0 : i32
    "tpu.region"() ({
      %run_scoped3A_179 = tpu.sem_alloc : memref<!tpu.dma_semaphore, #tpu.memory_space<semaphore_mem>>
      %dma_start3A_180 = arith.constant 0 : i32
      %dma_start3A_181 = arith.constant 0 : i32
      %dma_start3A_182 = tpu.memref_slice %arg6[%run_scoped3A, %dma_start3A_180, %dma_start3A_181] : memref<2x128x128xf32, #tpu.memory_space<vmem>> -> memref<1x128x128xf32, #tpu.memory_space<vmem>>
      %dma_start3A_183 = tpu.memref_squeeze %dma_start3A_182 : memref<1x128x128xf32, #tpu.memory_space<vmem>> -> memref<128x128xf32, #tpu.memory_space<vmem>>
      %dma_start3A_184 = arith.constant 0 : i32
      %dma_start3A_185 = tpu.memref_slice %arg7[%add3A_18, %dma_start3A_184] : memref<10240x128xf32, #tpu.memory_space<vmem_shared>> -> memref<128x128xf32, #tpu.memory_space<vmem_shared>>
      %dma_start3A_186 = arith.constant 0 : i32
      %dma_start3A_187 = tpu.memref_slice %arg7[%add3A_18, %dma_start3A_186] : memref<10240x128xf32, #tpu.memory_space<vmem_shared>> -> memref<128x128xf32, #tpu.memory_space<vmem_shared>>
      %dma_start3A_188 = arith.constant 0 : i32
      %dma_start3A_189 = arith.constant 0 : i32
      %dma_start3A_190 = tpu.memref_slice %arg6[%run_scoped3A, %dma_start3A_188, %dma_start3A_189] : memref<2x128x128xf32, #tpu.memory_space<vmem>> -> memref<1x128x128xf32, #tpu.memory_space<vmem>>
      %dma_start3A_191 = tpu.memref_squeeze %dma_start3A_190 : memref<1x128x128xf32, #tpu.memory_space<vmem>> -> memref<128x128xf32, #tpu.memory_space<vmem>>
      tpu.enqueue_dma source(%dma_start3A_191 : memref<128x128xf32, #tpu.memory_space<vmem>>) target(%dma_start3A_187 : memref<128x128xf32, #tpu.memory_space<vmem_shared>>) target_semaphore(%run_scoped3A_179 : memref<!tpu.dma_semaphore, #tpu.memory_space<semaphore_mem>>)
      %dma_wait3A_192 = arith.constant 0 : i32
      %dma_wait3A_193 = arith.constant 0 : i32
      %dma_wait3A_194 = tpu.memref_slice %arg6[%run_scoped3A, %dma_wait3A_192, %dma_wait3A_193] : memref<2x128x128xf32, #tpu.memory_space<vmem>> -> memref<1x128x128xf32, #tpu.memory_space<vmem>>
      %dma_wait3A_195 = tpu.memref_squeeze %dma_wait3A_194 : memref<1x128x128xf32, #tpu.memory_space<vmem>> -> memref<128x128xf32, #tpu.memory_space<vmem>>
      %dma_wait3A_196 = arith.constant 0 : i32
      %dma_wait3A_197 = tpu.memref_slice %arg7[%add3A_18, %dma_wait3A_196] : memref<10240x128xf32, #tpu.memory_space<vmem_shared>> -> memref<128x128xf32, #tpu.memory_space<vmem_shared>>
      %dma_wait3A_198 = arith.constant 0 : i32
      %dma_wait3A_199 = tpu.memref_slice %arg7[%add3A_18, %dma_wait3A_198] : memref<10240x128xf32, #tpu.memory_space<vmem_shared>> -> memref<128x128xf32, #tpu.memory_space<vmem_shared>>
      %dma_wait3A_200 = arith.constant 0 : i32
      %dma_wait3A_201 = arith.constant 0 : i32
      %dma_wait3A_202 = tpu.memref_slice %arg6[%run_scoped3A, %dma_wait3A_200, %dma_wait3A_201] : memref<2x128x128xf32, #tpu.memory_space<vmem>> -> memref<1x128x128xf32, #tpu.memory_space<vmem>>
      %dma_wait3A_203 = tpu.memref_squeeze %dma_wait3A_202 : memref<1x128x128xf32, #tpu.memory_space<vmem>> -> memref<128x128xf32, #tpu.memory_space<vmem>>
      tpu.wait_dma2 semaphore(%run_scoped3A_179 : memref<!tpu.dma_semaphore, #tpu.memory_space<semaphore_mem>>) src(%dma_wait3A_203 : memref<128x128xf32, #tpu.memory_space<vmem>>) dst(%dma_wait3A_199 : memref<128x128xf32, #tpu.memory_space<vmem_shared>>)
      tpu.yield
    }) : () -> ()
    %mul3A_19 = arith.constant 640 : i32
    %mul3A_20 = arith.muli %arg1, %mul3A_19 : i32
    %add3A_21 = arith.constant 128 : i32
    %add3A_22 = arith.addi %mul3A_20, %add3A_21 : i32
    %run_scoped3A_23 = arith.constant 0 : i32
    "tpu.region"() ({
      %run_scoped3A_179 = tpu.sem_alloc : memref<!tpu.dma_semaphore, #tpu.memory_space<semaphore_mem>>
      %dma_start3A_180 = arith.constant 0 : i32
      %dma_start3A_181 = arith.constant 0 : i32
      %dma_start3A_182 = tpu.memref_slice %arg6[%run_scoped3A_23, %dma_start3A_180, %dma_start3A_181] : memref<2x128x128xf32, #tpu.memory_space<vmem>> -> memref<1x128x128xf32, #tpu.memory_space<vmem>>
      %dma_start3A_183 = tpu.memref_squeeze %dma_start3A_182 : memref<1x128x128xf32, #tpu.memory_space<vmem>> -> memref<128x128xf32, #tpu.memory_space<vmem>>
      %dma_start3A_184 = arith.constant 0 : i32
      %dma_start3A_185 = tpu.memref_slice %arg7[%add3A_22, %dma_start3A_184] : memref<10240x128xf32, #tpu.memory_space<vmem_shared>> -> memref<128x128xf32, #tpu.memory_space<vmem_shared>>
      %dma_start3A_186 = arith.constant 0 : i32
      %dma_start3A_187 = tpu.memref_slice %arg7[%add3A_22, %dma_start3A_186] : memref<10240x128xf32, #tpu.memory_space<vmem_shared>> -> memref<128x128xf32, #tpu.memory_space<vmem_shared>>
      %dma_start3A_188 = arith.constant 0 : i32
      %dma_start3A_189 = arith.constant 0 : i32
      %dma_start3A_190 = tpu.memref_slice %arg6[%run_scoped3A_23, %dma_start3A_188, %dma_start3A_189] : memref<2x128x128xf32, #tpu.memory_space<vmem>> -> memref<1x128x128xf32, #tpu.memory_space<vmem>>
      %dma_start3A_191 = tpu.memref_squeeze %dma_start3A_190 : memref<1x128x128xf32, #tpu.memory_space<vmem>> -> memref<128x128xf32, #tpu.memory_space<vmem>>
      tpu.enqueue_dma source(%dma_start3A_191 : memref<128x128xf32, #tpu.memory_space<vmem>>) target(%dma_start3A_187 : memref<128x128xf32, #tpu.memory_space<vmem_shared>>) target_semaphore(%run_scoped3A_179 : memref<!tpu.dma_semaphore, #tpu.memory_space<semaphore_mem>>)
      %dma_wait3A_192 = arith.constant 0 : i32
      %dma_wait3A_193 = arith.constant 0 : i32
      %dma_wait3A_194 = tpu.memref_slice %arg6[%run_scoped3A_23, %dma_wait3A_192, %dma_wait3A_193] : memref<2x128x128xf32, #tpu.memory_space<vmem>> -> memref<1x128x128xf32, #tpu.memory_space<vmem>>
      %dma_wait3A_195 = tpu.memref_squeeze %dma_wait3A_194 : memref<1x128x128xf32, #tpu.memory_space<vmem>> -> memref<128x128xf32, #tpu.memory_space<vmem>>
      %dma_wait3A_196 = arith.constant 0 : i32
      %dma_wait3A_197 = tpu.memref_slice %arg7[%add3A_22, %dma_wait3A_196] : memref<10240x128xf32, #tpu.memory_space<vmem_shared>> -> memref<128x128xf32, #tpu.memory_space<vmem_shared>>
      %dma_wait3A_198 = arith.constant 0 : i32
      %dma_wait3A_199 = tpu.memref_slice %arg7[%add3A_22, %dma_wait3A_198] : memref<10240x128xf32, #tpu.memory_space<vmem_shared>> -> memref<128x128xf32, #tpu.memory_space<vmem_shared>>
      %dma_wait3A_200 = arith.constant 0 : i32
      %dma_wait3A_201 = arith.constant 0 : i32
      %dma_wait3A_202 = tpu.memref_slice %arg6[%run_scoped3A_23, %dma_wait3A_200, %dma_wait3A_201] : memref<2x128x128xf32, #tpu.memory_space<vmem>> -> memref<1x128x128xf32, #tpu.memory_space<vmem>>
      %dma_wait3A_203 = tpu.memref_squeeze %dma_wait3A_202 : memref<1x128x128xf32, #tpu.memory_space<vmem>> -> memref<128x128xf32, #tpu.memory_space<vmem>>
      tpu.wait_dma2 semaphore(%run_scoped3A_179 : memref<!tpu.dma_semaphore, #tpu.memory_space<semaphore_mem>>) src(%dma_wait3A_203 : memref<128x128xf32, #tpu.memory_space<vmem>>) dst(%dma_wait3A_199 : memref<128x128xf32, #tpu.memory_space<vmem_shared>>)
      tpu.yield
    }) : () -> ()
    %mul3A_24 = arith.constant 640 : i32
    %mul3A_25 = arith.muli %arg1, %mul3A_24 : i32
    %add3A_26 = arith.constant 256 : i32
    %add3A_27 = arith.addi %mul3A_25, %add3A_26 : i32
    %run_scoped3A_28 = arith.constant 0 : i32
    "tpu.region"() ({
      %run_scoped3A_179 = tpu.sem_alloc : memref<!tpu.dma_semaphore, #tpu.memory_space<semaphore_mem>>
      %dma_start3A_180 = arith.constant 0 : i32
      %dma_start3A_181 = arith.constant 0 : i32
      %dma_start3A_182 = tpu.memref_slice %arg6[%run_scoped3A_28, %dma_start3A_180, %dma_start3A_181] : memref<2x128x128xf32, #tpu.memory_space<vmem>> -> memref<1x128x128xf32, #tpu.memory_space<vmem>>
      %dma_start3A_183 = tpu.memref_squeeze %dma_start3A_182 : memref<1x128x128xf32, #tpu.memory_space<vmem>> -> memref<128x128xf32, #tpu.memory_space<vmem>>
      %dma_start3A_184 = arith.constant 0 : i32
      %dma_start3A_185 = tpu.memref_slice %arg7[%add3A_27, %dma_start3A_184] : memref<10240x128xf32, #tpu.memory_space<vmem_shared>> -> memref<128x128xf32, #tpu.memory_space<vmem_shared>>
      %dma_start3A_186 = arith.constant 0 : i32
      %dma_start3A_187 = tpu.memref_slice %arg7[%add3A_27, %dma_start3A_186] : memref<10240x128xf32, #tpu.memory_space<vmem_shared>> -> memref<128x128xf32, #tpu.memory_space<vmem_shared>>
      %dma_start3A_188 = arith.constant 0 : i32
      %dma_start3A_189 = arith.constant 0 : i32
      %dma_start3A_190 = tpu.memref_slice %arg6[%run_scoped3A_28, %dma_start3A_188, %dma_start3A_189] : memref<2x128x128xf32, #tpu.memory_space<vmem>> -> memref<1x128x128xf32, #tpu.memory_space<vmem>>
      %dma_start3A_191 = tpu.memref_squeeze %dma_start3A_190 : memref<1x128x128xf32, #tpu.memory_space<vmem>> -> memref<128x128xf32, #tpu.memory_space<vmem>>
      tpu.enqueue_dma source(%dma_start3A_191 : memref<128x128xf32, #tpu.memory_space<vmem>>) target(%dma_start3A_187 : memref<128x128xf32, #tpu.memory_space<vmem_shared>>) target_semaphore(%run_scoped3A_179 : memref<!tpu.dma_semaphore, #tpu.memory_space<semaphore_mem>>)
      %dma_wait3A_192 = arith.constant 0 : i32
      %dma_wait3A_193 = arith.constant 0 : i32
      %dma_wait3A_194 = tpu.memref_slice %arg6[%run_scoped3A_28, %dma_wait3A_192, %dma_wait3A_193] : memref<2x128x128xf32, #tpu.memory_space<vmem>> -> memref<1x128x128xf32, #tpu.memory_space<vmem>>
      %dma_wait3A_195 = tpu.memref_squeeze %dma_wait3A_194 : memref<1x128x128xf32, #tpu.memory_space<vmem>> -> memref<128x128xf32, #tpu.memory_space<vmem>>
      %dma_wait3A_196 = arith.constant 0 : i32
      %dma_wait3A_197 = tpu.memref_slice %arg7[%add3A_27, %dma_wait3A_196] : memref<10240x128xf32, #tpu.memory_space<vmem_shared>> -> memref<128x128xf32, #tpu.memory_space<vmem_shared>>
      %dma_wait3A_198 = arith.constant 0 : i32
      %dma_wait3A_199 = tpu.memref_slice %arg7[%add3A_27, %dma_wait3A_198] : memref<10240x128xf32, #tpu.memory_space<vmem_shared>> -> memref<128x128xf32, #tpu.memory_space<vmem_shared>>
      %dma_wait3A_200 = arith.constant 0 : i32
      %dma_wait3A_201 = arith.constant 0 : i32
      %dma_wait3A_202 = tpu.memref_slice %arg6[%run_scoped3A_28, %dma_wait3A_200, %dma_wait3A_201] : memref<2x128x128xf32, #tpu.memory_space<vmem>> -> memref<1x128x128xf32, #tpu.memory_space<vmem>>
      %dma_wait3A_203 = tpu.memref_squeeze %dma_wait3A_202 : memref<1x128x128xf32, #tpu.memory_space<vmem>> -> memref<128x128xf32, #tpu.memory_space<vmem>>
      tpu.wait_dma2 semaphore(%run_scoped3A_179 : memref<!tpu.dma_semaphore, #tpu.memory_space<semaphore_mem>>) src(%dma_wait3A_203 : memref<128x128xf32, #tpu.memory_space<vmem>>) dst(%dma_wait3A_199 : memref<128x128xf32, #tpu.memory_space<vmem_shared>>)
      tpu.yield
    }) : () -> ()
    %mul3A_29 = arith.constant 640 : i32
    %mul3A_30 = arith.muli %arg1, %mul3A_29 : i32
    %add3A_31 = arith.constant 384 : i32
    %add3A_32 = arith.addi %mul3A_30, %add3A_31 : i32
    %run_scoped3A_33 = arith.constant 0 : i32
    "tpu.region"() ({
      %run_scoped3A_179 = tpu.sem_alloc : memref<!tpu.dma_semaphore, #tpu.memory_space<semaphore_mem>>
      %dma_start3A_180 = arith.constant 0 : i32
      %dma_start3A_181 = arith.constant 0 : i32
      %dma_start3A_182 = tpu.memref_slice %arg6[%run_scoped3A_33, %dma_start3A_180, %dma_start3A_181] : memref<2x128x128xf32, #tpu.memory_space<vmem>> -> memref<1x128x128xf32, #tpu.memory_space<vmem>>
      %dma_start3A_183 = tpu.memref_squeeze %dma_start3A_182 : memref<1x128x128xf32, #tpu.memory_space<vmem>> -> memref<128x128xf32, #tpu.memory_space<vmem>>
      %dma_start3A_184 = arith.constant 0 : i32
      %dma_start3A_185 = tpu.memref_slice %arg7[%add3A_32, %dma_start3A_184] : memref<10240x128xf32, #tpu.memory_space<vmem_shared>> -> memref<128x128xf32, #tpu.memory_space<vmem_shared>>
      %dma_start3A_186 = arith.constant 0 : i32
      %dma_start3A_187 = tpu.memref_slice %arg7[%add3A_32, %dma_start3A_186] : memref<10240x128xf32, #tpu.memory_space<vmem_shared>> -> memref<128x128xf32, #tpu.memory_space<vmem_shared>>
      %dma_start3A_188 = arith.constant 0 : i32
      %dma_start3A_189 = arith.constant 0 : i32
      %dma_start3A_190 = tpu.memref_slice %arg6[%run_scoped3A_33, %dma_start3A_188, %dma_start3A_189] : memref<2x128x128xf32, #tpu.memory_space<vmem>> -> memref<1x128x128xf32, #tpu.memory_space<vmem>>
      %dma_start3A_191 = tpu.memref_squeeze %dma_start3A_190 : memref<1x128x128xf32, #tpu.memory_space<vmem>> -> memref<128x128xf32, #tpu.memory_space<vmem>>
      tpu.enqueue_dma source(%dma_start3A_191 : memref<128x128xf32, #tpu.memory_space<vmem>>) target(%dma_start3A_187 : memref<128x128xf32, #tpu.memory_space<vmem_shared>>) target_semaphore(%run_scoped3A_179 : memref<!tpu.dma_semaphore, #tpu.memory_space<semaphore_mem>>)
      %dma_wait3A_192 = arith.constant 0 : i32
      %dma_wait3A_193 = arith.constant 0 : i32
      %dma_wait3A_194 = tpu.memref_slice %arg6[%run_scoped3A_33, %dma_wait3A_192, %dma_wait3A_193] : memref<2x128x128xf32, #tpu.memory_space<vmem>> -> memref<1x128x128xf32, #tpu.memory_space<vmem>>
      %dma_wait3A_195 = tpu.memref_squeeze %dma_wait3A_194 : memref<1x128x128xf32, #tpu.memory_space<vmem>> -> memref<128x128xf32, #tpu.memory_space<vmem>>
      %dma_wait3A_196 = arith.constant 0 : i32
      %dma_wait3A_197 = tpu.memref_slice %arg7[%add3A_32, %dma_wait3A_196] : memref<10240x128xf32, #tpu.memory_space<vmem_shared>> -> memref<128x128xf32, #tpu.memory_space<vmem_shared>>
      %dma_wait3A_198 = arith.constant 0 : i32
      %dma_wait3A_199 = tpu.memref_slice %arg7[%add3A_32, %dma_wait3A_198] : memref<10240x128xf32, #tpu.memory_space<vmem_shared>> -> memref<128x128xf32, #tpu.memory_space<vmem_shared>>
      %dma_wait3A_200 = arith.constant 0 : i32
      %dma_wait3A_201 = arith.constant 0 : i32
      %dma_wait3A_202 = tpu.memref_slice %arg6[%run_scoped3A_33, %dma_wait3A_200, %dma_wait3A_201] : memref<2x128x128xf32, #tpu.memory_space<vmem>> -> memref<1x128x128xf32, #tpu.memory_space<vmem>>
      %dma_wait3A_203 = tpu.memref_squeeze %dma_wait3A_202 : memref<1x128x128xf32, #tpu.memory_space<vmem>> -> memref<128x128xf32, #tpu.memory_space<vmem>>
      tpu.wait_dma2 semaphore(%run_scoped3A_179 : memref<!tpu.dma_semaphore, #tpu.memory_space<semaphore_mem>>) src(%dma_wait3A_203 : memref<128x128xf32, #tpu.memory_space<vmem>>) dst(%dma_wait3A_199 : memref<128x128xf32, #tpu.memory_space<vmem_shared>>)
      tpu.yield
    }) : () -> ()
    %mul3A_34 = arith.constant 640 : i32
    %mul3A_35 = arith.muli %arg1, %mul3A_34 : i32
    %add3A_36 = arith.constant 512 : i32
    %add3A_37 = arith.addi %mul3A_35, %add3A_36 : i32
    %run_scoped3A_38 = arith.constant 0 : i32
    "tpu.region"() ({
      %run_scoped3A_179 = tpu.sem_alloc : memref<!tpu.dma_semaphore, #tpu.memory_space<semaphore_mem>>
      %dma_start3A_180 = arith.constant 0 : i32
      %dma_start3A_181 = arith.constant 0 : i32
      %dma_start3A_182 = tpu.memref_slice %arg6[%run_scoped3A_38, %dma_start3A_180, %dma_start3A_181] : memref<2x128x128xf32, #tpu.memory_space<vmem>> -> memref<1x128x128xf32, #tpu.memory_space<vmem>>
      %dma_start3A_183 = tpu.memref_squeeze %dma_start3A_182 : memref<1x128x128xf32, #tpu.memory_space<vmem>> -> memref<128x128xf32, #tpu.memory_space<vmem>>
      %dma_start3A_184 = arith.constant 0 : i32
      %dma_start3A_185 = tpu.memref_slice %arg7[%add3A_37, %dma_start3A_184] : memref<10240x128xf32, #tpu.memory_space<vmem_shared>> -> memref<128x128xf32, #tpu.memory_space<vmem_shared>>
      %dma_start3A_186 = arith.constant 0 : i32
      %dma_start3A_187 = tpu.memref_slice %arg7[%add3A_37, %dma_start3A_186] : memref<10240x128xf32, #tpu.memory_space<vmem_shared>> -> memref<128x128xf32, #tpu.memory_space<vmem_shared>>
      %dma_start3A_188 = arith.constant 0 : i32
      %dma_start3A_189 = arith.constant 0 : i32
      %dma_start3A_190 = tpu.memref_slice %arg6[%run_scoped3A_38, %dma_start3A_188, %dma_start3A_189] : memref<2x128x128xf32, #tpu.memory_space<vmem>> -> memref<1x128x128xf32, #tpu.memory_space<vmem>>
      %dma_start3A_191 = tpu.memref_squeeze %dma_start3A_190 : memref<1x128x128xf32, #tpu.memory_space<vmem>> -> memref<128x128xf32, #tpu.memory_space<vmem>>
      tpu.enqueue_dma source(%dma_start3A_191 : memref<128x128xf32, #tpu.memory_space<vmem>>) target(%dma_start3A_187 : memref<128x128xf32, #tpu.memory_space<vmem_shared>>) target_semaphore(%run_scoped3A_179 : memref<!tpu.dma_semaphore, #tpu.memory_space<semaphore_mem>>)
      %dma_wait3A_192 = arith.constant 0 : i32
      %dma_wait3A_193 = arith.constant 0 : i32
      %dma_wait3A_194 = tpu.memref_slice %arg6[%run_scoped3A_38, %dma_wait3A_192, %dma_wait3A_193] : memref<2x128x128xf32, #tpu.memory_space<vmem>> -> memref<1x128x128xf32, #tpu.memory_space<vmem>>
      %dma_wait3A_195 = tpu.memref_squeeze %dma_wait3A_194 : memref<1x128x128xf32, #tpu.memory_space<vmem>> -> memref<128x128xf32, #tpu.memory_space<vmem>>
      %dma_wait3A_196 = arith.constant 0 : i32
      %dma_wait3A_197 = tpu.memref_slice %arg7[%add3A_37, %dma_wait3A_196] : memref<10240x128xf32, #tpu.memory_space<vmem_shared>> -> memref<128x128xf32, #tpu.memory_space<vmem_shared>>
      %dma_wait3A_198 = arith.constant 0 : i32
      %dma_wait3A_199 = tpu.memref_slice %arg7[%add3A_37, %dma_wait3A_198] : memref<10240x128xf32, #tpu.memory_space<vmem_shared>> -> memref<128x128xf32, #tpu.memory_space<vmem_shared>>
      %dma_wait3A_200 = arith.constant 0 : i32
      %dma_wait3A_201 = arith.constant 0 : i32
      %dma_wait3A_202 = tpu.memref_slice %arg6[%run_scoped3A_38, %dma_wait3A_200, %dma_wait3A_201] : memref<2x128x128xf32, #tpu.memory_space<vmem>> -> memref<1x128x128xf32, #tpu.memory_space<vmem>>
      %dma_wait3A_203 = tpu.memref_squeeze %dma_wait3A_202 : memref<1x128x128xf32, #tpu.memory_space<vmem>> -> memref<128x128xf32, #tpu.memory_space<vmem>>
      tpu.wait_dma2 semaphore(%run_scoped3A_179 : memref<!tpu.dma_semaphore, #tpu.memory_space<semaphore_mem>>) src(%dma_wait3A_203 : memref<128x128xf32, #tpu.memory_space<vmem>>) dst(%dma_wait3A_199 : memref<128x128xf32, #tpu.memory_space<vmem_shared>>)
      tpu.yield
    }) : () -> ()
    %barrier3A = arith.constant 0 : index
    tpu.barrier barrier_id(%barrier3A)
    %add3A_39 = arith.constant 0 : i32
    %add3A_40 = arith.addi %select_n3A_8, %add3A_39 : i32
    %dma_start3A = arith.constant 0 : i32
    %dma_start3A_41 = arith.constant 0 : i32
    %dma_start3A_42 = arith.constant 0 : i32
    %dma_start3A_43 = tpu.memref_slice %arg5[%dma_start3A, %dma_start3A_41, %dma_start3A_42] : memref<2x2x128xi32, #tpu.memory_space<vmem>> -> memref<1x2x128xi32, #tpu.memory_space<vmem>>
    %dma_start3A_44 = tpu.memref_squeeze %dma_start3A_43 : memref<1x2x128xi32, #tpu.memory_space<vmem>> -> memref<2x128xi32, #tpu.memory_space<vmem>>
    %dma_start3A_45 = arith.constant 0 : i32
    %dma_start3A_46 = arith.constant 0 : i32
    %dma_start3A_47 = tpu.memref_slice %arg2[%add3A_40, %dma_start3A_45, %dma_start3A_46] : memref<2560x2x128xi32, #tpu.memory_space<hbm>> -> memref<1x2x128xi32, #tpu.memory_space<hbm>>
    %dma_start3A_48 = tpu.memref_squeeze %dma_start3A_47 : memref<1x2x128xi32, #tpu.memory_space<hbm>> -> memref<2x128xi32, #tpu.memory_space<hbm>>
    %dma_start3A_49 = arith.constant 0 : i32
    %dma_start3A_50 = arith.constant 0 : i32
    %dma_start3A_51 = tpu.memref_slice %arg5[%dma_start3A, %dma_start3A_49, %dma_start3A_50] : memref<2x2x128xi32, #tpu.memory_space<vmem>> -> memref<1x2x128xi32, #tpu.memory_space<vmem>>
    %dma_start3A_52 = tpu.memref_squeeze %dma_start3A_51 : memref<1x2x128xi32, #tpu.memory_space<vmem>> -> memref<2x128xi32, #tpu.memory_space<vmem>>
    %dma_start3A_53 = arith.constant 0 : i32
    %dma_start3A_54 = arith.constant 0 : i32
    %dma_start3A_55 = tpu.memref_slice %arg2[%add3A_40, %dma_start3A_53, %dma_start3A_54] : memref<2560x2x128xi32, #tpu.memory_space<hbm>> -> memref<1x2x128xi32, #tpu.memory_space<hbm>>
    %dma_start3A_56 = tpu.memref_squeeze %dma_start3A_55 : memref<1x2x128xi32, #tpu.memory_space<hbm>> -> memref<2x128xi32, #tpu.memory_space<hbm>>
    tpu.enqueue_dma source(%dma_start3A_56 : memref<2x128xi32, #tpu.memory_space<hbm>>) target(%dma_start3A_52 : memref<2x128xi32, #tpu.memory_space<vmem>>) target_semaphore(%arg8 : memref<!tpu.dma_semaphore, #tpu.memory_space<semaphore_mem>>)
    %add3A_57 = arith.constant 1 : i32
    %add3A_58 = arith.addi %select_n3A_8, %add3A_57 : i32
    %dma_start3A_59 = arith.constant 1 : i32
    %dma_start3A_60 = arith.constant 0 : i32
    %dma_start3A_61 = arith.constant 0 : i32
    %dma_start3A_62 = tpu.memref_slice %arg5[%dma_start3A_59, %dma_start3A_60, %dma_start3A_61] : memref<2x2x128xi32, #tpu.memory_space<vmem>> -> memref<1x2x128xi32, #tpu.memory_space<vmem>>
    %dma_start3A_63 = tpu.memref_squeeze %dma_start3A_62 : memref<1x2x128xi32, #tpu.memory_space<vmem>> -> memref<2x128xi32, #tpu.memory_space<vmem>>
    %dma_start3A_64 = arith.constant 0 : i32
    %dma_start3A_65 = arith.constant 0 : i32
    %dma_start3A_66 = tpu.memref_slice %arg2[%add3A_58, %dma_start3A_64, %dma_start3A_65] : memref<2560x2x128xi32, #tpu.memory_space<hbm>> -> memref<1x2x128xi32, #tpu.memory_space<hbm>>
    %dma_start3A_67 = tpu.memref_squeeze %dma_start3A_66 : memref<1x2x128xi32, #tpu.memory_space<hbm>> -> memref<2x128xi32, #tpu.memory_space<hbm>>
    %dma_start3A_68 = arith.constant 0 : i32
    %dma_start3A_69 = arith.constant 0 : i32
    %dma_start3A_70 = tpu.memref_slice %arg5[%dma_start3A_59, %dma_start3A_68, %dma_start3A_69] : memref<2x2x128xi32, #tpu.memory_space<vmem>> -> memref<1x2x128xi32, #tpu.memory_space<vmem>>
    %dma_start3A_71 = tpu.memref_squeeze %dma_start3A_70 : memref<1x2x128xi32, #tpu.memory_space<vmem>> -> memref<2x128xi32, #tpu.memory_space<vmem>>
    %dma_start3A_72 = arith.constant 0 : i32
    %dma_start3A_73 = arith.constant 0 : i32
    %dma_start3A_74 = tpu.memref_slice %arg2[%add3A_58, %dma_start3A_72, %dma_start3A_73] : memref<2560x2x128xi32, #tpu.memory_space<hbm>> -> memref<1x2x128xi32, #tpu.memory_space<hbm>>
    %dma_start3A_75 = tpu.memref_squeeze %dma_start3A_74 : memref<1x2x128xi32, #tpu.memory_space<hbm>> -> memref<2x128xi32, #tpu.memory_space<hbm>>
    tpu.enqueue_dma source(%dma_start3A_75 : memref<2x128xi32, #tpu.memory_space<hbm>>) target(%dma_start3A_71 : memref<2x128xi32, #tpu.memory_space<vmem>>) target_semaphore(%arg9 : memref<!tpu.dma_semaphore, #tpu.memory_space<semaphore_mem>>)
    %dma_wait3A = arith.constant 0 : i32
    %dma_wait3A_76 = arith.constant 0 : i32
    %dma_wait3A_77 = arith.constant 0 : i32
    %dma_wait3A_78 = arith.constant 0 : i32
    %dma_wait3A_79 = tpu.memref_slice %arg5[%dma_wait3A_76, %dma_wait3A_77, %dma_wait3A_78] : memref<2x2x128xi32, #tpu.memory_space<vmem>> -> memref<1x2x128xi32, #tpu.memory_space<vmem>>
    %dma_wait3A_80 = tpu.memref_squeeze %dma_wait3A_79 : memref<1x2x128xi32, #tpu.memory_space<vmem>> -> memref<2x128xi32, #tpu.memory_space<vmem>>
    %dma_wait3A_81 = arith.constant 0 : i32
    %dma_wait3A_82 = arith.constant 0 : i32
    %dma_wait3A_83 = tpu.memref_slice %arg2[%dma_wait3A, %dma_wait3A_81, %dma_wait3A_82] : memref<2560x2x128xi32, #tpu.memory_space<hbm>> -> memref<1x2x128xi32, #tpu.memory_space<hbm>>
    %dma_wait3A_84 = tpu.memref_squeeze %dma_wait3A_83 : memref<1x2x128xi32, #tpu.memory_space<hbm>> -> memref<2x128xi32, #tpu.memory_space<hbm>>
    %dma_wait3A_85 = arith.constant 0 : i32
    %dma_wait3A_86 = arith.constant 0 : i32
    %dma_wait3A_87 = tpu.memref_slice %arg5[%dma_wait3A_76, %dma_wait3A_85, %dma_wait3A_86] : memref<2x2x128xi32, #tpu.memory_space<vmem>> -> memref<1x2x128xi32, #tpu.memory_space<vmem>>
    %dma_wait3A_88 = tpu.memref_squeeze %dma_wait3A_87 : memref<1x2x128xi32, #tpu.memory_space<vmem>> -> memref<2x128xi32, #tpu.memory_space<vmem>>
    %dma_wait3A_89 = arith.constant 0 : i32
    %dma_wait3A_90 = arith.constant 0 : i32
    %dma_wait3A_91 = tpu.memref_slice %arg2[%dma_wait3A, %dma_wait3A_89, %dma_wait3A_90] : memref<2560x2x128xi32, #tpu.memory_space<hbm>> -> memref<1x2x128xi32, #tpu.memory_space<hbm>>
    %dma_wait3A_92 = tpu.memref_squeeze %dma_wait3A_91 : memref<1x2x128xi32, #tpu.memory_space<hbm>> -> memref<2x128xi32, #tpu.memory_space<hbm>>
    tpu.wait_dma2 semaphore(%arg8 : memref<!tpu.dma_semaphore, #tpu.memory_space<semaphore_mem>>) src(%dma_wait3A_92 : memref<2x128xi32, #tpu.memory_space<hbm>>) dst(%dma_wait3A_88 : memref<2x128xi32, #tpu.memory_space<vmem>>)
    %dma_start3A_93 = arith.constant 0 : i32
    %dma_start3A_94 = arith.constant 0 : i32
    %dma_start3A_95 = arith.constant 0 : i32
    %dma_start3A_96 = arith.constant 0 : i32
    %dma_start3A_97 = arith.constant 0 : i32
    %dma_start3A_98 = tpu.memref_slice %arg6[%dma_start3A_95, %dma_start3A_96, %dma_start3A_97] : memref<2x128x128xf32, #tpu.memory_space<vmem>> -> memref<1x128x128xf32, #tpu.memory_space<vmem>>
    %dma_start3A_99 = tpu.memref_squeeze %dma_start3A_98 : memref<1x128x128xf32, #tpu.memory_space<vmem>> -> memref<128x128xf32, #tpu.memory_space<vmem>>
    %dma_start3A_100 = arith.constant 0 : i32
    %dma_start3A_101 = tpu.memref_slice %arg5[%dma_start3A_93, %dma_start3A_94, %dma_start3A_100] : memref<2x2x128xi32, #tpu.memory_space<vmem>> -> memref<1x1x128xi32, #tpu.memory_space<vmem>>
    %dma_start3A_102 = tpu.memref_squeeze %dma_start3A_101 : memref<1x1x128xi32, #tpu.memory_space<vmem>> -> memref<128xi32, #tpu.memory_space<vmem>>
    %dma_start3A_103 = arith.constant 0 : i32
    %dma_start3A_104 = arith.constant 0 : i32
    %dma_start3A_105 = tpu.memref_slice %arg3[%dma_start3A_103, %dma_start3A_104] : memref<10240x128xf32, #tpu.memory_space<hbm>> -> memref<10240x128xf32, #tpu.memory_space<hbm>>
    tpu.enqueue_indirect_dma source(%dma_start3A_105 : memref<10240x128xf32, #tpu.memory_space<hbm>>) target(%dma_start3A_99 : memref<128x128xf32, #tpu.memory_space<vmem>>) offsets(%dma_start3A_102 : memref<128xi32, #tpu.memory_space<vmem>>) semaphore(%arg10 : memref<!tpu.dma_semaphore, #tpu.memory_space<semaphore_mem>>)
    %jit3A_106 = arith.constant 2 : i32
    %div3A = arith.divsi %select_n3A, %jit3A_106 : i32
    %sign3A = arith.constant 0 : i32
    %sign3A_107 = arith.cmpi sgt, %select_n3A, %sign3A : i32
    %sign3A_108 = arith.extui %sign3A_107 : i1 to i32
    %sign3A_109 = arith.constant 0 : i32
    %sign3A_110 = arith.cmpi slt, %select_n3A, %sign3A_109 : i32
    %sign3A_111 = arith.extui %sign3A_110 : i1 to i32
    %sign3A_112 = arith.subi %sign3A_108, %sign3A_111 : i32
    %sign3A_113 = arith.constant 0 : i32
    %sign3A_114 = arith.cmpi sgt, %jit3A_106, %sign3A_113 : i32
    %sign3A_115 = arith.extui %sign3A_114 : i1 to i32
    %sign3A_116 = arith.constant 0 : i32
    %sign3A_117 = arith.cmpi slt, %jit3A_106, %sign3A_116 : i32
    %sign3A_118 = arith.extui %sign3A_117 : i1 to i32
    %sign3A_119 = arith.subi %sign3A_115, %sign3A_118 : i32
    %ne3A = arith.cmpi ne, %sign3A_112, %sign3A_119 : i32
    %rem3A = arith.remsi %select_n3A, %jit3A_106 : i32
    %ne3A_120 = arith.constant 0 : i32
    %ne3A_121 = arith.cmpi ne, %rem3A, %ne3A_120 : i32
    %and3A = arith.andi %ne3A, %ne3A_121 : i1
    %sub3A = arith.constant 1 : i32
    %sub3A_122 = arith.subi %div3A, %sub3A : i32
    %select_n3A_123 = arith.select %and3A, %sub3A_122, %div3A : i32
    %while3A = arith.constant 0 : i32
    %while3A_124 = arith.constant 0 : i32
    %while3A_125 = arith.subi %select_n3A_123, %while3A_124 : i32
    %while3A_126 = arith.addi %while3A_124, %while3A_125 : i32
    %while3A_127 = arith.constant 1 : i32
    %while3A_128 = arith.divsi %while3A_125, %while3A_127 : i32
    %while3A_129 = arith.muli %while3A_128, %while3A_127 : i32
    %while3A_130 = arith.addi %while3A_124, %while3A_129 : i32
    %while3A_131 = arith.constant 1 : i32
    scf.for %while3A_179 = %while3A_124 to %while3A_130 step %while3A_131  : i32 {
      %mul3A_180 = arith.constant 2 : i32
      %mul3A_181 = arith.muli %while3A_179, %mul3A_180 : i32
      %add3A_182 = arith.constant 0 : i32
      %add3A_183 = arith.addi %mul3A_181, %add3A_182 : i32
      %dma_wait3A_184 = arith.constant 0 : i32
      %dma_wait3A_185 = arith.constant 0 : i32
      %dma_wait3A_186 = arith.constant 0 : i32
      %dma_wait3A_187 = tpu.memref_slice %arg6[%dma_wait3A_184, %dma_wait3A_185, %dma_wait3A_186] : memref<2x128x128xf32, #tpu.memory_space<vmem>> -> memref<1x128x128xf32, #tpu.memory_space<vmem>>
      %dma_wait3A_188 = tpu.memref_squeeze %dma_wait3A_187 : memref<1x128x128xf32, #tpu.memory_space<vmem>> -> memref<128x128xf32, #tpu.memory_space<vmem>>
      %dma_wait3A_189 = arith.constant 0 : i32
      %dma_wait3A_190 = arith.constant 0 : i32
      %dma_wait3A_191 = tpu.memref_slice %arg3[%dma_wait3A_189, %dma_wait3A_190] : memref<10240x128xf32, #tpu.memory_space<hbm>> -> memref<128x128xf32, #tpu.memory_space<hbm>>
      %dma_wait3A_192 = arith.constant 0 : i32
      %dma_wait3A_193 = arith.constant 0 : i32
      %dma_wait3A_194 = tpu.memref_slice %arg6[%dma_wait3A_184, %dma_wait3A_192, %dma_wait3A_193] : memref<2x128x128xf32, #tpu.memory_space<vmem>> -> memref<1x128x128xf32, #tpu.memory_space<vmem>>
      %dma_wait3A_195 = tpu.memref_squeeze %dma_wait3A_194 : memref<1x128x128xf32, #tpu.memory_space<vmem>> -> memref<128x128xf32, #tpu.memory_space<vmem>>
      %dma_wait3A_196 = arith.constant 0 : i32
      %dma_wait3A_197 = arith.constant 0 : i32
      %dma_wait3A_198 = tpu.memref_slice %arg3[%dma_wait3A_196, %dma_wait3A_197] : memref<10240x128xf32, #tpu.memory_space<hbm>> -> memref<128x128xf32, #tpu.memory_space<hbm>>
      tpu.wait_dma2 semaphore(%arg10 : memref<!tpu.dma_semaphore, #tpu.memory_space<semaphore_mem>>) src(%dma_wait3A_198 : memref<128x128xf32, #tpu.memory_space<hbm>>) dst(%dma_wait3A_195 : memref<128x128xf32, #tpu.memory_space<vmem>>)
      %add3A_199 = arith.constant 1 : i32
      %add3A_200 = arith.addi %add3A_183, %add3A_199 : i32
      %lt3A = arith.cmpi slt, %add3A_200, %select_n3A : i32
      %convert_element_type3A = arith.extui %lt3A : i1 to i32
      %cond3A = arith.constant 0 : i32
      %cond3A_201 = arith.cmpi ne, %convert_element_type3A, %cond3A : i32
      scf.if %cond3A_201 {
        %dma_wait3A_245 = arith.constant 0 : i32
        %dma_wait3A_246 = arith.constant 1 : i32
        %dma_wait3A_247 = arith.constant 0 : i32
        %dma_wait3A_248 = arith.constant 0 : i32
        %dma_wait3A_249 = tpu.memref_slice %arg5[%dma_wait3A_246, %dma_wait3A_247, %dma_wait3A_248] : memref<2x2x128xi32, #tpu.memory_space<vmem>> -> memref<1x2x128xi32, #tpu.memory_space<vmem>>
        %dma_wait3A_250 = tpu.memref_squeeze %dma_wait3A_249 : memref<1x2x128xi32, #tpu.memory_space<vmem>> -> memref<2x128xi32, #tpu.memory_space<vmem>>
        %dma_wait3A_251 = arith.constant 0 : i32
        %dma_wait3A_252 = arith.constant 0 : i32
        %dma_wait3A_253 = tpu.memref_slice %arg2[%dma_wait3A_245, %dma_wait3A_251, %dma_wait3A_252] : memref<2560x2x128xi32, #tpu.memory_space<hbm>> -> memref<1x2x128xi32, #tpu.memory_space<hbm>>
        %dma_wait3A_254 = tpu.memref_squeeze %dma_wait3A_253 : memref<1x2x128xi32, #tpu.memory_space<hbm>> -> memref<2x128xi32, #tpu.memory_space<hbm>>
        %dma_wait3A_255 = arith.constant 0 : i32
        %dma_wait3A_256 = arith.constant 0 : i32
        %dma_wait3A_257 = tpu.memref_slice %arg5[%dma_wait3A_246, %dma_wait3A_255, %dma_wait3A_256] : memref<2x2x128xi32, #tpu.memory_space<vmem>> -> memref<1x2x128xi32, #tpu.memory_space<vmem>>
        %dma_wait3A_258 = tpu.memref_squeeze %dma_wait3A_257 : memref<1x2x128xi32, #tpu.memory_space<vmem>> -> memref<2x128xi32, #tpu.memory_space<vmem>>
        %dma_wait3A_259 = arith.constant 0 : i32
        %dma_wait3A_260 = arith.constant 0 : i32
        %dma_wait3A_261 = tpu.memref_slice %arg2[%dma_wait3A_245, %dma_wait3A_259, %dma_wait3A_260] : memref<2560x2x128xi32, #tpu.memory_space<hbm>> -> memref<1x2x128xi32, #tpu.memory_space<hbm>>
        %dma_wait3A_262 = tpu.memref_squeeze %dma_wait3A_261 : memref<1x2x128xi32, #tpu.memory_space<hbm>> -> memref<2x128xi32, #tpu.memory_space<hbm>>
        tpu.wait_dma2 semaphore(%arg9 : memref<!tpu.dma_semaphore, #tpu.memory_space<semaphore_mem>>) src(%dma_wait3A_262 : memref<2x128xi32, #tpu.memory_space<hbm>>) dst(%dma_wait3A_258 : memref<2x128xi32, #tpu.memory_space<vmem>>)
        %dma_start3A_263 = arith.constant 1 : i32
        %dma_start3A_264 = arith.constant 0 : i32
        %dma_start3A_265 = arith.constant 1 : i32
        %dma_start3A_266 = arith.constant 0 : i32
        %dma_start3A_267 = arith.constant 0 : i32
        %dma_start3A_268 = tpu.memref_slice %arg6[%dma_start3A_265, %dma_start3A_266, %dma_start3A_267] : memref<2x128x128xf32, #tpu.memory_space<vmem>> -> memref<1x128x128xf32, #tpu.memory_space<vmem>>
        %dma_start3A_269 = tpu.memref_squeeze %dma_start3A_268 : memref<1x128x128xf32, #tpu.memory_space<vmem>> -> memref<128x128xf32, #tpu.memory_space<vmem>>
        %dma_start3A_270 = arith.constant 0 : i32
        %dma_start3A_271 = tpu.memref_slice %arg5[%dma_start3A_263, %dma_start3A_264, %dma_start3A_270] : memref<2x2x128xi32, #tpu.memory_space<vmem>> -> memref<1x1x128xi32, #tpu.memory_space<vmem>>
        %dma_start3A_272 = tpu.memref_squeeze %dma_start3A_271 : memref<1x1x128xi32, #tpu.memory_space<vmem>> -> memref<128xi32, #tpu.memory_space<vmem>>
        %dma_start3A_273 = arith.constant 0 : i32
        %dma_start3A_274 = arith.constant 0 : i32
        %dma_start3A_275 = tpu.memref_slice %arg3[%dma_start3A_273, %dma_start3A_274] : memref<10240x128xf32, #tpu.memory_space<hbm>> -> memref<10240x128xf32, #tpu.memory_space<hbm>>
        tpu.enqueue_indirect_dma source(%dma_start3A_275 : memref<10240x128xf32, #tpu.memory_space<hbm>>) target(%dma_start3A_269 : memref<128x128xf32, #tpu.memory_space<vmem>>) offsets(%dma_start3A_272 : memref<128xi32, #tpu.memory_space<vmem>>) semaphore(%arg11 : memref<!tpu.dma_semaphore, #tpu.memory_space<semaphore_mem>>)
      } else {
      }
      %run_scoped3A_202 = arith.constant 0 : i32
      %run_scoped3A_203 = arith.constant 0 : i32
      %run_scoped3A_204 = arith.constant 1 : i32
      "tpu.region"() ({
        %run_scoped3A_245 = tpu.sem_alloc : memref<!tpu.dma_semaphore, #tpu.memory_space<semaphore_mem>>
        %dma_start3A_246 = arith.constant 0 : i32
        %dma_start3A_247 = arith.constant 0 : i32
        %dma_start3A_248 = tpu.memref_slice %arg6[%run_scoped3A_202, %dma_start3A_246, %dma_start3A_247] : memref<2x128x128xf32, #tpu.memory_space<vmem>> -> memref<1x128x128xf32, #tpu.memory_space<vmem>>
        %dma_start3A_249 = tpu.memref_squeeze %dma_start3A_248 : memref<1x128x128xf32, #tpu.memory_space<vmem>> -> memref<128x128xf32, #tpu.memory_space<vmem>>
        %dma_start3A_250 = arith.constant 0 : i32
        %dma_start3A_251 = tpu.memref_slice %arg5[%run_scoped3A_203, %run_scoped3A_204, %dma_start3A_250] : memref<2x2x128xi32, #tpu.memory_space<vmem>> -> memref<1x1x128xi32, #tpu.memory_space<vmem>>
        %dma_start3A_252 = tpu.memref_squeeze %dma_start3A_251 : memref<1x1x128xi32, #tpu.memory_space<vmem>> -> memref<128xi32, #tpu.memory_space<vmem>>
        %dma_start3A_253 = arith.constant 0 : i32
        %dma_start3A_254 = arith.constant 0 : i32
        %dma_start3A_255 = tpu.memref_slice %arg7[%dma_start3A_253, %dma_start3A_254] : memref<10240x128xf32, #tpu.memory_space<vmem_shared>> -> memref<10240x128xf32, #tpu.memory_space<vmem_shared>>
        tpu.enqueue_indirect_dma source(%dma_start3A_249 : memref<128x128xf32, #tpu.memory_space<vmem>>) target(%dma_start3A_255 : memref<10240x128xf32, #tpu.memory_space<vmem_shared>>) offsets(%dma_start3A_252 : memref<128xi32, #tpu.memory_space<vmem>>) semaphore(%run_scoped3A_245 : memref<!tpu.dma_semaphore, #tpu.memory_space<semaphore_mem>>) {add = true}
        %dma_wait3A_256 = arith.constant 0 : i32
        %dma_wait3A_257 = arith.constant 0 : i32
        %dma_wait3A_258 = tpu.memref_slice %arg6[%run_scoped3A_202, %dma_wait3A_256, %dma_wait3A_257] : memref<2x128x128xf32, #tpu.memory_space<vmem>> -> memref<1x128x128xf32, #tpu.memory_space<vmem>>
        %dma_wait3A_259 = tpu.memref_squeeze %dma_wait3A_258 : memref<1x128x128xf32, #tpu.memory_space<vmem>> -> memref<128x128xf32, #tpu.memory_space<vmem>>
        %dma_wait3A_260 = arith.constant 0 : i32
        %dma_wait3A_261 = tpu.memref_slice %arg5[%run_scoped3A_203, %run_scoped3A_204, %dma_wait3A_260] : memref<2x2x128xi32, #tpu.memory_space<vmem>> -> memref<1x1x128xi32, #tpu.memory_space<vmem>>
        %dma_wait3A_262 = tpu.memref_squeeze %dma_wait3A_261 : memref<1x1x128xi32, #tpu.memory_space<vmem>> -> memref<128xi32, #tpu.memory_space<vmem>>
        %dma_wait3A_263 = arith.constant 0 : i32
        %dma_wait3A_264 = arith.constant 0 : i32
        %dma_wait3A_265 = tpu.memref_slice %arg7[%dma_wait3A_263, %dma_wait3A_264] : memref<10240x128xf32, #tpu.memory_space<vmem_shared>> -> memref<10240x128xf32, #tpu.memory_space<vmem_shared>>
        tpu.wait_indirect_dma semaphore(%run_scoped3A_245 : memref<!tpu.dma_semaphore, #tpu.memory_space<semaphore_mem>>) src(%dma_wait3A_259 : memref<128x128xf32, #tpu.memory_space<vmem>>) dst(%dma_wait3A_265 : memref<10240x128xf32, #tpu.memory_space<vmem_shared>>)
        tpu.yield
      }) : () -> ()
      %add3A_205 = arith.constant 2 : i32
      %add3A_206 = arith.addi %add3A_183, %add3A_205 : i32
      %lt3A_207 = arith.cmpi slt, %add3A_206, %select_n3A : i32
      %convert_element_type3A_208 = arith.extui %lt3A_207 : i1 to i32
      %cond3A_209 = arith.constant 0 : i32
      %cond3A_210 = arith.cmpi ne, %convert_element_type3A_208, %cond3A_209 : i32
      scf.if %cond3A_210 {
        %add3A_245 = arith.addi %select_n3A_8, %add3A_183 : i32
        %add3A_246 = arith.constant 2 : i32
        %add3A_247 = arith.addi %add3A_245, %add3A_246 : i32
        %dma_start3A_248 = arith.constant 0 : i32
        %dma_start3A_249 = arith.constant 0 : i32
        %dma_start3A_250 = arith.constant 0 : i32
        %dma_start3A_251 = tpu.memref_slice %arg5[%dma_start3A_248, %dma_start3A_249, %dma_start3A_250] : memref<2x2x128xi32, #tpu.memory_space<vmem>> -> memref<1x2x128xi32, #tpu.memory_space<vmem>>
        %dma_start3A_252 = tpu.memref_squeeze %dma_start3A_251 : memref<1x2x128xi32, #tpu.memory_space<vmem>> -> memref<2x128xi32, #tpu.memory_space<vmem>>
        %dma_start3A_253 = arith.constant 0 : i32
        %dma_start3A_254 = arith.constant 0 : i32
        %dma_start3A_255 = tpu.memref_slice %arg2[%add3A_247, %dma_start3A_253, %dma_start3A_254] : memref<2560x2x128xi32, #tpu.memory_space<hbm>> -> memref<1x2x128xi32, #tpu.memory_space<hbm>>
        %dma_start3A_256 = tpu.memref_squeeze %dma_start3A_255 : memref<1x2x128xi32, #tpu.memory_space<hbm>> -> memref<2x128xi32, #tpu.memory_space<hbm>>
        %dma_start3A_257 = arith.constant 0 : i32
        %dma_start3A_258 = arith.constant 0 : i32
        %dma_start3A_259 = tpu.memref_slice %arg5[%dma_start3A_248, %dma_start3A_257, %dma_start3A_258] : memref<2x2x128xi32, #tpu.memory_space<vmem>> -> memref<1x2x128xi32, #tpu.memory_space<vmem>>
        %dma_start3A_260 = tpu.memref_squeeze %dma_start3A_259 : memref<1x2x128xi32, #tpu.memory_space<vmem>> -> memref<2x128xi32, #tpu.memory_space<vmem>>
        %dma_start3A_261 = arith.constant 0 : i32
        %dma_start3A_262 = arith.constant 0 : i32
        %dma_start3A_263 = tpu.memref_slice %arg2[%add3A_247, %dma_start3A_261, %dma_start3A_262] : memref<2560x2x128xi32, #tpu.memory_space<hbm>> -> memref<1x2x128xi32, #tpu.memory_space<hbm>>
        %dma_start3A_264 = tpu.memref_squeeze %dma_start3A_263 : memref<1x2x128xi32, #tpu.memory_space<hbm>> -> memref<2x128xi32, #tpu.memory_space<hbm>>
        tpu.enqueue_dma source(%dma_start3A_264 : memref<2x128xi32, #tpu.memory_space<hbm>>) target(%dma_start3A_260 : memref<2x128xi32, #tpu.memory_space<vmem>>) target_semaphore(%arg8 : memref<!tpu.dma_semaphore, #tpu.memory_space<semaphore_mem>>)
      } else {
      }
      %mul3A_211 = arith.constant 2 : i32
      %mul3A_212 = arith.muli %while3A_179, %mul3A_211 : i32
      %add3A_213 = arith.constant 1 : i32
      %add3A_214 = arith.addi %mul3A_212, %add3A_213 : i32
      %dma_wait3A_215 = arith.constant 1 : i32
      %dma_wait3A_216 = arith.constant 0 : i32
      %dma_wait3A_217 = arith.constant 0 : i32
      %dma_wait3A_218 = tpu.memref_slice %arg6[%dma_wait3A_215, %dma_wait3A_216, %dma_wait3A_217] : memref<2x128x128xf32, #tpu.memory_space<vmem>> -> memref<1x128x128xf32, #tpu.memory_space<vmem>>
      %dma_wait3A_219 = tpu.memref_squeeze %dma_wait3A_218 : memref<1x128x128xf32, #tpu.memory_space<vmem>> -> memref<128x128xf32, #tpu.memory_space<vmem>>
      %dma_wait3A_220 = arith.constant 0 : i32
      %dma_wait3A_221 = arith.constant 0 : i32
      %dma_wait3A_222 = tpu.memref_slice %arg3[%dma_wait3A_220, %dma_wait3A_221] : memref<10240x128xf32, #tpu.memory_space<hbm>> -> memref<128x128xf32, #tpu.memory_space<hbm>>
      %dma_wait3A_223 = arith.constant 0 : i32
      %dma_wait3A_224 = arith.constant 0 : i32
      %dma_wait3A_225 = tpu.memref_slice %arg6[%dma_wait3A_215, %dma_wait3A_223, %dma_wait3A_224] : memref<2x128x128xf32, #tpu.memory_space<vmem>> -> memref<1x128x128xf32, #tpu.memory_space<vmem>>
      %dma_wait3A_226 = tpu.memref_squeeze %dma_wait3A_225 : memref<1x128x128xf32, #tpu.memory_space<vmem>> -> memref<128x128xf32, #tpu.memory_space<vmem>>
      %dma_wait3A_227 = arith.constant 0 : i32
      %dma_wait3A_228 = arith.constant 0 : i32
      %dma_wait3A_229 = tpu.memref_slice %arg3[%dma_wait3A_227, %dma_wait3A_228] : memref<10240x128xf32, #tpu.memory_space<hbm>> -> memref<128x128xf32, #tpu.memory_space<hbm>>
      tpu.wait_dma2 semaphore(%arg11 : memref<!tpu.dma_semaphore, #tpu.memory_space<semaphore_mem>>) src(%dma_wait3A_229 : memref<128x128xf32, #tpu.memory_space<hbm>>) dst(%dma_wait3A_226 : memref<128x128xf32, #tpu.memory_space<vmem>>)
      %add3A_230 = arith.constant 1 : i32
      %add3A_231 = arith.addi %add3A_214, %add3A_230 : i32
      %lt3A_232 = arith.cmpi slt, %add3A_231, %select_n3A : i32
      %convert_element_type3A_233 = arith.extui %lt3A_232 : i1 to i32
      %cond3A_234 = arith.constant 0 : i32
      %cond3A_235 = arith.cmpi ne, %convert_element_type3A_233, %cond3A_234 : i32
      scf.if %cond3A_235 {
        %dma_wait3A_245 = arith.constant 0 : i32
        %dma_wait3A_246 = arith.constant 0 : i32
        %dma_wait3A_247 = arith.constant 0 : i32
        %dma_wait3A_248 = arith.constant 0 : i32
        %dma_wait3A_249 = tpu.memref_slice %arg5[%dma_wait3A_246, %dma_wait3A_247, %dma_wait3A_248] : memref<2x2x128xi32, #tpu.memory_space<vmem>> -> memref<1x2x128xi32, #tpu.memory_space<vmem>>
        %dma_wait3A_250 = tpu.memref_squeeze %dma_wait3A_249 : memref<1x2x128xi32, #tpu.memory_space<vmem>> -> memref<2x128xi32, #tpu.memory_space<vmem>>
        %dma_wait3A_251 = arith.constant 0 : i32
        %dma_wait3A_252 = arith.constant 0 : i32
        %dma_wait3A_253 = tpu.memref_slice %arg2[%dma_wait3A_245, %dma_wait3A_251, %dma_wait3A_252] : memref<2560x2x128xi32, #tpu.memory_space<hbm>> -> memref<1x2x128xi32, #tpu.memory_space<hbm>>
        %dma_wait3A_254 = tpu.memref_squeeze %dma_wait3A_253 : memref<1x2x128xi32, #tpu.memory_space<hbm>> -> memref<2x128xi32, #tpu.memory_space<hbm>>
        %dma_wait3A_255 = arith.constant 0 : i32
        %dma_wait3A_256 = arith.constant 0 : i32
        %dma_wait3A_257 = tpu.memref_slice %arg5[%dma_wait3A_246, %dma_wait3A_255, %dma_wait3A_256] : memref<2x2x128xi32, #tpu.memory_space<vmem>> -> memref<1x2x128xi32, #tpu.memory_space<vmem>>
        %dma_wait3A_258 = tpu.memref_squeeze %dma_wait3A_257 : memref<1x2x128xi32, #tpu.memory_space<vmem>> -> memref<2x128xi32, #tpu.memory_space<vmem>>
        %dma_wait3A_259 = arith.constant 0 : i32
        %dma_wait3A_260 = arith.constant 0 : i32
        %dma_wait3A_261 = tpu.memref_slice %arg2[%dma_wait3A_245, %dma_wait3A_259, %dma_wait3A_260] : memref<2560x2x128xi32, #tpu.memory_space<hbm>> -> memref<1x2x128xi32, #tpu.memory_space<hbm>>
        %dma_wait3A_262 = tpu.memref_squeeze %dma_wait3A_261 : memref<1x2x128xi32, #tpu.memory_space<hbm>> -> memref<2x128xi32, #tpu.memory_space<hbm>>
        tpu.wait_dma2 semaphore(%arg8 : memref<!tpu.dma_semaphore, #tpu.memory_space<semaphore_mem>>) src(%dma_wait3A_262 : memref<2x128xi32, #tpu.memory_space<hbm>>) dst(%dma_wait3A_258 : memref<2x128xi32, #tpu.memory_space<vmem>>)
        %dma_start3A_263 = arith.constant 0 : i32
        %dma_start3A_264 = arith.constant 0 : i32
        %dma_start3A_265 = arith.constant 0 : i32
        %dma_start3A_266 = arith.constant 0 : i32
        %dma_start3A_267 = arith.constant 0 : i32
        %dma_start3A_268 = tpu.memref_slice %arg6[%dma_start3A_265, %dma_start3A_266, %dma_start3A_267] : memref<2x128x128xf32, #tpu.memory_space<vmem>> -> memref<1x128x128xf32, #tpu.memory_space<vmem>>
        %dma_start3A_269 = tpu.memref_squeeze %dma_start3A_268 : memref<1x128x128xf32, #tpu.memory_space<vmem>> -> memref<128x128xf32, #tpu.memory_space<vmem>>
        %dma_start3A_270 = arith.constant 0 : i32
        %dma_start3A_271 = tpu.memref_slice %arg5[%dma_start3A_263, %dma_start3A_264, %dma_start3A_270] : memref<2x2x128xi32, #tpu.memory_space<vmem>> -> memref<1x1x128xi32, #tpu.memory_space<vmem>>
        %dma_start3A_272 = tpu.memref_squeeze %dma_start3A_271 : memref<1x1x128xi32, #tpu.memory_space<vmem>> -> memref<128xi32, #tpu.memory_space<vmem>>
        %dma_start3A_273 = arith.constant 0 : i32
        %dma_start3A_274 = arith.constant 0 : i32
        %dma_start3A_275 = tpu.memref_slice %arg3[%dma_start3A_273, %dma_start3A_274] : memref<10240x128xf32, #tpu.memory_space<hbm>> -> memref<10240x128xf32, #tpu.memory_space<hbm>>
        tpu.enqueue_indirect_dma source(%dma_start3A_275 : memref<10240x128xf32, #tpu.memory_space<hbm>>) target(%dma_start3A_269 : memref<128x128xf32, #tpu.memory_space<vmem>>) offsets(%dma_start3A_272 : memref<128xi32, #tpu.memory_space<vmem>>) semaphore(%arg10 : memref<!tpu.dma_semaphore, #tpu.memory_space<semaphore_mem>>)
      } else {
      }
      %run_scoped3A_236 = arith.constant 1 : i32
      %run_scoped3A_237 = arith.constant 1 : i32
      %run_scoped3A_238 = arith.constant 1 : i32
      "tpu.region"() ({
        %run_scoped3A_245 = tpu.sem_alloc : memref<!tpu.dma_semaphore, #tpu.memory_space<semaphore_mem>>
        %dma_start3A_246 = arith.constant 0 : i32
        %dma_start3A_247 = arith.constant 0 : i32
        %dma_start3A_248 = tpu.memref_slice %arg6[%run_scoped3A_236, %dma_start3A_246, %dma_start3A_247] : memref<2x128x128xf32, #tpu.memory_space<vmem>> -> memref<1x128x128xf32, #tpu.memory_space<vmem>>
        %dma_start3A_249 = tpu.memref_squeeze %dma_start3A_248 : memref<1x128x128xf32, #tpu.memory_space<vmem>> -> memref<128x128xf32, #tpu.memory_space<vmem>>
        %dma_start3A_250 = arith.constant 0 : i32
        %dma_start3A_251 = tpu.memref_slice %arg5[%run_scoped3A_237, %run_scoped3A_238, %dma_start3A_250] : memref<2x2x128xi32, #tpu.memory_space<vmem>> -> memref<1x1x128xi32, #tpu.memory_space<vmem>>
        %dma_start3A_252 = tpu.memref_squeeze %dma_start3A_251 : memref<1x1x128xi32, #tpu.memory_space<vmem>> -> memref<128xi32, #tpu.memory_space<vmem>>
        %dma_start3A_253 = arith.constant 0 : i32
        %dma_start3A_254 = arith.constant 0 : i32
        %dma_start3A_255 = tpu.memref_slice %arg7[%dma_start3A_253, %dma_start3A_254] : memref<10240x128xf32, #tpu.memory_space<vmem_shared>> -> memref<10240x128xf32, #tpu.memory_space<vmem_shared>>
        tpu.enqueue_indirect_dma source(%dma_start3A_249 : memref<128x128xf32, #tpu.memory_space<vmem>>) target(%dma_start3A_255 : memref<10240x128xf32, #tpu.memory_space<vmem_shared>>) offsets(%dma_start3A_252 : memref<128xi32, #tpu.memory_space<vmem>>) semaphore(%run_scoped3A_245 : memref<!tpu.dma_semaphore, #tpu.memory_space<semaphore_mem>>) {add = true}
        %dma_wait3A_256 = arith.constant 0 : i32
        %dma_wait3A_257 = arith.constant 0 : i32
        %dma_wait3A_258 = tpu.memref_slice %arg6[%run_scoped3A_236, %dma_wait3A_256, %dma_wait3A_257] : memref<2x128x128xf32, #tpu.memory_space<vmem>> -> memref<1x128x128xf32, #tpu.memory_space<vmem>>
        %dma_wait3A_259 = tpu.memref_squeeze %dma_wait3A_258 : memref<1x128x128xf32, #tpu.memory_space<vmem>> -> memref<128x128xf32, #tpu.memory_space<vmem>>
        %dma_wait3A_260 = arith.constant 0 : i32
        %dma_wait3A_261 = tpu.memref_slice %arg5[%run_scoped3A_237, %run_scoped3A_238, %dma_wait3A_260] : memref<2x2x128xi32, #tpu.memory_space<vmem>> -> memref<1x1x128xi32, #tpu.memory_space<vmem>>
        %dma_wait3A_262 = tpu.memref_squeeze %dma_wait3A_261 : memref<1x1x128xi32, #tpu.memory_space<vmem>> -> memref<128xi32, #tpu.memory_space<vmem>>
        %dma_wait3A_263 = arith.constant 0 : i32
        %dma_wait3A_264 = arith.constant 0 : i32
        %dma_wait3A_265 = tpu.memref_slice %arg7[%dma_wait3A_263, %dma_wait3A_264] : memref<10240x128xf32, #tpu.memory_space<vmem_shared>> -> memref<10240x128xf32, #tpu.memory_space<vmem_shared>>
        tpu.wait_indirect_dma semaphore(%run_scoped3A_245 : memref<!tpu.dma_semaphore, #tpu.memory_space<semaphore_mem>>) src(%dma_wait3A_259 : memref<128x128xf32, #tpu.memory_space<vmem>>) dst(%dma_wait3A_265 : memref<10240x128xf32, #tpu.memory_space<vmem_shared>>)
        tpu.yield
      }) : () -> ()
      %add3A_239 = arith.constant 2 : i32
      %add3A_240 = arith.addi %add3A_214, %add3A_239 : i32
      %lt3A_241 = arith.cmpi slt, %add3A_240, %select_n3A : i32
      %convert_element_type3A_242 = arith.extui %lt3A_241 : i1 to i32
      %cond3A_243 = arith.constant 0 : i32
      %cond3A_244 = arith.cmpi ne, %convert_element_type3A_242, %cond3A_243 : i32
      scf.if %cond3A_244 {
        %add3A_245 = arith.addi %select_n3A_8, %add3A_214 : i32
        %add3A_246 = arith.constant 2 : i32
        %add3A_247 = arith.addi %add3A_245, %add3A_246 : i32
        %dma_start3A_248 = arith.constant 1 : i32
        %dma_start3A_249 = arith.constant 0 : i32
        %dma_start3A_250 = arith.constant 0 : i32
        %dma_start3A_251 = tpu.memref_slice %arg5[%dma_start3A_248, %dma_start3A_249, %dma_start3A_250] : memref<2x2x128xi32, #tpu.memory_space<vmem>> -> memref<1x2x128xi32, #tpu.memory_space<vmem>>
        %dma_start3A_252 = tpu.memref_squeeze %dma_start3A_251 : memref<1x2x128xi32, #tpu.memory_space<vmem>> -> memref<2x128xi32, #tpu.memory_space<vmem>>
        %dma_start3A_253 = arith.constant 0 : i32
        %dma_start3A_254 = arith.constant 0 : i32
        %dma_start3A_255 = tpu.memref_slice %arg2[%add3A_247, %dma_start3A_253, %dma_start3A_254] : memref<2560x2x128xi32, #tpu.memory_space<hbm>> -> memref<1x2x128xi32, #tpu.memory_space<hbm>>
        %dma_start3A_256 = tpu.memref_squeeze %dma_start3A_255 : memref<1x2x128xi32, #tpu.memory_space<hbm>> -> memref<2x128xi32, #tpu.memory_space<hbm>>
        %dma_start3A_257 = arith.constant 0 : i32
        %dma_start3A_258 = arith.constant 0 : i32
        %dma_start3A_259 = tpu.memref_slice %arg5[%dma_start3A_248, %dma_start3A_257, %dma_start3A_258] : memref<2x2x128xi32, #tpu.memory_space<vmem>> -> memref<1x2x128xi32, #tpu.memory_space<vmem>>
        %dma_start3A_260 = tpu.memref_squeeze %dma_start3A_259 : memref<1x2x128xi32, #tpu.memory_space<vmem>> -> memref<2x128xi32, #tpu.memory_space<vmem>>
        %dma_start3A_261 = arith.constant 0 : i32
        %dma_start3A_262 = arith.constant 0 : i32
        %dma_start3A_263 = tpu.memref_slice %arg2[%add3A_247, %dma_start3A_261, %dma_start3A_262] : memref<2560x2x128xi32, #tpu.memory_space<hbm>> -> memref<1x2x128xi32, #tpu.memory_space<hbm>>
        %dma_start3A_264 = tpu.memref_squeeze %dma_start3A_263 : memref<1x2x128xi32, #tpu.memory_space<hbm>> -> memref<2x128xi32, #tpu.memory_space<hbm>>
        tpu.enqueue_dma source(%dma_start3A_264 : memref<2x128xi32, #tpu.memory_space<hbm>>) target(%dma_start3A_260 : memref<2x128xi32, #tpu.memory_space<vmem>>) target_semaphore(%arg9 : memref<!tpu.dma_semaphore, #tpu.memory_space<semaphore_mem>>)
      } else {
      }
    }
    %while3A_132 = arith.constant 1 : i32
    scf.for %while3A_179 = %while3A_130 to %while3A_126 step %while3A_132  : i32 {
      %mul3A_180 = arith.constant 2 : i32
      %mul3A_181 = arith.muli %while3A_179, %mul3A_180 : i32
      %add3A_182 = arith.constant 0 : i32
      %add3A_183 = arith.addi %mul3A_181, %add3A_182 : i32
      %dma_wait3A_184 = arith.constant 0 : i32
      %dma_wait3A_185 = arith.constant 0 : i32
      %dma_wait3A_186 = arith.constant 0 : i32
      %dma_wait3A_187 = tpu.memref_slice %arg6[%dma_wait3A_184, %dma_wait3A_185, %dma_wait3A_186] : memref<2x128x128xf32, #tpu.memory_space<vmem>> -> memref<1x128x128xf32, #tpu.memory_space<vmem>>
      %dma_wait3A_188 = tpu.memref_squeeze %dma_wait3A_187 : memref<1x128x128xf32, #tpu.memory_space<vmem>> -> memref<128x128xf32, #tpu.memory_space<vmem>>
      %dma_wait3A_189 = arith.constant 0 : i32
      %dma_wait3A_190 = arith.constant 0 : i32
      %dma_wait3A_191 = tpu.memref_slice %arg3[%dma_wait3A_189, %dma_wait3A_190] : memref<10240x128xf32, #tpu.memory_space<hbm>> -> memref<128x128xf32, #tpu.memory_space<hbm>>
      %dma_wait3A_192 = arith.constant 0 : i32
      %dma_wait3A_193 = arith.constant 0 : i32
      %dma_wait3A_194 = tpu.memref_slice %arg6[%dma_wait3A_184, %dma_wait3A_192, %dma_wait3A_193] : memref<2x128x128xf32, #tpu.memory_space<vmem>> -> memref<1x128x128xf32, #tpu.memory_space<vmem>>
      %dma_wait3A_195 = tpu.memref_squeeze %dma_wait3A_194 : memref<1x128x128xf32, #tpu.memory_space<vmem>> -> memref<128x128xf32, #tpu.memory_space<vmem>>
      %dma_wait3A_196 = arith.constant 0 : i32
      %dma_wait3A_197 = arith.constant 0 : i32
      %dma_wait3A_198 = tpu.memref_slice %arg3[%dma_wait3A_196, %dma_wait3A_197] : memref<10240x128xf32, #tpu.memory_space<hbm>> -> memref<128x128xf32, #tpu.memory_space<hbm>>
      tpu.wait_dma2 semaphore(%arg10 : memref<!tpu.dma_semaphore, #tpu.memory_space<semaphore_mem>>) src(%dma_wait3A_198 : memref<128x128xf32, #tpu.memory_space<hbm>>) dst(%dma_wait3A_195 : memref<128x128xf32, #tpu.memory_space<vmem>>)
      %add3A_199 = arith.constant 1 : i32
      %add3A_200 = arith.addi %add3A_183, %add3A_199 : i32
      %lt3A = arith.cmpi slt, %add3A_200, %select_n3A : i32
      %convert_element_type3A = arith.extui %lt3A : i1 to i32
      %cond3A = arith.constant 0 : i32
      %cond3A_201 = arith.cmpi ne, %convert_element_type3A, %cond3A : i32
      scf.if %cond3A_201 {
        %dma_wait3A_245 = arith.constant 0 : i32
        %dma_wait3A_246 = arith.constant 1 : i32
        %dma_wait3A_247 = arith.constant 0 : i32
        %dma_wait3A_248 = arith.constant 0 : i32
        %dma_wait3A_249 = tpu.memref_slice %arg5[%dma_wait3A_246, %dma_wait3A_247, %dma_wait3A_248] : memref<2x2x128xi32, #tpu.memory_space<vmem>> -> memref<1x2x128xi32, #tpu.memory_space<vmem>>
        %dma_wait3A_250 = tpu.memref_squeeze %dma_wait3A_249 : memref<1x2x128xi32, #tpu.memory_space<vmem>> -> memref<2x128xi32, #tpu.memory_space<vmem>>
        %dma_wait3A_251 = arith.constant 0 : i32
        %dma_wait3A_252 = arith.constant 0 : i32
        %dma_wait3A_253 = tpu.memref_slice %arg2[%dma_wait3A_245, %dma_wait3A_251, %dma_wait3A_252] : memref<2560x2x128xi32, #tpu.memory_space<hbm>> -> memref<1x2x128xi32, #tpu.memory_space<hbm>>
        %dma_wait3A_254 = tpu.memref_squeeze %dma_wait3A_253 : memref<1x2x128xi32, #tpu.memory_space<hbm>> -> memref<2x128xi32, #tpu.memory_space<hbm>>
        %dma_wait3A_255 = arith.constant 0 : i32
        %dma_wait3A_256 = arith.constant 0 : i32
        %dma_wait3A_257 = tpu.memref_slice %arg5[%dma_wait3A_246, %dma_wait3A_255, %dma_wait3A_256] : memref<2x2x128xi32, #tpu.memory_space<vmem>> -> memref<1x2x128xi32, #tpu.memory_space<vmem>>
        %dma_wait3A_258 = tpu.memref_squeeze %dma_wait3A_257 : memref<1x2x128xi32, #tpu.memory_space<vmem>> -> memref<2x128xi32, #tpu.memory_space<vmem>>
        %dma_wait3A_259 = arith.constant 0 : i32
        %dma_wait3A_260 = arith.constant 0 : i32
        %dma_wait3A_261 = tpu.memref_slice %arg2[%dma_wait3A_245, %dma_wait3A_259, %dma_wait3A_260] : memref<2560x2x128xi32, #tpu.memory_space<hbm>> -> memref<1x2x128xi32, #tpu.memory_space<hbm>>
        %dma_wait3A_262 = tpu.memref_squeeze %dma_wait3A_261 : memref<1x2x128xi32, #tpu.memory_space<hbm>> -> memref<2x128xi32, #tpu.memory_space<hbm>>
        tpu.wait_dma2 semaphore(%arg9 : memref<!tpu.dma_semaphore, #tpu.memory_space<semaphore_mem>>) src(%dma_wait3A_262 : memref<2x128xi32, #tpu.memory_space<hbm>>) dst(%dma_wait3A_258 : memref<2x128xi32, #tpu.memory_space<vmem>>)
        %dma_start3A_263 = arith.constant 1 : i32
        %dma_start3A_264 = arith.constant 0 : i32
        %dma_start3A_265 = arith.constant 1 : i32
        %dma_start3A_266 = arith.constant 0 : i32
        %dma_start3A_267 = arith.constant 0 : i32
        %dma_start3A_268 = tpu.memref_slice %arg6[%dma_start3A_265, %dma_start3A_266, %dma_start3A_267] : memref<2x128x128xf32, #tpu.memory_space<vmem>> -> memref<1x128x128xf32, #tpu.memory_space<vmem>>
        %dma_start3A_269 = tpu.memref_squeeze %dma_start3A_268 : memref<1x128x128xf32, #tpu.memory_space<vmem>> -> memref<128x128xf32, #tpu.memory_space<vmem>>
        %dma_start3A_270 = arith.constant 0 : i32
        %dma_start3A_271 = tpu.memref_slice %arg5[%dma_start3A_263, %dma_start3A_264, %dma_start3A_270] : memref<2x2x128xi32, #tpu.memory_space<vmem>> -> memref<1x1x128xi32, #tpu.memory_space<vmem>>
        %dma_start3A_272 = tpu.memref_squeeze %dma_start3A_271 : memref<1x1x128xi32, #tpu.memory_space<vmem>> -> memref<128xi32, #tpu.memory_space<vmem>>
        %dma_start3A_273 = arith.constant 0 : i32
        %dma_start3A_274 = arith.constant 0 : i32
        %dma_start3A_275 = tpu.memref_slice %arg3[%dma_start3A_273, %dma_start3A_274] : memref<10240x128xf32, #tpu.memory_space<hbm>> -> memref<10240x128xf32, #tpu.memory_space<hbm>>
        tpu.enqueue_indirect_dma source(%dma_start3A_275 : memref<10240x128xf32, #tpu.memory_space<hbm>>) target(%dma_start3A_269 : memref<128x128xf32, #tpu.memory_space<vmem>>) offsets(%dma_start3A_272 : memref<128xi32, #tpu.memory_space<vmem>>) semaphore(%arg11 : memref<!tpu.dma_semaphore, #tpu.memory_space<semaphore_mem>>)
      } else {
      }
      %run_scoped3A_202 = arith.constant 0 : i32
      %run_scoped3A_203 = arith.constant 0 : i32
      %run_scoped3A_204 = arith.constant 1 : i32
      "tpu.region"() ({
        %run_scoped3A_245 = tpu.sem_alloc : memref<!tpu.dma_semaphore, #tpu.memory_space<semaphore_mem>>
        %dma_start3A_246 = arith.constant 0 : i32
        %dma_start3A_247 = arith.constant 0 : i32
        %dma_start3A_248 = tpu.memref_slice %arg6[%run_scoped3A_202, %dma_start3A_246, %dma_start3A_247] : memref<2x128x128xf32, #tpu.memory_space<vmem>> -> memref<1x128x128xf32, #tpu.memory_space<vmem>>
        %dma_start3A_249 = tpu.memref_squeeze %dma_start3A_248 : memref<1x128x128xf32, #tpu.memory_space<vmem>> -> memref<128x128xf32, #tpu.memory_space<vmem>>
        %dma_start3A_250 = arith.constant 0 : i32
        %dma_start3A_251 = tpu.memref_slice %arg5[%run_scoped3A_203, %run_scoped3A_204, %dma_start3A_250] : memref<2x2x128xi32, #tpu.memory_space<vmem>> -> memref<1x1x128xi32, #tpu.memory_space<vmem>>
        %dma_start3A_252 = tpu.memref_squeeze %dma_start3A_251 : memref<1x1x128xi32, #tpu.memory_space<vmem>> -> memref<128xi32, #tpu.memory_space<vmem>>
        %dma_start3A_253 = arith.constant 0 : i32
        %dma_start3A_254 = arith.constant 0 : i32
        %dma_start3A_255 = tpu.memref_slice %arg7[%dma_start3A_253, %dma_start3A_254] : memref<10240x128xf32, #tpu.memory_space<vmem_shared>> -> memref<10240x128xf32, #tpu.memory_space<vmem_shared>>
        tpu.enqueue_indirect_dma source(%dma_start3A_249 : memref<128x128xf32, #tpu.memory_space<vmem>>) target(%dma_start3A_255 : memref<10240x128xf32, #tpu.memory_space<vmem_shared>>) offsets(%dma_start3A_252 : memref<128xi32, #tpu.memory_space<vmem>>) semaphore(%run_scoped3A_245 : memref<!tpu.dma_semaphore, #tpu.memory_space<semaphore_mem>>) {add = true}
        %dma_wait3A_256 = arith.constant 0 : i32
        %dma_wait3A_257 = arith.constant 0 : i32
        %dma_wait3A_258 = tpu.memref_slice %arg6[%run_scoped3A_202, %dma_wait3A_256, %dma_wait3A_257] : memref<2x128x128xf32, #tpu.memory_space<vmem>> -> memref<1x128x128xf32, #tpu.memory_space<vmem>>
        %dma_wait3A_259 = tpu.memref_squeeze %dma_wait3A_258 : memref<1x128x128xf32, #tpu.memory_space<vmem>> -> memref<128x128xf32, #tpu.memory_space<vmem>>
        %dma_wait3A_260 = arith.constant 0 : i32
        %dma_wait3A_261 = tpu.memref_slice %arg5[%run_scoped3A_203, %run_scoped3A_204, %dma_wait3A_260] : memref<2x2x128xi32, #tpu.memory_space<vmem>> -> memref<1x1x128xi32, #tpu.memory_space<vmem>>
        %dma_wait3A_262 = tpu.memref_squeeze %dma_wait3A_261 : memref<1x1x128xi32, #tpu.memory_space<vmem>> -> memref<128xi32, #tpu.memory_space<vmem>>
        %dma_wait3A_263 = arith.constant 0 : i32
        %dma_wait3A_264 = arith.constant 0 : i32
        %dma_wait3A_265 = tpu.memref_slice %arg7[%dma_wait3A_263, %dma_wait3A_264] : memref<10240x128xf32, #tpu.memory_space<vmem_shared>> -> memref<10240x128xf32, #tpu.memory_space<vmem_shared>>
        tpu.wait_indirect_dma semaphore(%run_scoped3A_245 : memref<!tpu.dma_semaphore, #tpu.memory_space<semaphore_mem>>) src(%dma_wait3A_259 : memref<128x128xf32, #tpu.memory_space<vmem>>) dst(%dma_wait3A_265 : memref<10240x128xf32, #tpu.memory_space<vmem_shared>>)
        tpu.yield
      }) : () -> ()
      %add3A_205 = arith.constant 2 : i32
      %add3A_206 = arith.addi %add3A_183, %add3A_205 : i32
      %lt3A_207 = arith.cmpi slt, %add3A_206, %select_n3A : i32
      %convert_element_type3A_208 = arith.extui %lt3A_207 : i1 to i32
      %cond3A_209 = arith.constant 0 : i32
      %cond3A_210 = arith.cmpi ne, %convert_element_type3A_208, %cond3A_209 : i32
      scf.if %cond3A_210 {
        %add3A_245 = arith.addi %select_n3A_8, %add3A_183 : i32
        %add3A_246 = arith.constant 2 : i32
        %add3A_247 = arith.addi %add3A_245, %add3A_246 : i32
        %dma_start3A_248 = arith.constant 0 : i32
        %dma_start3A_249 = arith.constant 0 : i32
        %dma_start3A_250 = arith.constant 0 : i32
        %dma_start3A_251 = tpu.memref_slice %arg5[%dma_start3A_248, %dma_start3A_249, %dma_start3A_250] : memref<2x2x128xi32, #tpu.memory_space<vmem>> -> memref<1x2x128xi32, #tpu.memory_space<vmem>>
        %dma_start3A_252 = tpu.memref_squeeze %dma_start3A_251 : memref<1x2x128xi32, #tpu.memory_space<vmem>> -> memref<2x128xi32, #tpu.memory_space<vmem>>
        %dma_start3A_253 = arith.constant 0 : i32
        %dma_start3A_254 = arith.constant 0 : i32
        %dma_start3A_255 = tpu.memref_slice %arg2[%add3A_247, %dma_start3A_253, %dma_start3A_254] : memref<2560x2x128xi32, #tpu.memory_space<hbm>> -> memref<1x2x128xi32, #tpu.memory_space<hbm>>
        %dma_start3A_256 = tpu.memref_squeeze %dma_start3A_255 : memref<1x2x128xi32, #tpu.memory_space<hbm>> -> memref<2x128xi32, #tpu.memory_space<hbm>>
        %dma_start3A_257 = arith.constant 0 : i32
        %dma_start3A_258 = arith.constant 0 : i32
        %dma_start3A_259 = tpu.memref_slice %arg5[%dma_start3A_248, %dma_start3A_257, %dma_start3A_258] : memref<2x2x128xi32, #tpu.memory_space<vmem>> -> memref<1x2x128xi32, #tpu.memory_space<vmem>>
        %dma_start3A_260 = tpu.memref_squeeze %dma_start3A_259 : memref<1x2x128xi32, #tpu.memory_space<vmem>> -> memref<2x128xi32, #tpu.memory_space<vmem>>
        %dma_start3A_261 = arith.constant 0 : i32
        %dma_start3A_262 = arith.constant 0 : i32
        %dma_start3A_263 = tpu.memref_slice %arg2[%add3A_247, %dma_start3A_261, %dma_start3A_262] : memref<2560x2x128xi32, #tpu.memory_space<hbm>> -> memref<1x2x128xi32, #tpu.memory_space<hbm>>
        %dma_start3A_264 = tpu.memref_squeeze %dma_start3A_263 : memref<1x2x128xi32, #tpu.memory_space<hbm>> -> memref<2x128xi32, #tpu.memory_space<hbm>>
        tpu.enqueue_dma source(%dma_start3A_264 : memref<2x128xi32, #tpu.memory_space<hbm>>) target(%dma_start3A_260 : memref<2x128xi32, #tpu.memory_space<vmem>>) target_semaphore(%arg8 : memref<!tpu.dma_semaphore, #tpu.memory_space<semaphore_mem>>)
      } else {
      }
      %mul3A_211 = arith.constant 2 : i32
      %mul3A_212 = arith.muli %while3A_179, %mul3A_211 : i32
      %add3A_213 = arith.constant 1 : i32
      %add3A_214 = arith.addi %mul3A_212, %add3A_213 : i32
      %dma_wait3A_215 = arith.constant 1 : i32
      %dma_wait3A_216 = arith.constant 0 : i32
      %dma_wait3A_217 = arith.constant 0 : i32
      %dma_wait3A_218 = tpu.memref_slice %arg6[%dma_wait3A_215, %dma_wait3A_216, %dma_wait3A_217] : memref<2x128x128xf32, #tpu.memory_space<vmem>> -> memref<1x128x128xf32, #tpu.memory_space<vmem>>
      %dma_wait3A_219 = tpu.memref_squeeze %dma_wait3A_218 : memref<1x128x128xf32, #tpu.memory_space<vmem>> -> memref<128x128xf32, #tpu.memory_space<vmem>>
      %dma_wait3A_220 = arith.constant 0 : i32
      %dma_wait3A_221 = arith.constant 0 : i32
      %dma_wait3A_222 = tpu.memref_slice %arg3[%dma_wait3A_220, %dma_wait3A_221] : memref<10240x128xf32, #tpu.memory_space<hbm>> -> memref<128x128xf32, #tpu.memory_space<hbm>>
      %dma_wait3A_223 = arith.constant 0 : i32
      %dma_wait3A_224 = arith.constant 0 : i32
      %dma_wait3A_225 = tpu.memref_slice %arg6[%dma_wait3A_215, %dma_wait3A_223, %dma_wait3A_224] : memref<2x128x128xf32, #tpu.memory_space<vmem>> -> memref<1x128x128xf32, #tpu.memory_space<vmem>>
      %dma_wait3A_226 = tpu.memref_squeeze %dma_wait3A_225 : memref<1x128x128xf32, #tpu.memory_space<vmem>> -> memref<128x128xf32, #tpu.memory_space<vmem>>
      %dma_wait3A_227 = arith.constant 0 : i32
      %dma_wait3A_228 = arith.constant 0 : i32
      %dma_wait3A_229 = tpu.memref_slice %arg3[%dma_wait3A_227, %dma_wait3A_228] : memref<10240x128xf32, #tpu.memory_space<hbm>> -> memref<128x128xf32, #tpu.memory_space<hbm>>
      tpu.wait_dma2 semaphore(%arg11 : memref<!tpu.dma_semaphore, #tpu.memory_space<semaphore_mem>>) src(%dma_wait3A_229 : memref<128x128xf32, #tpu.memory_space<hbm>>) dst(%dma_wait3A_226 : memref<128x128xf32, #tpu.memory_space<vmem>>)
      %add3A_230 = arith.constant 1 : i32
      %add3A_231 = arith.addi %add3A_214, %add3A_230 : i32
      %lt3A_232 = arith.cmpi slt, %add3A_231, %select_n3A : i32
      %convert_element_type3A_233 = arith.extui %lt3A_232 : i1 to i32
      %cond3A_234 = arith.constant 0 : i32
      %cond3A_235 = arith.cmpi ne, %convert_element_type3A_233, %cond3A_234 : i32
      scf.if %cond3A_235 {
        %dma_wait3A_245 = arith.constant 0 : i32
        %dma_wait3A_246 = arith.constant 0 : i32
        %dma_wait3A_247 = arith.constant 0 : i32
        %dma_wait3A_248 = arith.constant 0 : i32
        %dma_wait3A_249 = tpu.memref_slice %arg5[%dma_wait3A_246, %dma_wait3A_247, %dma_wait3A_248] : memref<2x2x128xi32, #tpu.memory_space<vmem>> -> memref<1x2x128xi32, #tpu.memory_space<vmem>>
        %dma_wait3A_250 = tpu.memref_squeeze %dma_wait3A_249 : memref<1x2x128xi32, #tpu.memory_space<vmem>> -> memref<2x128xi32, #tpu.memory_space<vmem>>
        %dma_wait3A_251 = arith.constant 0 : i32
        %dma_wait3A_252 = arith.constant 0 : i32
        %dma_wait3A_253 = tpu.memref_slice %arg2[%dma_wait3A_245, %dma_wait3A_251, %dma_wait3A_252] : memref<2560x2x128xi32, #tpu.memory_space<hbm>> -> memref<1x2x128xi32, #tpu.memory_space<hbm>>
        %dma_wait3A_254 = tpu.memref_squeeze %dma_wait3A_253 : memref<1x2x128xi32, #tpu.memory_space<hbm>> -> memref<2x128xi32, #tpu.memory_space<hbm>>
        %dma_wait3A_255 = arith.constant 0 : i32
        %dma_wait3A_256 = arith.constant 0 : i32
        %dma_wait3A_257 = tpu.memref_slice %arg5[%dma_wait3A_246, %dma_wait3A_255, %dma_wait3A_256] : memref<2x2x128xi32, #tpu.memory_space<vmem>> -> memref<1x2x128xi32, #tpu.memory_space<vmem>>
        %dma_wait3A_258 = tpu.memref_squeeze %dma_wait3A_257 : memref<1x2x128xi32, #tpu.memory_space<vmem>> -> memref<2x128xi32, #tpu.memory_space<vmem>>
        %dma_wait3A_259 = arith.constant 0 : i32
        %dma_wait3A_260 = arith.constant 0 : i32
        %dma_wait3A_261 = tpu.memref_slice %arg2[%dma_wait3A_245, %dma_wait3A_259, %dma_wait3A_260] : memref<2560x2x128xi32, #tpu.memory_space<hbm>> -> memref<1x2x128xi32, #tpu.memory_space<hbm>>
        %dma_wait3A_262 = tpu.memref_squeeze %dma_wait3A_261 : memref<1x2x128xi32, #tpu.memory_space<hbm>> -> memref<2x128xi32, #tpu.memory_space<hbm>>
        tpu.wait_dma2 semaphore(%arg8 : memref<!tpu.dma_semaphore, #tpu.memory_space<semaphore_mem>>) src(%dma_wait3A_262 : memref<2x128xi32, #tpu.memory_space<hbm>>) dst(%dma_wait3A_258 : memref<2x128xi32, #tpu.memory_space<vmem>>)
        %dma_start3A_263 = arith.constant 0 : i32
        %dma_start3A_264 = arith.constant 0 : i32
        %dma_start3A_265 = arith.constant 0 : i32
        %dma_start3A_266 = arith.constant 0 : i32
        %dma_start3A_267 = arith.constant 0 : i32
        %dma_start3A_268 = tpu.memref_slice %arg6[%dma_start3A_265, %dma_start3A_266, %dma_start3A_267] : memref<2x128x128xf32, #tpu.memory_space<vmem>> -> memref<1x128x128xf32, #tpu.memory_space<vmem>>
        %dma_start3A_269 = tpu.memref_squeeze %dma_start3A_268 : memref<1x128x128xf32, #tpu.memory_space<vmem>> -> memref<128x128xf32, #tpu.memory_space<vmem>>
        %dma_start3A_270 = arith.constant 0 : i32
        %dma_start3A_271 = tpu.memref_slice %arg5[%dma_start3A_263, %dma_start3A_264, %dma_start3A_270] : memref<2x2x128xi32, #tpu.memory_space<vmem>> -> memref<1x1x128xi32, #tpu.memory_space<vmem>>
        %dma_start3A_272 = tpu.memref_squeeze %dma_start3A_271 : memref<1x1x128xi32, #tpu.memory_space<vmem>> -> memref<128xi32, #tpu.memory_space<vmem>>
        %dma_start3A_273 = arith.constant 0 : i32
        %dma_start3A_274 = arith.constant 0 : i32
        %dma_start3A_275 = tpu.memref_slice %arg3[%dma_start3A_273, %dma_start3A_274] : memref<10240x128xf32, #tpu.memory_space<hbm>> -> memref<10240x128xf32, #tpu.memory_space<hbm>>
        tpu.enqueue_indirect_dma source(%dma_start3A_275 : memref<10240x128xf32, #tpu.memory_space<hbm>>) target(%dma_start3A_269 : memref<128x128xf32, #tpu.memory_space<vmem>>) offsets(%dma_start3A_272 : memref<128xi32, #tpu.memory_space<vmem>>) semaphore(%arg10 : memref<!tpu.dma_semaphore, #tpu.memory_space<semaphore_mem>>)
      } else {
      }
      %run_scoped3A_236 = arith.constant 1 : i32
      %run_scoped3A_237 = arith.constant 1 : i32
      %run_scoped3A_238 = arith.constant 1 : i32
      "tpu.region"() ({
        %run_scoped3A_245 = tpu.sem_alloc : memref<!tpu.dma_semaphore, #tpu.memory_space<semaphore_mem>>
        %dma_start3A_246 = arith.constant 0 : i32
        %dma_start3A_247 = arith.constant 0 : i32
        %dma_start3A_248 = tpu.memref_slice %arg6[%run_scoped3A_236, %dma_start3A_246, %dma_start3A_247] : memref<2x128x128xf32, #tpu.memory_space<vmem>> -> memref<1x128x128xf32, #tpu.memory_space<vmem>>
        %dma_start3A_249 = tpu.memref_squeeze %dma_start3A_248 : memref<1x128x128xf32, #tpu.memory_space<vmem>> -> memref<128x128xf32, #tpu.memory_space<vmem>>
        %dma_start3A_250 = arith.constant 0 : i32
        %dma_start3A_251 = tpu.memref_slice %arg5[%run_scoped3A_237, %run_scoped3A_238, %dma_start3A_250] : memref<2x2x128xi32, #tpu.memory_space<vmem>> -> memref<1x1x128xi32, #tpu.memory_space<vmem>>
        %dma_start3A_252 = tpu.memref_squeeze %dma_start3A_251 : memref<1x1x128xi32, #tpu.memory_space<vmem>> -> memref<128xi32, #tpu.memory_space<vmem>>
        %dma_start3A_253 = arith.constant 0 : i32
        %dma_start3A_254 = arith.constant 0 : i32
        %dma_start3A_255 = tpu.memref_slice %arg7[%dma_start3A_253, %dma_start3A_254] : memref<10240x128xf32, #tpu.memory_space<vmem_shared>> -> memref<10240x128xf32, #tpu.memory_space<vmem_shared>>
        tpu.enqueue_indirect_dma source(%dma_start3A_249 : memref<128x128xf32, #tpu.memory_space<vmem>>) target(%dma_start3A_255 : memref<10240x128xf32, #tpu.memory_space<vmem_shared>>) offsets(%dma_start3A_252 : memref<128xi32, #tpu.memory_space<vmem>>) semaphore(%run_scoped3A_245 : memref<!tpu.dma_semaphore, #tpu.memory_space<semaphore_mem>>) {add = true}
        %dma_wait3A_256 = arith.constant 0 : i32
        %dma_wait3A_257 = arith.constant 0 : i32
        %dma_wait3A_258 = tpu.memref_slice %arg6[%run_scoped3A_236, %dma_wait3A_256, %dma_wait3A_257] : memref<2x128x128xf32, #tpu.memory_space<vmem>> -> memref<1x128x128xf32, #tpu.memory_space<vmem>>
        %dma_wait3A_259 = tpu.memref_squeeze %dma_wait3A_258 : memref<1x128x128xf32, #tpu.memory_space<vmem>> -> memref<128x128xf32, #tpu.memory_space<vmem>>
        %dma_wait3A_260 = arith.constant 0 : i32
        %dma_wait3A_261 = tpu.memref_slice %arg5[%run_scoped3A_237, %run_scoped3A_238, %dma_wait3A_260] : memref<2x2x128xi32, #tpu.memory_space<vmem>> -> memref<1x1x128xi32, #tpu.memory_space<vmem>>
        %dma_wait3A_262 = tpu.memref_squeeze %dma_wait3A_261 : memref<1x1x128xi32, #tpu.memory_space<vmem>> -> memref<128xi32, #tpu.memory_space<vmem>>
        %dma_wait3A_263 = arith.constant 0 : i32
        %dma_wait3A_264 = arith.constant 0 : i32
        %dma_wait3A_265 = tpu.memref_slice %arg7[%dma_wait3A_263, %dma_wait3A_264] : memref<10240x128xf32, #tpu.memory_space<vmem_shared>> -> memref<10240x128xf32, #tpu.memory_space<vmem_shared>>
        tpu.wait_indirect_dma semaphore(%run_scoped3A_245 : memref<!tpu.dma_semaphore, #tpu.memory_space<semaphore_mem>>) src(%dma_wait3A_259 : memref<128x128xf32, #tpu.memory_space<vmem>>) dst(%dma_wait3A_265 : memref<10240x128xf32, #tpu.memory_space<vmem_shared>>)
        tpu.yield
      }) : () -> ()
      %add3A_239 = arith.constant 2 : i32
      %add3A_240 = arith.addi %add3A_214, %add3A_239 : i32
      %lt3A_241 = arith.cmpi slt, %add3A_240, %select_n3A : i32
      %convert_element_type3A_242 = arith.extui %lt3A_241 : i1 to i32
      %cond3A_243 = arith.constant 0 : i32
      %cond3A_244 = arith.cmpi ne, %convert_element_type3A_242, %cond3A_243 : i32
      scf.if %cond3A_244 {
        %add3A_245 = arith.addi %select_n3A_8, %add3A_214 : i32
        %add3A_246 = arith.constant 2 : i32
        %add3A_247 = arith.addi %add3A_245, %add3A_246 : i32
        %dma_start3A_248 = arith.constant 1 : i32
        %dma_start3A_249 = arith.constant 0 : i32
        %dma_start3A_250 = arith.constant 0 : i32
        %dma_start3A_251 = tpu.memref_slice %arg5[%dma_start3A_248, %dma_start3A_249, %dma_start3A_250] : memref<2x2x128xi32, #tpu.memory_space<vmem>> -> memref<1x2x128xi32, #tpu.memory_space<vmem>>
        %dma_start3A_252 = tpu.memref_squeeze %dma_start3A_251 : memref<1x2x128xi32, #tpu.memory_space<vmem>> -> memref<2x128xi32, #tpu.memory_space<vmem>>
        %dma_start3A_253 = arith.constant 0 : i32
        %dma_start3A_254 = arith.constant 0 : i32
        %dma_start3A_255 = tpu.memref_slice %arg2[%add3A_247, %dma_start3A_253, %dma_start3A_254] : memref<2560x2x128xi32, #tpu.memory_space<hbm>> -> memref<1x2x128xi32, #tpu.memory_space<hbm>>
        %dma_start3A_256 = tpu.memref_squeeze %dma_start3A_255 : memref<1x2x128xi32, #tpu.memory_space<hbm>> -> memref<2x128xi32, #tpu.memory_space<hbm>>
        %dma_start3A_257 = arith.constant 0 : i32
        %dma_start3A_258 = arith.constant 0 : i32
        %dma_start3A_259 = tpu.memref_slice %arg5[%dma_start3A_248, %dma_start3A_257, %dma_start3A_258] : memref<2x2x128xi32, #tpu.memory_space<vmem>> -> memref<1x2x128xi32, #tpu.memory_space<vmem>>
        %dma_start3A_260 = tpu.memref_squeeze %dma_start3A_259 : memref<1x2x128xi32, #tpu.memory_space<vmem>> -> memref<2x128xi32, #tpu.memory_space<vmem>>
        %dma_start3A_261 = arith.constant 0 : i32
        %dma_start3A_262 = arith.constant 0 : i32
        %dma_start3A_263 = tpu.memref_slice %arg2[%add3A_247, %dma_start3A_261, %dma_start3A_262] : memref<2560x2x128xi32, #tpu.memory_space<hbm>> -> memref<1x2x128xi32, #tpu.memory_space<hbm>>
        %dma_start3A_264 = tpu.memref_squeeze %dma_start3A_263 : memref<1x2x128xi32, #tpu.memory_space<hbm>> -> memref<2x128xi32, #tpu.memory_space<hbm>>
        tpu.enqueue_dma source(%dma_start3A_264 : memref<2x128xi32, #tpu.memory_space<hbm>>) target(%dma_start3A_260 : memref<2x128xi32, #tpu.memory_space<vmem>>) target_semaphore(%arg9 : memref<!tpu.dma_semaphore, #tpu.memory_space<semaphore_mem>>)
      } else {
      }
    }
    %barrier3A_133 = arith.constant 0 : index
    tpu.barrier barrier_id(%barrier3A_133)
    %mul3A_134 = arith.constant 640 : i32
    %mul3A_135 = arith.muli %arg1, %mul3A_134 : i32
    %add3A_136 = arith.constant 0 : i32
    %add3A_137 = arith.addi %mul3A_135, %add3A_136 : i32
    %run_scoped3A_138 = arith.constant 0 : i32
    "tpu.region"() ({
      %run_scoped3A_179 = tpu.sem_alloc : memref<!tpu.dma_semaphore, #tpu.memory_space<semaphore_mem>>
      %dma_start3A_180 = arith.constant 0 : i32
      %dma_start3A_181 = arith.constant 0 : i32
      %dma_start3A_182 = tpu.memref_slice %arg6[%run_scoped3A_138, %dma_start3A_180, %dma_start3A_181] : memref<2x128x128xf32, #tpu.memory_space<vmem>> -> memref<1x128x128xf32, #tpu.memory_space<vmem>>
      %dma_start3A_183 = tpu.memref_squeeze %dma_start3A_182 : memref<1x128x128xf32, #tpu.memory_space<vmem>> -> memref<128x128xf32, #tpu.memory_space<vmem>>
      %dma_start3A_184 = arith.constant 0 : i32
      %dma_start3A_185 = tpu.memref_slice %arg7[%add3A_137, %dma_start3A_184] : memref<10240x128xf32, #tpu.memory_space<vmem_shared>> -> memref<128x128xf32, #tpu.memory_space<vmem_shared>>
      %dma_start3A_186 = arith.constant 0 : i32
      %dma_start3A_187 = arith.constant 0 : i32
      %dma_start3A_188 = tpu.memref_slice %arg6[%run_scoped3A_138, %dma_start3A_186, %dma_start3A_187] : memref<2x128x128xf32, #tpu.memory_space<vmem>> -> memref<1x128x128xf32, #tpu.memory_space<vmem>>
      %dma_start3A_189 = tpu.memref_squeeze %dma_start3A_188 : memref<1x128x128xf32, #tpu.memory_space<vmem>> -> memref<128x128xf32, #tpu.memory_space<vmem>>
      %dma_start3A_190 = arith.constant 0 : i32
      %dma_start3A_191 = tpu.memref_slice %arg7[%add3A_137, %dma_start3A_190] : memref<10240x128xf32, #tpu.memory_space<vmem_shared>> -> memref<128x128xf32, #tpu.memory_space<vmem_shared>>
      tpu.enqueue_dma source(%dma_start3A_191 : memref<128x128xf32, #tpu.memory_space<vmem_shared>>) target(%dma_start3A_189 : memref<128x128xf32, #tpu.memory_space<vmem>>) target_semaphore(%run_scoped3A_179 : memref<!tpu.dma_semaphore, #tpu.memory_space<semaphore_mem>>)
      %dma_wait3A_192 = arith.constant 0 : i32
      %dma_wait3A_193 = arith.constant 0 : i32
      %dma_wait3A_194 = tpu.memref_slice %arg6[%run_scoped3A_138, %dma_wait3A_192, %dma_wait3A_193] : memref<2x128x128xf32, #tpu.memory_space<vmem>> -> memref<1x128x128xf32, #tpu.memory_space<vmem>>
      %dma_wait3A_195 = tpu.memref_squeeze %dma_wait3A_194 : memref<1x128x128xf32, #tpu.memory_space<vmem>> -> memref<128x128xf32, #tpu.memory_space<vmem>>
      %dma_wait3A_196 = arith.constant 0 : i32
      %dma_wait3A_197 = tpu.memref_slice %arg7[%add3A_137, %dma_wait3A_196] : memref<10240x128xf32, #tpu.memory_space<vmem_shared>> -> memref<128x128xf32, #tpu.memory_space<vmem_shared>>
      %dma_wait3A_198 = arith.constant 0 : i32
      %dma_wait3A_199 = arith.constant 0 : i32
      %dma_wait3A_200 = tpu.memref_slice %arg6[%run_scoped3A_138, %dma_wait3A_198, %dma_wait3A_199] : memref<2x128x128xf32, #tpu.memory_space<vmem>> -> memref<1x128x128xf32, #tpu.memory_space<vmem>>
      %dma_wait3A_201 = tpu.memref_squeeze %dma_wait3A_200 : memref<1x128x128xf32, #tpu.memory_space<vmem>> -> memref<128x128xf32, #tpu.memory_space<vmem>>
      %dma_wait3A_202 = arith.constant 0 : i32
      %dma_wait3A_203 = tpu.memref_slice %arg7[%add3A_137, %dma_wait3A_202] : memref<10240x128xf32, #tpu.memory_space<vmem_shared>> -> memref<128x128xf32, #tpu.memory_space<vmem_shared>>
      tpu.wait_dma2 semaphore(%run_scoped3A_179 : memref<!tpu.dma_semaphore, #tpu.memory_space<semaphore_mem>>) src(%dma_wait3A_203 : memref<128x128xf32, #tpu.memory_space<vmem_shared>>) dst(%dma_wait3A_201 : memref<128x128xf32, #tpu.memory_space<vmem>>)
      tpu.yield
    }) : () -> ()
    %mul3A_139 = arith.constant 10240 : i32
    %mul3A_140 = arith.muli %arg0, %mul3A_139 : i32
    %add3A_141 = arith.addi %mul3A_140, %add3A_137 : i32
    %run_scoped3A_142 = arith.constant 0 : i32
    "tpu.region"() ({
      %run_scoped3A_179 = tpu.sem_alloc : memref<!tpu.dma_semaphore, #tpu.memory_space<semaphore_mem>>
      %dma_start3A_180 = arith.constant 0 : i32
      %dma_start3A_181 = arith.constant 0 : i32
      %dma_start3A_182 = tpu.memref_slice %arg6[%run_scoped3A_142, %dma_start3A_180, %dma_start3A_181] : memref<2x128x128xf32, #tpu.memory_space<vmem>> -> memref<1x128x128xf32, #tpu.memory_space<vmem>>
      %dma_start3A_183 = tpu.memref_squeeze %dma_start3A_182 : memref<1x128x128xf32, #tpu.memory_space<vmem>> -> memref<128x128xf32, #tpu.memory_space<vmem>>
      %dma_start3A_184 = arith.constant 0 : i32
      %dma_start3A_185 = tpu.memref_slice %arg4[%add3A_141, %dma_start3A_184] : memref<20480x128xf32, #tpu.memory_space<hbm>> -> memref<128x128xf32, #tpu.memory_space<hbm>>
      %dma_start3A_186 = arith.constant 0 : i32
      %dma_start3A_187 = tpu.memref_slice %arg4[%add3A_141, %dma_start3A_186] : memref<20480x128xf32, #tpu.memory_space<hbm>> -> memref<128x128xf32, #tpu.memory_space<hbm>>
      %dma_start3A_188 = arith.constant 0 : i32
      %dma_start3A_189 = arith.constant 0 : i32
      %dma_start3A_190 = tpu.memref_slice %arg6[%run_scoped3A_142, %dma_start3A_188, %dma_start3A_189] : memref<2x128x128xf32, #tpu.memory_space<vmem>> -> memref<1x128x128xf32, #tpu.memory_space<vmem>>
      %dma_start3A_191 = tpu.memref_squeeze %dma_start3A_190 : memref<1x128x128xf32, #tpu.memory_space<vmem>> -> memref<128x128xf32, #tpu.memory_space<vmem>>
      tpu.enqueue_dma source(%dma_start3A_191 : memref<128x128xf32, #tpu.memory_space<vmem>>) target(%dma_start3A_187 : memref<128x128xf32, #tpu.memory_space<hbm>>) target_semaphore(%run_scoped3A_179 : memref<!tpu.dma_semaphore, #tpu.memory_space<semaphore_mem>>)
      %dma_wait3A_192 = arith.constant 0 : i32
      %dma_wait3A_193 = arith.constant 0 : i32
      %dma_wait3A_194 = tpu.memref_slice %arg6[%run_scoped3A_142, %dma_wait3A_192, %dma_wait3A_193] : memref<2x128x128xf32, #tpu.memory_space<vmem>> -> memref<1x128x128xf32, #tpu.memory_space<vmem>>
      %dma_wait3A_195 = tpu.memref_squeeze %dma_wait3A_194 : memref<1x128x128xf32, #tpu.memory_space<vmem>> -> memref<128x128xf32, #tpu.memory_space<vmem>>
      %dma_wait3A_196 = arith.constant 0 : i32
      %dma_wait3A_197 = tpu.memref_slice %arg4[%add3A_141, %dma_wait3A_196] : memref<20480x128xf32, #tpu.memory_space<hbm>> -> memref<128x128xf32, #tpu.memory_space<hbm>>
      %dma_wait3A_198 = arith.constant 0 : i32
      %dma_wait3A_199 = tpu.memref_slice %arg4[%add3A_141, %dma_wait3A_198] : memref<20480x128xf32, #tpu.memory_space<hbm>> -> memref<128x128xf32, #tpu.memory_space<hbm>>
      %dma_wait3A_200 = arith.constant 0 : i32
      %dma_wait3A_201 = arith.constant 0 : i32
      %dma_wait3A_202 = tpu.memref_slice %arg6[%run_scoped3A_142, %dma_wait3A_200, %dma_wait3A_201] : memref<2x128x128xf32, #tpu.memory_space<vmem>> -> memref<1x128x128xf32, #tpu.memory_space<vmem>>
      %dma_wait3A_203 = tpu.memref_squeeze %dma_wait3A_202 : memref<1x128x128xf32, #tpu.memory_space<vmem>> -> memref<128x128xf32, #tpu.memory_space<vmem>>
      tpu.wait_dma2 semaphore(%run_scoped3A_179 : memref<!tpu.dma_semaphore, #tpu.memory_space<semaphore_mem>>) src(%dma_wait3A_203 : memref<128x128xf32, #tpu.memory_space<vmem>>) dst(%dma_wait3A_199 : memref<128x128xf32, #tpu.memory_space<hbm>>)
      tpu.yield
    }) : () -> ()
    %mul3A_143 = arith.constant 640 : i32
    %mul3A_144 = arith.muli %arg1, %mul3A_143 : i32
    %add3A_145 = arith.constant 128 : i32
    %add3A_146 = arith.addi %mul3A_144, %add3A_145 : i32
    %run_scoped3A_147 = arith.constant 1 : i32
    "tpu.region"() ({
      %run_scoped3A_179 = tpu.sem_alloc : memref<!tpu.dma_semaphore, #tpu.memory_space<semaphore_mem>>
      %dma_start3A_180 = arith.constant 0 : i32
      %dma_start3A_181 = arith.constant 0 : i32
      %dma_start3A_182 = tpu.memref_slice %arg6[%run_scoped3A_147, %dma_start3A_180, %dma_start3A_181] : memref<2x128x128xf32, #tpu.memory_space<vmem>> -> memref<1x128x128xf32, #tpu.memory_space<vmem>>
      %dma_start3A_183 = tpu.memref_squeeze %dma_start3A_182 : memref<1x128x128xf32, #tpu.memory_space<vmem>> -> memref<128x128xf32, #tpu.memory_space<vmem>>
      %dma_start3A_184 = arith.constant 0 : i32
      %dma_start3A_185 = tpu.memref_slice %arg7[%add3A_146, %dma_start3A_184] : memref<10240x128xf32, #tpu.memory_space<vmem_shared>> -> memref<128x128xf32, #tpu.memory_space<vmem_shared>>
      %dma_start3A_186 = arith.constant 0 : i32
      %dma_start3A_187 = arith.constant 0 : i32
      %dma_start3A_188 = tpu.memref_slice %arg6[%run_scoped3A_147, %dma_start3A_186, %dma_start3A_187] : memref<2x128x128xf32, #tpu.memory_space<vmem>> -> memref<1x128x128xf32, #tpu.memory_space<vmem>>
      %dma_start3A_189 = tpu.memref_squeeze %dma_start3A_188 : memref<1x128x128xf32, #tpu.memory_space<vmem>> -> memref<128x128xf32, #tpu.memory_space<vmem>>
      %dma_start3A_190 = arith.constant 0 : i32
      %dma_start3A_191 = tpu.memref_slice %arg7[%add3A_146, %dma_start3A_190] : memref<10240x128xf32, #tpu.memory_space<vmem_shared>> -> memref<128x128xf32, #tpu.memory_space<vmem_shared>>
      tpu.enqueue_dma source(%dma_start3A_191 : memref<128x128xf32, #tpu.memory_space<vmem_shared>>) target(%dma_start3A_189 : memref<128x128xf32, #tpu.memory_space<vmem>>) target_semaphore(%run_scoped3A_179 : memref<!tpu.dma_semaphore, #tpu.memory_space<semaphore_mem>>)
      %dma_wait3A_192 = arith.constant 0 : i32
      %dma_wait3A_193 = arith.constant 0 : i32
      %dma_wait3A_194 = tpu.memref_slice %arg6[%run_scoped3A_147, %dma_wait3A_192, %dma_wait3A_193] : memref<2x128x128xf32, #tpu.memory_space<vmem>> -> memref<1x128x128xf32, #tpu.memory_space<vmem>>
      %dma_wait3A_195 = tpu.memref_squeeze %dma_wait3A_194 : memref<1x128x128xf32, #tpu.memory_space<vmem>> -> memref<128x128xf32, #tpu.memory_space<vmem>>
      %dma_wait3A_196 = arith.constant 0 : i32
      %dma_wait3A_197 = tpu.memref_slice %arg7[%add3A_146, %dma_wait3A_196] : memref<10240x128xf32, #tpu.memory_space<vmem_shared>> -> memref<128x128xf32, #tpu.memory_space<vmem_shared>>
      %dma_wait3A_198 = arith.constant 0 : i32
      %dma_wait3A_199 = arith.constant 0 : i32
      %dma_wait3A_200 = tpu.memref_slice %arg6[%run_scoped3A_147, %dma_wait3A_198, %dma_wait3A_199] : memref<2x128x128xf32, #tpu.memory_space<vmem>> -> memref<1x128x128xf32, #tpu.memory_space<vmem>>
      %dma_wait3A_201 = tpu.memref_squeeze %dma_wait3A_200 : memref<1x128x128xf32, #tpu.memory_space<vmem>> -> memref<128x128xf32, #tpu.memory_space<vmem>>
      %dma_wait3A_202 = arith.constant 0 : i32
      %dma_wait3A_203 = tpu.memref_slice %arg7[%add3A_146, %dma_wait3A_202] : memref<10240x128xf32, #tpu.memory_space<vmem_shared>> -> memref<128x128xf32, #tpu.memory_space<vmem_shared>>
      tpu.wait_dma2 semaphore(%run_scoped3A_179 : memref<!tpu.dma_semaphore, #tpu.memory_space<semaphore_mem>>) src(%dma_wait3A_203 : memref<128x128xf32, #tpu.memory_space<vmem_shared>>) dst(%dma_wait3A_201 : memref<128x128xf32, #tpu.memory_space<vmem>>)
      tpu.yield
    }) : () -> ()
    %mul3A_148 = arith.constant 10240 : i32
    %mul3A_149 = arith.muli %arg0, %mul3A_148 : i32
    %add3A_150 = arith.addi %mul3A_149, %add3A_146 : i32
    %run_scoped3A_151 = arith.constant 1 : i32
    "tpu.region"() ({
      %run_scoped3A_179 = tpu.sem_alloc : memref<!tpu.dma_semaphore, #tpu.memory_space<semaphore_mem>>
      %dma_start3A_180 = arith.constant 0 : i32
      %dma_start3A_181 = arith.constant 0 : i32
      %dma_start3A_182 = tpu.memref_slice %arg6[%run_scoped3A_151, %dma_start3A_180, %dma_start3A_181] : memref<2x128x128xf32, #tpu.memory_space<vmem>> -> memref<1x128x128xf32, #tpu.memory_space<vmem>>
      %dma_start3A_183 = tpu.memref_squeeze %dma_start3A_182 : memref<1x128x128xf32, #tpu.memory_space<vmem>> -> memref<128x128xf32, #tpu.memory_space<vmem>>
      %dma_start3A_184 = arith.constant 0 : i32
      %dma_start3A_185 = tpu.memref_slice %arg4[%add3A_150, %dma_start3A_184] : memref<20480x128xf32, #tpu.memory_space<hbm>> -> memref<128x128xf32, #tpu.memory_space<hbm>>
      %dma_start3A_186 = arith.constant 0 : i32
      %dma_start3A_187 = tpu.memref_slice %arg4[%add3A_150, %dma_start3A_186] : memref<20480x128xf32, #tpu.memory_space<hbm>> -> memref<128x128xf32, #tpu.memory_space<hbm>>
      %dma_start3A_188 = arith.constant 0 : i32
      %dma_start3A_189 = arith.constant 0 : i32
      %dma_start3A_190 = tpu.memref_slice %arg6[%run_scoped3A_151, %dma_start3A_188, %dma_start3A_189] : memref<2x128x128xf32, #tpu.memory_space<vmem>> -> memref<1x128x128xf32, #tpu.memory_space<vmem>>
      %dma_start3A_191 = tpu.memref_squeeze %dma_start3A_190 : memref<1x128x128xf32, #tpu.memory_space<vmem>> -> memref<128x128xf32, #tpu.memory_space<vmem>>
      tpu.enqueue_dma source(%dma_start3A_191 : memref<128x128xf32, #tpu.memory_space<vmem>>) target(%dma_start3A_187 : memref<128x128xf32, #tpu.memory_space<hbm>>) target_semaphore(%run_scoped3A_179 : memref<!tpu.dma_semaphore, #tpu.memory_space<semaphore_mem>>)
      %dma_wait3A_192 = arith.constant 0 : i32
      %dma_wait3A_193 = arith.constant 0 : i32
      %dma_wait3A_194 = tpu.memref_slice %arg6[%run_scoped3A_151, %dma_wait3A_192, %dma_wait3A_193] : memref<2x128x128xf32, #tpu.memory_space<vmem>> -> memref<1x128x128xf32, #tpu.memory_space<vmem>>
      %dma_wait3A_195 = tpu.memref_squeeze %dma_wait3A_194 : memref<1x128x128xf32, #tpu.memory_space<vmem>> -> memref<128x128xf32, #tpu.memory_space<vmem>>
      %dma_wait3A_196 = arith.constant 0 : i32
      %dma_wait3A_197 = tpu.memref_slice %arg4[%add3A_150, %dma_wait3A_196] : memref<20480x128xf32, #tpu.memory_space<hbm>> -> memref<128x128xf32, #tpu.memory_space<hbm>>
      %dma_wait3A_198 = arith.constant 0 : i32
      %dma_wait3A_199 = tpu.memref_slice %arg4[%add3A_150, %dma_wait3A_198] : memref<20480x128xf32, #tpu.memory_space<hbm>> -> memref<128x128xf32, #tpu.memory_space<hbm>>
      %dma_wait3A_200 = arith.constant 0 : i32
      %dma_wait3A_201 = arith.constant 0 : i32
      %dma_wait3A_202 = tpu.memref_slice %arg6[%run_scoped3A_151, %dma_wait3A_200, %dma_wait3A_201] : memref<2x128x128xf32, #tpu.memory_space<vmem>> -> memref<1x128x128xf32, #tpu.memory_space<vmem>>
      %dma_wait3A_203 = tpu.memref_squeeze %dma_wait3A_202 : memref<1x128x128xf32, #tpu.memory_space<vmem>> -> memref<128x128xf32, #tpu.memory_space<vmem>>
      tpu.wait_dma2 semaphore(%run_scoped3A_179 : memref<!tpu.dma_semaphore, #tpu.memory_space<semaphore_mem>>) src(%dma_wait3A_203 : memref<128x128xf32, #tpu.memory_space<vmem>>) dst(%dma_wait3A_199 : memref<128x128xf32, #tpu.memory_space<hbm>>)
      tpu.yield
    }) : () -> ()
    %mul3A_152 = arith.constant 640 : i32
    %mul3A_153 = arith.muli %arg1, %mul3A_152 : i32
    %add3A_154 = arith.constant 256 : i32
    %add3A_155 = arith.addi %mul3A_153, %add3A_154 : i32
    %run_scoped3A_156 = arith.constant 0 : i32
    "tpu.region"() ({
      %run_scoped3A_179 = tpu.sem_alloc : memref<!tpu.dma_semaphore, #tpu.memory_space<semaphore_mem>>
      %dma_start3A_180 = arith.constant 0 : i32
      %dma_start3A_181 = arith.constant 0 : i32
      %dma_start3A_182 = tpu.memref_slice %arg6[%run_scoped3A_156, %dma_start3A_180, %dma_start3A_181] : memref<2x128x128xf32, #tpu.memory_space<vmem>> -> memref<1x128x128xf32, #tpu.memory_space<vmem>>
      %dma_start3A_183 = tpu.memref_squeeze %dma_start3A_182 : memref<1x128x128xf32, #tpu.memory_space<vmem>> -> memref<128x128xf32, #tpu.memory_space<vmem>>
      %dma_start3A_184 = arith.constant 0 : i32
      %dma_start3A_185 = tpu.memref_slice %arg7[%add3A_155, %dma_start3A_184] : memref<10240x128xf32, #tpu.memory_space<vmem_shared>> -> memref<128x128xf32, #tpu.memory_space<vmem_shared>>
      %dma_start3A_186 = arith.constant 0 : i32
      %dma_start3A_187 = arith.constant 0 : i32
      %dma_start3A_188 = tpu.memref_slice %arg6[%run_scoped3A_156, %dma_start3A_186, %dma_start3A_187] : memref<2x128x128xf32, #tpu.memory_space<vmem>> -> memref<1x128x128xf32, #tpu.memory_space<vmem>>
      %dma_start3A_189 = tpu.memref_squeeze %dma_start3A_188 : memref<1x128x128xf32, #tpu.memory_space<vmem>> -> memref<128x128xf32, #tpu.memory_space<vmem>>
      %dma_start3A_190 = arith.constant 0 : i32
      %dma_start3A_191 = tpu.memref_slice %arg7[%add3A_155, %dma_start3A_190] : memref<10240x128xf32, #tpu.memory_space<vmem_shared>> -> memref<128x128xf32, #tpu.memory_space<vmem_shared>>
      tpu.enqueue_dma source(%dma_start3A_191 : memref<128x128xf32, #tpu.memory_space<vmem_shared>>) target(%dma_start3A_189 : memref<128x128xf32, #tpu.memory_space<vmem>>) target_semaphore(%run_scoped3A_179 : memref<!tpu.dma_semaphore, #tpu.memory_space<semaphore_mem>>)
      %dma_wait3A_192 = arith.constant 0 : i32
      %dma_wait3A_193 = arith.constant 0 : i32
      %dma_wait3A_194 = tpu.memref_slice %arg6[%run_scoped3A_156, %dma_wait3A_192, %dma_wait3A_193] : memref<2x128x128xf32, #tpu.memory_space<vmem>> -> memref<1x128x128xf32, #tpu.memory_space<vmem>>
      %dma_wait3A_195 = tpu.memref_squeeze %dma_wait3A_194 : memref<1x128x128xf32, #tpu.memory_space<vmem>> -> memref<128x128xf32, #tpu.memory_space<vmem>>
      %dma_wait3A_196 = arith.constant 0 : i32
      %dma_wait3A_197 = tpu.memref_slice %arg7[%add3A_155, %dma_wait3A_196] : memref<10240x128xf32, #tpu.memory_space<vmem_shared>> -> memref<128x128xf32, #tpu.memory_space<vmem_shared>>
      %dma_wait3A_198 = arith.constant 0 : i32
      %dma_wait3A_199 = arith.constant 0 : i32
      %dma_wait3A_200 = tpu.memref_slice %arg6[%run_scoped3A_156, %dma_wait3A_198, %dma_wait3A_199] : memref<2x128x128xf32, #tpu.memory_space<vmem>> -> memref<1x128x128xf32, #tpu.memory_space<vmem>>
      %dma_wait3A_201 = tpu.memref_squeeze %dma_wait3A_200 : memref<1x128x128xf32, #tpu.memory_space<vmem>> -> memref<128x128xf32, #tpu.memory_space<vmem>>
      %dma_wait3A_202 = arith.constant 0 : i32
      %dma_wait3A_203 = tpu.memref_slice %arg7[%add3A_155, %dma_wait3A_202] : memref<10240x128xf32, #tpu.memory_space<vmem_shared>> -> memref<128x128xf32, #tpu.memory_space<vmem_shared>>
      tpu.wait_dma2 semaphore(%run_scoped3A_179 : memref<!tpu.dma_semaphore, #tpu.memory_space<semaphore_mem>>) src(%dma_wait3A_203 : memref<128x128xf32, #tpu.memory_space<vmem_shared>>) dst(%dma_wait3A_201 : memref<128x128xf32, #tpu.memory_space<vmem>>)
      tpu.yield
    }) : () -> ()
    %mul3A_157 = arith.constant 10240 : i32
    %mul3A_158 = arith.muli %arg0, %mul3A_157 : i32
    %add3A_159 = arith.addi %mul3A_158, %add3A_155 : i32
    %run_scoped3A_160 = arith.constant 0 : i32
    "tpu.region"() ({
      %run_scoped3A_179 = tpu.sem_alloc : memref<!tpu.dma_semaphore, #tpu.memory_space<semaphore_mem>>
      %dma_start3A_180 = arith.constant 0 : i32
      %dma_start3A_181 = arith.constant 0 : i32
      %dma_start3A_182 = tpu.memref_slice %arg6[%run_scoped3A_160, %dma_start3A_180, %dma_start3A_181] : memref<2x128x128xf32, #tpu.memory_space<vmem>> -> memref<1x128x128xf32, #tpu.memory_space<vmem>>
      %dma_start3A_183 = tpu.memref_squeeze %dma_start3A_182 : memref<1x128x128xf32, #tpu.memory_space<vmem>> -> memref<128x128xf32, #tpu.memory_space<vmem>>
      %dma_start3A_184 = arith.constant 0 : i32
      %dma_start3A_185 = tpu.memref_slice %arg4[%add3A_159, %dma_start3A_184] : memref<20480x128xf32, #tpu.memory_space<hbm>> -> memref<128x128xf32, #tpu.memory_space<hbm>>
      %dma_start3A_186 = arith.constant 0 : i32
      %dma_start3A_187 = tpu.memref_slice %arg4[%add3A_159, %dma_start3A_186] : memref<20480x128xf32, #tpu.memory_space<hbm>> -> memref<128x128xf32, #tpu.memory_space<hbm>>
      %dma_start3A_188 = arith.constant 0 : i32
      %dma_start3A_189 = arith.constant 0 : i32
      %dma_start3A_190 = tpu.memref_slice %arg6[%run_scoped3A_160, %dma_start3A_188, %dma_start3A_189] : memref<2x128x128xf32, #tpu.memory_space<vmem>> -> memref<1x128x128xf32, #tpu.memory_space<vmem>>
      %dma_start3A_191 = tpu.memref_squeeze %dma_start3A_190 : memref<1x128x128xf32, #tpu.memory_space<vmem>> -> memref<128x128xf32, #tpu.memory_space<vmem>>
      tpu.enqueue_dma source(%dma_start3A_191 : memref<128x128xf32, #tpu.memory_space<vmem>>) target(%dma_start3A_187 : memref<128x128xf32, #tpu.memory_space<hbm>>) target_semaphore(%run_scoped3A_179 : memref<!tpu.dma_semaphore, #tpu.memory_space<semaphore_mem>>)
      %dma_wait3A_192 = arith.constant 0 : i32
      %dma_wait3A_193 = arith.constant 0 : i32
      %dma_wait3A_194 = tpu.memref_slice %arg6[%run_scoped3A_160, %dma_wait3A_192, %dma_wait3A_193] : memref<2x128x128xf32, #tpu.memory_space<vmem>> -> memref<1x128x128xf32, #tpu.memory_space<vmem>>
      %dma_wait3A_195 = tpu.memref_squeeze %dma_wait3A_194 : memref<1x128x128xf32, #tpu.memory_space<vmem>> -> memref<128x128xf32, #tpu.memory_space<vmem>>
      %dma_wait3A_196 = arith.constant 0 : i32
      %dma_wait3A_197 = tpu.memref_slice %arg4[%add3A_159, %dma_wait3A_196] : memref<20480x128xf32, #tpu.memory_space<hbm>> -> memref<128x128xf32, #tpu.memory_space<hbm>>
      %dma_wait3A_198 = arith.constant 0 : i32
      %dma_wait3A_199 = tpu.memref_slice %arg4[%add3A_159, %dma_wait3A_198] : memref<20480x128xf32, #tpu.memory_space<hbm>> -> memref<128x128xf32, #tpu.memory_space<hbm>>
      %dma_wait3A_200 = arith.constant 0 : i32
      %dma_wait3A_201 = arith.constant 0 : i32
      %dma_wait3A_202 = tpu.memref_slice %arg6[%run_scoped3A_160, %dma_wait3A_200, %dma_wait3A_201] : memref<2x128x128xf32, #tpu.memory_space<vmem>> -> memref<1x128x128xf32, #tpu.memory_space<vmem>>
      %dma_wait3A_203 = tpu.memref_squeeze %dma_wait3A_202 : memref<1x128x128xf32, #tpu.memory_space<vmem>> -> memref<128x128xf32, #tpu.memory_space<vmem>>
      tpu.wait_dma2 semaphore(%run_scoped3A_179 : memref<!tpu.dma_semaphore, #tpu.memory_space<semaphore_mem>>) src(%dma_wait3A_203 : memref<128x128xf32, #tpu.memory_space<vmem>>) dst(%dma_wait3A_199 : memref<128x128xf32, #tpu.memory_space<hbm>>)
      tpu.yield
    }) : () -> ()
    %mul3A_161 = arith.constant 640 : i32
    %mul3A_162 = arith.muli %arg1, %mul3A_161 : i32
    %add3A_163 = arith.constant 384 : i32
    %add3A_164 = arith.addi %mul3A_162, %add3A_163 : i32
    %run_scoped3A_165 = arith.constant 1 : i32
    "tpu.region"() ({
      %run_scoped3A_179 = tpu.sem_alloc : memref<!tpu.dma_semaphore, #tpu.memory_space<semaphore_mem>>
      %dma_start3A_180 = arith.constant 0 : i32
      %dma_start3A_181 = arith.constant 0 : i32
      %dma_start3A_182 = tpu.memref_slice %arg6[%run_scoped3A_165, %dma_start3A_180, %dma_start3A_181] : memref<2x128x128xf32, #tpu.memory_space<vmem>> -> memref<1x128x128xf32, #tpu.memory_space<vmem>>
      %dma_start3A_183 = tpu.memref_squeeze %dma_start3A_182 : memref<1x128x128xf32, #tpu.memory_space<vmem>> -> memref<128x128xf32, #tpu.memory_space<vmem>>
      %dma_start3A_184 = arith.constant 0 : i32
      %dma_start3A_185 = tpu.memref_slice %arg7[%add3A_164, %dma_start3A_184] : memref<10240x128xf32, #tpu.memory_space<vmem_shared>> -> memref<128x128xf32, #tpu.memory_space<vmem_shared>>
      %dma_start3A_186 = arith.constant 0 : i32
      %dma_start3A_187 = arith.constant 0 : i32
      %dma_start3A_188 = tpu.memref_slice %arg6[%run_scoped3A_165, %dma_start3A_186, %dma_start3A_187] : memref<2x128x128xf32, #tpu.memory_space<vmem>> -> memref<1x128x128xf32, #tpu.memory_space<vmem>>
      %dma_start3A_189 = tpu.memref_squeeze %dma_start3A_188 : memref<1x128x128xf32, #tpu.memory_space<vmem>> -> memref<128x128xf32, #tpu.memory_space<vmem>>
      %dma_start3A_190 = arith.constant 0 : i32
      %dma_start3A_191 = tpu.memref_slice %arg7[%add3A_164, %dma_start3A_190] : memref<10240x128xf32, #tpu.memory_space<vmem_shared>> -> memref<128x128xf32, #tpu.memory_space<vmem_shared>>
      tpu.enqueue_dma source(%dma_start3A_191 : memref<128x128xf32, #tpu.memory_space<vmem_shared>>) target(%dma_start3A_189 : memref<128x128xf32, #tpu.memory_space<vmem>>) target_semaphore(%run_scoped3A_179 : memref<!tpu.dma_semaphore, #tpu.memory_space<semaphore_mem>>)
      %dma_wait3A_192 = arith.constant 0 : i32
      %dma_wait3A_193 = arith.constant 0 : i32
      %dma_wait3A_194 = tpu.memref_slice %arg6[%run_scoped3A_165, %dma_wait3A_192, %dma_wait3A_193] : memref<2x128x128xf32, #tpu.memory_space<vmem>> -> memref<1x128x128xf32, #tpu.memory_space<vmem>>
      %dma_wait3A_195 = tpu.memref_squeeze %dma_wait3A_194 : memref<1x128x128xf32, #tpu.memory_space<vmem>> -> memref<128x128xf32, #tpu.memory_space<vmem>>
      %dma_wait3A_196 = arith.constant 0 : i32
      %dma_wait3A_197 = tpu.memref_slice %arg7[%add3A_164, %dma_wait3A_196] : memref<10240x128xf32, #tpu.memory_space<vmem_shared>> -> memref<128x128xf32, #tpu.memory_space<vmem_shared>>
      %dma_wait3A_198 = arith.constant 0 : i32
      %dma_wait3A_199 = arith.constant 0 : i32
      %dma_wait3A_200 = tpu.memref_slice %arg6[%run_scoped3A_165, %dma_wait3A_198, %dma_wait3A_199] : memref<2x128x128xf32, #tpu.memory_space<vmem>> -> memref<1x128x128xf32, #tpu.memory_space<vmem>>
      %dma_wait3A_201 = tpu.memref_squeeze %dma_wait3A_200 : memref<1x128x128xf32, #tpu.memory_space<vmem>> -> memref<128x128xf32, #tpu.memory_space<vmem>>
      %dma_wait3A_202 = arith.constant 0 : i32
      %dma_wait3A_203 = tpu.memref_slice %arg7[%add3A_164, %dma_wait3A_202] : memref<10240x128xf32, #tpu.memory_space<vmem_shared>> -> memref<128x128xf32, #tpu.memory_space<vmem_shared>>
      tpu.wait_dma2 semaphore(%run_scoped3A_179 : memref<!tpu.dma_semaphore, #tpu.memory_space<semaphore_mem>>) src(%dma_wait3A_203 : memref<128x128xf32, #tpu.memory_space<vmem_shared>>) dst(%dma_wait3A_201 : memref<128x128xf32, #tpu.memory_space<vmem>>)
      tpu.yield
    }) : () -> ()
    %mul3A_166 = arith.constant 10240 : i32
    %mul3A_167 = arith.muli %arg0, %mul3A_166 : i32
    %add3A_168 = arith.addi %mul3A_167, %add3A_164 : i32
    %run_scoped3A_169 = arith.constant 1 : i32
    "tpu.region"() ({
      %run_scoped3A_179 = tpu.sem_alloc : memref<!tpu.dma_semaphore, #tpu.memory_space<semaphore_mem>>
      %dma_start3A_180 = arith.constant 0 : i32
      %dma_start3A_181 = arith.constant 0 : i32
      %dma_start3A_182 = tpu.memref_slice %arg6[%run_scoped3A_169, %dma_start3A_180, %dma_start3A_181] : memref<2x128x128xf32, #tpu.memory_space<vmem>> -> memref<1x128x128xf32, #tpu.memory_space<vmem>>
      %dma_start3A_183 = tpu.memref_squeeze %dma_start3A_182 : memref<1x128x128xf32, #tpu.memory_space<vmem>> -> memref<128x128xf32, #tpu.memory_space<vmem>>
      %dma_start3A_184 = arith.constant 0 : i32
      %dma_start3A_185 = tpu.memref_slice %arg4[%add3A_168, %dma_start3A_184] : memref<20480x128xf32, #tpu.memory_space<hbm>> -> memref<128x128xf32, #tpu.memory_space<hbm>>
      %dma_start3A_186 = arith.constant 0 : i32
      %dma_start3A_187 = tpu.memref_slice %arg4[%add3A_168, %dma_start3A_186] : memref<20480x128xf32, #tpu.memory_space<hbm>> -> memref<128x128xf32, #tpu.memory_space<hbm>>
      %dma_start3A_188 = arith.constant 0 : i32
      %dma_start3A_189 = arith.constant 0 : i32
      %dma_start3A_190 = tpu.memref_slice %arg6[%run_scoped3A_169, %dma_start3A_188, %dma_start3A_189] : memref<2x128x128xf32, #tpu.memory_space<vmem>> -> memref<1x128x128xf32, #tpu.memory_space<vmem>>
      %dma_start3A_191 = tpu.memref_squeeze %dma_start3A_190 : memref<1x128x128xf32, #tpu.memory_space<vmem>> -> memref<128x128xf32, #tpu.memory_space<vmem>>
      tpu.enqueue_dma source(%dma_start3A_191 : memref<128x128xf32, #tpu.memory_space<vmem>>) target(%dma_start3A_187 : memref<128x128xf32, #tpu.memory_space<hbm>>) target_semaphore(%run_scoped3A_179 : memref<!tpu.dma_semaphore, #tpu.memory_space<semaphore_mem>>)
      %dma_wait3A_192 = arith.constant 0 : i32
      %dma_wait3A_193 = arith.constant 0 : i32
      %dma_wait3A_194 = tpu.memref_slice %arg6[%run_scoped3A_169, %dma_wait3A_192, %dma_wait3A_193] : memref<2x128x128xf32, #tpu.memory_space<vmem>> -> memref<1x128x128xf32, #tpu.memory_space<vmem>>
      %dma_wait3A_195 = tpu.memref_squeeze %dma_wait3A_194 : memref<1x128x128xf32, #tpu.memory_space<vmem>> -> memref<128x128xf32, #tpu.memory_space<vmem>>
      %dma_wait3A_196 = arith.constant 0 : i32
      %dma_wait3A_197 = tpu.memref_slice %arg4[%add3A_168, %dma_wait3A_196] : memref<20480x128xf32, #tpu.memory_space<hbm>> -> memref<128x128xf32, #tpu.memory_space<hbm>>
      %dma_wait3A_198 = arith.constant 0 : i32
      %dma_wait3A_199 = tpu.memref_slice %arg4[%add3A_168, %dma_wait3A_198] : memref<20480x128xf32, #tpu.memory_space<hbm>> -> memref<128x128xf32, #tpu.memory_space<hbm>>
      %dma_wait3A_200 = arith.constant 0 : i32
      %dma_wait3A_201 = arith.constant 0 : i32
      %dma_wait3A_202 = tpu.memref_slice %arg6[%run_scoped3A_169, %dma_wait3A_200, %dma_wait3A_201] : memref<2x128x128xf32, #tpu.memory_space<vmem>> -> memref<1x128x128xf32, #tpu.memory_space<vmem>>
      %dma_wait3A_203 = tpu.memref_squeeze %dma_wait3A_202 : memref<1x128x128xf32, #tpu.memory_space<vmem>> -> memref<128x128xf32, #tpu.memory_space<vmem>>
      tpu.wait_dma2 semaphore(%run_scoped3A_179 : memref<!tpu.dma_semaphore, #tpu.memory_space<semaphore_mem>>) src(%dma_wait3A_203 : memref<128x128xf32, #tpu.memory_space<vmem>>) dst(%dma_wait3A_199 : memref<128x128xf32, #tpu.memory_space<hbm>>)
      tpu.yield
    }) : () -> ()
    %mul3A_170 = arith.constant 640 : i32
    %mul3A_171 = arith.muli %arg1, %mul3A_170 : i32
    %add3A_172 = arith.constant 512 : i32
    %add3A_173 = arith.addi %mul3A_171, %add3A_172 : i32
    %run_scoped3A_174 = arith.constant 0 : i32
    "tpu.region"() ({
      %run_scoped3A_179 = tpu.sem_alloc : memref<!tpu.dma_semaphore, #tpu.memory_space<semaphore_mem>>
      %dma_start3A_180 = arith.constant 0 : i32
      %dma_start3A_181 = arith.constant 0 : i32
      %dma_start3A_182 = tpu.memref_slice %arg6[%run_scoped3A_174, %dma_start3A_180, %dma_start3A_181] : memref<2x128x128xf32, #tpu.memory_space<vmem>> -> memref<1x128x128xf32, #tpu.memory_space<vmem>>
      %dma_start3A_183 = tpu.memref_squeeze %dma_start3A_182 : memref<1x128x128xf32, #tpu.memory_space<vmem>> -> memref<128x128xf32, #tpu.memory_space<vmem>>
      %dma_start3A_184 = arith.constant 0 : i32
      %dma_start3A_185 = tpu.memref_slice %arg7[%add3A_173, %dma_start3A_184] : memref<10240x128xf32, #tpu.memory_space<vmem_shared>> -> memref<128x128xf32, #tpu.memory_space<vmem_shared>>
      %dma_start3A_186 = arith.constant 0 : i32
      %dma_start3A_187 = arith.constant 0 : i32
      %dma_start3A_188 = tpu.memref_slice %arg6[%run_scoped3A_174, %dma_start3A_186, %dma_start3A_187] : memref<2x128x128xf32, #tpu.memory_space<vmem>> -> memref<1x128x128xf32, #tpu.memory_space<vmem>>
      %dma_start3A_189 = tpu.memref_squeeze %dma_start3A_188 : memref<1x128x128xf32, #tpu.memory_space<vmem>> -> memref<128x128xf32, #tpu.memory_space<vmem>>
      %dma_start3A_190 = arith.constant 0 : i32
      %dma_start3A_191 = tpu.memref_slice %arg7[%add3A_173, %dma_start3A_190] : memref<10240x128xf32, #tpu.memory_space<vmem_shared>> -> memref<128x128xf32, #tpu.memory_space<vmem_shared>>
      tpu.enqueue_dma source(%dma_start3A_191 : memref<128x128xf32, #tpu.memory_space<vmem_shared>>) target(%dma_start3A_189 : memref<128x128xf32, #tpu.memory_space<vmem>>) target_semaphore(%run_scoped3A_179 : memref<!tpu.dma_semaphore, #tpu.memory_space<semaphore_mem>>)
      %dma_wait3A_192 = arith.constant 0 : i32
      %dma_wait3A_193 = arith.constant 0 : i32
      %dma_wait3A_194 = tpu.memref_slice %arg6[%run_scoped3A_174, %dma_wait3A_192, %dma_wait3A_193] : memref<2x128x128xf32, #tpu.memory_space<vmem>> -> memref<1x128x128xf32, #tpu.memory_space<vmem>>
      %dma_wait3A_195 = tpu.memref_squeeze %dma_wait3A_194 : memref<1x128x128xf32, #tpu.memory_space<vmem>> -> memref<128x128xf32, #tpu.memory_space<vmem>>
      %dma_wait3A_196 = arith.constant 0 : i32
      %dma_wait3A_197 = tpu.memref_slice %arg7[%add3A_173, %dma_wait3A_196] : memref<10240x128xf32, #tpu.memory_space<vmem_shared>> -> memref<128x128xf32, #tpu.memory_space<vmem_shared>>
      %dma_wait3A_198 = arith.constant 0 : i32
      %dma_wait3A_199 = arith.constant 0 : i32
      %dma_wait3A_200 = tpu.memref_slice %arg6[%run_scoped3A_174, %dma_wait3A_198, %dma_wait3A_199] : memref<2x128x128xf32, #tpu.memory_space<vmem>> -> memref<1x128x128xf32, #tpu.memory_space<vmem>>
      %dma_wait3A_201 = tpu.memref_squeeze %dma_wait3A_200 : memref<1x128x128xf32, #tpu.memory_space<vmem>> -> memref<128x128xf32, #tpu.memory_space<vmem>>
      %dma_wait3A_202 = arith.constant 0 : i32
      %dma_wait3A_203 = tpu.memref_slice %arg7[%add3A_173, %dma_wait3A_202] : memref<10240x128xf32, #tpu.memory_space<vmem_shared>> -> memref<128x128xf32, #tpu.memory_space<vmem_shared>>
      tpu.wait_dma2 semaphore(%run_scoped3A_179 : memref<!tpu.dma_semaphore, #tpu.memory_space<semaphore_mem>>) src(%dma_wait3A_203 : memref<128x128xf32, #tpu.memory_space<vmem_shared>>) dst(%dma_wait3A_201 : memref<128x128xf32, #tpu.memory_space<vmem>>)
      tpu.yield
    }) : () -> ()
    %mul3A_175 = arith.constant 10240 : i32
    %mul3A_176 = arith.muli %arg0, %mul3A_175 : i32
    %add3A_177 = arith.addi %mul3A_176, %add3A_173 : i32
    %run_scoped3A_178 = arith.constant 0 : i32
    "tpu.region"() ({
      %run_scoped3A_179 = tpu.sem_alloc : memref<!tpu.dma_semaphore, #tpu.memory_space<semaphore_mem>>
      %dma_start3A_180 = arith.constant 0 : i32
      %dma_start3A_181 = arith.constant 0 : i32
      %dma_start3A_182 = tpu.memref_slice %arg6[%run_scoped3A_178, %dma_start3A_180, %dma_start3A_181] : memref<2x128x128xf32, #tpu.memory_space<vmem>> -> memref<1x128x128xf32, #tpu.memory_space<vmem>>
      %dma_start3A_183 = tpu.memref_squeeze %dma_start3A_182 : memref<1x128x128xf32, #tpu.memory_space<vmem>> -> memref<128x128xf32, #tpu.memory_space<vmem>>
      %dma_start3A_184 = arith.constant 0 : i32
      %dma_start3A_185 = tpu.memref_slice %arg4[%add3A_177, %dma_start3A_184] : memref<20480x128xf32, #tpu.memory_space<hbm>> -> memref<128x128xf32, #tpu.memory_space<hbm>>
      %dma_start3A_186 = arith.constant 0 : i32
      %dma_start3A_187 = tpu.memref_slice %arg4[%add3A_177, %dma_start3A_186] : memref<20480x128xf32, #tpu.memory_space<hbm>> -> memref<128x128xf32, #tpu.memory_space<hbm>>
      %dma_start3A_188 = arith.constant 0 : i32
      %dma_start3A_189 = arith.constant 0 : i32
      %dma_start3A_190 = tpu.memref_slice %arg6[%run_scoped3A_178, %dma_start3A_188, %dma_start3A_189] : memref<2x128x128xf32, #tpu.memory_space<vmem>> -> memref<1x128x128xf32, #tpu.memory_space<vmem>>
      %dma_start3A_191 = tpu.memref_squeeze %dma_start3A_190 : memref<1x128x128xf32, #tpu.memory_space<vmem>> -> memref<128x128xf32, #tpu.memory_space<vmem>>
      tpu.enqueue_dma source(%dma_start3A_191 : memref<128x128xf32, #tpu.memory_space<vmem>>) target(%dma_start3A_187 : memref<128x128xf32, #tpu.memory_space<hbm>>) target_semaphore(%run_scoped3A_179 : memref<!tpu.dma_semaphore, #tpu.memory_space<semaphore_mem>>)
      %dma_wait3A_192 = arith.constant 0 : i32
      %dma_wait3A_193 = arith.constant 0 : i32
      %dma_wait3A_194 = tpu.memref_slice %arg6[%run_scoped3A_178, %dma_wait3A_192, %dma_wait3A_193] : memref<2x128x128xf32, #tpu.memory_space<vmem>> -> memref<1x128x128xf32, #tpu.memory_space<vmem>>
      %dma_wait3A_195 = tpu.memref_squeeze %dma_wait3A_194 : memref<1x128x128xf32, #tpu.memory_space<vmem>> -> memref<128x128xf32, #tpu.memory_space<vmem>>
      %dma_wait3A_196 = arith.constant 0 : i32
      %dma_wait3A_197 = tpu.memref_slice %arg4[%add3A_177, %dma_wait3A_196] : memref<20480x128xf32, #tpu.memory_space<hbm>> -> memref<128x128xf32, #tpu.memory_space<hbm>>
      %dma_wait3A_198 = arith.constant 0 : i32
      %dma_wait3A_199 = tpu.memref_slice %arg4[%add3A_177, %dma_wait3A_198] : memref<20480x128xf32, #tpu.memory_space<hbm>> -> memref<128x128xf32, #tpu.memory_space<hbm>>
      %dma_wait3A_200 = arith.constant 0 : i32
      %dma_wait3A_201 = arith.constant 0 : i32
      %dma_wait3A_202 = tpu.memref_slice %arg6[%run_scoped3A_178, %dma_wait3A_200, %dma_wait3A_201] : memref<2x128x128xf32, #tpu.memory_space<vmem>> -> memref<1x128x128xf32, #tpu.memory_space<vmem>>
      %dma_wait3A_203 = tpu.memref_squeeze %dma_wait3A_202 : memref<1x128x128xf32, #tpu.memory_space<vmem>> -> memref<128x128xf32, #tpu.memory_space<vmem>>
      tpu.wait_dma2 semaphore(%run_scoped3A_179 : memref<!tpu.dma_semaphore, #tpu.memory_space<semaphore_mem>>) src(%dma_wait3A_203 : memref<128x128xf32, #tpu.memory_space<vmem>>) dst(%dma_wait3A_199 : memref<128x128xf32, #tpu.memory_space<hbm>>)
      tpu.yield
    }) : () -> ()
    return
  }
}

module attributes {stable_mosaic.version = 14 : i64} {
  func.func @_tc1_body(%arg0: i32, %arg1: memref<128x128xf32, #tpu.memory_space<vmem>>, %arg2: memref<128x128xf32, #tpu.memory_space<vmem>>, %arg3: memref<32x128xf32, #tpu.memory_space<vmem>>, %arg4: memref<128x128xf32, #tpu.memory_space<vmem>>) attributes {dimension_semantics = [#tpu.dimension_semantics<arbitrary>], iteration_bounds = array<i64: 80>, scalar_prefetch = 0 : i64, scratch_operands = 0 : i64, tpu.core_type = #tpu.core_type<tc>, window_params = [{transform_indices = @transform_0, window_bounds = array<i64: 128, 128>}, {pipeline_mode = #tpu.pipeline_mode<synchronous>, transform_indices = @transform_1, window_bounds = array<i64: 128, 128>}, {transform_indices = @transform_2, window_bounds = array<i64: 32, 128>}, {transform_indices = @transform_3, window_bounds = array<i64: 128, 128>}]} {
    %get3A = arith.constant 0 : index
    %get3A_0 = arith.constant 0 : index
    %get3A_1 = vector.load %arg3[%get3A, %get3A_0] : memref<32x128xf32, #tpu.memory_space<vmem>>, vector<32x128xf32>
    %reduce_sum3A = arith.constant dense<0.000000e+00> : vector<128xf32>
    %reduce_sum3A_2 = vector.multi_reduction <add>, %get3A_1, %reduce_sum3A [0] : vector<32x128xf32> to vector<128xf32>
    %add3A = arith.constant 1.000000e+00 : f32
    %add3A_3 = vector.broadcast %add3A : f32 to vector<128xf32>
    %add3A_4 = arith.addf %reduce_sum3A_2, %add3A_3 : vector<128xf32>
    %rsqrt3A = math.rsqrt %add3A_4 : vector<128xf32>
    %broadcast_in_dim3A = vector.shape_cast %rsqrt3A : vector<128xf32> to vector<128x1xf32>
    %get3A_5 = arith.constant 0 : index
    %get3A_6 = arith.constant 0 : index
    %get3A_7 = vector.load %arg1[%get3A_5, %get3A_6] : memref<128x128xf32, #tpu.memory_space<vmem>>, vector<128x128xf32>
    %get3A_8 = arith.constant 0 : index
    %get3A_9 = arith.constant 0 : index
    %get3A_10 = vector.load %arg2[%get3A_8, %get3A_9] : memref<128x128xf32, #tpu.memory_space<vmem>>, vector<128x128xf32>
    %dot_general3A = arith.constant dense<0.000000e+00> : vector<128x128xf32>
    %dot_general3A_11 = tpu.matmul %get3A_7, %get3A_10, %dot_general3A {dimension_numbers = #tpu.dot_dimension_numbers<[1], [0], [0], [1], [0, 0, 1, 1], [], []>, transpose_lhs_hint = false} : vector<128x128xf32>, vector<128x128xf32>, vector<128x128xf32> -> vector<128x128xf32>
    %mul3A = vector.broadcast %broadcast_in_dim3A : vector<128x1xf32> to vector<128x128xf32>
    %mul3A_12 = arith.mulf %dot_general3A_11, %mul3A : vector<128x128xf32>
    %swap3A = arith.constant 0 : index
    %swap3A_13 = arith.constant 0 : index
    %swap3A_14 = vector.load %arg4[%swap3A, %swap3A_13] : memref<128x128xf32, #tpu.memory_space<vmem>>, vector<128x128xf32>
    tpu.vector_store %arg4[%swap3A, %swap3A_13], %mul3A_12 {strides = array<i32>} : memref<128x128xf32, #tpu.memory_space<vmem>>, vector<128x128xf32>,
    return
  }
  func.func @transform_0(%arg0: i32) -> (i32, i32) {
    %c0_i32 = arith.constant 0 : i32
    %c0_i32_0 = arith.constant 0 : i32
    return %arg0, %c0_i32 : i32, i32
  }
  func.func @transform_1(%arg0: i32) -> (i32, i32) {
    %c0_i32 = arith.constant 0 : i32
    %c0_i32_0 = arith.constant 0 : i32
    %c0_i32_1 = arith.constant 0 : i32
    return %c0_i32, %c0_i32_0 : i32, i32
  }
  func.func @transform_2(%arg0: i32) -> (i32, i32) {
    %c0_i32 = arith.constant 0 : i32
    %c0_i32_0 = arith.constant 0 : i32
    return %c0_i32, %arg0 : i32, i32
  }
  func.func @transform_3(%arg0: i32) -> (i32, i32) {
    %c0_i32 = arith.constant 0 : i32
    %c0_i32_0 = arith.constant 0 : i32
    return %arg0, %c0_i32 : i32, i32
  }
}

module attributes {stable_mosaic.version = 14 : i64} {
  func.func @_tc2_body(%arg0: i32, %arg1: memref<2x128x128xf32, #tpu.memory_space<vmem>>, %arg2: memref<128x128xf32, #tpu.memory_space<vmem>>, %arg3: memref<32x128xf32, #tpu.memory_space<vmem>>, %arg4: memref<128x128xf32, #tpu.memory_space<vmem>>, %arg5: memref<1x128xf32, #tpu.memory_space<vmem>>, %arg6: memref<128x128xf32, #tpu.memory_space<vmem>>) attributes {dimension_semantics = [#tpu.dimension_semantics<arbitrary>], iteration_bounds = array<i64: 80>, scalar_prefetch = 0 : i64, scratch_operands = 0 : i64, tpu.core_type = #tpu.core_type<tc>, window_params = [{transform_indices = @transform_0, window_bounds = array<i64: 2, 128, 128>}, {transform_indices = @transform_1, window_bounds = array<i64: 128, 128>}, {transform_indices = @transform_2, window_bounds = array<i64: 32, 128>}, {pipeline_mode = #tpu.pipeline_mode<synchronous>, transform_indices = @transform_3, window_bounds = array<i64: 128, 128>}, {pipeline_mode = #tpu.pipeline_mode<synchronous>, transform_indices = @transform_4, window_bounds = array<i64: 1, 128>}, {transform_indices = @transform_5, window_bounds = array<i64: 128, 128>}]} {
    %get3A = arith.constant 0 : index
    %get3A_0 = arith.constant 0 : index
    %get3A_1 = vector.load %arg3[%get3A, %get3A_0] : memref<32x128xf32, #tpu.memory_space<vmem>>, vector<32x128xf32>
    %reduce_sum3A = arith.constant dense<0.000000e+00> : vector<128xf32>
    %reduce_sum3A_2 = vector.multi_reduction <add>, %get3A_1, %reduce_sum3A [0] : vector<32x128xf32> to vector<128xf32>
    %add3A = arith.constant 1.000000e+00 : f32
    %add3A_3 = vector.broadcast %add3A : f32 to vector<128xf32>
    %add3A_4 = arith.addf %reduce_sum3A_2, %add3A_3 : vector<128xf32>
    %rsqrt3A = math.rsqrt %add3A_4 : vector<128xf32>
    %broadcast_in_dim3A = vector.shape_cast %rsqrt3A : vector<128xf32> to vector<128x1xf32>
    %get3A_5 = arith.constant 0 : index
    %get3A_6 = arith.constant 0 : index
    %get3A_7 = arith.constant 0 : index
    %get3A_8 = vector.load %arg1[%get3A_5, %get3A_6, %get3A_7] : memref<2x128x128xf32, #tpu.memory_space<vmem>>, vector<1x128x128xf32>
    %get3A_9 = vector.shape_cast %get3A_8 : vector<1x128x128xf32> to vector<128x128xf32>
    %get3A_10 = arith.constant 1 : index
    %get3A_11 = arith.constant 0 : index
    %get3A_12 = arith.constant 0 : index
    %get3A_13 = vector.load %arg1[%get3A_10, %get3A_11, %get3A_12] : memref<2x128x128xf32, #tpu.memory_space<vmem>>, vector<1x128x128xf32>
    %get3A_14 = vector.shape_cast %get3A_13 : vector<1x128x128xf32> to vector<128x128xf32>
    %add3A_15 = arith.addf %get3A_9, %get3A_14 : vector<128x128xf32>
    %get3A_16 = arith.constant 0 : index
    %get3A_17 = arith.constant 0 : index
    %get3A_18 = vector.load %arg2[%get3A_16, %get3A_17] : memref<128x128xf32, #tpu.memory_space<vmem>>, vector<128x128xf32>
    %add3A_19 = arith.addf %add3A_15, %get3A_18 : vector<128x128xf32>
    %mul3A = vector.broadcast %broadcast_in_dim3A : vector<128x1xf32> to vector<128x128xf32>
    %mul3A_20 = arith.mulf %add3A_19, %mul3A : vector<128x128xf32>
    %get3A_21 = arith.constant 0 : index
    %get3A_22 = arith.constant 0 : index
    %get3A_23 = vector.load %arg5[%get3A_21, %get3A_22] : memref<1x128xf32, #tpu.memory_space<vmem>>, vector<1x128xf32>
    %add3A_24 = vector.broadcast %get3A_23 : vector<1x128xf32> to vector<128x128xf32>
    %add3A_25 = arith.addf %mul3A_20, %add3A_24 : vector<128x128xf32>
    %max3A = arith.constant 0.000000e+00 : f32
    %max3A_26 = vector.broadcast %max3A : f32 to vector<128x128xf32>
    %max3A_27 = arith.maximumf %add3A_25, %max3A_26 : vector<128x128xf32>
    %get3A_28 = arith.constant 0 : index
    %get3A_29 = arith.constant 0 : index
    %get3A_30 = vector.load %arg4[%get3A_28, %get3A_29] : memref<128x128xf32, #tpu.memory_space<vmem>>, vector<128x128xf32>
    %dot_general3A = arith.constant dense<0.000000e+00> : vector<128x128xf32>
    %dot_general3A_31 = tpu.matmul %max3A_27, %get3A_30, %dot_general3A {dimension_numbers = #tpu.dot_dimension_numbers<[1], [0], [0], [1], [0, 0, 1, 1], [], []>, transpose_lhs_hint = false} : vector<128x128xf32>, vector<128x128xf32>, vector<128x128xf32> -> vector<128x128xf32>
    %mul3A_32 = vector.broadcast %broadcast_in_dim3A : vector<128x1xf32> to vector<128x128xf32>
    %mul3A_33 = arith.mulf %dot_general3A_31, %mul3A_32 : vector<128x128xf32>
    %swap3A = arith.constant 0 : index
    %swap3A_34 = arith.constant 0 : index
    %swap3A_35 = vector.load %arg6[%swap3A, %swap3A_34] : memref<128x128xf32, #tpu.memory_space<vmem>>, vector<128x128xf32>
    tpu.vector_store %arg6[%swap3A, %swap3A_34], %mul3A_33 {strides = array<i32>} : memref<128x128xf32, #tpu.memory_space<vmem>>, vector<128x128xf32>,
    return
  }
  func.func @transform_0(%arg0: i32) -> (i32, i32, i32) {
    %c0_i32 = arith.constant 0 : i32
    %c0_i32_0 = arith.constant 0 : i32
    %c0_i32_1 = arith.constant 0 : i32
    return %c0_i32, %arg0, %c0_i32_0 : i32, i32, i32
  }
  func.func @transform_1(%arg0: i32) -> (i32, i32) {
    %c0_i32 = arith.constant 0 : i32
    %c0_i32_0 = arith.constant 0 : i32
    return %arg0, %c0_i32 : i32, i32
  }
  func.func @transform_2(%arg0: i32) -> (i32, i32) {
    %c0_i32 = arith.constant 0 : i32
    %c0_i32_0 = arith.constant 0 : i32
    return %c0_i32, %arg0 : i32, i32
  }
  func.func @transform_3(%arg0: i32) -> (i32, i32) {
    %c0_i32 = arith.constant 0 : i32
    %c0_i32_0 = arith.constant 0 : i32
    %c0_i32_1 = arith.constant 0 : i32
    return %c0_i32, %c0_i32_0 : i32, i32
  }
  func.func @transform_4(%arg0: i32) -> (i32, i32) {
    %c0_i32 = arith.constant 0 : i32
    %c0_i32_0 = arith.constant 0 : i32
    %c0_i32_1 = arith.constant 0 : i32
    return %c0_i32, %c0_i32_0 : i32, i32
  }
  func.func @transform_5(%arg0: i32) -> (i32, i32) {
    %c0_i32 = arith.constant 0 : i32
    %c0_i32_0 = arith.constant 0 : i32
    return %arg0, %c0_i32 : i32, i32
  }
}

module attributes {stable_mosaic.version = 14 : i64} {
  func.func @_tc3_body(%arg0: i32, %arg1: memref<2x128x128xf32, #tpu.memory_space<vmem>>, %arg2: memref<128x128xf32, #tpu.memory_space<vmem>>, %arg3: memref<32x128xf32, #tpu.memory_space<vmem>>, %arg4: memref<1x128xf32, #tpu.memory_space<vmem>>, %arg5: memref<128x128xf32, #tpu.memory_space<vmem>>, %arg6: memref<128x128xf32, #tpu.memory_space<vmem>>, %arg7: memref<128x128xf32, #tpu.memory_space<vmem>>, %arg8: memref<128x128xf32, #tpu.memory_space<vmem>>, %arg9: memref<128x128xf32, #tpu.memory_space<vmem>>) attributes {dimension_semantics = [#tpu.dimension_semantics<arbitrary>], iteration_bounds = array<i64: 80>, scalar_prefetch = 0 : i64, scratch_operands = 0 : i64, tpu.core_type = #tpu.core_type<tc>, window_params = [{transform_indices = @transform_0, window_bounds = array<i64: 2, 128, 128>}, {transform_indices = @transform_1, window_bounds = array<i64: 128, 128>}, {transform_indices = @transform_2, window_bounds = array<i64: 32, 128>}, {pipeline_mode = #tpu.pipeline_mode<synchronous>, transform_indices = @transform_3, window_bounds = array<i64: 1, 128>}, {transform_indices = @transform_4, window_bounds = array<i64: 128, 128>}, {transform_indices = @transform_5, window_bounds = array<i64: 128, 128>}, {pipeline_mode = #tpu.pipeline_mode<synchronous>, transform_indices = @transform_6, window_bounds = array<i64: 128, 128>}, {pipeline_mode = #tpu.pipeline_mode<synchronous>, transform_indices = @transform_7, window_bounds = array<i64: 128, 128>}, {transform_indices = @transform_8, window_bounds = array<i64: 128, 128>}]} {
    %get3A = arith.constant 0 : index
    %get3A_0 = arith.constant 0 : index
    %get3A_1 = vector.load %arg3[%get3A, %get3A_0] : memref<32x128xf32, #tpu.memory_space<vmem>>, vector<32x128xf32>
    %reduce_sum3A = arith.constant dense<0.000000e+00> : vector<128xf32>
    %reduce_sum3A_2 = vector.multi_reduction <add>, %get3A_1, %reduce_sum3A [0] : vector<32x128xf32> to vector<128xf32>
    %add3A = arith.constant 1.000000e+00 : f32
    %add3A_3 = vector.broadcast %add3A : f32 to vector<128xf32>
    %add3A_4 = arith.addf %reduce_sum3A_2, %add3A_3 : vector<128xf32>
    %rsqrt3A = math.rsqrt %add3A_4 : vector<128xf32>
    %broadcast_in_dim3A = vector.shape_cast %rsqrt3A : vector<128xf32> to vector<128x1xf32>
    %get3A_5 = arith.constant 0 : index
    %get3A_6 = arith.constant 0 : index
    %get3A_7 = arith.constant 0 : index
    %get3A_8 = vector.load %arg1[%get3A_5, %get3A_6, %get3A_7] : memref<2x128x128xf32, #tpu.memory_space<vmem>>, vector<1x128x128xf32>
    %get3A_9 = vector.shape_cast %get3A_8 : vector<1x128x128xf32> to vector<128x128xf32>
    %get3A_10 = arith.constant 1 : index
    %get3A_11 = arith.constant 0 : index
    %get3A_12 = arith.constant 0 : index
    %get3A_13 = vector.load %arg1[%get3A_10, %get3A_11, %get3A_12] : memref<2x128x128xf32, #tpu.memory_space<vmem>>, vector<1x128x128xf32>
    %get3A_14 = vector.shape_cast %get3A_13 : vector<1x128x128xf32> to vector<128x128xf32>
    %add3A_15 = arith.addf %get3A_9, %get3A_14 : vector<128x128xf32>
    %get3A_16 = arith.constant 0 : index
    %get3A_17 = arith.constant 0 : index
    %get3A_18 = vector.load %arg2[%get3A_16, %get3A_17] : memref<128x128xf32, #tpu.memory_space<vmem>>, vector<128x128xf32>
    %add3A_19 = arith.addf %add3A_15, %get3A_18 : vector<128x128xf32>
    %mul3A = vector.broadcast %broadcast_in_dim3A : vector<128x1xf32> to vector<128x128xf32>
    %mul3A_20 = arith.mulf %add3A_19, %mul3A : vector<128x128xf32>
    %get3A_21 = arith.constant 0 : index
    %get3A_22 = arith.constant 0 : index
    %get3A_23 = vector.load %arg4[%get3A_21, %get3A_22] : memref<1x128xf32, #tpu.memory_space<vmem>>, vector<1x128xf32>
    %add3A_24 = vector.broadcast %get3A_23 : vector<1x128xf32> to vector<128x128xf32>
    %add3A_25 = arith.addf %mul3A_20, %add3A_24 : vector<128x128xf32>
    %get3A_26 = arith.constant 0 : index
    %get3A_27 = arith.constant 0 : index
    %get3A_28 = vector.load %arg5[%get3A_26, %get3A_27] : memref<128x128xf32, #tpu.memory_space<vmem>>, vector<128x128xf32>
    %get3A_29 = arith.constant 0 : index
    %get3A_30 = arith.constant 0 : index
    %get3A_31 = vector.load %arg7[%get3A_29, %get3A_30] : memref<128x128xf32, #tpu.memory_space<vmem>>, vector<128x128xf32>
    %dot_general3A = arith.constant dense<0.000000e+00> : vector<128x128xf32>
    %dot_general3A_32 = tpu.matmul %get3A_28, %get3A_31, %dot_general3A {dimension_numbers = #tpu.dot_dimension_numbers<[1], [0], [0], [1], [0, 0, 1, 1], [], []>, transpose_lhs_hint = false} : vector<128x128xf32>, vector<128x128xf32>, vector<128x128xf32> -> vector<128x128xf32>
    %add3A_33 = arith.addf %add3A_25, %dot_general3A_32 : vector<128x128xf32>
    %get3A_34 = arith.constant 0 : index
    %get3A_35 = arith.constant 0 : index
    %get3A_36 = vector.load %arg6[%get3A_34, %get3A_35] : memref<128x128xf32, #tpu.memory_space<vmem>>, vector<128x128xf32>
    %get3A_37 = arith.constant 0 : index
    %get3A_38 = arith.constant 0 : index
    %get3A_39 = vector.load %arg8[%get3A_37, %get3A_38] : memref<128x128xf32, #tpu.memory_space<vmem>>, vector<128x128xf32>
    %dot_general3A_40 = arith.constant dense<0.000000e+00> : vector<128x128xf32>
    %dot_general3A_41 = tpu.matmul %get3A_36, %get3A_39, %dot_general3A_40 {dimension_numbers = #tpu.dot_dimension_numbers<[1], [0], [0], [1], [0, 0, 1, 1], [], []>, transpose_lhs_hint = false} : vector<128x128xf32>, vector<128x128xf32>, vector<128x128xf32> -> vector<128x128xf32>
    %add3A_42 = arith.addf %add3A_33, %dot_general3A_41 : vector<128x128xf32>
    %swap3A = arith.constant 0 : index
    %swap3A_43 = arith.constant 0 : index
    %swap3A_44 = vector.load %arg9[%swap3A, %swap3A_43] : memref<128x128xf32, #tpu.memory_space<vmem>>, vector<128x128xf32>
    tpu.vector_store %arg9[%swap3A, %swap3A_43], %add3A_42 {strides = array<i32>} : memref<128x128xf32, #tpu.memory_space<vmem>>, vector<128x128xf32>,
    return
  }
  func.func @transform_0(%arg0: i32) -> (i32, i32, i32) {
    %c0_i32 = arith.constant 0 : i32
    %c0_i32_0 = arith.constant 0 : i32
    %c0_i32_1 = arith.constant 0 : i32
    return %c0_i32, %arg0, %c0_i32_0 : i32, i32, i32
  }
  func.func @transform_1(%arg0: i32) -> (i32, i32) {
    %c0_i32 = arith.constant 0 : i32
    %c0_i32_0 = arith.constant 0 : i32
    return %arg0, %c0_i32 : i32, i32
  }
  func.func @transform_2(%arg0: i32) -> (i32, i32) {
    %c0_i32 = arith.constant 0 : i32
    %c0_i32_0 = arith.constant 0 : i32
    return %c0_i32, %arg0 : i32, i32
  }
  func.func @transform_3(%arg0: i32) -> (i32, i32) {
    %c0_i32 = arith.constant 0 : i32
    %c0_i32_0 = arith.constant 0 : i32
    %c0_i32_1 = arith.constant 0 : i32
    return %c0_i32, %c0_i32_0 : i32, i32
  }
  func.func @transform_4(%arg0: i32) -> (i32, i32) {
    %c0_i32 = arith.constant 0 : i32
    %c0_i32_0 = arith.constant 0 : i32
    return %arg0, %c0_i32 : i32, i32
  }
  func.func @transform_5(%arg0: i32) -> (i32, i32) {
    %c0_i32 = arith.constant 0 : i32
    %c0_i32_0 = arith.constant 0 : i32
    return %arg0, %c0_i32 : i32, i32
  }
  func.func @transform_6(%arg0: i32) -> (i32, i32) {
    %c0_i32 = arith.constant 0 : i32
    %c0_i32_0 = arith.constant 0 : i32
    %c0_i32_1 = arith.constant 0 : i32
    return %c0_i32, %c0_i32_0 : i32, i32
  }
  func.func @transform_7(%arg0: i32) -> (i32, i32) {
    %c0_i32 = arith.constant 0 : i32
    %c0_i32_0 = arith.constant 0 : i32
    %c0_i32_1 = arith.constant 0 : i32
    return %c0_i32, %c0_i32_0 : i32, i32
  }
  func.func @transform_8(%arg0: i32) -> (i32, i32) {
    %c0_i32 = arith.constant 0 : i32
    %c0_i32_0 = arith.constant 0 : i32
    return %arg0, %c0_i32 : i32, i32
  }
}

</mosaic_0001>

<sc_bundles>
// kernel: kernel.11.cloned.1.call-start
scs
__scs_entry_jumppad:
0x0: {  	(pc) =	sbr.rel $0x88, $3  }
0x1: {  	(tag) =	ssettag $0x0;
	lr =	simm.s32 $0x1  }
0x2: {  	[smem:$0x3F97] =	sst lr;
	_ =	strace $0xD0000000  }
0x3: {  	_ = 	snop  }
0x4: {  	_ = 	snop  }
0x5: {  	_ = 	snop  }
0x6: {  	_ = 	snop  }
0x7: {  	_ = 	snop  }
__scs_overlays_trampoline_lowered:
0x8: {  	[smem:$0x3FA6] =	sst s0  }
0x9: {  	[smem:$0x3FA7] =	sst s1  }
0xa: {  	[smem:$0x3FA8] =	sst s2  }
0xb: {  	[smem:$0x3FA9] =	sst s3  }
0xc: {  	[smem:$0x3FAA] =	sst s4  }
0xd: {  	[smem:$0x3FAB] =	sst s5  }
0xe: {  	[smem:$0x3FAC] =	sst s6  }
0xf: {  	[smem:$0x3FAD] =	sst s7  }
0x10: {  	[smem:$0x3FAE] =	sst s8  }
0x11: {  	[smem:$0x3FAF] =	sst s9;
	s0 =	simm.s32 @!p0 $0x0  }
0x12: {  	s1 =	sld [smem:$0x3F95];
	s0 =	simm.s32 @p0 $0x1  }
0x13: {  	[smem:$0x3FB0] =	sst s0;
	s0 =	simm.s32 @!p1 $0x0  }
0x14: {  	s2 =	sld [smem:$0x3F94];
	s0 =	simm.s32 @p1 $0x1  }
0x15: {  	[smem:$0x3FB1] =	sst s0;
	s0 =	simm.s32 @!p2 $0x0  }
0x16: {  	s3 =	sld [smem:$0x3FDB];
	s0 =	simm.s32 @p2 $0x1  }
0x17: {  	s4 =	simm.s32 $0x1BF5;
	[smem:$0x3FB3] =	sst s0  }
0x18: {  	s0 =	sld [smem:$0x3F96];
	_ =	swait.ge [sflag:s4], $0x0  }
0x19: {  	s7 =	sld [smem:$0x3F97]  }
0x1a: {  	s8 =	sadd.s32 $0xFFFFE003, lr  }
0x1b: {  	s9 =	sadd.s32 $0xFFFFFEF7, lr;
	s5 =	simm.s32 $0xFFFFFFFF;
	p2 =	slt.u32 s8, $0xFFFFF086  }
0x1c: {  	p1 =	slt.u32 s9, $0xF7A;
	s5 =	simm.s32 @!p2 $0x0  }
0x1d: {  	s5 =	simm.s32 @p1 $0x1;
	p0 =	seq.s32 s7, s2  }
0x1e: {  	s7 =	smul.u32 @!p0 $0xF7A, s2;
	p2 =	seq.s32 @!p0 s5, $0x0  }
0x1f: {  	s9 =	smul.u32 $0xF7A, s1;
	s8 =	simm.s32 @!p0 $0x1BF5;
	p2 =	por !p2, p0  }
0x20: {  	[sflag:s8] =	ssyncset.s32 @!p0 $0xFFFFF086;
	s6 =	sadd.s32 @!p0 s3, s7;
	s7 =	simm.s32 @!p0 $0x108  }
0x21: {  	s3 =	sadd.s32 s3, s9;
	s6 =	sadd.s32 @!p0 $0x88, s6;
	s7 =	simm.s32 @p2 $0x1082  }
0x22: {  	[simem:s7], [sflag:s8] =	dma.local @!p0 [hbm:s6], $0xF7A  }
0x23: {  	s9 =	sor.u32 $0xD0000000, s2;
	s6 =	simm.s32 $0x108;
	_ =	swait.ge @!p0 [sflag:s8], $0x0  }
0x24: {  	s3 =	sadd.s32 $0x88, s3;
	s6 =	simm.s32 @!p1 $0x1082;
	[sflag:s4] =	ssyncset.s32 $0xFFFFF086  }
0x25: {  	[simem:s6], [sflag:s4] =	dma.local [hbm:s3], $0xF7A  }
0x26: {  	[smem:$0x3F97] =	sst s1;
	(tag) =	ssettag s2;
	_ =	strace s9  }
0x27: {  	s1 =	sld [smem:$0x3FA7]  }
0x28: {  	s2 =	sld [smem:$0x3FA8]  }
0x29: {  	s4 =	sld [smem:$0x3FAA]  }
0x2a: {  	p0 =	seq.s32 s5, $0x0;
	s5 =	sld [smem:$0x3FAB]  }
0x2b: {  	s6 =	sld [smem:$0x3FAC]  }
0x2c: {  	s7 =	sld [smem:$0x3FAD]  }
0x2d: {  	s3 =	simm.s32 $0x108;
	s8 =	sld [smem:$0x3FAE]  }
0x2e: {  	s3 =	simm.s32 @!p0 $0x1082;
	s9 =	sld [smem:$0x3FAF]  }
0x2f: {  	lr =	sadd.s32 s0, s3;
	s0 =	sld [smem:$0x3FA6]  }
0x30: {  	s3 =	sld [smem:$0x3FA9]  }
0x31: {  	[smem:$0x3FB2] =	sst s10  }
0x32: {  	s10 =	sld [smem:$0x3FB0];
	_ =	sdelay $0x3  }
0x33: {  	p0 =	seq.s32 s10, $0x1;
	s10 =	sld [smem:$0x3FB2];
	_ =	sdelay $0x3  }
0x34: {  	[smem:$0x3FB2] =	sst s10  }
0x35: {  	s10 =	sld [smem:$0x3FB1];
	_ =	sdelay $0x3  }
0x36: {  	p1 =	seq.s32 s10, $0x1;
	s10 =	sld [smem:$0x3FB2];
	_ =	sdelay $0x3  }
0x37: {  	[smem:$0x3FB2] =	sst s10  }
0x38: {  	s10 =	sld [smem:$0x3FB3]  }
0x39: {  	_ = 	snop;
	(pc) =	sbr.ind lr, $3  }
0x3a: {  	_ = 	snop  }
0x3b: {  	_ = 	snop  }
0x3c: {  	p2 =	seq.s32 s10, $0x1;
	s10 =	sld [smem:$0x3FB2]  }
0x3d: {  	_ =	shalt  }
0x3e: {  	_ =	shalt  }
0x3f: {  	_ =	shalt  }
0x40: {  	_ =	shalt  }
0x41: {  	_ =	shalt  }
0x42: {  	_ =	shalt  }
0x43: {  	_ =	shalt  }
0x44: {  	_ =	shalt  }
0x45: {  	_ =	shalt  }
0x46: {  	_ =	shalt  }
0x47: {  	_ =	shalt  }
0x48: {  	_ =	shalt  }
0x49: {  	_ =	shalt  }
0x4a: {  	_ =	shalt  }
0x4b: {  	_ =	shalt  }
0x4c: {  	_ =	shalt  }
0x4d: {  	_ =	shalt  }
0x4e: {  	_ =	shalt  }
0x4f: {  	_ =	shalt  }
0x50: {  	_ =	shalt  }
0x51: {  	_ =	shalt  }
0x52: {  	_ =	shalt  }
0x53: {  	_ =	shalt  }
0x54: {  	_ =	shalt  }
0x55: {  	_ =	shalt  }
0x56: {  	_ =	shalt  }
0x57: {  	_ =	shalt  }
0x58: {  	_ =	shalt  }
0x59: {  	_ =	shalt  }
0x5a: {  	_ =	shalt  }
0x5b: {  	_ =	shalt  }
0x5c: {  	_ =	shalt  }
0x5d: {  	_ =	shalt  }
0x5e: {  	_ =	shalt  }
0x5f: {  	_ =	shalt  }
0x60: {  	_ =	shalt  }
0x61: {  	_ =	shalt  }
0x62: {  	_ =	shalt  }
0x63: {  	_ =	shalt  }
0x64: {  	_ =	shalt  }
0x65: {  	_ =	shalt  }
0x66: {  	_ =	shalt  }
0x67: {  	_ =	shalt  }
0x68: {  	_ =	shalt  }
0x69: {  	_ =	shalt  }
0x6a: {  	_ =	shalt  }
0x6b: {  	_ =	shalt  }
0x6c: {  	_ =	shalt  }
0x6d: {  	_ =	shalt  }
0x6e: {  	_ =	shalt  }
0x6f: {  	_ =	shalt  }
0x70: {  	_ =	shalt  }
0x71: {  	_ =	shalt  }
0x72: {  	_ =	shalt  }
0x73: {  	_ =	shalt  }
0x74: {  	_ =	shalt  }
0x75: {  	_ =	shalt  }
0x76: {  	_ =	shalt  }
0x77: {  	_ =	shalt  }
0x78: {  	_ =	shalt  }
0x79: {  	_ =	shalt  }
0x7a: {  	_ =	shalt  }
0x7b: {  	_ =	shalt  }
0x7c: {  	_ =	shalt  }
0x7d: {  	_ =	shalt  }
0x7e: {  	_ =	shalt  }
0x7f: {  	_ =	shalt  }
0x80: {  	_ =	shalt  }
0x81: {  	_ =	shalt  }
0x82: {  	_ =	shalt  }
0x83: {  	_ =	shalt  }
0x84: {  	_ =	shalt  }
0x85: {  	_ =	shalt  }
0x86: {  	_ =	shalt  }
0x87: {  	_ =	shalt  }
.Lfunc_end0:
.L_simem_size_0:
called_computation.1_lowered:
.L_overlay_start_0:
0x88: {  	s2 =	sld [smem:$0x3FD9]  }
0x89: {  	s3 =	sld [smem:$0x3FFE];
	_ =	sdelay $0x1  }
0x8a: {  	s1 =	srdreg.scid  }
0x8b: {  	s0 =	sand.u32 $0x1, s1  }
0x8c: {  	s17 =	sshll.u32 s0, $0xA;
	s2 =	sadd.s32 s3, s2  }
0x8d: {  	s2 =	sadd.s32 s2, s17  }
0x8e: {  	[smem:$0x3FBE] =	sst s2  }
0x8f: {  	_ = 	snop  }
0x90: {  	s2 =	sld [smem:$0x3FD0];
	(tm) =	ssettm $0x1  }
0x91: {  	s18 =	sld [smem:$0x3FFB];
	_ =	sdelay $0x3  }
0x92: {  	_ =	strace s18  }
0x93: {  	s3 =	sld [smem:$0x3FFC];
	_ =	sdelay $0x3  }
0x94: {  	_ =	strace s3  }
0x95: {  	s3 =	sld [smem:$0x3FFD];
	_ =	sdelay $0x3  }
0x96: {  	_ =	strace s3  }
0x97: {  	_ =	strace $0x8FFFFFFF  }
0x98: {  	s19 =	sld [smem:$0x3FDB];
	_ =	sdelay $0x1  }
0x99: {  	s4 =	simm.s32 $_scs_section_size  }
0x9a: {  	s5 =	simm.s32 $_size__tile_overlayer_lowered;
	s6 =	simm.s32 $_tile_overlayer_lowered  }
0x9b: {  	s22 =	simm.s32 $0x1BFF;
	s21 =	sshll.u32 s6, $0x1;
	s3 =	sadd.s32 s4, s19  }
0x9c: {  	s7 =	simm.s32 $0x0;
	s20 =	sshll.u32 s5, $0x1;
	s5 =	sadd.s32 s21, s3  }
0x9d: {  	[timem:s7], [sflag:s22] =	dma.local [hbm:s5], s20  }
0x9e: {  	_ =	swait.ge [sflag:s22], s20  }
0x9f: {  	s4 =	ssub.s32 $0x0, s20;
	[sflag:s22] =	ssyncset.done $0x0  }
0xa0: {  	[sflag:s22] =	ssyncadd.s32 s4;
	_ =	sdelay $0x1  }
0xa1: {  	s23 =	simm.s32 $0x1B8B  }
0xa2: {  	_ =	swait.ge [sflag:s23], $0x1  }
0xa3: {  	[sflag:s23] =	ssyncset.done $0x0  }
0xa4: {  	s25 =	simm.s32 $0x1B8E;
	s24 =	sld [smem:$0x3FFE];
	[sflag:s23] =	ssyncadd.s32 $0xFFFFFFFF  }
0xa5: {  	s26 =	simm.s32 $execute0_lowered;
	[smem:$0x3FD2] =	sst s25  }
0xa6: {  	s5 =	sshll.u32 s26, $0x1;
	_ =	strace $0x80000049;
	[dreg:$0x1] =	wrdreg $0xFFFFFFFF  }
0xa7: {  	s28 =	simm.s32 $_size_execute0_lowered;
	s3 =	sadd.s32 s3, s5;
	[dreg:$0x0] =	wrdreg $0x0  }
0xa8: {  	s5 =	sshll.u32 s28, $0x1;
	[dreg:$0x2] =	wrdreg s3  }
0xa9: {  	[dreg:$0x3] =	wrdreg s5  }
0xaa: {  	[dreg:$0x4] =	wrdreg $0xC0  }
0xab: {  	_ =	task [dreg:s7], $0x5FFFF  }
0xac: {  	[dreg:$0x1] =	wrdreg $0xFFFFFFFF  }
0xad: {  	[dreg:$0x0] =	wrdreg $0x60  }
0xae: {  	[dreg:$0x2] =	wrdreg s2  }
0xaf: {  	[dreg:$0x3] =	wrdreg s24  }
0xb0: {  	[dreg:$0x4] =	wrdreg $0x82000  }
0xb1: {  	[dreg:$0x5] =	wrdreg $0x9  }
0xb2: {  	_ =	task.clear_ibuf [dreg:s7], $0x6FFFF;
	_ =	strace $0x90000049  }
0xb3: {  	s29 =	simm.s32 $0x9;
	_ =	strace $0x8000004B  }
0xb4: {  	_ =	swait.ge [sflag:s29], $0x1  }
0xb5: {  	[sflag:s29] =	ssyncadd.s32 $0xFFFFFFFF  }
0xb6: {  	_ =	strace $0x9000004B  }
0xb7: {  	_ =	sfence  }
0xb8: {  	s30 =	sld [smem:$0x0];
	_ =	sdelay $0x2  }
0xb9: {  	s31 =	sshll.u32 s1, $0xD;
	s1 =	sshrl.u32 s1, $0x2  }
0xba: {  	s3 =	sand.u32 $0x4000, s31;
	s1 =	sadd.s32 s1, s30  }
0xbb: {  	s0 =	sor.u32 s3, s0;
	s1 =	sshll.u32 s1, $0x11  }
0xbc: {  	s0 =	sor.u32 s1, s0  }
0xbd: {  	s0 =	sadd.s32 $0x8F2B, s0  }
0xbe: {  	[sflag:s0] =	ssyncadd.remote.s32 $0x1  }
0xbf: {  	_ =	sfence.sel $0xFFFF  }
0xc0: {  	[dreg:$0x0] =	wrdreg $0xFFFFFFFF;
	(pc) =	sbr.abs _section_cstart, $3  }
0xc1: {  	[dreg:$0x1] =	wrdreg $0xFFFFFFFF  }
0xc2: {  	_ =	task.clear_ibuf [dreg:s7], $0x2FFFF;
	_ =	strace $0x9FFFFFFF  }
0xc3: {  	(tm) =	ssettm $0x7FFFFFFF  }
tec
execute0_lowered:
.L_overlay_start_1:
0x0: {  	(tag) =	ssettag $0x1  }
0x1: {  	s0 =	rddreg [dreg:$0x0]  }
0x2: {  	s2 =	rddreg [dreg:$0x1]  }
0x3: {  	s1 =	rddreg [dreg:$0x2]  }
0x4: {  	s3 =	simm.s32 $0x0;
	s5 =	srdreg.scid;
	s13 =	stileid.u32  }
0x5: {  	s28 =	simm.s32 $0x80;
	s29 =	simm.s32 $0x3;
	s30 =	simm.s32 $0x180  }
0x6: {  	s31 =	simm.s32 $0x4200;
	[smem:$0x7FF] =	sst s3;
	s6 =	smul.u32 $0x88, s13  }
0x7: {  	s4 =	sadd.s32 $0x3A00, s2;
	s9 =	sand.u32 $0x1, s5;
	s8 =	smul.u32 $0x18, s13  }
0x8: {  	s2 =	sadd.s32 $0x2BA00, s2;
	s12 =	smul.u32 $0x280, s13;
	s5 =	simm.s32 $0x88  }
0x9: {  	s20 =	smul.u32 $0x50000, s13;
	_ =	strace $0x8000004A;
	s7 =	ssub.s32 $0x2, s9  }
0xa: {  	p0 =	seq.s32 s9, $0x0;
	s18 =	smul.u32 $0x2800, s9;
	s10 =	sshrl.u32 s7, $0x1  }
0xb: {  	s11 =	sadd.s32 $0x880, s8;
	s5 =	simm.s32 @!p0 $0x18;
	s21 =	sshrl.u32 s20, $0x2  }
0xc: {  	s14 =	sadd.s32 $0x80, s12;
	s15 =	sadd.s32 $0x100, s12;
	s16 =	sadd.s32 $0x180, s12  }
0xd: {  	s17 =	sadd.s32 $0x200, s12;
	s13 =	ssub.s32 s7, s10;
	s11 =	smov.u32 @p0 s6  }
0xe: {  	s6 =	sadd.s32 s21, s1;
	s22 =	sshll.u32 s14, $0x7;
	s23 =	sshll.u32 s15, $0x7  }
0xf: {  	s24 =	sshll.u32 s16, $0x7;
	s25 =	sshll.u32 s17, $0x7;
	s26 =	sadd.s32 s12, s18  }
0x10: {  	s20 =	sadd.s32 s18, s14;
	s21 =	sshrl.u32 s5, $0x1;
	s17 =	sadd.s32 s18, s17  }
0x11: {  	s7 =	sadd.s32 s22, s1;
	s8 =	sadd.s32 s23, s1;
	s9 =	sadd.s32 s24, s1  }
0x12: {  	s11 =	sshll.u32 s11, $0x5;
	s10 =	sadd.s32 s25, s1;
	s22 =	sshll.u32 s20, $0x4  }
0x13: {  	s23 =	sadd.s32 s18, s15;
	s24 =	sadd.s32 s18, s16;
	s18 =	smax.u32 s13, $0x1  }
0x14: {  	s20 =	sadd.s32 $0xFFFFFFFD, s5;
	s21 =	sadd.s32 $0xFFFFFFFF, s21;
	s11 =	sadd.s32 s0, s11  }
0x15: {  	s0 =	sshll.u32 s26, $0x4;
	s12 =	sshll.u32 s24, $0x4;
	s19 =	sadd.s32 $0x20, s11  }
0x16: {  	s26 =	sshll.u32 s17, $0x4;
	s0 =	sadd.s32 s2, s0;
	[dreg:$0x4] =	wrdreg s19  }
0x17: {  	s24 =	simm.s32 $0x5;
	s25 =	sadd.s32 s2, s12;
	[dreg:$0x5] =	wrdreg s0  }
0x18: {  	s17 =	sadd.s32 s2, s26;
	s0 =	sadd.s32 s2, s22;
	[dreg:$0x8] =	wrdreg s25  }
0x19: {  	s26 =	simm.s32 $0x1;
	[dreg:$0x6] =	wrdreg s0;
	s0 =	sshll.u32 s23, $0x4  }
0x1a: {  	s19 =	sadd.s32 $0xFFFFFFFE, s5;
	s22 =	sadd.s32 $0x40, s11;
	s0 =	sadd.s32 s2, s0  }
0x1b: {  	v0 =	vimm.f32 $0.0e+00;
	s23 =	simm.s32 $0x200;
	[dreg:$0x7] =	wrdreg s0;
	s0 =	simm.s32 $0x0  }
.LBB2_1:
0x1c: {  	s2 =	simm.s32 $0x0;
	s12 =	simm.s32 $0x200  }
.LBB2_2:
0x1d: {  	p0 =	sne.s32 s12, $0xFE00;
	[tilespmem:s2+$0x270] =	vst v0  }
0x1e: {  	[tilespmem:s2+$0x200] =	vst v0  }
0x1f: {  	[tilespmem:s2+$0x210] =	vst v0  }
.Ltmp0:
0x20: {  	[tilespmem:s2+$0x220] =	vst v0;
	(pc) =	sbr.rel @p0 .LBB2_2-.Ltmp0, $4  }
0x21: {  	[tilespmem:s2+$0x230] =	vst v0  }
0x22: {  	[tilespmem:s2+$0x240] =	vst v0  }
0x23: {  	[tilespmem:s2+$0x250] =	vst v0  }
0x24: {  	[tilespmem:s2+$0x260] =	vst v0;
	s2 =	sshra.s32 s12, $0x2;
	s12 =	sadd.s32 $0x200, s12  }
0x25: {  	[tilespmem:s2+$0x270] =	vst v0  }
0x26: {  	[tilespmem:s2+$0x200] =	vst v0  }
0x27: {  	[tilespmem:s2+$0x210] =	vst v0  }
0x28: {  	[tilespmem:s2+$0x220] =	vst v0  }
0x29: {  	[tilespmem:s2+$0x230] =	vst v0  }
0x2a: {  	[tilespmem:s2+$0x240] =	vst v0  }
0x2b: {  	[tilespmem:s2+$0x250] =	vst v0  }
0x2c: {  	[tilespmem:s2+$0x260] =	vst v0  }
0x2d: {  	[spmem:s6] =	stream.linear.scatter [tilespmem:s23], [sflag:$0x5], $0x4000, $0x38;
	[tilespmem:$0x1C200] =	vst v63  }
0x2e: {  	_ =	swait.ge [sflag:s24], $0x4000  }
0x2f: {  	[sflag:s24] =	ssyncset.done $0x0  }
0x30: {  	[sflag:s24] =	ssyncadd.s32 $0xFFFFC000  }
0x31: {  	[spmem:s7] =	stream.linear.scatter [tilespmem:s23], [sflag:$0x5], $0x4000, $0x38;
	[tilespmem:$0x1C200] =	vst v63  }
0x32: {  	_ =	swait.ge [sflag:s24], $0x4000  }
0x33: {  	[sflag:s24] =	ssyncset.done $0x0  }
0x34: {  	[sflag:s24] =	ssyncadd.s32 $0xFFFFC000  }
0x35: {  	[spmem:s8] =	stream.linear.scatter [tilespmem:s23], [sflag:$0x5], $0x4000, $0x38;
	[tilespmem:$0x1C200] =	vst v63  }
0x36: {  	_ =	swait.ge [sflag:s24], $0x4000  }
0x37: {  	[sflag:s24] =	ssyncset.done $0x0  }
0x38: {  	[sflag:s24] =	ssyncadd.s32 $0xFFFFC000  }
0x39: {  	[spmem:s9] =	stream.linear.scatter [tilespmem:s23], [sflag:$0x5], $0x4000, $0x38;
	[tilespmem:$0x1C200] =	vst v63  }
0x3a: {  	_ =	swait.ge [sflag:s24], $0x4000  }
0x3b: {  	[sflag:s24] =	ssyncset.done $0x0  }
0x3c: {  	[sflag:s24] =	ssyncadd.s32 $0xFFFFC000  }
0x3d: {  	[spmem:s10] =	stream.linear.scatter [tilespmem:s23], [sflag:$0x5], $0x4000, $0x38;
	[tilespmem:$0x1C200] =	vst v63  }
0x3e: {  	_ =	swait.ge [sflag:s24], $0x4000  }
0x3f: {  	[sflag:s24] =	ssyncset.done $0x0  }
0x40: {  	[sflag:s24] =	ssyncadd.s32 $0xFFFFC000  }
0x41: {  	s2 =	simm.s32 $0x0;
	[bflag:$0x0] =	sbarrier.arrive $0xFFFF  }
0x42: {  	[tilespmem:s2], [sflag:$0x1] =	stream.linear.gather [hbm4b:s11+s2], $0x100, $0x38;
	[tilespmem:$0x1C200] =	vst v63  }
0x43: {  	s13 =	simm.s32 $0x100;
	s12 =	rddreg [dreg:$0x4]  }
0x44: {  	[tilespmem:s13], [sflag:$0x2] =	stream.linear.gather [hbm4b:s12+s2], $0x100, $0x38;
	[tilespmem:$0x1C200] =	vst v63  }
0x45: {  	_ =	swait.ge [sflag:s26], $0x100  }
0x46: {  	[sflag:s26] =	ssyncset.done $0x0  }
0x47: {  	[sflag:s26] =	ssyncadd.s32 $0xFFFFFF00  }
0x48: {  	[tilespmem:s23], [sflag:$0x3] =	stream.indirect.gather [hbm4b:s4+s28], $0x80, s2, s28, $0xb8;
	[tilespmem:$0x1C200] =	vst v63  }
0x49: {  	_ =	swait.ge [sflag:s29], $0x4000  }
0x4a: {  	p0 =	sle.u32 s5, $0x1;
	[sflag:s29] =	ssyncset.done $0x0  }
0x4b: {  	s12 =	simm.s32 @!p0 $0x2;
	[sflag:s29] =	ssyncadd.s32 $0xFFFFC000  }
0x4c: {  	_ =	swait.ge @!p0 [sflag:s12], $0x100  }
0x4d: {  	s14 =	simm.s32 @!p0 $0x100;
	[sflag:s12] =	ssyncset.done @!p0 $0x0  }
0x4e: {  	s13 =	simm.s32 @!p0 $0x4200;
	[sflag:s12] =	ssyncadd.s32 @!p0 $0xFFFFFF00;
	s12 =	simm.s32 @!p0 $0x80  }
0x4f: {  	[tilespmem:s13], [sflag:$0x4] =	stream.indirect.gather @!p0 [hbm4b:s4+s12], $0x80, s14, s12, $0xb8;
	[tilespmem:$0x1C200] =	vst v63  }
0x50: {  	_ = 	snop  }
0x51: {  	[spmem:s1] =	stream.indirect.scatter.add.f32 [tilespmem:s23], [sflag:$0x5], $0x80, s28, s28, $0xb8;
	[tilespmem:$0x1C200] =	vst v63  }
0x52: {  	_ =	swait.ge [sflag:s24], $0x4000  }
0x53: {  	p0 =	sle.u32 s19, $0x0;
	[sflag:s24] =	ssyncset.done $0x0  }
0x54: {  	s12 =	simm.s32 @p0 $0x4;
	[sflag:s24] =	ssyncadd.s32 $0xFFFFC000  }
0x55: {  	_ =	swait.ge @p0 [sflag:s12], $0x4000  }
0x56: {  	[sflag:s12] =	ssyncset.done @p0 $0x0  }
0x57: {  	s13 =	simm.s32 @!p0 $0x4;
	[sflag:s12] =	ssyncadd.s32 @p0 $0xFFFFC000;
	s12 =	simm.s32 @!p0 $0x0  }
0x58: {  	[tilespmem:s12], [sflag:$0x1] =	stream.linear.gather @!p0 [hbm4b:s22+s12], $0x100, $0x38;
	[tilespmem:$0x1C200] =	vst v63  }
0x59: {  	_ =	swait.ge @!p0 [sflag:s13], $0x4000  }
0x5a: {  	[sflag:s13] =	ssyncset.done @!p0 $0x0  }
0x5b: {  	[sflag:s13] =	ssyncadd.s32 @!p0 $0xFFFFC000;
	s13 =	simm.s32 @!p0 $0x1  }
0x5c: {  	_ =	swait.ge @!p0 [sflag:s13], $0x100  }
0x5d: {  	[sflag:s13] =	ssyncset.done @!p0 $0x0  }
0x5e: {  	s14 =	simm.s32 @!p0 $0x200;
	[sflag:s13] =	ssyncadd.s32 @!p0 $0xFFFFFF00;
	s13 =	simm.s32 @!p0 $0x80  }
0x5f: {  	[tilespmem:s14], [sflag:$0x3] =	stream.indirect.gather @!p0 [hbm4b:s4+s13], $0x80, s12, s13, $0xb8;
	[tilespmem:$0x1C200] =	vst v63  }
0x60: {  	s12 =	sadd.s32 $0xFFFFFFFF, s21  }
0x61: {  	p0 =	sne.s32 s12, $0x0  }
.Ltmp1:
0x62: {  	_ = 	snop;
	(pc) =	sbr.rel @!p0 .LBB2_5-.Ltmp1, $4  }
0x63: {  	[spmem:s1] =	stream.indirect.scatter.add.f32 [tilespmem:s31], [sflag:$0x5], $0x80, s30, s28, $0xb8;
	[tilespmem:$0x1C200] =	vst v63  }
0x64: {  	_ =	swait.ge [sflag:s24], $0x4000  }
0x65: {  	p1 =	sle.u32 s20, $0x0;
	s25 =	sadd.s32 $0x40, s22;
	[sflag:s24] =	ssyncset.done $0x0  }
0x66: {  	s13 =	sadd.s32 @!p1 $0x20, s22;
	s14 =	simm.s32 @!p1 $0x0;
	[sflag:s24] =	ssyncadd.s32 $0xFFFFC000  }
.LBB2_4:
0x67: {  	s12 =	sadd.s32 $0xFFFFFFFF, s12;
	s15 =	simm.s32 @!p1 $0x100;
	s2 =	sadd.s32 $0x2, s2  }
0x68: {  	[tilespmem:s15], [sflag:$0x2] =	stream.linear.gather @!p1 [hbm4b:s13+s14], $0x100, $0x38;
	[tilespmem:$0x1C200] =	vst v63  }
0x69: {  	s13 =	sadd.s32 $0x1, s2;
	p0 =	sne.s32 s12, $0x0;
	_ =	swait.ge [sflag:s29], $0x4000  }
0x6a: {  	p1 =	sge.u32 s13, s5;
	s13 =	smov.u32 s25;
	[sflag:s29] =	ssyncset.done $0x0  }
0x6b: {  	s14 =	simm.s32 @!p1 $0x2;
	[sflag:s29] =	ssyncadd.s32 $0xFFFFC000  }
0x6c: {  	_ =	swait.ge @!p1 [sflag:s14], $0x100  }
0x6d: {  	s15 =	simm.s32 @!p1 $0x4200;
	[sflag:s14] =	ssyncset.done @!p1 $0x0  }
0x6e: {  	s16 =	simm.s32 @!p1 $0x100;
	[sflag:s14] =	ssyncadd.s32 @!p1 $0xFFFFFF00;
	s14 =	simm.s32 @!p1 $0x80  }
0x6f: {  	[tilespmem:s15], [sflag:$0x4] =	stream.indirect.gather @!p1 [hbm4b:s4+s14], $0x80, s16, s14, $0xb8;
	[tilespmem:$0x1C200] =	vst v63  }
0x70: {  	_ = 	snop  }
0x71: {  	[spmem:s1] =	stream.indirect.scatter.add.f32 [tilespmem:s23], [sflag:$0x5], $0x80, s28, s28, $0xb8;
	[tilespmem:$0x1C200] =	vst v63  }
0x72: {  	_ =	swait.ge [sflag:s24], $0x4000  }
0x73: {  	p1 =	sge.u32 s2, s19;
	[sflag:s24] =	ssyncset.done $0x0  }
0x74: {  	s14 =	simm.s32 @p1 $0x4;
	[sflag:s24] =	ssyncadd.s32 $0xFFFFC000  }
0x75: {  	_ =	swait.ge @p1 [sflag:s14], $0x4000  }
0x76: {  	[sflag:s14] =	ssyncset.done @p1 $0x0  }
0x77: {  	s15 =	simm.s32 @!p1 $0x4;
	[sflag:s14] =	ssyncadd.s32 @p1 $0xFFFFC000;
	s14 =	simm.s32 @!p1 $0x0  }
0x78: {  	[tilespmem:s14], [sflag:$0x1] =	stream.linear.gather @!p1 [hbm4b:s25+s14], $0x100, $0x38;
	[tilespmem:$0x1C200] =	vst v63  }
0x79: {  	_ =	swait.ge @!p1 [sflag:s15], $0x4000  }
0x7a: {  	[sflag:s15] =	ssyncset.done @!p1 $0x0  }
0x7b: {  	[sflag:s15] =	ssyncadd.s32 @!p1 $0xFFFFC000;
	s15 =	simm.s32 @!p1 $0x1  }
0x7c: {  	_ =	swait.ge @!p1 [sflag:s15], $0x100  }
0x7d: {  	[sflag:s15] =	ssyncset.done @!p1 $0x0  }
0x7e: {  	s16 =	simm.s32 @!p1 $0x200;
	[sflag:s15] =	ssyncadd.s32 @!p1 $0xFFFFFF00;
	s15 =	simm.s32 @!p1 $0x80  }
0x7f: {  	[tilespmem:s16], [sflag:$0x3] =	stream.indirect.gather @!p1 [hbm4b:s4+s15], $0x80, s14, s15, $0xb8;
	[tilespmem:$0x1C200] =	vst v63  }
.Ltmp2:
0x80: {  	(pc) =	sbr.rel @p0 .LBB2_4-.Ltmp2, $4  }
0x81: {  	[spmem:s1] =	stream.indirect.scatter.add.f32 [tilespmem:s31], [sflag:$0x5], $0x80, s30, s28, $0xb8;
	[tilespmem:$0x1C200] =	vst v63  }
0x82: {  	_ =	swait.ge [sflag:s24], $0x4000  }
0x83: {  	s25 =	sadd.s32 $0x40, s25;
	p1 =	sge.u32 s2, s20;
	[sflag:s24] =	ssyncset.done $0x0  }
0x84: {  	s13 =	sadd.s32 @!p1 $0x20, s13;
	s14 =	simm.s32 @!p1 $0x0;
	[sflag:s24] =	ssyncadd.s32 $0xFFFFC000  }
.LBB2_5:
0x85: {  	s12 =	simm.s32 @!p1 $0x100;
	s2 =	sadd.s32 $0x2, s2  }
0x86: {  	[tilespmem:s12], [sflag:$0x2] =	stream.linear.gather @!p1 [hbm4b:s13+s14], $0x100, $0x38;
	[tilespmem:$0x1C200] =	vst v63  }
0x87: {  	s13 =	sadd.s32 $0x1, s2;
	_ =	swait.ge [sflag:s29], $0x4000  }
0x88: {  	p0 =	sge.u32 s13, s5;
	[sflag:s29] =	ssyncset.done $0x0  }
0x89: {  	s12 =	simm.s32 @!p0 $0x2;
	[sflag:s29] =	ssyncadd.s32 $0xFFFFC000  }
0x8a: {  	_ =	swait.ge @!p0 [sflag:s12], $0x100  }
0x8b: {  	s13 =	simm.s32 @!p0 $0x100;
	[sflag:s12] =	ssyncset.done @!p0 $0x0  }
0x8c: {  	s14 =	simm.s32 @!p0 $0x4200;
	[sflag:s12] =	ssyncadd.s32 @!p0 $0xFFFFFF00;
	s12 =	simm.s32 @!p0 $0x80  }
0x8d: {  	[tilespmem:s14], [sflag:$0x4] =	stream.indirect.gather @!p0 [hbm4b:s4+s12], $0x80, s13, s12, $0xb8;
	[tilespmem:$0x1C200] =	vst v63  }
0x8e: {  	_ = 	snop  }
0x8f: {  	[spmem:s1] =	stream.indirect.scatter.add.f32 [tilespmem:s23], [sflag:$0x5], $0x80, s28, s28, $0xb8;
	[tilespmem:$0x1C200] =	vst v63  }
0x90: {  	_ =	swait.ge [sflag:s24], $0x4000  }
0x91: {  	p0 =	slt.u32 s2, s19;
	[sflag:s24] =	ssyncset.done $0x0  }
0x92: {  	s12 =	simm.s32 @p0 $0x0;
	s13 =	simm.s32 @p0 $0x4;
	[sflag:s24] =	ssyncadd.s32 $0xFFFFC000  }
0x93: {  	[tilespmem:s12], [sflag:$0x1] =	stream.linear.gather @p0 [hbm4b:s25+s12], $0x100, $0x38;
	[tilespmem:$0x1C200] =	vst v63  }
0x94: {  	_ =	swait.ge @p0 [sflag:s13], $0x4000  }
0x95: {  	[sflag:s13] =	ssyncset.done @p0 $0x0  }
0x96: {  	[sflag:s13] =	ssyncadd.s32 @p0 $0xFFFFC000;
	s13 =	simm.s32 @p0 $0x1  }
0x97: {  	_ =	swait.ge @p0 [sflag:s13], $0x100  }
0x98: {  	[sflag:s13] =	ssyncset.done @p0 $0x0  }
0x99: {  	s14 =	simm.s32 @p0 $0x200;
	[sflag:s13] =	ssyncadd.s32 @p0 $0xFFFFFF00;
	s13 =	simm.s32 @p0 $0x80  }
0x9a: {  	[tilespmem:s14], [sflag:$0x3] =	stream.indirect.gather @p0 [hbm4b:s4+s13], $0x80, s12, s13, $0xb8;
	[tilespmem:$0x1C200] =	vst v63  }
0x9b: {  	s12 =	simm.s32 @!p0 $0x4  }
0x9c: {  	_ =	swait.ge @!p0 [sflag:s12], $0x4000  }
0x9d: {  	[sflag:s12] =	ssyncset.done @!p0 $0x0  }
0x9e: {  	[sflag:s12] =	ssyncadd.s32 @!p0 $0xFFFFC000  }
0x9f: {  	[spmem:s1] =	stream.indirect.scatter.add.f32 [tilespmem:s31], [sflag:$0x5], $0x80, s30, s28, $0xb8;
	[tilespmem:$0x1C200] =	vst v63  }
0xa0: {  	p0 =	sge.u32 s2, s20;
	_ =	swait.ge [sflag:s24], $0x4000  }
0xa1: {  	s2 =	sadd.s32 @!p0 $0x20, s25;
	[sflag:s24] =	ssyncset.done $0x0  }
0xa2: {  	s12 =	simm.s32 @!p0 $0x0;
	s13 =	simm.s32 @!p0 $0x100;
	[sflag:s24] =	ssyncadd.s32 $0xFFFFC000  }
0xa3: {  	[tilespmem:s13], [sflag:$0x2] =	stream.linear.gather @!p0 [hbm4b:s2+s12], $0x100, $0x38;
	[tilespmem:$0x1C200] =	vst v63  }
0xa4: {  	[bflag:$0x0] =	sbarrier.arrive $0xFFFF  }
0xa5: {  	[tilespmem:s23], [sflag:$0x5] =	stream.linear.gather [spmem:s6], $0x4000, $0x38;
	[tilespmem:$0x1C200] =	vst v63  }
0xa6: {  	_ =	swait.ge [sflag:s24], $0x4000  }
0xa7: {  	[sflag:s24] =	ssyncset.done $0x0  }
0xa8: {  	s14 =	rddreg [dreg:$0x5];
	[sflag:s24] =	ssyncadd.s32 $0xFFFFC000  }
0xa9: {  	[hbm4b:s14+s3] =	stream.linear.scatter [tilespmem:s23], [sflag:$0x5], $0x4000, $0x38;
	[tilespmem:$0x1C200] =	vst v63  }
0xaa: {  	_ =	swait.ge [sflag:s24], $0x4000  }
0xab: {  	[sflag:s24] =	ssyncset.done $0x0  }
0xac: {  	[sflag:s24] =	ssyncadd.s32 $0xFFFFC000  }
0xad: {  	[tilespmem:s31], [sflag:$0x5] =	stream.linear.gather [spmem:s7], $0x4000, $0x38;
	[tilespmem:$0x1C200] =	vst v63  }
0xae: {  	_ =	swait.ge [sflag:s24], $0x4000  }
0xaf: {  	[sflag:s24] =	ssyncset.done $0x0  }
0xb0: {  	s15 =	rddreg [dreg:$0x6];
	[sflag:s24] =	ssyncadd.s32 $0xFFFFC000  }
0xb1: {  	[hbm4b:s15+s3] =	stream.linear.scatter [tilespmem:s31], [sflag:$0x5], $0x4000, $0x38;
	[tilespmem:$0x1C200] =	vst v63  }
0xb2: {  	_ =	swait.ge [sflag:s24], $0x4000  }
0xb3: {  	[sflag:s24] =	ssyncset.done $0x0  }
0xb4: {  	[sflag:s24] =	ssyncadd.s32 $0xFFFFC000  }
0xb5: {  	[tilespmem:s23], [sflag:$0x5] =	stream.linear.gather [spmem:s8], $0x4000, $0x38;
	[tilespmem:$0x1C200] =	vst v63  }
0xb6: {  	_ =	swait.ge [sflag:s24], $0x4000  }
0xb7: {  	[sflag:s24] =	ssyncset.done $0x0  }
0xb8: {  	s16 =	rddreg [dreg:$0x7];
	[sflag:s24] =	ssyncadd.s32 $0xFFFFC000  }
0xb9: {  	[hbm4b:s16+s3] =	stream.linear.scatter [tilespmem:s23], [sflag:$0x5], $0x4000, $0x38;
	[tilespmem:$0x1C200] =	vst v63  }
0xba: {  	_ =	swait.ge [sflag:s24], $0x4000  }
0xbb: {  	[sflag:s24] =	ssyncset.done $0x0  }
0xbc: {  	[sflag:s24] =	ssyncadd.s32 $0xFFFFC000  }
0xbd: {  	[tilespmem:s31], [sflag:$0x5] =	stream.linear.gather [spmem:s9], $0x4000, $0x38;
	[tilespmem:$0x1C200] =	vst v63  }
0xbe: {  	_ =	swait.ge [sflag:s24], $0x4000  }
0xbf: {  	[sflag:s24] =	ssyncset.done $0x0  }
0xc0: {  	s25 =	rddreg [dreg:$0x8];
	[sflag:s24] =	ssyncadd.s32 $0xFFFFC000  }
0xc1: {  	[hbm4b:s25+s3] =	stream.linear.scatter [tilespmem:s31], [sflag:$0x5], $0x4000, $0x38;
	[tilespmem:$0x1C200] =	vst v63  }
0xc2: {  	_ =	swait.ge [sflag:s24], $0x4000  }
0xc3: {  	[sflag:s24] =	ssyncset.done $0x0  }
0xc4: {  	[sflag:s24] =	ssyncadd.s32 $0xFFFFC000  }
0xc5: {  	[tilespmem:s23], [sflag:$0x5] =	stream.linear.gather [spmem:s10], $0x4000, $0x38;
	[tilespmem:$0x1C200] =	vst v63  }
0xc6: {  	s0 =	sadd.s32 $0x1, s0;
	_ =	swait.ge [sflag:s24], $0x4000  }
0xc7: {  	p0 =	sne.s32 s0, s18;
	[sflag:s24] =	ssyncset.done $0x0  }
.Ltmp3:
0xc8: {  	[sflag:s24] =	ssyncadd.s32 $0xFFFFC000;
	(pc) =	sbr.rel @p0 .LBB2_1-.Ltmp3, $4  }
0xc9: {  	[hbm4b:s17+s3] =	stream.linear.scatter [tilespmem:s23], [sflag:$0x5], $0x4000, $0x38;
	[tilespmem:$0x1C200] =	vst v63  }
0xca: {  	_ =	swait.ge [sflag:s24], $0x4000  }
0xcb: {  	[sflag:s24] =	ssyncset.done $0x0  }
0xcc: {  	[sflag:s24] =	ssyncadd.s32 $0xFFFFC000  }
0xcd: {  	_ =	sfence.sel $0x180000  }
0xce: {  	[bflag:$0x0] =	sbarrier.arrive $0xFFFF  }
0xcf: {  	_ =	strace $0x9000004A  }
0xd0: {  	s0 =	stileid.u32;
	[bflag:$0x2] =	sbarrier.arrive $0xFFFF  }
0xd1: {  	p0 =	sne.s32 s0, $0x0;
	s0 =	rddreg [dreg:$0x3]  }
0xd2: {  	s0 =	sadd.s32 @!p0 $0x100000, s0  }
0xd3: {  	[sflag:s0] =	ssyncadd.tile.s32 @!p0 $0x1;
	_ =	shalt  }
.Lfunc_end2:
_tile_overlayer_lowered:
.L_overlay_start_2:
0xd4: {  	(tag) =	ssettag $0x2  }
0xd5: {  	s0 =	rddreg [dreg:$0x0];
	s2 =	stileid.u32  }
0xd6: {  	s1 =	rddreg [dreg:$0x1];
	p0 =	sne.s32 s2, $0x0  }
0xd7: {  	s3 =	rddreg [dreg:$0x2];
	[bflag:$0x3] =	sbarrier.arrive $0xFFFF;
	s2 =	simm.s32 @!p0 $0x1C05  }
0xd8: {  	[timem:s3], [sflag:s2] =	dma.local @!p0 [hbm:s0], s1  }
0xd9: {  	s0 =	simm.s32 @!p0 $0x5  }
0xda: {  	_ =	swait.ge @!p0 [sflag:s0], s1  }
0xdb: {  	s1 =	ssub.s32 @!p0 $0x0, s1;
	[sflag:s0] =	ssyncset.done @!p0 $0x0  }
0xdc: {  	[sflag:s0] =	ssyncadd.s32 @!p0 s1  }
0xdd: {  	[bflag:$0x3] =	sbarrier.arrive $0xFFFF  }
0xde: {  	_ =	shalt  }

// kernel: kernel.14.cloned.1.call-start
scs
__scs_entry_jumppad:
0x0: {  	(pc) =	sbr.rel $0x88, $3  }
0x1: {  	(tag) =	ssettag $0x0;
	lr =	simm.s32 $0x1  }
0x2: {  	[smem:$0x3F97] =	sst lr;
	_ =	strace $0xD0000000  }
0x3: {  	_ = 	snop  }
0x4: {  	_ = 	snop  }
0x5: {  	_ = 	snop  }
0x6: {  	_ = 	snop  }
0x7: {  	_ = 	snop  }
__scs_overlays_trampoline_lowered:
0x8: {  	[smem:$0x3FA6] =	sst s0  }
0x9: {  	[smem:$0x3FA7] =	sst s1  }
0xa: {  	[smem:$0x3FA8] =	sst s2  }
0xb: {  	[smem:$0x3FA9] =	sst s3  }
0xc: {  	[smem:$0x3FAA] =	sst s4  }
0xd: {  	[smem:$0x3FAB] =	sst s5  }
0xe: {  	[smem:$0x3FAC] =	sst s6  }
0xf: {  	[smem:$0x3FAD] =	sst s7  }
0x10: {  	[smem:$0x3FAE] =	sst s8  }
0x11: {  	[smem:$0x3FAF] =	sst s9;
	s0 =	simm.s32 @!p0 $0x0  }
0x12: {  	s1 =	sld [smem:$0x3F95];
	s0 =	simm.s32 @p0 $0x1  }
0x13: {  	[smem:$0x3FB0] =	sst s0;
	s0 =	simm.s32 @!p1 $0x0  }
0x14: {  	s2 =	sld [smem:$0x3F94];
	s0 =	simm.s32 @p1 $0x1  }
0x15: {  	[smem:$0x3FB1] =	sst s0;
	s0 =	simm.s32 @!p2 $0x0  }
0x16: {  	s3 =	sld [smem:$0x3FDB];
	s0 =	simm.s32 @p2 $0x1  }
0x17: {  	s4 =	simm.s32 $0x1BF5;
	[smem:$0x3FB3] =	sst s0  }
0x18: {  	s0 =	sld [smem:$0x3F96];
	_ =	swait.ge [sflag:s4], $0x0  }
0x19: {  	s7 =	sld [smem:$0x3F97]  }
0x1a: {  	s8 =	sadd.s32 $0xFFFFE003, lr  }
0x1b: {  	s9 =	sadd.s32 $0xFFFFFEF7, lr;
	s5 =	simm.s32 $0xFFFFFFFF;
	p2 =	slt.u32 s8, $0xFFFFF086  }
0x1c: {  	p1 =	slt.u32 s9, $0xF7A;
	s5 =	simm.s32 @!p2 $0x0  }
0x1d: {  	s5 =	simm.s32 @p1 $0x1;
	p0 =	seq.s32 s7, s2  }
0x1e: {  	s7 =	smul.u32 @!p0 $0xF7A, s2;
	p2 =	seq.s32 @!p0 s5, $0x0  }
0x1f: {  	s9 =	smul.u32 $0xF7A, s1;
	s8 =	simm.s32 @!p0 $0x1BF5;
	p2 =	por !p2, p0  }
0x20: {  	[sflag:s8] =	ssyncset.s32 @!p0 $0xFFFFF086;
	s6 =	sadd.s32 @!p0 s3, s7;
	s7 =	simm.s32 @!p0 $0x108  }
0x21: {  	s3 =	sadd.s32 s3, s9;
	s6 =	sadd.s32 @!p0 $0x88, s6;
	s7 =	simm.s32 @p2 $0x1082  }
0x22: {  	[simem:s7], [sflag:s8] =	dma.local @!p0 [hbm:s6], $0xF7A  }
0x23: {  	s9 =	sor.u32 $0xD0000000, s2;
	s6 =	simm.s32 $0x108;
	_ =	swait.ge @!p0 [sflag:s8], $0x0  }
0x24: {  	s3 =	sadd.s32 $0x88, s3;
	s6 =	simm.s32 @!p1 $0x1082;
	[sflag:s4] =	ssyncset.s32 $0xFFFFF086  }
0x25: {  	[simem:s6], [sflag:s4] =	dma.local [hbm:s3], $0xF7A  }
0x26: {  	[smem:$0x3F97] =	sst s1;
	(tag) =	ssettag s2;
	_ =	strace s9  }
0x27: {  	s1 =	sld [smem:$0x3FA7]  }
0x28: {  	s2 =	sld [smem:$0x3FA8]  }
0x29: {  	s4 =	sld [smem:$0x3FAA]  }
0x2a: {  	p0 =	seq.s32 s5, $0x0;
	s5 =	sld [smem:$0x3FAB]  }
0x2b: {  	s6 =	sld [smem:$0x3FAC]  }
0x2c: {  	s7 =	sld [smem:$0x3FAD]  }
0x2d: {  	s3 =	simm.s32 $0x108;
	s8 =	sld [smem:$0x3FAE]  }
0x2e: {  	s3 =	simm.s32 @!p0 $0x1082;
	s9 =	sld [smem:$0x3FAF]  }
0x2f: {  	lr =	sadd.s32 s0, s3;
	s0 =	sld [smem:$0x3FA6]  }
0x30: {  	s3 =	sld [smem:$0x3FA9]  }
0x31: {  	[smem:$0x3FB2] =	sst s10  }
0x32: {  	s10 =	sld [smem:$0x3FB0];
	_ =	sdelay $0x3  }
0x33: {  	p0 =	seq.s32 s10, $0x1;
	s10 =	sld [smem:$0x3FB2];
	_ =	sdelay $0x3  }
0x34: {  	[smem:$0x3FB2] =	sst s10  }
0x35: {  	s10 =	sld [smem:$0x3FB1];
	_ =	sdelay $0x3  }
0x36: {  	p1 =	seq.s32 s10, $0x1;
	s10 =	sld [smem:$0x3FB2];
	_ =	sdelay $0x3  }
0x37: {  	[smem:$0x3FB2] =	sst s10  }
0x38: {  	s10 =	sld [smem:$0x3FB3]  }
0x39: {  	_ = 	snop;
	(pc) =	sbr.ind lr, $3  }
0x3a: {  	_ = 	snop  }
0x3b: {  	_ = 	snop  }
0x3c: {  	p2 =	seq.s32 s10, $0x1;
	s10 =	sld [smem:$0x3FB2]  }
0x3d: {  	_ =	shalt  }
0x3e: {  	_ =	shalt  }
0x3f: {  	_ =	shalt  }
0x40: {  	_ =	shalt  }
0x41: {  	_ =	shalt  }
0x42: {  	_ =	shalt  }
0x43: {  	_ =	shalt  }
0x44: {  	_ =	shalt  }
0x45: {  	_ =	shalt  }
0x46: {  	_ =	shalt  }
0x47: {  	_ =	shalt  }
0x48: {  	_ =	shalt  }
0x49: {  	_ =	shalt  }
0x4a: {  	_ =	shalt  }
0x4b: {  	_ =	shalt  }
0x4c: {  	_ =	shalt  }
0x4d: {  	_ =	shalt  }
0x4e: {  	_ =	shalt  }
0x4f: {  	_ =	shalt  }
0x50: {  	_ =	shalt  }
0x51: {  	_ =	shalt  }
0x52: {  	_ =	shalt  }
0x53: {  	_ =	shalt  }
0x54: {  	_ =	shalt  }
0x55: {  	_ =	shalt  }
0x56: {  	_ =	shalt  }
0x57: {  	_ =	shalt  }
0x58: {  	_ =	shalt  }
0x59: {  	_ =	shalt  }
0x5a: {  	_ =	shalt  }
0x5b: {  	_ =	shalt  }
0x5c: {  	_ =	shalt  }
0x5d: {  	_ =	shalt  }
0x5e: {  	_ =	shalt  }
0x5f: {  	_ =	shalt  }
0x60: {  	_ =	shalt  }
0x61: {  	_ =	shalt  }
0x62: {  	_ =	shalt  }
0x63: {  	_ =	shalt  }
0x64: {  	_ =	shalt  }
0x65: {  	_ =	shalt  }
0x66: {  	_ =	shalt  }
0x67: {  	_ =	shalt  }
0x68: {  	_ =	shalt  }
0x69: {  	_ =	shalt  }
0x6a: {  	_ =	shalt  }
0x6b: {  	_ =	shalt  }
0x6c: {  	_ =	shalt  }
0x6d: {  	_ =	shalt  }
0x6e: {  	_ =	shalt  }
0x6f: {  	_ =	shalt  }
0x70: {  	_ =	shalt  }
0x71: {  	_ =	shalt  }
0x72: {  	_ =	shalt  }
0x73: {  	_ =	shalt  }
0x74: {  	_ =	shalt  }
0x75: {  	_ =	shalt  }
0x76: {  	_ =	shalt  }
0x77: {  	_ =	shalt  }
0x78: {  	_ =	shalt  }
0x79: {  	_ =	shalt  }
0x7a: {  	_ =	shalt  }
0x7b: {  	_ =	shalt  }
0x7c: {  	_ =	shalt  }
0x7d: {  	_ =	shalt  }
0x7e: {  	_ =	shalt  }
0x7f: {  	_ =	shalt  }
0x80: {  	_ =	shalt  }
0x81: {  	_ =	shalt  }
0x82: {  	_ =	shalt  }
0x83: {  	_ =	shalt  }
0x84: {  	_ =	shalt  }
0x85: {  	_ =	shalt  }
0x86: {  	_ =	shalt  }
0x87: {  	_ =	shalt  }
.Lfunc_end0:
.L_simem_size_0:
called_computation.2_lowered:
.L_overlay_start_0:
0x88: {  	s2 =	sld [smem:$0x3FD9]  }
0x89: {  	s3 =	sld [smem:$0x3FFE];
	_ =	sdelay $0x1  }
0x8a: {  	s1 =	srdreg.scid  }
0x8b: {  	s0 =	sand.u32 $0x1, s1  }
0x8c: {  	s17 =	sshll.u32 s0, $0xA;
	s2 =	sadd.s32 s3, s2  }
0x8d: {  	s2 =	sadd.s32 s2, s17  }
0x8e: {  	[smem:$0x3FBE] =	sst s2  }
0x8f: {  	_ = 	snop  }
0x90: {  	s2 =	sld [smem:$0x3FD0];
	(tm) =	ssettm $0x1  }
0x91: {  	s18 =	sld [smem:$0x3FFB];
	_ =	sdelay $0x3  }
0x92: {  	_ =	strace s18  }
0x93: {  	s3 =	sld [smem:$0x3FFC];
	_ =	sdelay $0x3  }
0x94: {  	_ =	strace s3  }
0x95: {  	s3 =	sld [smem:$0x3FFD];
	_ =	sdelay $0x3  }
0x96: {  	_ =	strace s3  }
0x97: {  	_ =	strace $0x8FFFFFFF  }
0x98: {  	s19 =	sld [smem:$0x3FDB];
	_ =	sdelay $0x1  }
0x99: {  	s4 =	simm.s32 $_scs_section_size  }
0x9a: {  	s5 =	simm.s32 $_size__tile_overlayer_lowered;
	s6 =	simm.s32 $_tile_overlayer_lowered  }
0x9b: {  	s22 =	simm.s32 $0x1BFF;
	s21 =	sshll.u32 s6, $0x1;
	s3 =	sadd.s32 s4, s19  }
0x9c: {  	s7 =	simm.s32 $0x0;
	s20 =	sshll.u32 s5, $0x1;
	s5 =	sadd.s32 s21, s3  }
0x9d: {  	[timem:s7], [sflag:s22] =	dma.local [hbm:s5], s20  }
0x9e: {  	_ =	swait.ge [sflag:s22], s20  }
0x9f: {  	s4 =	ssub.s32 $0x0, s20;
	[sflag:s22] =	ssyncset.done $0x0  }
0xa0: {  	[sflag:s22] =	ssyncadd.s32 s4;
	_ =	sdelay $0x1  }
0xa1: {  	s23 =	simm.s32 $0x1B8B  }
0xa2: {  	_ =	swait.ge [sflag:s23], $0x1  }
0xa3: {  	[sflag:s23] =	ssyncset.done $0x0  }
0xa4: {  	s25 =	simm.s32 $0x1B8E;
	s24 =	sld [smem:$0x3FFE];
	[sflag:s23] =	ssyncadd.s32 $0xFFFFFFFF  }
0xa5: {  	s26 =	simm.s32 $execute0_lowered;
	[smem:$0x3FD2] =	sst s25  }
0xa6: {  	s5 =	sshll.u32 s26, $0x1;
	_ =	strace $0x8000004C;
	[dreg:$0x1] =	wrdreg $0xFFFFFFFF  }
0xa7: {  	s28 =	simm.s32 $_size_execute0_lowered;
	s3 =	sadd.s32 s3, s5;
	[dreg:$0x0] =	wrdreg $0x0  }
0xa8: {  	s5 =	sshll.u32 s28, $0x1;
	[dreg:$0x2] =	wrdreg s3  }
0xa9: {  	[dreg:$0x3] =	wrdreg s5  }
0xaa: {  	[dreg:$0x4] =	wrdreg $0xC0  }
0xab: {  	_ =	task [dreg:s7], $0x5FFFF  }
0xac: {  	[dreg:$0x1] =	wrdreg $0xFFFFFFFF  }
0xad: {  	[dreg:$0x0] =	wrdreg $0x60  }
0xae: {  	[dreg:$0x2] =	wrdreg s2  }
0xaf: {  	[dreg:$0x3] =	wrdreg s24  }
0xb0: {  	[dreg:$0x4] =	wrdreg $0x82000  }
0xb1: {  	[dreg:$0x5] =	wrdreg $0x9  }
0xb2: {  	_ =	task.clear_ibuf [dreg:s7], $0x6FFFF;
	_ =	strace $0x9000004C  }
0xb3: {  	s29 =	simm.s32 $0x9;
	_ =	strace $0x8000004E  }
0xb4: {  	_ =	swait.ge [sflag:s29], $0x1  }
0xb5: {  	[sflag:s29] =	ssyncadd.s32 $0xFFFFFFFF  }
0xb6: {  	_ =	strace $0x9000004E  }
0xb7: {  	_ =	sfence  }
0xb8: {  	s30 =	sld [smem:$0x0];
	_ =	sdelay $0x2  }
0xb9: {  	s31 =	sshll.u32 s1, $0xD;
	s1 =	sshrl.u32 s1, $0x2  }
0xba: {  	s3 =	sand.u32 $0x4000, s31;
	s1 =	sadd.s32 s1, s30  }
0xbb: {  	s0 =	sor.u32 s3, s0;
	s1 =	sshll.u32 s1, $0x11  }
0xbc: {  	s0 =	sor.u32 s1, s0  }
0xbd: {  	s0 =	sadd.s32 $0x8F2B, s0  }
0xbe: {  	[sflag:s0] =	ssyncadd.remote.s32 $0x1  }
0xbf: {  	_ =	sfence.sel $0xFFFF  }
0xc0: {  	[dreg:$0x0] =	wrdreg $0xFFFFFFFF;
	(pc) =	sbr.abs _section_cstart, $3  }
0xc1: {  	[dreg:$0x1] =	wrdreg $0xFFFFFFFF  }
0xc2: {  	_ =	task.clear_ibuf [dreg:s7], $0x2FFFF;
	_ =	strace $0x9FFFFFFF  }
0xc3: {  	(tm) =	ssettm $0x7FFFFFFF  }
tec
execute0_lowered:
.L_overlay_start_1:
0x0: {  	(tag) =	ssettag $0x1  }
0x1: {  	s0 =	rddreg [dreg:$0x0]  }
0x2: {  	s2 =	rddreg [dreg:$0x1]  }
0x3: {  	s1 =	rddreg [dreg:$0x2]  }
0x4: {  	s3 =	simm.s32 $0x0;
	s5 =	srdreg.scid;
	s13 =	stileid.u32  }
0x5: {  	s28 =	simm.s32 $0x80;
	s29 =	simm.s32 $0x3;
	s30 =	simm.s32 $0x180  }
0x6: {  	s31 =	simm.s32 $0x4200;
	[smem:$0x7FF] =	sst s3;
	s6 =	smul.u32 $0x88, s13  }
0x7: {  	s4 =	sadd.s32 $0x3A00, s2;
	s9 =	sand.u32 $0x1, s5;
	s8 =	smul.u32 $0x18, s13  }
0x8: {  	s2 =	sadd.s32 $0x2BA00, s2;
	s12 =	smul.u32 $0x280, s13;
	s5 =	simm.s32 $0x88  }
0x9: {  	s20 =	smul.u32 $0x50000, s13;
	_ =	strace $0x8000004D;
	s7 =	ssub.s32 $0x2, s9  }
0xa: {  	p0 =	seq.s32 s9, $0x0;
	s18 =	smul.u32 $0x2800, s9;
	s10 =	sshrl.u32 s7, $0x1  }
0xb: {  	s11 =	sadd.s32 $0x880, s8;
	s5 =	simm.s32 @!p0 $0x18;
	s21 =	sshrl.u32 s20, $0x2  }
0xc: {  	s14 =	sadd.s32 $0x80, s12;
	s15 =	sadd.s32 $0x100, s12;
	s16 =	sadd.s32 $0x180, s12  }
0xd: {  	s17 =	sadd.s32 $0x200, s12;
	s13 =	ssub.s32 s7, s10;
	s11 =	smov.u32 @p0 s6  }
0xe: {  	s6 =	sadd.s32 s21, s1;
	s22 =	sshll.u32 s14, $0x7;
	s23 =	sshll.u32 s15, $0x7  }
0xf: {  	s24 =	sshll.u32 s16, $0x7;
	s25 =	sshll.u32 s17, $0x7;
	s26 =	sadd.s32 s12, s18  }
0x10: {  	s20 =	sadd.s32 s18, s14;
	s21 =	sshrl.u32 s5, $0x1;
	s17 =	sadd.s32 s18, s17  }
0x11: {  	s7 =	sadd.s32 s22, s1;
	s8 =	sadd.s32 s23, s1;
	s9 =	sadd.s32 s24, s1  }
0x12: {  	s11 =	sshll.u32 s11, $0x5;
	s10 =	sadd.s32 s25, s1;
	s22 =	sshll.u32 s20, $0x4  }
0x13: {  	s23 =	sadd.s32 s18, s15;
	s24 =	sadd.s32 s18, s16;
	s18 =	smax.u32 s13, $0x1  }
0x14: {  	s20 =	sadd.s32 $0xFFFFFFFD, s5;
	s21 =	sadd.s32 $0xFFFFFFFF, s21;
	s11 =	sadd.s32 s0, s11  }
0x15: {  	s0 =	sshll.u32 s26, $0x4;
	s12 =	sshll.u32 s24, $0x4;
	s19 =	sadd.s32 $0x20, s11  }
0x16: {  	s26 =	sshll.u32 s17, $0x4;
	s0 =	sadd.s32 s2, s0;
	[dreg:$0x4] =	wrdreg s19  }
0x17: {  	s24 =	simm.s32 $0x5;
	s25 =	sadd.s32 s2, s12;
	[dreg:$0x5] =	wrdreg s0  }
0x18: {  	s17 =	sadd.s32 s2, s26;
	s0 =	sadd.s32 s2, s22;
	[dreg:$0x8] =	wrdreg s25  }
0x19: {  	s26 =	simm.s32 $0x1;
	[dreg:$0x6] =	wrdreg s0;
	s0 =	sshll.u32 s23, $0x4  }
0x1a: {  	s19 =	sadd.s32 $0xFFFFFFFE, s5;
	s22 =	sadd.s32 $0x40, s11;
	s0 =	sadd.s32 s2, s0  }
0x1b: {  	v0 =	vimm.f32 $0.0e+00;
	s23 =	simm.s32 $0x200;
	[dreg:$0x7] =	wrdreg s0;
	s0 =	simm.s32 $0x0  }
.LBB2_1:
0x1c: {  	s2 =	simm.s32 $0x0;
	s12 =	simm.s32 $0x200  }
.LBB2_2:
0x1d: {  	p0 =	sne.s32 s12, $0xFE00;
	[tilespmem:s2+$0x270] =	vst v0  }
0x1e: {  	[tilespmem:s2+$0x200] =	vst v0  }
0x1f: {  	[tilespmem:s2+$0x210] =	vst v0  }
.Ltmp0:
0x20: {  	[tilespmem:s2+$0x220] =	vst v0;
	(pc) =	sbr.rel @p0 .LBB2_2-.Ltmp0, $4  }
0x21: {  	[tilespmem:s2+$0x230] =	vst v0  }
0x22: {  	[tilespmem:s2+$0x240] =	vst v0  }
0x23: {  	[tilespmem:s2+$0x250] =	vst v0  }
0x24: {  	[tilespmem:s2+$0x260] =	vst v0;
	s2 =	sshra.s32 s12, $0x2;
	s12 =	sadd.s32 $0x200, s12  }
0x25: {  	[tilespmem:s2+$0x270] =	vst v0  }
0x26: {  	[tilespmem:s2+$0x200] =	vst v0  }
0x27: {  	[tilespmem:s2+$0x210] =	vst v0  }
0x28: {  	[tilespmem:s2+$0x220] =	vst v0  }
0x29: {  	[tilespmem:s2+$0x230] =	vst v0  }
0x2a: {  	[tilespmem:s2+$0x240] =	vst v0  }
0x2b: {  	[tilespmem:s2+$0x250] =	vst v0  }
0x2c: {  	[tilespmem:s2+$0x260] =	vst v0  }
0x2d: {  	[spmem:s6] =	stream.linear.scatter [tilespmem:s23], [sflag:$0x5], $0x4000, $0x38;
	[tilespmem:$0x1C200] =	vst v63  }
0x2e: {  	_ =	swait.ge [sflag:s24], $0x4000  }
0x2f: {  	[sflag:s24] =	ssyncset.done $0x0  }
0x30: {  	[sflag:s24] =	ssyncadd.s32 $0xFFFFC000  }
0x31: {  	[spmem:s7] =	stream.linear.scatter [tilespmem:s23], [sflag:$0x5], $0x4000, $0x38;
	[tilespmem:$0x1C200] =	vst v63  }
0x32: {  	_ =	swait.ge [sflag:s24], $0x4000  }
0x33: {  	[sflag:s24] =	ssyncset.done $0x0  }
0x34: {  	[sflag:s24] =	ssyncadd.s32 $0xFFFFC000  }
0x35: {  	[spmem:s8] =	stream.linear.scatter [tilespmem:s23], [sflag:$0x5], $0x4000, $0x38;
	[tilespmem:$0x1C200] =	vst v63  }
0x36: {  	_ =	swait.ge [sflag:s24], $0x4000  }
0x37: {  	[sflag:s24] =	ssyncset.done $0x0  }
0x38: {  	[sflag:s24] =	ssyncadd.s32 $0xFFFFC000  }
0x39: {  	[spmem:s9] =	stream.linear.scatter [tilespmem:s23], [sflag:$0x5], $0x4000, $0x38;
	[tilespmem:$0x1C200] =	vst v63  }
0x3a: {  	_ =	swait.ge [sflag:s24], $0x4000  }
0x3b: {  	[sflag:s24] =	ssyncset.done $0x0  }
0x3c: {  	[sflag:s24] =	ssyncadd.s32 $0xFFFFC000  }
0x3d: {  	[spmem:s10] =	stream.linear.scatter [tilespmem:s23], [sflag:$0x5], $0x4000, $0x38;
	[tilespmem:$0x1C200] =	vst v63  }
0x3e: {  	_ =	swait.ge [sflag:s24], $0x4000  }
0x3f: {  	[sflag:s24] =	ssyncset.done $0x0  }
0x40: {  	[sflag:s24] =	ssyncadd.s32 $0xFFFFC000  }
0x41: {  	s2 =	simm.s32 $0x0;
	[bflag:$0x0] =	sbarrier.arrive $0xFFFF  }
0x42: {  	[tilespmem:s2], [sflag:$0x1] =	stream.linear.gather [hbm4b:s11+s2], $0x100, $0x38;
	[tilespmem:$0x1C200] =	vst v63  }
0x43: {  	s13 =	simm.s32 $0x100;
	s12 =	rddreg [dreg:$0x4]  }
0x44: {  	[tilespmem:s13], [sflag:$0x2] =	stream.linear.gather [hbm4b:s12+s2], $0x100, $0x38;
	[tilespmem:$0x1C200] =	vst v63  }
0x45: {  	_ =	swait.ge [sflag:s26], $0x100  }
0x46: {  	[sflag:s26] =	ssyncset.done $0x0  }
0x47: {  	[sflag:s26] =	ssyncadd.s32 $0xFFFFFF00  }
0x48: {  	[tilespmem:s23], [sflag:$0x3] =	stream.indirect.gather [hbm4b:s4+s28], $0x80, s2, s28, $0xb8;
	[tilespmem:$0x1C200] =	vst v63  }
0x49: {  	_ =	swait.ge [sflag:s29], $0x4000  }
0x4a: {  	p0 =	sle.u32 s5, $0x1;
	[sflag:s29] =	ssyncset.done $0x0  }
0x4b: {  	s12 =	simm.s32 @!p0 $0x2;
	[sflag:s29] =	ssyncadd.s32 $0xFFFFC000  }
0x4c: {  	_ =	swait.ge @!p0 [sflag:s12], $0x100  }
0x4d: {  	s14 =	simm.s32 @!p0 $0x100;
	[sflag:s12] =	ssyncset.done @!p0 $0x0  }
0x4e: {  	s13 =	simm.s32 @!p0 $0x4200;
	[sflag:s12] =	ssyncadd.s32 @!p0 $0xFFFFFF00;
	s12 =	simm.s32 @!p0 $0x80  }
0x4f: {  	[tilespmem:s13], [sflag:$0x4] =	stream.indirect.gather @!p0 [hbm4b:s4+s12], $0x80, s14, s12, $0xb8;
	[tilespmem:$0x1C200] =	vst v63  }
0x50: {  	_ = 	snop  }
0x51: {  	[spmem:s1] =	stream.indirect.scatter.add.f32 [tilespmem:s23], [sflag:$0x5], $0x80, s28, s28, $0xb8;
	[tilespmem:$0x1C200] =	vst v63  }
0x52: {  	_ =	swait.ge [sflag:s24], $0x4000  }
0x53: {  	p0 =	sle.u32 s19, $0x0;
	[sflag:s24] =	ssyncset.done $0x0  }
0x54: {  	s12 =	simm.s32 @p0 $0x4;
	[sflag:s24] =	ssyncadd.s32 $0xFFFFC000  }
0x55: {  	_ =	swait.ge @p0 [sflag:s12], $0x4000  }
0x56: {  	[sflag:s12] =	ssyncset.done @p0 $0x0  }
0x57: {  	s13 =	simm.s32 @!p0 $0x4;
	[sflag:s12] =	ssyncadd.s32 @p0 $0xFFFFC000;
	s12 =	simm.s32 @!p0 $0x0  }
0x58: {  	[tilespmem:s12], [sflag:$0x1] =	stream.linear.gather @!p0 [hbm4b:s22+s12], $0x100, $0x38;
	[tilespmem:$0x1C200] =	vst v63  }
0x59: {  	_ =	swait.ge @!p0 [sflag:s13], $0x4000  }
0x5a: {  	[sflag:s13] =	ssyncset.done @!p0 $0x0  }
0x5b: {  	[sflag:s13] =	ssyncadd.s32 @!p0 $0xFFFFC000;
	s13 =	simm.s32 @!p0 $0x1  }
0x5c: {  	_ =	swait.ge @!p0 [sflag:s13], $0x100  }
0x5d: {  	[sflag:s13] =	ssyncset.done @!p0 $0x0  }
0x5e: {  	s14 =	simm.s32 @!p0 $0x200;
	[sflag:s13] =	ssyncadd.s32 @!p0 $0xFFFFFF00;
	s13 =	simm.s32 @!p0 $0x80  }
0x5f: {  	[tilespmem:s14], [sflag:$0x3] =	stream.indirect.gather @!p0 [hbm4b:s4+s13], $0x80, s12, s13, $0xb8;
	[tilespmem:$0x1C200] =	vst v63  }
0x60: {  	s12 =	sadd.s32 $0xFFFFFFFF, s21  }
0x61: {  	p0 =	sne.s32 s12, $0x0  }
.Ltmp1:
0x62: {  	_ = 	snop;
	(pc) =	sbr.rel @!p0 .LBB2_5-.Ltmp1, $4  }
0x63: {  	[spmem:s1] =	stream.indirect.scatter.add.f32 [tilespmem:s31], [sflag:$0x5], $0x80, s30, s28, $0xb8;
	[tilespmem:$0x1C200] =	vst v63  }
0x64: {  	_ =	swait.ge [sflag:s24], $0x4000  }
0x65: {  	p1 =	sle.u32 s20, $0x0;
	s25 =	sadd.s32 $0x40, s22;
	[sflag:s24] =	ssyncset.done $0x0  }
0x66: {  	s13 =	sadd.s32 @!p1 $0x20, s22;
	s14 =	simm.s32 @!p1 $0x0;
	[sflag:s24] =	ssyncadd.s32 $0xFFFFC000  }
.LBB2_4:
0x67: {  	s12 =	sadd.s32 $0xFFFFFFFF, s12;
	s15 =	simm.s32 @!p1 $0x100;
	s2 =	sadd.s32 $0x2, s2  }
0x68: {  	[tilespmem:s15], [sflag:$0x2] =	stream.linear.gather @!p1 [hbm4b:s13+s14], $0x100, $0x38;
	[tilespmem:$0x1C200] =	vst v63  }
0x69: {  	s13 =	sadd.s32 $0x1, s2;
	p0 =	sne.s32 s12, $0x0;
	_ =	swait.ge [sflag:s29], $0x4000  }
0x6a: {  	p1 =	sge.u32 s13, s5;
	s13 =	smov.u32 s25;
	[sflag:s29] =	ssyncset.done $0x0  }
0x6b: {  	s14 =	simm.s32 @!p1 $0x2;
	[sflag:s29] =	ssyncadd.s32 $0xFFFFC000  }
0x6c: {  	_ =	swait.ge @!p1 [sflag:s14], $0x100  }
0x6d: {  	s15 =	simm.s32 @!p1 $0x4200;
	[sflag:s14] =	ssyncset.done @!p1 $0x0  }
0x6e: {  	s16 =	simm.s32 @!p1 $0x100;
	[sflag:s14] =	ssyncadd.s32 @!p1 $0xFFFFFF00;
	s14 =	simm.s32 @!p1 $0x80  }
0x6f: {  	[tilespmem:s15], [sflag:$0x4] =	stream.indirect.gather @!p1 [hbm4b:s4+s14], $0x80, s16, s14, $0xb8;
	[tilespmem:$0x1C200] =	vst v63  }
0x70: {  	_ = 	snop  }
0x71: {  	[spmem:s1] =	stream.indirect.scatter.add.f32 [tilespmem:s23], [sflag:$0x5], $0x80, s28, s28, $0xb8;
	[tilespmem:$0x1C200] =	vst v63  }
0x72: {  	_ =	swait.ge [sflag:s24], $0x4000  }
0x73: {  	p1 =	sge.u32 s2, s19;
	[sflag:s24] =	ssyncset.done $0x0  }
0x74: {  	s14 =	simm.s32 @p1 $0x4;
	[sflag:s24] =	ssyncadd.s32 $0xFFFFC000  }
0x75: {  	_ =	swait.ge @p1 [sflag:s14], $0x4000  }
0x76: {  	[sflag:s14] =	ssyncset.done @p1 $0x0  }
0x77: {  	s15 =	simm.s32 @!p1 $0x4;
	[sflag:s14] =	ssyncadd.s32 @p1 $0xFFFFC000;
	s14 =	simm.s32 @!p1 $0x0  }
0x78: {  	[tilespmem:s14], [sflag:$0x1] =	stream.linear.gather @!p1 [hbm4b:s25+s14], $0x100, $0x38;
	[tilespmem:$0x1C200] =	vst v63  }
0x79: {  	_ =	swait.ge @!p1 [sflag:s15], $0x4000  }
0x7a: {  	[sflag:s15] =	ssyncset.done @!p1 $0x0  }
0x7b: {  	[sflag:s15] =	ssyncadd.s32 @!p1 $0xFFFFC000;
	s15 =	simm.s32 @!p1 $0x1  }
0x7c: {  	_ =	swait.ge @!p1 [sflag:s15], $0x100  }
0x7d: {  	[sflag:s15] =	ssyncset.done @!p1 $0x0  }
0x7e: {  	s16 =	simm.s32 @!p1 $0x200;
	[sflag:s15] =	ssyncadd.s32 @!p1 $0xFFFFFF00;
	s15 =	simm.s32 @!p1 $0x80  }
0x7f: {  	[tilespmem:s16], [sflag:$0x3] =	stream.indirect.gather @!p1 [hbm4b:s4+s15], $0x80, s14, s15, $0xb8;
	[tilespmem:$0x1C200] =	vst v63  }
.Ltmp2:
0x80: {  	(pc) =	sbr.rel @p0 .LBB2_4-.Ltmp2, $4  }
0x81: {  	[spmem:s1] =	stream.indirect.scatter.add.f32 [tilespmem:s31], [sflag:$0x5], $0x80, s30, s28, $0xb8;
	[tilespmem:$0x1C200] =	vst v63  }
0x82: {  	_ =	swait.ge [sflag:s24], $0x4000  }
0x83: {  	s25 =	sadd.s32 $0x40, s25;
	p1 =	sge.u32 s2, s20;
	[sflag:s24] =	ssyncset.done $0x0  }
0x84: {  	s13 =	sadd.s32 @!p1 $0x20, s13;
	s14 =	simm.s32 @!p1 $0x0;
	[sflag:s24] =	ssyncadd.s32 $0xFFFFC000  }
.LBB2_5:
0x85: {  	s12 =	simm.s32 @!p1 $0x100;
	s2 =	sadd.s32 $0x2, s2  }
0x86: {  	[tilespmem:s12], [sflag:$0x2] =	stream.linear.gather @!p1 [hbm4b:s13+s14], $0x100, $0x38;
	[tilespmem:$0x1C200] =	vst v63  }
0x87: {  	s13 =	sadd.s32 $0x1, s2;
	_ =	swait.ge [sflag:s29], $0x4000  }
0x88: {  	p0 =	sge.u32 s13, s5;
	[sflag:s29] =	ssyncset.done $0x0  }
0x89: {  	s12 =	simm.s32 @!p0 $0x2;
	[sflag:s29] =	ssyncadd.s32 $0xFFFFC000  }
0x8a: {  	_ =	swait.ge @!p0 [sflag:s12], $0x100  }
0x8b: {  	s13 =	simm.s32 @!p0 $0x100;
	[sflag:s12] =	ssyncset.done @!p0 $0x0  }
0x8c: {  	s14 =	simm.s32 @!p0 $0x4200;
	[sflag:s12] =	ssyncadd.s32 @!p0 $0xFFFFFF00;
	s12 =	simm.s32 @!p0 $0x80  }
0x8d: {  	[tilespmem:s14], [sflag:$0x4] =	stream.indirect.gather @!p0 [hbm4b:s4+s12], $0x80, s13, s12, $0xb8;
	[tilespmem:$0x1C200] =	vst v63  }
0x8e: {  	_ = 	snop  }
0x8f: {  	[spmem:s1] =	stream.indirect.scatter.add.f32 [tilespmem:s23], [sflag:$0x5], $0x80, s28, s28, $0xb8;
	[tilespmem:$0x1C200] =	vst v63  }
0x90: {  	_ =	swait.ge [sflag:s24], $0x4000  }
0x91: {  	p0 =	slt.u32 s2, s19;
	[sflag:s24] =	ssyncset.done $0x0  }
0x92: {  	s12 =	simm.s32 @p0 $0x0;
	s13 =	simm.s32 @p0 $0x4;
	[sflag:s24] =	ssyncadd.s32 $0xFFFFC000  }
0x93: {  	[tilespmem:s12], [sflag:$0x1] =	stream.linear.gather @p0 [hbm4b:s25+s12], $0x100, $0x38;
	[tilespmem:$0x1C200] =	vst v63  }
0x94: {  	_ =	swait.ge @p0 [sflag:s13], $0x4000  }
0x95: {  	[sflag:s13] =	ssyncset.done @p0 $0x0  }
0x96: {  	[sflag:s13] =	ssyncadd.s32 @p0 $0xFFFFC000;
	s13 =	simm.s32 @p0 $0x1  }
0x97: {  	_ =	swait.ge @p0 [sflag:s13], $0x100  }
0x98: {  	[sflag:s13] =	ssyncset.done @p0 $0x0  }
0x99: {  	s14 =	simm.s32 @p0 $0x200;
	[sflag:s13] =	ssyncadd.s32 @p0 $0xFFFFFF00;
	s13 =	simm.s32 @p0 $0x80  }
0x9a: {  	[tilespmem:s14], [sflag:$0x3] =	stream.indirect.gather @p0 [hbm4b:s4+s13], $0x80, s12, s13, $0xb8;
	[tilespmem:$0x1C200] =	vst v63  }
0x9b: {  	s12 =	simm.s32 @!p0 $0x4  }
0x9c: {  	_ =	swait.ge @!p0 [sflag:s12], $0x4000  }
0x9d: {  	[sflag:s12] =	ssyncset.done @!p0 $0x0  }
0x9e: {  	[sflag:s12] =	ssyncadd.s32 @!p0 $0xFFFFC000  }
0x9f: {  	[spmem:s1] =	stream.indirect.scatter.add.f32 [tilespmem:s31], [sflag:$0x5], $0x80, s30, s28, $0xb8;
	[tilespmem:$0x1C200] =	vst v63  }
0xa0: {  	p0 =	sge.u32 s2, s20;
	_ =	swait.ge [sflag:s24], $0x4000  }
0xa1: {  	s2 =	sadd.s32 @!p0 $0x20, s25;
	[sflag:s24] =	ssyncset.done $0x0  }
0xa2: {  	s12 =	simm.s32 @!p0 $0x0;
	s13 =	simm.s32 @!p0 $0x100;
	[sflag:s24] =	ssyncadd.s32 $0xFFFFC000  }
0xa3: {  	[tilespmem:s13], [sflag:$0x2] =	stream.linear.gather @!p0 [hbm4b:s2+s12], $0x100, $0x38;
	[tilespmem:$0x1C200] =	vst v63  }
0xa4: {  	[bflag:$0x0] =	sbarrier.arrive $0xFFFF  }
0xa5: {  	[tilespmem:s23], [sflag:$0x5] =	stream.linear.gather [spmem:s6], $0x4000, $0x38;
	[tilespmem:$0x1C200] =	vst v63  }
0xa6: {  	_ =	swait.ge [sflag:s24], $0x4000  }
0xa7: {  	[sflag:s24] =	ssyncset.done $0x0  }
0xa8: {  	s14 =	rddreg [dreg:$0x5];
	[sflag:s24] =	ssyncadd.s32 $0xFFFFC000  }
0xa9: {  	[hbm4b:s14+s3] =	stream.linear.scatter [tilespmem:s23], [sflag:$0x5], $0x4000, $0x38;
	[tilespmem:$0x1C200] =	vst v63  }
0xaa: {  	_ =	swait.ge [sflag:s24], $0x4000  }
0xab: {  	[sflag:s24] =	ssyncset.done $0x0  }
0xac: {  	[sflag:s24] =	ssyncadd.s32 $0xFFFFC000  }
0xad: {  	[tilespmem:s31], [sflag:$0x5] =	stream.linear.gather [spmem:s7], $0x4000, $0x38;
	[tilespmem:$0x1C200] =	vst v63  }
0xae: {  	_ =	swait.ge [sflag:s24], $0x4000  }
0xaf: {  	[sflag:s24] =	ssyncset.done $0x0  }
0xb0: {  	s15 =	rddreg [dreg:$0x6];
	[sflag:s24] =	ssyncadd.s32 $0xFFFFC000  }
0xb1: {  	[hbm4b:s15+s3] =	stream.linear.scatter [tilespmem:s31], [sflag:$0x5], $0x4000, $0x38;
	[tilespmem:$0x1C200] =	vst v63  }
0xb2: {  	_ =	swait.ge [sflag:s24], $0x4000  }
0xb3: {  	[sflag:s24] =	ssyncset.done $0x0  }
0xb4: {  	[sflag:s24] =	ssyncadd.s32 $0xFFFFC000  }
0xb5: {  	[tilespmem:s23], [sflag:$0x5] =	stream.linear.gather [spmem:s8], $0x4000, $0x38;
	[tilespmem:$0x1C200] =	vst v63  }
0xb6: {  	_ =	swait.ge [sflag:s24], $0x4000  }
0xb7: {  	[sflag:s24] =	ssyncset.done $0x0  }
0xb8: {  	s16 =	rddreg [dreg:$0x7];
	[sflag:s24] =	ssyncadd.s32 $0xFFFFC000  }
0xb9: {  	[hbm4b:s16+s3] =	stream.linear.scatter [tilespmem:s23], [sflag:$0x5], $0x4000, $0x38;
	[tilespmem:$0x1C200] =	vst v63  }
0xba: {  	_ =	swait.ge [sflag:s24], $0x4000  }
0xbb: {  	[sflag:s24] =	ssyncset.done $0x0  }
0xbc: {  	[sflag:s24] =	ssyncadd.s32 $0xFFFFC000  }
0xbd: {  	[tilespmem:s31], [sflag:$0x5] =	stream.linear.gather [spmem:s9], $0x4000, $0x38;
	[tilespmem:$0x1C200] =	vst v63  }
0xbe: {  	_ =	swait.ge [sflag:s24], $0x4000  }
0xbf: {  	[sflag:s24] =	ssyncset.done $0x0  }
0xc0: {  	s25 =	rddreg [dreg:$0x8];
	[sflag:s24] =	ssyncadd.s32 $0xFFFFC000  }
0xc1: {  	[hbm4b:s25+s3] =	stream.linear.scatter [tilespmem:s31], [sflag:$0x5], $0x4000, $0x38;
	[tilespmem:$0x1C200] =	vst v63  }
0xc2: {  	_ =	swait.ge [sflag:s24], $0x4000  }
0xc3: {  	[sflag:s24] =	ssyncset.done $0x0  }
0xc4: {  	[sflag:s24] =	ssyncadd.s32 $0xFFFFC000  }
0xc5: {  	[tilespmem:s23], [sflag:$0x5] =	stream.linear.gather [spmem:s10], $0x4000, $0x38;
	[tilespmem:$0x1C200] =	vst v63  }
0xc6: {  	s0 =	sadd.s32 $0x1, s0;
	_ =	swait.ge [sflag:s24], $0x4000  }
0xc7: {  	p0 =	sne.s32 s0, s18;
	[sflag:s24] =	ssyncset.done $0x0  }
.Ltmp3:
0xc8: {  	[sflag:s24] =	ssyncadd.s32 $0xFFFFC000;
	(pc) =	sbr.rel @p0 .LBB2_1-.Ltmp3, $4  }
0xc9: {  	[hbm4b:s17+s3] =	stream.linear.scatter [tilespmem:s23], [sflag:$0x5], $0x4000, $0x38;
	[tilespmem:$0x1C200] =	vst v63  }
0xca: {  	_ =	swait.ge [sflag:s24], $0x4000  }
0xcb: {  	[sflag:s24] =	ssyncset.done $0x0  }
0xcc: {  	[sflag:s24] =	ssyncadd.s32 $0xFFFFC000  }
0xcd: {  	_ =	sfence.sel $0x180000  }
0xce: {  	[bflag:$0x0] =	sbarrier.arrive $0xFFFF  }
0xcf: {  	_ =	strace $0x9000004D  }
0xd0: {  	s0 =	stileid.u32;
	[bflag:$0x2] =	sbarrier.arrive $0xFFFF  }
0xd1: {  	p0 =	sne.s32 s0, $0x0;
	s0 =	rddreg [dreg:$0x3]  }
0xd2: {  	s0 =	sadd.s32 @!p0 $0x100000, s0  }
0xd3: {  	[sflag:s0] =	ssyncadd.tile.s32 @!p0 $0x1;
	_ =	shalt  }
.Lfunc_end2:
_tile_overlayer_lowered:
.L_overlay_start_2:
0xd4: {  	(tag) =	ssettag $0x2  }
0xd5: {  	s0 =	rddreg [dreg:$0x0];
	s2 =	stileid.u32  }
0xd6: {  	s1 =	rddreg [dreg:$0x1];
	p0 =	sne.s32 s2, $0x0  }
0xd7: {  	s3 =	rddreg [dreg:$0x2];
	[bflag:$0x3] =	sbarrier.arrive $0xFFFF;
	s2 =	simm.s32 @!p0 $0x1C05  }
0xd8: {  	[timem:s3], [sflag:s2] =	dma.local @!p0 [hbm:s0], s1  }
0xd9: {  	s0 =	simm.s32 @!p0 $0x5  }
0xda: {  	_ =	swait.ge @!p0 [sflag:s0], s1  }
0xdb: {  	s1 =	ssub.s32 @!p0 $0x0, s1;
	[sflag:s0] =	ssyncset.done @!p0 $0x0  }
0xdc: {  	[sflag:s0] =	ssyncadd.s32 @!p0 s1  }
0xdd: {  	[bflag:$0x3] =	sbarrier.arrive $0xFFFF  }
0xde: {  	_ =	shalt  }

// kernel: kernel.8.cloned.1.call-start
scs
__scs_entry_jumppad:
0x0: {  	(pc) =	sbr.rel $0x88, $3  }
0x1: {  	(tag) =	ssettag $0x0;
	lr =	simm.s32 $0x1  }
0x2: {  	[smem:$0x3F97] =	sst lr;
	_ =	strace $0xD0000000  }
0x3: {  	_ = 	snop  }
0x4: {  	_ = 	snop  }
0x5: {  	_ = 	snop  }
0x6: {  	_ = 	snop  }
0x7: {  	_ = 	snop  }
__scs_overlays_trampoline_lowered:
0x8: {  	[smem:$0x3FA6] =	sst s0  }
0x9: {  	[smem:$0x3FA7] =	sst s1  }
0xa: {  	[smem:$0x3FA8] =	sst s2  }
0xb: {  	[smem:$0x3FA9] =	sst s3  }
0xc: {  	[smem:$0x3FAA] =	sst s4  }
0xd: {  	[smem:$0x3FAB] =	sst s5  }
0xe: {  	[smem:$0x3FAC] =	sst s6  }
0xf: {  	[smem:$0x3FAD] =	sst s7  }
0x10: {  	[smem:$0x3FAE] =	sst s8  }
0x11: {  	[smem:$0x3FAF] =	sst s9;
	s0 =	simm.s32 @!p0 $0x0  }
0x12: {  	s1 =	sld [smem:$0x3F95];
	s0 =	simm.s32 @p0 $0x1  }
0x13: {  	[smem:$0x3FB0] =	sst s0;
	s0 =	simm.s32 @!p1 $0x0  }
0x14: {  	s2 =	sld [smem:$0x3F94];
	s0 =	simm.s32 @p1 $0x1  }
0x15: {  	[smem:$0x3FB1] =	sst s0;
	s0 =	simm.s32 @!p2 $0x0  }
0x16: {  	s3 =	sld [smem:$0x3FDB];
	s0 =	simm.s32 @p2 $0x1  }
0x17: {  	s4 =	simm.s32 $0x1BF5;
	[smem:$0x3FB3] =	sst s0  }
0x18: {  	s0 =	sld [smem:$0x3F96];
	_ =	swait.ge [sflag:s4], $0x0  }
0x19: {  	s7 =	sld [smem:$0x3F97]  }
0x1a: {  	s8 =	sadd.s32 $0xFFFFE003, lr  }
0x1b: {  	s9 =	sadd.s32 $0xFFFFFEF7, lr;
	s5 =	simm.s32 $0xFFFFFFFF;
	p2 =	slt.u32 s8, $0xFFFFF086  }
0x1c: {  	p1 =	slt.u32 s9, $0xF7A;
	s5 =	simm.s32 @!p2 $0x0  }
0x1d: {  	s5 =	simm.s32 @p1 $0x1;
	p0 =	seq.s32 s7, s2  }
0x1e: {  	s7 =	smul.u32 @!p0 $0xF7A, s2;
	p2 =	seq.s32 @!p0 s5, $0x0  }
0x1f: {  	s9 =	smul.u32 $0xF7A, s1;
	s8 =	simm.s32 @!p0 $0x1BF5;
	p2 =	por !p2, p0  }
0x20: {  	[sflag:s8] =	ssyncset.s32 @!p0 $0xFFFFF086;
	s6 =	sadd.s32 @!p0 s3, s7;
	s7 =	simm.s32 @!p0 $0x108  }
0x21: {  	s3 =	sadd.s32 s3, s9;
	s6 =	sadd.s32 @!p0 $0x88, s6;
	s7 =	simm.s32 @p2 $0x1082  }
0x22: {  	[simem:s7], [sflag:s8] =	dma.local @!p0 [hbm:s6], $0xF7A  }
0x23: {  	s9 =	sor.u32 $0xD0000000, s2;
	s6 =	simm.s32 $0x108;
	_ =	swait.ge @!p0 [sflag:s8], $0x0  }
0x24: {  	s3 =	sadd.s32 $0x88, s3;
	s6 =	simm.s32 @!p1 $0x1082;
	[sflag:s4] =	ssyncset.s32 $0xFFFFF086  }
0x25: {  	[simem:s6], [sflag:s4] =	dma.local [hbm:s3], $0xF7A  }
0x26: {  	[smem:$0x3F97] =	sst s1;
	(tag) =	ssettag s2;
	_ =	strace s9  }
0x27: {  	s1 =	sld [smem:$0x3FA7]  }
0x28: {  	s2 =	sld [smem:$0x3FA8]  }
0x29: {  	s4 =	sld [smem:$0x3FAA]  }
0x2a: {  	p0 =	seq.s32 s5, $0x0;
	s5 =	sld [smem:$0x3FAB]  }
0x2b: {  	s6 =	sld [smem:$0x3FAC]  }
0x2c: {  	s7 =	sld [smem:$0x3FAD]  }
0x2d: {  	s3 =	simm.s32 $0x108;
	s8 =	sld [smem:$0x3FAE]  }
0x2e: {  	s3 =	simm.s32 @!p0 $0x1082;
	s9 =	sld [smem:$0x3FAF]  }
0x2f: {  	lr =	sadd.s32 s0, s3;
	s0 =	sld [smem:$0x3FA6]  }
0x30: {  	s3 =	sld [smem:$0x3FA9]  }
0x31: {  	[smem:$0x3FB2] =	sst s10  }
0x32: {  	s10 =	sld [smem:$0x3FB0];
	_ =	sdelay $0x3  }
0x33: {  	p0 =	seq.s32 s10, $0x1;
	s10 =	sld [smem:$0x3FB2];
	_ =	sdelay $0x3  }
0x34: {  	[smem:$0x3FB2] =	sst s10  }
0x35: {  	s10 =	sld [smem:$0x3FB1];
	_ =	sdelay $0x3  }
0x36: {  	p1 =	seq.s32 s10, $0x1;
	s10 =	sld [smem:$0x3FB2];
	_ =	sdelay $0x3  }
0x37: {  	[smem:$0x3FB2] =	sst s10  }
0x38: {  	s10 =	sld [smem:$0x3FB3]  }
0x39: {  	_ = 	snop;
	(pc) =	sbr.ind lr, $3  }
0x3a: {  	_ = 	snop  }
0x3b: {  	_ = 	snop  }
0x3c: {  	p2 =	seq.s32 s10, $0x1;
	s10 =	sld [smem:$0x3FB2]  }
0x3d: {  	_ =	shalt  }
0x3e: {  	_ =	shalt  }
0x3f: {  	_ =	shalt  }
0x40: {  	_ =	shalt  }
0x41: {  	_ =	shalt  }
0x42: {  	_ =	shalt  }
0x43: {  	_ =	shalt  }
0x44: {  	_ =	shalt  }
0x45: {  	_ =	shalt  }
0x46: {  	_ =	shalt  }
0x47: {  	_ =	shalt  }
0x48: {  	_ =	shalt  }
0x49: {  	_ =	shalt  }
0x4a: {  	_ =	shalt  }
0x4b: {  	_ =	shalt  }
0x4c: {  	_ =	shalt  }
0x4d: {  	_ =	shalt  }
0x4e: {  	_ =	shalt  }
0x4f: {  	_ =	shalt  }
0x50: {  	_ =	shalt  }
0x51: {  	_ =	shalt  }
0x52: {  	_ =	shalt  }
0x53: {  	_ =	shalt  }
0x54: {  	_ =	shalt  }
0x55: {  	_ =	shalt  }
0x56: {  	_ =	shalt  }
0x57: {  	_ =	shalt  }
0x58: {  	_ =	shalt  }
0x59: {  	_ =	shalt  }
0x5a: {  	_ =	shalt  }
0x5b: {  	_ =	shalt  }
0x5c: {  	_ =	shalt  }
0x5d: {  	_ =	shalt  }
0x5e: {  	_ =	shalt  }
0x5f: {  	_ =	shalt  }
0x60: {  	_ =	shalt  }
0x61: {  	_ =	shalt  }
0x62: {  	_ =	shalt  }
0x63: {  	_ =	shalt  }
0x64: {  	_ =	shalt  }
0x65: {  	_ =	shalt  }
0x66: {  	_ =	shalt  }
0x67: {  	_ =	shalt  }
0x68: {  	_ =	shalt  }
0x69: {  	_ =	shalt  }
0x6a: {  	_ =	shalt  }
0x6b: {  	_ =	shalt  }
0x6c: {  	_ =	shalt  }
0x6d: {  	_ =	shalt  }
0x6e: {  	_ =	shalt  }
0x6f: {  	_ =	shalt  }
0x70: {  	_ =	shalt  }
0x71: {  	_ =	shalt  }
0x72: {  	_ =	shalt  }
0x73: {  	_ =	shalt  }
0x74: {  	_ =	shalt  }
0x75: {  	_ =	shalt  }
0x76: {  	_ =	shalt  }
0x77: {  	_ =	shalt  }
0x78: {  	_ =	shalt  }
0x79: {  	_ =	shalt  }
0x7a: {  	_ =	shalt  }
0x7b: {  	_ =	shalt  }
0x7c: {  	_ =	shalt  }
0x7d: {  	_ =	shalt  }
0x7e: {  	_ =	shalt  }
0x7f: {  	_ =	shalt  }
0x80: {  	_ =	shalt  }
0x81: {  	_ =	shalt  }
0x82: {  	_ =	shalt  }
0x83: {  	_ =	shalt  }
0x84: {  	_ =	shalt  }
0x85: {  	_ =	shalt  }
0x86: {  	_ =	shalt  }
0x87: {  	_ =	shalt  }
.Lfunc_end0:
.L_simem_size_0:
called_computation_lowered:
.L_overlay_start_0:
0x88: {  	s2 =	sld [smem:$0x3FD9]  }
0x89: {  	s3 =	sld [smem:$0x3FFE];
	_ =	sdelay $0x1  }
0x8a: {  	s1 =	srdreg.scid  }
0x8b: {  	s0 =	sand.u32 $0x1, s1  }
0x8c: {  	s17 =	sshll.u32 s0, $0xA;
	s2 =	sadd.s32 s3, s2  }
0x8d: {  	s2 =	sadd.s32 s2, s17  }
0x8e: {  	[smem:$0x3FBE] =	sst s2  }
0x8f: {  	_ = 	snop  }
0x90: {  	s2 =	sld [smem:$0x3FD0];
	(tm) =	ssettm $0x1  }
0x91: {  	s18 =	sld [smem:$0x3FFB];
	_ =	sdelay $0x3  }
0x92: {  	_ =	strace s18  }
0x93: {  	s3 =	sld [smem:$0x3FFC];
	_ =	sdelay $0x3  }
0x94: {  	_ =	strace s3  }
0x95: {  	s3 =	sld [smem:$0x3FFD];
	_ =	sdelay $0x3  }
0x96: {  	_ =	strace s3  }
0x97: {  	_ =	strace $0x8FFFFFFF  }
0x98: {  	s19 =	sld [smem:$0x3FDB];
	_ =	sdelay $0x1  }
0x99: {  	s4 =	simm.s32 $_scs_section_size  }
0x9a: {  	s5 =	simm.s32 $_size__tile_overlayer_lowered;
	s6 =	simm.s32 $_tile_overlayer_lowered  }
0x9b: {  	s22 =	simm.s32 $0x1BFF;
	s21 =	sshll.u32 s6, $0x1;
	s3 =	sadd.s32 s4, s19  }
0x9c: {  	s7 =	simm.s32 $0x0;
	s20 =	sshll.u32 s5, $0x1;
	s5 =	sadd.s32 s21, s3  }
0x9d: {  	[timem:s7], [sflag:s22] =	dma.local [hbm:s5], s20  }
0x9e: {  	_ =	swait.ge [sflag:s22], s20  }
0x9f: {  	s4 =	ssub.s32 $0x0, s20;
	[sflag:s22] =	ssyncset.done $0x0  }
0xa0: {  	[sflag:s22] =	ssyncadd.s32 s4;
	_ =	sdelay $0x1  }
0xa1: {  	s23 =	simm.s32 $0x1B8B  }
0xa2: {  	_ =	swait.ge [sflag:s23], $0x1  }
0xa3: {  	[sflag:s23] =	ssyncset.done $0x0  }
0xa4: {  	s25 =	simm.s32 $0x1B8E;
	s24 =	sld [smem:$0x3FFE];
	[sflag:s23] =	ssyncadd.s32 $0xFFFFFFFF  }
0xa5: {  	s26 =	simm.s32 $execute0_lowered;
	[smem:$0x3FD2] =	sst s25  }
0xa6: {  	s5 =	sshll.u32 s26, $0x1;
	_ =	strace $0x80000046;
	[dreg:$0x1] =	wrdreg $0xFFFFFFFF  }
0xa7: {  	s28 =	simm.s32 $_size_execute0_lowered;
	s3 =	sadd.s32 s3, s5;
	[dreg:$0x0] =	wrdreg $0x0  }
0xa8: {  	s5 =	sshll.u32 s28, $0x1;
	[dreg:$0x2] =	wrdreg s3  }
0xa9: {  	[dreg:$0x3] =	wrdreg s5  }
0xaa: {  	[dreg:$0x4] =	wrdreg $0xC0  }
0xab: {  	_ =	task [dreg:s7], $0x5FFFF  }
0xac: {  	[dreg:$0x1] =	wrdreg $0xFFFFFFFF  }
0xad: {  	[dreg:$0x0] =	wrdreg $0x60  }
0xae: {  	[dreg:$0x2] =	wrdreg s2  }
0xaf: {  	[dreg:$0x3] =	wrdreg s24  }
0xb0: {  	[dreg:$0x4] =	wrdreg $0x9  }
0xb1: {  	_ =	task.clear_ibuf [dreg:s7], $0x5FFFF;
	_ =	strace $0x90000046  }
0xb2: {  	s29 =	simm.s32 $0x9;
	_ =	strace $0x80000048  }
0xb3: {  	_ =	swait.ge [sflag:s29], $0x1  }
0xb4: {  	[sflag:s29] =	ssyncadd.s32 $0xFFFFFFFF  }
0xb5: {  	_ =	strace $0x90000048  }
0xb6: {  	_ =	sfence  }
0xb7: {  	s30 =	sld [smem:$0x0];
	_ =	sdelay $0x2  }
0xb8: {  	s31 =	sshll.u32 s1, $0xD;
	s1 =	sshrl.u32 s1, $0x2  }
0xb9: {  	s3 =	sand.u32 $0x4000, s31;
	s1 =	sadd.s32 s1, s30  }
0xba: {  	s0 =	sor.u32 s3, s0;
	s1 =	sshll.u32 s1, $0x11  }
0xbb: {  	s0 =	sor.u32 s1, s0  }
0xbc: {  	s0 =	sadd.s32 $0x8F2B, s0  }
0xbd: {  	[sflag:s0] =	ssyncadd.remote.s32 $0x1  }
0xbe: {  	_ =	sfence.sel $0xFFFF  }
0xbf: {  	[dreg:$0x0] =	wrdreg $0xFFFFFFFF;
	(pc) =	sbr.abs _section_cstart, $3  }
0xc0: {  	[dreg:$0x1] =	wrdreg $0xFFFFFFFF  }
0xc1: {  	_ =	task.clear_ibuf [dreg:s7], $0x2FFFF;
	_ =	strace $0x9FFFFFFF  }
0xc2: {  	(tm) =	ssettm $0x7FFFFFFF  }
0xc3: {  	_ =	shalt  }
tec
execute0_lowered:
.L_overlay_start_1:
0x0: {  	(tag) =	ssettag $0x1  }
0x1: {  	s0 =	srdreg.scid  }
0x2: {  	s3 =	sand.u32 $0x1, s0  }
0x3: {  	s0 =	stileid.u32;
	s1 =	sshll.u32 s3, $0x4  }
0x4: {  	s5 =	rddreg [dreg:$0x0];
	s4 =	sor.u32 s0, s1  }
0x5: {  	s6 =	rddreg [dreg:$0x1];
	s2 =	simm.s32 $0x0;
	s1 =	sshrl.u32 s4, $0x3  }
0x6: {  	s9 =	simm.s32 $0x400;
	s8 =	sshll.u32 s0, $0x7;
	s7 =	smul.u32 $0x14000, s1  }
0x7: {  	s10 =	simm.s32 $0x0;
	s3 =	ssub.s32 $0x2, s3;
	s8 =	sand.u32 $0x380, s8  }
0x8: {  	[smem:$0x7FF] =	sst s2;
	s31 =	sshrl.u32 s3, $0x1;
	s7 =	sor.u32 s8, s7  }
0x9: {  	s4 =	smul.u32 $0xA00, s4;
	s1 =	rddreg [dreg:$0x2];
	s7 =	sshrl.u32 s7, $0x3  }
0xa: {  	_ =	strace $0x80000047;
	s8 =	simm.s32 $0x80;
	s6 =	sadd.s32 s7, s6  }
0xb: {  	s7 =	ssub.s32 s3, s31;
	s3 =	sadd.s32 s5, s4;
	s4 =	sadd.s32 $0x3A00, s6  }
0xc: {  	v0 =	vimm.f32 $0.0e+00;
	v1 =	vimm.f32 $1.000000000e+00;
	s5 =	smax.u32 s7, $0x1;
	s6 =	simm.s32 $0x1;
	s7 =	simm.s32 $0x5000  }
.LBB2_1:
0xd: {  	s11 =	simm.s32 $0x40;
	s12 =	simm.s32 $0x0  }
.LBB2_2:
0xe: {  	p0 =	sne.s32 s11, $0x9FC0;
	[tilespmem:s12+$0x5000] =	vst v0;
	s12 =	smov.u32 s11;
	s11 =	sadd.s32 $0x40, s11  }
.Ltmp0:
0xf: {  	(pc) =	sbr.rel @p0 .LBB2_2-.Ltmp0, $2  }
0x10: {  	_ =	sdelay $0x2  }
0x11: {  	s12 =	sshra.s32 s12, $0x2  }
0x12: {  	[tilespmem:s12+$0x5000] =	vst v0  }
0x13: {  	[tilespmem:s2], [sflag:$0x1] =	stream.linear.gather [hbm4b:s3+s2], $0x5000, $0x38;
	[tilespmem:$0x7800] =	vst v63  }
0x14: {  	_ =	swait.ge [sflag:s6], $0x5000  }
0x15: {  	[sflag:s6] =	ssyncset.done $0x0  }
0x16: {  	s11 =	simm.s32 $0x3C0;
	[sflag:s6] =	ssyncadd.s32 $0xFFFFB000  }
.LBB2_4:
0x17: {  	s12 =	sshra.s32 s11, $0x2  }
0x18: {  	v2 =	vld [tilespmem:s12+$0xFFFFFF90];
	_ =	sdelay $0x7  }
0x19: {  	[tilespmem:v2+s7+$0x0] =	vst.idx.add.f32.msk $0xffff, v1  }
0x1a: {  	v2 =	vld [tilespmem:s12+$0xFFFFFFA0];
	_ =	sdelay $0x7  }
0x1b: {  	[tilespmem:v2+s7+$0x0] =	vst.idx.add.f32.msk $0xffff, v1  }
0x1c: {  	v2 =	vld [tilespmem:s12+$0xFFFFFFB0];
	_ =	sdelay $0x7  }
0x1d: {  	[tilespmem:v2+s7+$0x0] =	vst.idx.add.f32.msk $0xffff, v1  }
0x1e: {  	v2 =	vld [tilespmem:s12+$0xFFFFFFC0];
	_ =	sdelay $0x7  }
0x1f: {  	[tilespmem:v2+s7+$0x0] =	vst.idx.add.f32.msk $0xffff, v1  }
0x20: {  	v2 =	vld [tilespmem:s12+$0xFFFFFFD0];
	_ =	sdelay $0x7  }
0x21: {  	[tilespmem:v2+s7+$0x0] =	vst.idx.add.f32.msk $0xffff, v1  }
0x22: {  	v2 =	vld [tilespmem:s12+$0xFFFFFFE0];
	_ =	sdelay $0x7  }
0x23: {  	[tilespmem:v2+s7+$0x0] =	vst.idx.add.f32.msk $0xffff, v1  }
0x24: {  	v2 =	vld [tilespmem:s12+$0xFFFFFFF0];
	_ =	sdelay $0x7  }
0x25: {  	[tilespmem:v2+s7+$0x0] =	vst.idx.add.f32.msk $0xffff, v1  }
0x26: {  	v2 =	vld [tilespmem:s12+$0x0];
	_ =	sdelay $0x2  }
0x27: {  	p0 =	sne.s32 s11, $0x13FC0  }
.Ltmp1:
0x28: {  	_ = 	snop;
	(pc) =	sbr.rel @p0 .LBB2_4-.Ltmp1, $2  }
0x29: {  	_ =	sdelay $0x2  }
0x2a: {  	s11 =	sadd.s32 $0x400, s11;
	[tilespmem:v2+s7+$0x0] =	vst.idx.add.f32.msk $0xffff, v1  }
0x2b: {  	s10 =	sadd.s32 $0x1, s10  }
0x2c: {  	p0 =	sne.s32 s10, s5  }
.Ltmp2:
0x2d: {  	_ = 	snop;
	(pc) =	sbr.rel @p0 .LBB2_1-.Ltmp2, $4  }
0x2e: {  	[hbm4b:s4+s8] =	stream.strided.scatter [tilespmem:s7], [sflag:$0x1], $0x2800, s9, s8, $0x38;
	[tilespmem:$0x7800] =	vst v63  }
0x2f: {  	_ =	swait.ge [sflag:s6], $0x2800  }
0x30: {  	[sflag:s6] =	ssyncset.done $0x0  }
0x31: {  	[sflag:s6] =	ssyncadd.s32 $0xFFFFD800  }
0x32: {  	_ =	sfence.sel $0x180000  }
0x33: {  	[bflag:$0x0] =	sbarrier.arrive $0xFFFF  }
0x34: {  	p0 =	sne.s32 s0, $0x0;
	_ =	strace $0x90000047  }
0x35: {  	s0 =	sadd.s32 @!p0 $0x100000, s1;
	[bflag:$0x2] =	sbarrier.arrive $0xFFFF  }
0x36: {  	[sflag:s0] =	ssyncadd.tile.s32 @!p0 $0x1;
	_ =	shalt  }
.Lfunc_end2:
_tile_overlayer_lowered:
.L_overlay_start_2:
0x37: {  	(tag) =	ssettag $0x2  }
0x38: {  	s0 =	rddreg [dreg:$0x0];
	s2 =	stileid.u32  }
0x39: {  	s1 =	rddreg [dreg:$0x1];
	p0 =	sne.s32 s2, $0x0  }
0x3a: {  	s3 =	rddreg [dreg:$0x2];
	[bflag:$0x3] =	sbarrier.arrive $0xFFFF;
	s2 =	simm.s32 @!p0 $0x1C01  }
0x3b: {  	[timem:s3], [sflag:s2] =	dma.local @!p0 [hbm:s0], s1  }
0x3c: {  	s0 =	simm.s32 @!p0 $0x1  }
0x3d: {  	_ =	swait.ge @!p0 [sflag:s0], s1  }
0x3e: {  	s1 =	ssub.s32 @!p0 $0x0, s1;
	[sflag:s0] =	ssyncset.done @!p0 $0x0  }
0x3f: {  	[sflag:s0] =	ssyncadd.s32 @!p0 s1  }
0x40: {  	[bflag:$0x3] =	sbarrier.arrive $0xFFFF  }
0x41: {  	_ =	shalt  }

</sc_bundles>
